<compile_context>
chip_gen: v7x
topology: tpu7x:2x2x1
jax: 0.10.2.dev20260603
libtpu: 0.0.44.dev20260713+nightly
codegen_flags: <defaults>
</compile_context>

<pallas_src>
import functools

import jax
import jax.numpy as jnp
import numpy as np
from jax import lax
from jax.experimental import pallas as pl
from jax.experimental.pallas import tpu as pltpu
from jax.experimental.pallas import tpu_sc as plsc

N = 10000
E = 320000
DF = 128
H = 64
K = 16
NC_OUT = 8

NCORES = 2
NSUB = 16
NW = NCORES * NSUB
CHUNK = 128
NCHUNK = 80
EPAD = NW * NCHUNK * CHUNK
NPAD_DEG = 10240
ROWS_PER_TILE = NPAD_DEG // NSUB
NPAD = 10048
ROWS_AGG = NPAD // NSUB

_mesh = plsc.VectorSubcoreMesh(core_axis_name="c", subcore_axis_name="s")


@functools.partial(
    pl.kernel,
    out_type=[jax.ShapeDtypeStruct((NPAD_DEG,), jnp.float32),
              jax.ShapeDtypeStruct((NPAD_DEG,), jnp.float32)],
    mesh=_mesh,
    scratch_types=[
        pltpu.VMEM((NCHUNK, CHUNK), jnp.int32),
        pltpu.VMEM((CHUNK,), jnp.float32),
        pltpu.VMEM((ROWS_PER_TILE,), jnp.float32),
        pltpu.VMEM_SHARED((NPAD_DEG,), jnp.float32),
        pltpu.SemaphoreType.DMA,
    ],
)
def _deg_kernel(dst_hbm, out0_hbm, out1_hbm, idx_v, ones_v, zrow_v, shared_deg, sem):
    cid = lax.axis_index("c")
    sid = lax.axis_index("s")
    wid = cid * NSUB + sid
    for i in range(CHUNK // 16):
        ones_v[pl.ds(16 * i, 16)] = jnp.full((16,), 1.0, jnp.float32)
    for i in range(ROWS_PER_TILE // 16):
        zrow_v[pl.ds(16 * i, 16)] = jnp.zeros((16,), jnp.float32)
    pltpu.sync_copy(zrow_v,
                    shared_deg.at[pl.ds(sid * ROWS_PER_TILE, ROWS_PER_TILE)])
    pltpu.sync_copy(dst_hbm.at[wid], idx_v)
    plsc.subcore_barrier()

    def body(j, carry):
        pltpu.async_copy(ones_v, shared_deg.at[idx_v.at[j]], sem, add=True)
        return carry

    lax.fori_loop(0, NCHUNK, body, 0)

    def drain(j, carry):
        pltpu.make_async_copy(ones_v, shared_deg.at[idx_v.at[j]], sem).wait()
        return carry

    lax.fori_loop(0, NCHUNK, drain, 0)
    plsc.subcore_barrier()
    tile_rows = pl.ds(sid * ROWS_PER_TILE, ROWS_PER_TILE)

    @pl.when(cid == 0)
    def _():
        pltpu.sync_copy(shared_deg.at[tile_rows], out0_hbm.at[tile_rows])

    @pl.when(cid == 1)
    def _():
        pltpu.sync_copy(shared_deg.at[tile_rows], out1_hbm.at[tile_rows])


@functools.partial(
    pl.kernel,
    out_type=jax.ShapeDtypeStruct((NCORES, NPAD, DF), jnp.float32),
    mesh=_mesh,
    scratch_types=(
        [pltpu.VMEM((1, CHUNK), jnp.int32)] * 10
        + [pltpu.VMEM((CHUNK, DF), jnp.float32)] * 3
        + [pltpu.SemaphoreType.DMA] * 11
        + [pltpu.VMEM_SHARED((NPAD, DF), jnp.float32)]
    ),
)
def _agg_kernel(xs_hbm, src_hbm, dst_hbm, out_hbm,
                ibs0, ibd0, ibs1, ibd1, ibs2, ibd2, ibs3, ibd3, ibs4, ibd4,
                gbuf0, gbuf1, gbuf2,
                semg0, semg1, semg2, sems0, sems1, sems2,
                semi0, semi1, semi2, semi3, semi4,
                shared_agg):
    cid = lax.axis_index("c")
    sid = lax.axis_index("s")
    wid = cid * NSUB + sid
    ibs = (ibs0, ibs1, ibs2, ibs3, ibs4)
    ibd = (ibd0, ibd1, ibd2, ibd3, ibd4)
    semi = (semi0, semi1, semi2, semi3, semi4)
    gbufs = (gbuf0, gbuf1, gbuf2)
    semgs = (semg0, semg1, semg2)
    semss = (sems0, sems1, sems2)
    span = pl.ds(pl.multiple_of((sid // 2) * (2 * ROWS_AGG), 8), 2 * ROWS_AGG)

    def zrow(r, carry):
        for gi in range(DF // 16):
            gbuf0[r, pl.ds(16 * gi, 16)] = jnp.zeros((16,), jnp.float32)
        return carry

    lax.fori_loop(0, CHUNK, zrow, 0)

    @pl.when(sid % 2 == 0)
    def _():
        base = pl.multiple_of((sid // 2) * (2 * ROWS_AGG), 8)
        for k in range(9):
            blk = CHUNK if k < 9 else 0
            pltpu.sync_copy(
                gbuf0.at[pl.ds(0, CHUNK if k < 9 else CHUNK)],
                shared_agg.at[pl.ds(base + k * CHUNK, CHUNK)])
        pltpu.sync_copy(gbuf0.at[pl.ds(0, 2 * ROWS_AGG - 9 * CHUNK)],
                        shared_agg.at[pl.ds(base + 9 * CHUNK,
                                            2 * ROWS_AGG - 9 * CHUNK)])

    plsc.subcore_barrier()

    def fetch_idx(c, p):
        pltpu.async_copy(src_hbm.at[wid, c], ibs[p].at[0], semi[p])
        pltpu.async_copy(dst_hbm.at[wid, c], ibd[p].at[0], semi[p])

    def wait_idx(c, p):
        pltpu.make_async_copy(src_hbm.at[wid, c], ibs[p].at[0], semi[p]).wait()
        pltpu.make_async_copy(dst_hbm.at[wid, c], ibd[p].at[0], semi[p]).wait()

    fetch_idx(0, 0)
    fetch_idx(1, 1)

    def slot(c, b, p):
        b2 = (b + 1) % 3
        p2 = (p + 2) % 5
        p1 = (p + 3) % 5

        @pl.when(jnp.logical_and(c >= 3, c < NCHUNK + 3))
        def _():
            pltpu.make_async_copy(
                gbufs[b], shared_agg.at[ibd[p2].at[0]], semss[b]).wait()

        @pl.when(c + 2 < NCHUNK)
        def _():
            fetch_idx(c + 2, p2)

        @pl.when(c < NCHUNK)
        def _():
            wait_idx(c, p)
            pltpu.async_copy(xs_hbm.at[ibs[p].at[0]], gbufs[b], semgs[b])

        @pl.when(jnp.logical_and(c >= 2, c < NCHUNK + 2))
        def _():
            pltpu.make_async_copy(
                xs_hbm.at[ibs[p1].at[0]], gbufs[b2], semgs[b2]).wait()
            pltpu.async_copy(
                gbufs[b2], shared_agg.at[ibd[p1].at[0]], semss[b2], add=True)

    def body(jj, carry):
        for u in range(15):
            c = 15 * jj + u
            slot(c, u % 3, u % 5)
        return carry

    lax.fori_loop(0, (NCHUNK + 10) // 15, body, 0)
    plsc.subcore_barrier()

    @pl.when(sid % 2 == 0)
    def _():
        pltpu.sync_copy(shared_agg.at[span], out_hbm.at[cid, span])


def _prep_body(deg_ref, x_ref, xs_ref, dinv_ref, dnorm_ref):
    deg = (deg_ref[0] + deg_ref[1])[:NPAD]
    dinv = lax.rsqrt(deg + 1.0)
    dinv_ref[...] = dinv
    maxdeg = jnp.max(deg[:N])
    dnorm_ref[...] = deg / jnp.maximum(maxdeg, 1.0)
    xs_ref[:N] = x_ref[...] * dinv[:N]
    xs_ref[N:] = jnp.zeros((NPAD - N, DF), jnp.float32)


def _prep_call(deg3, x):
    return pl.pallas_call(
        _prep_body,
        out_shape=[
            jax.ShapeDtypeStruct((NPAD, DF), jnp.float32),
            jax.ShapeDtypeStruct((NPAD, 1), jnp.float32),
            jax.ShapeDtypeStruct((NPAD, 1), jnp.float32),
        ],
    )(deg3, x)


def _dense_body(agg_ref, xs_ref, dinv_ref, dnorm_ref, w1_ref, b1_ref, w2_ref,
                b2_ref, tf_ref, tc_ref, alpha_ref, gx_ref, gy_ref, bx_ref,
                by_ref, lwx_ref, lwy_ref, lb_ref, out_ref):
    f32 = jnp.float32
    agg = agg_ref[0] + agg_ref[1] + xs_ref[...]
    conv = dinv_ref[...] * agg
    h1 = jnp.maximum(
        jnp.dot(conv, w1_ref[...], preferred_element_type=f32) + b1_ref[...], 0.0)
    x2 = jnp.maximum(
        jnp.dot(conv, w2_ref[...], preferred_element_type=f32) + b2_ref[...], 0.0)

    tf = tf_ref[...]
    qf = jnp.mean(tf, axis=1)
    qf2 = jnp.mean(jnp.sum(tf * tf, axis=2), axis=1)
    sk = jnp.mean(tc_ref[...], axis=(1, 2))

    xx = jnp.sum(h1 * h1, axis=1, keepdims=True)
    cross = lax.dot_general(h1, qf, (((1,), (1,)), ((), ())),
                            preferred_element_type=f32)
    feat = xx + qf2[None, :] - 2.0 * cross
    struct = (dnorm_ref[...] - sk[None, :]) ** 2
    alpha = jax.nn.sigmoid(alpha_ref[0, 0])
    y = alpha * feat + (1.0 - alpha) * struct

    n = jnp.float32(N)
    m64 = lax.broadcasted_iota(jnp.int32, (NPAD, H), 0) < N
    m16 = lax.broadcasted_iota(jnp.int32, (NPAD, K), 0) < N
    mean_x = jnp.sum(jnp.where(m64, x2, 0.0), axis=0, keepdims=True) / n
    dx = jnp.where(m64, x2 - mean_x, 0.0)
    var_x = jnp.sum(dx * dx, axis=0, keepdims=True) / n
    mean_y = jnp.sum(jnp.where(m16, y, 0.0), axis=0, keepdims=True) / n
    dy = jnp.where(m16, y - mean_y, 0.0)
    var_y = jnp.sum(dy * dy, axis=0, keepdims=True) / n

    zx = (x2 - mean_x) * lax.rsqrt(var_x + 1e-5) * gx_ref[...] + bx_ref[...]
    zy = (y - mean_y) * lax.rsqrt(var_y + 1e-5) * gy_ref[...] + by_ref[...]
    res = (jnp.dot(zx, lwx_ref[...], preferred_element_type=f32)
           + jnp.dot(zy, lwy_ref[...], preferred_element_type=f32)
           + lb_ref[...])
    out_ref[...] = res[:N]


def _dense_call(*args):
    return pl.pallas_call(
        _dense_body,
        out_shape=jax.ShapeDtypeStruct((N, NC_OUT), jnp.float32),
    )(*args)


def kernel(x, edge_index, W1, b1, W2, b2, templates_F, templates_C,
           alpha_p, bn_gamma, bn_beta, lin_W, lin_b):
    f32 = jnp.float32
    pad = EPAD - E
    dummy = N + (jnp.arange(pad, dtype=jnp.int32) % 16)
    srcp = jnp.concatenate([edge_index[0], dummy]).reshape(NW, NCHUNK, CHUNK)
    dstp = jnp.concatenate([edge_index[1], dummy]).reshape(NW, NCHUNK, CHUNK)

    deg0, deg1 = _deg_kernel(dstp)
    deg3 = jnp.stack([deg0, deg1]).reshape(NCORES, NPAD_DEG, 1)
    xs, dinv, dnorm = _prep_call(deg3, x)
    agg_parts = _agg_kernel(xs, srcp, dstp)

    out = _dense_call(
        agg_parts, xs, dinv, dnorm,
        W1, b1.reshape(1, H), W2, b2.reshape(1, H),
        templates_F, templates_C, alpha_p.reshape(1, 1),
        bn_gamma[:H].reshape(1, H), bn_gamma[H:].reshape(1, K),
        bn_beta[:H].reshape(1, H), bn_beta[H:].reshape(1, K),
        lin_W[:H], lin_W[H:], lin_b.reshape(1, NC_OUT),
    )
    return out

# --- scband reference (transcript-rebuilt; emitter-appended) ---
"""Pipeline reference for scband-gcn-ltfgw-parallel-64991445123882 (READ-ONLY COPY).

The authoritative reference and input builder live on the scoring server;
editing this copy changes nothing except your own understanding.
"""

import jax, jax.numpy as jnp
import numpy as np

N = 10000
E = 320000
DF = 128
H = 64
K = 16
M = 16
NC = 8


def _gcn_conv(x, edge_index, W, b):
    n = x.shape[0]
    loops = jnp.arange(n, dtype=edge_index.dtype)
    src = jnp.concatenate([edge_index[0], loops])
    dst = jnp.concatenate([edge_index[1], loops])
    h = x @ W
    ones = jnp.ones(src.shape[0], dtype=h.dtype)
    deg = jax.ops.segment_sum(ones, dst, num_segments=n)
    dinv = jax.lax.rsqrt(jnp.maximum(deg, 1.0))
    norm = dinv[src] * dinv[dst]
    msg = h[src] * norm[:, None]
    out = jax.ops.segment_sum(msg, dst, num_segments=n)
    return out + b


def _ltfgw(x, edge_index, templates_F, templates_C, alpha_p):
    # Learned Template FGW layer: per-node FGW-style distance to K learned
    # graph templates (feature Wasserstein term with uniform template weights
    # q0=True, plus a structure discrepancy term), blended by learnable alpha.
    n = x.shape[0]
    k, m, h = templates_F.shape
    q = jnp.full((k, m), 1.0 / m, dtype=x.dtype)
    alpha = jax.nn.sigmoid(alpha_p)
    # feature term: sum_j q_j ||x_i - F_kj||^2
    x2 = jnp.sum(x * x, axis=1)
    F2 = jnp.sum(templates_F * templates_F, axis=2)
    qF2 = jnp.sum(q * F2, axis=1)
    qF = jnp.einsum('km,kmh->kh', q, templates_F)
    feat = x2[:, None] + qF2[None, :] - 2.0 * (x @ qF.T)
    # structure term: node connectivity statistic vs template structure mass
    src, dst = edge_index[0], edge_index[1]
    ones = jnp.ones(src.shape[0], dtype=x.dtype)
    deg = jax.ops.segment_sum(ones, dst, num_segments=n)
    dnorm = deg / jnp.maximum(jnp.max(deg), 1.0)
    sk = jnp.einsum('kj,kjl,kl->k', q, templates_C, q)
    struct = (dnorm[:, None] - sk[None, :]) ** 2
    return alpha * feat + (1.0 - alpha) * struct


def setup_inputs(seed: int = 0):
    key = jax.random.key(seed)
    ks = jax.random.split(key, 12)
    x = jax.random.normal(ks[0], (N, DF), dtype=jnp.float32)
    edge_index = jax.random.randint(ks[1], (2, E), 0, N, dtype=jnp.int32)
    W1 = jax.random.normal(ks[2], (DF, H), dtype=jnp.float32) / np.sqrt(DF)
    b1 = jnp.zeros((H,), dtype=jnp.float32)
    W2 = jax.random.normal(ks[3], (DF, H), dtype=jnp.float32) / np.sqrt(DF)
    b2 = jnp.zeros((H,), dtype=jnp.float32)
    templates_F = jax.random.normal(ks[4], (K, M, H), dtype=jnp.float32)
    templates_C = jax.random.uniform(ks[5], (K, M, M), dtype=jnp.float32)
    alpha_p = jnp.zeros((), dtype=jnp.float32)
    bn_gamma = jnp.ones((H + K,), dtype=jnp.float32)
    bn_beta = jnp.zeros((H + K,), dtype=jnp.float32)
    lin_W = jax.random.normal(ks[6], (H + K, NC), dtype=jnp.float32) / np.sqrt(H + K)
    lin_b = jnp.zeros((NC,), dtype=jnp.float32)
    return {"x": x, "edge_index": edge_index, "W1": W1, "b1": b1, "W2": W2,
            "b2": b2, "templates_F": templates_F, "templates_C": templates_C,
            "alpha_p": alpha_p, "bn_gamma": bn_gamma, "bn_beta": bn_beta,
            "lin_W": lin_W, "lin_b": lin_b}


def reference(x, edge_index, W1, b1, W2, b2, templates_F, templates_C,
              alpha_p, bn_gamma, bn_beta, lin_W, lin_b):
    x_ltfgw = jax.nn.relu(_gcn_conv(x, edge_index, W1, b1))
    y = _ltfgw(x_ltfgw, edge_index, templates_F, templates_C, alpha_p)
    x2 = jax.nn.relu(_gcn_conv(x, edge_index, W2, b2))
    z = jnp.concatenate([x2, y], axis=1)
    mean = jnp.mean(z, axis=0)
    var = jnp.var(z, axis=0)
    zhat = (z - mean) * jax.lax.rsqrt(var + 1e-5)
    z = zhat * bn_gamma + bn_beta
    return z @ lin_W + lin_b

if __name__ == "__main__":
    import jax
    _d = setup_inputs()
    print(jax.jit(kernel)(*tuple(_d.values())))

</pallas_src>

<mosaic_0001>
#map = affine_map<(d0, d1) -> (0, 0, 0)>
#map1 = affine_map<(d0, d1) -> (0)>
module attributes {stable_mosaic.version = 14 : i64} {
  func.func @_deg_kernel(%arg0: i32, %arg1: i32, %arg2: memref<32x80x128xi32, #tpu.memory_space<hbm>>, %arg3: memref<10240xf32, #tpu.memory_space<hbm>>, %arg4: memref<10240xf32, #tpu.memory_space<hbm>>, %arg5: memref<80x128xi32, #tpu.memory_space<vmem>>, %arg6: memref<128xf32, #tpu.memory_space<vmem>>, %arg7: memref<640xf32, #tpu.memory_space<vmem>>, %arg8: memref<10240xf32, #tpu.memory_space<vmem_shared>>, %arg9: memref<!tpu.dma_semaphore, #tpu.memory_space<semaphore_mem>>) attributes {dimension_semantics = [#tpu.dimension_semantics<core_parallel>, #tpu.dimension_semantics<subcore_parallel>], iteration_bounds = array<i64: 2, 16>, scalar_prefetch = 0 : i64, scratch_operands = 5 : i64, tpu.core_type = #tpu.core_type<sc_vector_subcore>, window_params = [{transform_indices = #map}, {transform_indices = #map1}, {transform_indices = #map1}]} {
    %mul3A = arith.constant 16 : i32
    %mul3A_0 = arith.muli %arg0, %mul3A : i32
    %add3A = arith.addi %mul3A_0, %arg1 : i32
    %broadcast_in_dim3A = arith.constant 1.000000e+00 : f32
    %broadcast_in_dim3A_1 = vector.broadcast %broadcast_in_dim3A : f32 to vector<16xf32>
    %swap3A = arith.constant 0 : index
    %swap3A_2 = tpu.vector_load %arg6[%swap3A] {strides = array<i32>} : memref<128xf32, #tpu.memory_space<vmem>>, vector<16xf32>,
    %swap3A_3 = vector.shape_cast %swap3A_2 : vector<16xf32> to vector<16xf32>
    %swap3A_4 = vector.shape_cast %broadcast_in_dim3A_1 : vector<16xf32> to vector<16xf32>
    tpu.vector_store %arg6[%swap3A], %swap3A_4 {strides = array<i32>} : memref<128xf32, #tpu.memory_space<vmem>>, vector<16xf32>,
    %broadcast_in_dim3A_5 = arith.constant 1.000000e+00 : f32
    %broadcast_in_dim3A_6 = vector.broadcast %broadcast_in_dim3A_5 : f32 to vector<16xf32>
    %swap3A_7 = arith.constant 16 : index
    %swap3A_8 = tpu.vector_load %arg6[%swap3A_7] {strides = array<i32>} : memref<128xf32, #tpu.memory_space<vmem>>, vector<16xf32>,
    %swap3A_9 = vector.shape_cast %swap3A_8 : vector<16xf32> to vector<16xf32>
    %swap3A_10 = vector.shape_cast %broadcast_in_dim3A_6 : vector<16xf32> to vector<16xf32>
    tpu.vector_store %arg6[%swap3A_7], %swap3A_10 {strides = array<i32>} : memref<128xf32, #tpu.memory_space<vmem>>, vector<16xf32>,
    %broadcast_in_dim3A_11 = arith.constant 1.000000e+00 : f32
    %broadcast_in_dim3A_12 = vector.broadcast %broadcast_in_dim3A_11 : f32 to vector<16xf32>
    %swap3A_13 = arith.constant 32 : index
    %swap3A_14 = tpu.vector_load %arg6[%swap3A_13] {strides = array<i32>} : memref<128xf32, #tpu.memory_space<vmem>>, vector<16xf32>,
    %swap3A_15 = vector.shape_cast %swap3A_14 : vector<16xf32> to vector<16xf32>
    %swap3A_16 = vector.shape_cast %broadcast_in_dim3A_12 : vector<16xf32> to vector<16xf32>
    tpu.vector_store %arg6[%swap3A_13], %swap3A_16 {strides = array<i32>} : memref<128xf32, #tpu.memory_space<vmem>>, vector<16xf32>,
    %broadcast_in_dim3A_17 = arith.constant 1.000000e+00 : f32
    %broadcast_in_dim3A_18 = vector.broadcast %broadcast_in_dim3A_17 : f32 to vector<16xf32>
    %swap3A_19 = arith.constant 48 : index
    %swap3A_20 = tpu.vector_load %arg6[%swap3A_19] {strides = array<i32>} : memref<128xf32, #tpu.memory_space<vmem>>, vector<16xf32>,
    %swap3A_21 = vector.shape_cast %swap3A_20 : vector<16xf32> to vector<16xf32>
    %swap3A_22 = vector.shape_cast %broadcast_in_dim3A_18 : vector<16xf32> to vector<16xf32>
    tpu.vector_store %arg6[%swap3A_19], %swap3A_22 {strides = array<i32>} : memref<128xf32, #tpu.memory_space<vmem>>, vector<16xf32>,
    %broadcast_in_dim3A_23 = arith.constant 1.000000e+00 : f32
    %broadcast_in_dim3A_24 = vector.broadcast %broadcast_in_dim3A_23 : f32 to vector<16xf32>
    %swap3A_25 = arith.constant 64 : index
    %swap3A_26 = tpu.vector_load %arg6[%swap3A_25] {strides = array<i32>} : memref<128xf32, #tpu.memory_space<vmem>>, vector<16xf32>,
    %swap3A_27 = vector.shape_cast %swap3A_26 : vector<16xf32> to vector<16xf32>
    %swap3A_28 = vector.shape_cast %broadcast_in_dim3A_24 : vector<16xf32> to vector<16xf32>
    tpu.vector_store %arg6[%swap3A_25], %swap3A_28 {strides = array<i32>} : memref<128xf32, #tpu.memory_space<vmem>>, vector<16xf32>,
    %broadcast_in_dim3A_29 = arith.constant 1.000000e+00 : f32
    %broadcast_in_dim3A_30 = vector.broadcast %broadcast_in_dim3A_29 : f32 to vector<16xf32>
    %swap3A_31 = arith.constant 80 : index
    %swap3A_32 = tpu.vector_load %arg6[%swap3A_31] {strides = array<i32>} : memref<128xf32, #tpu.memory_space<vmem>>, vector<16xf32>,
    %swap3A_33 = vector.shape_cast %swap3A_32 : vector<16xf32> to vector<16xf32>
    %swap3A_34 = vector.shape_cast %broadcast_in_dim3A_30 : vector<16xf32> to vector<16xf32>
    tpu.vector_store %arg6[%swap3A_31], %swap3A_34 {strides = array<i32>} : memref<128xf32, #tpu.memory_space<vmem>>, vector<16xf32>,
    %broadcast_in_dim3A_35 = arith.constant 1.000000e+00 : f32
    %broadcast_in_dim3A_36 = vector.broadcast %broadcast_in_dim3A_35 : f32 to vector<16xf32>
    %swap3A_37 = arith.constant 96 : index
    %swap3A_38 = tpu.vector_load %arg6[%swap3A_37] {strides = array<i32>} : memref<128xf32, #tpu.memory_space<vmem>>, vector<16xf32>,
    %swap3A_39 = vector.shape_cast %swap3A_38 : vector<16xf32> to vector<16xf32>
    %swap3A_40 = vector.shape_cast %broadcast_in_dim3A_36 : vector<16xf32> to vector<16xf32>
    tpu.vector_store %arg6[%swap3A_37], %swap3A_40 {strides = array<i32>} : memref<128xf32, #tpu.memory_space<vmem>>, vector<16xf32>,
    %broadcast_in_dim3A_41 = arith.constant 1.000000e+00 : f32
    %broadcast_in_dim3A_42 = vector.broadcast %broadcast_in_dim3A_41 : f32 to vector<16xf32>
    %swap3A_43 = arith.constant 112 : index
    %swap3A_44 = tpu.vector_load %arg6[%swap3A_43] {strides = array<i32>} : memref<128xf32, #tpu.memory_space<vmem>>, vector<16xf32>,
    %swap3A_45 = vector.shape_cast %swap3A_44 : vector<16xf32> to vector<16xf32>
    %swap3A_46 = vector.shape_cast %broadcast_in_dim3A_42 : vector<16xf32> to vector<16xf32>
    tpu.vector_store %arg6[%swap3A_43], %swap3A_46 {strides = array<i32>} : memref<128xf32, #tpu.memory_space<vmem>>, vector<16xf32>,
    %broadcast_in_dim3A_47 = arith.constant 0.000000e+00 : f32
    %broadcast_in_dim3A_48 = vector.broadcast %broadcast_in_dim3A_47 : f32 to vector<16xf32>
    %swap3A_49 = arith.constant 0 : index
    %swap3A_50 = tpu.vector_load %arg7[%swap3A_49] {strides = array<i32>} : memref<640xf32, #tpu.memory_space<vmem>>, vector<16xf32>,
    %swap3A_51 = vector.shape_cast %swap3A_50 : vector<16xf32> to vector<16xf32>
    %swap3A_52 = vector.shape_cast %broadcast_in_dim3A_48 : vector<16xf32> to vector<16xf32>
    tpu.vector_store %arg7[%swap3A_49], %swap3A_52 {strides = array<i32>} : memref<640xf32, #tpu.memory_space<vmem>>, vector<16xf32>,
    %broadcast_in_dim3A_53 = arith.constant 0.000000e+00 : f32
    %broadcast_in_dim3A_54 = vector.broadcast %broadcast_in_dim3A_53 : f32 to vector<16xf32>
    %swap3A_55 = arith.constant 16 : index
    %swap3A_56 = tpu.vector_load %arg7[%swap3A_55] {strides = array<i32>} : memref<640xf32, #tpu.memory_space<vmem>>, vector<16xf32>,
    %swap3A_57 = vector.shape_cast %swap3A_56 : vector<16xf32> to vector<16xf32>
    %swap3A_58 = vector.shape_cast %broadcast_in_dim3A_54 : vector<16xf32> to vector<16xf32>
    tpu.vector_store %arg7[%swap3A_55], %swap3A_58 {strides = array<i32>} : memref<640xf32, #tpu.memory_space<vmem>>, vector<16xf32>,
    %broadcast_in_dim3A_59 = arith.constant 0.000000e+00 : f32
    %broadcast_in_dim3A_60 = vector.broadcast %broadcast_in_dim3A_59 : f32 to vector<16xf32>
    %swap3A_61 = arith.constant 32 : index
    %swap3A_62 = tpu.vector_load %arg7[%swap3A_61] {strides = array<i32>} : memref<640xf32, #tpu.memory_space<vmem>>, vector<16xf32>,
    %swap3A_63 = vector.shape_cast %swap3A_62 : vector<16xf32> to vector<16xf32>
    %swap3A_64 = vector.shape_cast %broadcast_in_dim3A_60 : vector<16xf32> to vector<16xf32>
    tpu.vector_store %arg7[%swap3A_61], %swap3A_64 {strides = array<i32>} : memref<640xf32, #tpu.memory_space<vmem>>, vector<16xf32>,
    %broadcast_in_dim3A_65 = arith.constant 0.000000e+00 : f32
    %broadcast_in_dim3A_66 = vector.broadcast %broadcast_in_dim3A_65 : f32 to vector<16xf32>
    %swap3A_67 = arith.constant 48 : index
    %swap3A_68 = tpu.vector_load %arg7[%swap3A_67] {strides = array<i32>} : memref<640xf32, #tpu.memory_space<vmem>>, vector<16xf32>,
    %swap3A_69 = vector.shape_cast %swap3A_68 : vector<16xf32> to vector<16xf32>
    %swap3A_70 = vector.shape_cast %broadcast_in_dim3A_66 : vector<16xf32> to vector<16xf32>
    tpu.vector_store %arg7[%swap3A_67], %swap3A_70 {strides = array<i32>} : memref<640xf32, #tpu.memory_space<vmem>>, vector<16xf32>,
    %broadcast_in_dim3A_71 = arith.constant 0.000000e+00 : f32
    %broadcast_in_dim3A_72 = vector.broadcast %broadcast_in_dim3A_71 : f32 to vector<16xf32>
    %swap3A_73 = arith.constant 64 : index
    %swap3A_74 = tpu.vector_load %arg7[%swap3A_73] {strides = array<i32>} : memref<640xf32, #tpu.memory_space<vmem>>, vector<16xf32>,
    %swap3A_75 = vector.shape_cast %swap3A_74 : vector<16xf32> to vector<16xf32>
    %swap3A_76 = vector.shape_cast %broadcast_in_dim3A_72 : vector<16xf32> to vector<16xf32>
    tpu.vector_store %arg7[%swap3A_73], %swap3A_76 {strides = array<i32>} : memref<640xf32, #tpu.memory_space<vmem>>, vector<16xf32>,
    %broadcast_in_dim3A_77 = arith.constant 0.000000e+00 : f32
    %broadcast_in_dim3A_78 = vector.broadcast %broadcast_in_dim3A_77 : f32 to vector<16xf32>
    %swap3A_79 = arith.constant 80 : index
    %swap3A_80 = tpu.vector_load %arg7[%swap3A_79] {strides = array<i32>} : memref<640xf32, #tpu.memory_space<vmem>>, vector<16xf32>,
    %swap3A_81 = vector.shape_cast %swap3A_80 : vector<16xf32> to vector<16xf32>
    %swap3A_82 = vector.shape_cast %broadcast_in_dim3A_78 : vector<16xf32> to vector<16xf32>
    tpu.vector_store %arg7[%swap3A_79], %swap3A_82 {strides = array<i32>} : memref<640xf32, #tpu.memory_space<vmem>>, vector<16xf32>,
    %broadcast_in_dim3A_83 = arith.constant 0.000000e+00 : f32
    %broadcast_in_dim3A_84 = vector.broadcast %broadcast_in_dim3A_83 : f32 to vector<16xf32>
    %swap3A_85 = arith.constant 96 : index
    %swap3A_86 = tpu.vector_load %arg7[%swap3A_85] {strides = array<i32>} : memref<640xf32, #tpu.memory_space<vmem>>, vector<16xf32>,
    %swap3A_87 = vector.shape_cast %swap3A_86 : vector<16xf32> to vector<16xf32>
    %swap3A_88 = vector.shape_cast %broadcast_in_dim3A_84 : vector<16xf32> to vector<16xf32>
    tpu.vector_store %arg7[%swap3A_85], %swap3A_88 {strides = array<i32>} : memref<640xf32, #tpu.memory_space<vmem>>, vector<16xf32>,
    %broadcast_in_dim3A_89 = arith.constant 0.000000e+00 : f32
    %broadcast_in_dim3A_90 = vector.broadcast %broadcast_in_dim3A_89 : f32 to vector<16xf32>
    %swap3A_91 = arith.constant 112 : index
    %swap3A_92 = tpu.vector_load %arg7[%swap3A_91] {strides = array<i32>} : memref<640xf32, #tpu.memory_space<vmem>>, vector<16xf32>,
    %swap3A_93 = vector.shape_cast %swap3A_92 : vector<16xf32> to vector<16xf32>
    %swap3A_94 = vector.shape_cast %broadcast_in_dim3A_90 : vector<16xf32> to vector<16xf32>
    tpu.vector_store %arg7[%swap3A_91], %swap3A_94 {strides = array<i32>} : memref<640xf32, #tpu.memory_space<vmem>>, vector<16xf32>,
    %broadcast_in_dim3A_95 = arith.constant 0.000000e+00 : f32
    %broadcast_in_dim3A_96 = vector.broadcast %broadcast_in_dim3A_95 : f32 to vector<16xf32>
    %swap3A_97 = arith.constant 128 : index
    %swap3A_98 = tpu.vector_load %arg7[%swap3A_97] {strides = array<i32>} : memref<640xf32, #tpu.memory_space<vmem>>, vector<16xf32>,
    %swap3A_99 = vector.shape_cast %swap3A_98 : vector<16xf32> to vector<16xf32>
    %swap3A_100 = vector.shape_cast %broadcast_in_dim3A_96 : vector<16xf32> to vector<16xf32>
    tpu.vector_store %arg7[%swap3A_97], %swap3A_100 {strides = array<i32>} : memref<640xf32, #tpu.memory_space<vmem>>, vector<16xf32>,
    %broadcast_in_dim3A_101 = arith.constant 0.000000e+00 : f32
    %broadcast_in_dim3A_102 = vector.broadcast %broadcast_in_dim3A_101 : f32 to vector<16xf32>
    %swap3A_103 = arith.constant 144 : index
    %swap3A_104 = tpu.vector_load %arg7[%swap3A_103] {strides = array<i32>} : memref<640xf32, #tpu.memory_space<vmem>>, vector<16xf32>,
    %swap3A_105 = vector.shape_cast %swap3A_104 : vector<16xf32> to vector<16xf32>
    %swap3A_106 = vector.shape_cast %broadcast_in_dim3A_102 : vector<16xf32> to vector<16xf32>
    tpu.vector_store %arg7[%swap3A_103], %swap3A_106 {strides = array<i32>} : memref<640xf32, #tpu.memory_space<vmem>>, vector<16xf32>,
    %broadcast_in_dim3A_107 = arith.constant 0.000000e+00 : f32
    %broadcast_in_dim3A_108 = vector.broadcast %broadcast_in_dim3A_107 : f32 to vector<16xf32>
    %swap3A_109 = arith.constant 160 : index
    %swap3A_110 = tpu.vector_load %arg7[%swap3A_109] {strides = array<i32>} : memref<640xf32, #tpu.memory_space<vmem>>, vector<16xf32>,
    %swap3A_111 = vector.shape_cast %swap3A_110 : vector<16xf32> to vector<16xf32>
    %swap3A_112 = vector.shape_cast %broadcast_in_dim3A_108 : vector<16xf32> to vector<16xf32>
    tpu.vector_store %arg7[%swap3A_109], %swap3A_112 {strides = array<i32>} : memref<640xf32, #tpu.memory_space<vmem>>, vector<16xf32>,
    %broadcast_in_dim3A_113 = arith.constant 0.000000e+00 : f32
    %broadcast_in_dim3A_114 = vector.broadcast %broadcast_in_dim3A_113 : f32 to vector<16xf32>
    %swap3A_115 = arith.constant 176 : index
    %swap3A_116 = tpu.vector_load %arg7[%swap3A_115] {strides = array<i32>} : memref<640xf32, #tpu.memory_space<vmem>>, vector<16xf32>,
    %swap3A_117 = vector.shape_cast %swap3A_116 : vector<16xf32> to vector<16xf32>
    %swap3A_118 = vector.shape_cast %broadcast_in_dim3A_114 : vector<16xf32> to vector<16xf32>
    tpu.vector_store %arg7[%swap3A_115], %swap3A_118 {strides = array<i32>} : memref<640xf32, #tpu.memory_space<vmem>>, vector<16xf32>,
    %broadcast_in_dim3A_119 = arith.constant 0.000000e+00 : f32
    %broadcast_in_dim3A_120 = vector.broadcast %broadcast_in_dim3A_119 : f32 to vector<16xf32>
    %swap3A_121 = arith.constant 192 : index
    %swap3A_122 = tpu.vector_load %arg7[%swap3A_121] {strides = array<i32>} : memref<640xf32, #tpu.memory_space<vmem>>, vector<16xf32>,
    %swap3A_123 = vector.shape_cast %swap3A_122 : vector<16xf32> to vector<16xf32>
    %swap3A_124 = vector.shape_cast %broadcast_in_dim3A_120 : vector<16xf32> to vector<16xf32>
    tpu.vector_store %arg7[%swap3A_121], %swap3A_124 {strides = array<i32>} : memref<640xf32, #tpu.memory_space<vmem>>, vector<16xf32>,
    %broadcast_in_dim3A_125 = arith.constant 0.000000e+00 : f32
    %broadcast_in_dim3A_126 = vector.broadcast %broadcast_in_dim3A_125 : f32 to vector<16xf32>
    %swap3A_127 = arith.constant 208 : index
    %swap3A_128 = tpu.vector_load %arg7[%swap3A_127] {strides = array<i32>} : memref<640xf32, #tpu.memory_space<vmem>>, vector<16xf32>,
    %swap3A_129 = vector.shape_cast %swap3A_128 : vector<16xf32> to vector<16xf32>
    %swap3A_130 = vector.shape_cast %broadcast_in_dim3A_126 : vector<16xf32> to vector<16xf32>
    tpu.vector_store %arg7[%swap3A_127], %swap3A_130 {strides = array<i32>} : memref<640xf32, #tpu.memory_space<vmem>>, vector<16xf32>,
    %broadcast_in_dim3A_131 = arith.constant 0.000000e+00 : f32
    %broadcast_in_dim3A_132 = vector.broadcast %broadcast_in_dim3A_131 : f32 to vector<16xf32>
    %swap3A_133 = arith.constant 224 : index
    %swap3A_134 = tpu.vector_load %arg7[%swap3A_133] {strides = array<i32>} : memref<640xf32, #tpu.memory_space<vmem>>, vector<16xf32>,
    %swap3A_135 = vector.shape_cast %swap3A_134 : vector<16xf32> to vector<16xf32>
    %swap3A_136 = vector.shape_cast %broadcast_in_dim3A_132 : vector<16xf32> to vector<16xf32>
    tpu.vector_store %arg7[%swap3A_133], %swap3A_136 {strides = array<i32>} : memref<640xf32, #tpu.memory_space<vmem>>, vector<16xf32>,
    %broadcast_in_dim3A_137 = arith.constant 0.000000e+00 : f32
    %broadcast_in_dim3A_138 = vector.broadcast %broadcast_in_dim3A_137 : f32 to vector<16xf32>
    %swap3A_139 = arith.constant 240 : index
    %swap3A_140 = tpu.vector_load %arg7[%swap3A_139] {strides = array<i32>} : memref<640xf32, #tpu.memory_space<vmem>>, vector<16xf32>,
    %swap3A_141 = vector.shape_cast %swap3A_140 : vector<16xf32> to vector<16xf32>
    %swap3A_142 = vector.shape_cast %broadcast_in_dim3A_138 : vector<16xf32> to vector<16xf32>
    tpu.vector_store %arg7[%swap3A_139], %swap3A_142 {strides = array<i32>} : memref<640xf32, #tpu.memory_space<vmem>>, vector<16xf32>,
    %broadcast_in_dim3A_143 = arith.constant 0.000000e+00 : f32
    %broadcast_in_dim3A_144 = vector.broadcast %broadcast_in_dim3A_143 : f32 to vector<16xf32>
    %swap3A_145 = arith.constant 256 : index
    %swap3A_146 = tpu.vector_load %arg7[%swap3A_145] {strides = array<i32>} : memref<640xf32, #tpu.memory_space<vmem>>, vector<16xf32>,
    %swap3A_147 = vector.shape_cast %swap3A_146 : vector<16xf32> to vector<16xf32>
    %swap3A_148 = vector.shape_cast %broadcast_in_dim3A_144 : vector<16xf32> to vector<16xf32>
    tpu.vector_store %arg7[%swap3A_145], %swap3A_148 {strides = array<i32>} : memref<640xf32, #tpu.memory_space<vmem>>, vector<16xf32>,
    %broadcast_in_dim3A_149 = arith.constant 0.000000e+00 : f32
    %broadcast_in_dim3A_150 = vector.broadcast %broadcast_in_dim3A_149 : f32 to vector<16xf32>
    %swap3A_151 = arith.constant 272 : index
    %swap3A_152 = tpu.vector_load %arg7[%swap3A_151] {strides = array<i32>} : memref<640xf32, #tpu.memory_space<vmem>>, vector<16xf32>,
    %swap3A_153 = vector.shape_cast %swap3A_152 : vector<16xf32> to vector<16xf32>
    %swap3A_154 = vector.shape_cast %broadcast_in_dim3A_150 : vector<16xf32> to vector<16xf32>
    tpu.vector_store %arg7[%swap3A_151], %swap3A_154 {strides = array<i32>} : memref<640xf32, #tpu.memory_space<vmem>>, vector<16xf32>,
    %broadcast_in_dim3A_155 = arith.constant 0.000000e+00 : f32
    %broadcast_in_dim3A_156 = vector.broadcast %broadcast_in_dim3A_155 : f32 to vector<16xf32>
    %swap3A_157 = arith.constant 288 : index
    %swap3A_158 = tpu.vector_load %arg7[%swap3A_157] {strides = array<i32>} : memref<640xf32, #tpu.memory_space<vmem>>, vector<16xf32>,
    %swap3A_159 = vector.shape_cast %swap3A_158 : vector<16xf32> to vector<16xf32>
    %swap3A_160 = vector.shape_cast %broadcast_in_dim3A_156 : vector<16xf32> to vector<16xf32>
    tpu.vector_store %arg7[%swap3A_157], %swap3A_160 {strides = array<i32>} : memref<640xf32, #tpu.memory_space<vmem>>, vector<16xf32>,
    %broadcast_in_dim3A_161 = arith.constant 0.000000e+00 : f32
    %broadcast_in_dim3A_162 = vector.broadcast %broadcast_in_dim3A_161 : f32 to vector<16xf32>
    %swap3A_163 = arith.constant 304 : index
    %swap3A_164 = tpu.vector_load %arg7[%swap3A_163] {strides = array<i32>} : memref<640xf32, #tpu.memory_space<vmem>>, vector<16xf32>,
    %swap3A_165 = vector.shape_cast %swap3A_164 : vector<16xf32> to vector<16xf32>
    %swap3A_166 = vector.shape_cast %broadcast_in_dim3A_162 : vector<16xf32> to vector<16xf32>
    tpu.vector_store %arg7[%swap3A_163], %swap3A_166 {strides = array<i32>} : memref<640xf32, #tpu.memory_space<vmem>>, vector<16xf32>,
    %broadcast_in_dim3A_167 = arith.constant 0.000000e+00 : f32
    %broadcast_in_dim3A_168 = vector.broadcast %broadcast_in_dim3A_167 : f32 to vector<16xf32>
    %swap3A_169 = arith.constant 320 : index
    %swap3A_170 = tpu.vector_load %arg7[%swap3A_169] {strides = array<i32>} : memref<640xf32, #tpu.memory_space<vmem>>, vector<16xf32>,
    %swap3A_171 = vector.shape_cast %swap3A_170 : vector<16xf32> to vector<16xf32>
    %swap3A_172 = vector.shape_cast %broadcast_in_dim3A_168 : vector<16xf32> to vector<16xf32>
    tpu.vector_store %arg7[%swap3A_169], %swap3A_172 {strides = array<i32>} : memref<640xf32, #tpu.memory_space<vmem>>, vector<16xf32>,
    %broadcast_in_dim3A_173 = arith.constant 0.000000e+00 : f32
    %broadcast_in_dim3A_174 = vector.broadcast %broadcast_in_dim3A_173 : f32 to vector<16xf32>
    %swap3A_175 = arith.constant 336 : index
    %swap3A_176 = tpu.vector_load %arg7[%swap3A_175] {strides = array<i32>} : memref<640xf32, #tpu.memory_space<vmem>>, vector<16xf32>,
    %swap3A_177 = vector.shape_cast %swap3A_176 : vector<16xf32> to vector<16xf32>
    %swap3A_178 = vector.shape_cast %broadcast_in_dim3A_174 : vector<16xf32> to vector<16xf32>
    tpu.vector_store %arg7[%swap3A_175], %swap3A_178 {strides = array<i32>} : memref<640xf32, #tpu.memory_space<vmem>>, vector<16xf32>,
    %broadcast_in_dim3A_179 = arith.constant 0.000000e+00 : f32
    %broadcast_in_dim3A_180 = vector.broadcast %broadcast_in_dim3A_179 : f32 to vector<16xf32>
    %swap3A_181 = arith.constant 352 : index
    %swap3A_182 = tpu.vector_load %arg7[%swap3A_181] {strides = array<i32>} : memref<640xf32, #tpu.memory_space<vmem>>, vector<16xf32>,
    %swap3A_183 = vector.shape_cast %swap3A_182 : vector<16xf32> to vector<16xf32>
    %swap3A_184 = vector.shape_cast %broadcast_in_dim3A_180 : vector<16xf32> to vector<16xf32>
    tpu.vector_store %arg7[%swap3A_181], %swap3A_184 {strides = array<i32>} : memref<640xf32, #tpu.memory_space<vmem>>, vector<16xf32>,
    %broadcast_in_dim3A_185 = arith.constant 0.000000e+00 : f32
    %broadcast_in_dim3A_186 = vector.broadcast %broadcast_in_dim3A_185 : f32 to vector<16xf32>
    %swap3A_187 = arith.constant 368 : index
    %swap3A_188 = tpu.vector_load %arg7[%swap3A_187] {strides = array<i32>} : memref<640xf32, #tpu.memory_space<vmem>>, vector<16xf32>,
    %swap3A_189 = vector.shape_cast %swap3A_188 : vector<16xf32> to vector<16xf32>
    %swap3A_190 = vector.shape_cast %broadcast_in_dim3A_186 : vector<16xf32> to vector<16xf32>
    tpu.vector_store %arg7[%swap3A_187], %swap3A_190 {strides = array<i32>} : memref<640xf32, #tpu.memory_space<vmem>>, vector<16xf32>,
    %broadcast_in_dim3A_191 = arith.constant 0.000000e+00 : f32
    %broadcast_in_dim3A_192 = vector.broadcast %broadcast_in_dim3A_191 : f32 to vector<16xf32>
    %swap3A_193 = arith.constant 384 : index
    %swap3A_194 = tpu.vector_load %arg7[%swap3A_193] {strides = array<i32>} : memref<640xf32, #tpu.memory_space<vmem>>, vector<16xf32>,
    %swap3A_195 = vector.shape_cast %swap3A_194 : vector<16xf32> to vector<16xf32>
    %swap3A_196 = vector.shape_cast %broadcast_in_dim3A_192 : vector<16xf32> to vector<16xf32>
    tpu.vector_store %arg7[%swap3A_193], %swap3A_196 {strides = array<i32>} : memref<640xf32, #tpu.memory_space<vmem>>, vector<16xf32>,
    %broadcast_in_dim3A_197 = arith.constant 0.000000e+00 : f32
    %broadcast_in_dim3A_198 = vector.broadcast %broadcast_in_dim3A_197 : f32 to vector<16xf32>
    %swap3A_199 = arith.constant 400 : index
    %swap3A_200 = tpu.vector_load %arg7[%swap3A_199] {strides = array<i32>} : memref<640xf32, #tpu.memory_space<vmem>>, vector<16xf32>,
    %swap3A_201 = vector.shape_cast %swap3A_200 : vector<16xf32> to vector<16xf32>
    %swap3A_202 = vector.shape_cast %broadcast_in_dim3A_198 : vector<16xf32> to vector<16xf32>
    tpu.vector_store %arg7[%swap3A_199], %swap3A_202 {strides = array<i32>} : memref<640xf32, #tpu.memory_space<vmem>>, vector<16xf32>,
    %broadcast_in_dim3A_203 = arith.constant 0.000000e+00 : f32
    %broadcast_in_dim3A_204 = vector.broadcast %broadcast_in_dim3A_203 : f32 to vector<16xf32>
    %swap3A_205 = arith.constant 416 : index
    %swap3A_206 = tpu.vector_load %arg7[%swap3A_205] {strides = array<i32>} : memref<640xf32, #tpu.memory_space<vmem>>, vector<16xf32>,
    %swap3A_207 = vector.shape_cast %swap3A_206 : vector<16xf32> to vector<16xf32>
    %swap3A_208 = vector.shape_cast %broadcast_in_dim3A_204 : vector<16xf32> to vector<16xf32>
    tpu.vector_store %arg7[%swap3A_205], %swap3A_208 {strides = array<i32>} : memref<640xf32, #tpu.memory_space<vmem>>, vector<16xf32>,
    %broadcast_in_dim3A_209 = arith.constant 0.000000e+00 : f32
    %broadcast_in_dim3A_210 = vector.broadcast %broadcast_in_dim3A_209 : f32 to vector<16xf32>
    %swap3A_211 = arith.constant 432 : index
    %swap3A_212 = tpu.vector_load %arg7[%swap3A_211] {strides = array<i32>} : memref<640xf32, #tpu.memory_space<vmem>>, vector<16xf32>,
    %swap3A_213 = vector.shape_cast %swap3A_212 : vector<16xf32> to vector<16xf32>
    %swap3A_214 = vector.shape_cast %broadcast_in_dim3A_210 : vector<16xf32> to vector<16xf32>
    tpu.vector_store %arg7[%swap3A_211], %swap3A_214 {strides = array<i32>} : memref<640xf32, #tpu.memory_space<vmem>>, vector<16xf32>,
    %broadcast_in_dim3A_215 = arith.constant 0.000000e+00 : f32
    %broadcast_in_dim3A_216 = vector.broadcast %broadcast_in_dim3A_215 : f32 to vector<16xf32>
    %swap3A_217 = arith.constant 448 : index
    %swap3A_218 = tpu.vector_load %arg7[%swap3A_217] {strides = array<i32>} : memref<640xf32, #tpu.memory_space<vmem>>, vector<16xf32>,
    %swap3A_219 = vector.shape_cast %swap3A_218 : vector<16xf32> to vector<16xf32>
    %swap3A_220 = vector.shape_cast %broadcast_in_dim3A_216 : vector<16xf32> to vector<16xf32>
    tpu.vector_store %arg7[%swap3A_217], %swap3A_220 {strides = array<i32>} : memref<640xf32, #tpu.memory_space<vmem>>, vector<16xf32>,
    %broadcast_in_dim3A_221 = arith.constant 0.000000e+00 : f32
    %broadcast_in_dim3A_222 = vector.broadcast %broadcast_in_dim3A_221 : f32 to vector<16xf32>
    %swap3A_223 = arith.constant 464 : index
    %swap3A_224 = tpu.vector_load %arg7[%swap3A_223] {strides = array<i32>} : memref<640xf32, #tpu.memory_space<vmem>>, vector<16xf32>,
    %swap3A_225 = vector.shape_cast %swap3A_224 : vector<16xf32> to vector<16xf32>
    %swap3A_226 = vector.shape_cast %broadcast_in_dim3A_222 : vector<16xf32> to vector<16xf32>
    tpu.vector_store %arg7[%swap3A_223], %swap3A_226 {strides = array<i32>} : memref<640xf32, #tpu.memory_space<vmem>>, vector<16xf32>,
    %broadcast_in_dim3A_227 = arith.constant 0.000000e+00 : f32
    %broadcast_in_dim3A_228 = vector.broadcast %broadcast_in_dim3A_227 : f32 to vector<16xf32>
    %swap3A_229 = arith.constant 480 : index
    %swap3A_230 = tpu.vector_load %arg7[%swap3A_229] {strides = array<i32>} : memref<640xf32, #tpu.memory_space<vmem>>, vector<16xf32>,
    %swap3A_231 = vector.shape_cast %swap3A_230 : vector<16xf32> to vector<16xf32>
    %swap3A_232 = vector.shape_cast %broadcast_in_dim3A_228 : vector<16xf32> to vector<16xf32>
    tpu.vector_store %arg7[%swap3A_229], %swap3A_232 {strides = array<i32>} : memref<640xf32, #tpu.memory_space<vmem>>, vector<16xf32>,
    %broadcast_in_dim3A_233 = arith.constant 0.000000e+00 : f32
    %broadcast_in_dim3A_234 = vector.broadcast %broadcast_in_dim3A_233 : f32 to vector<16xf32>
    %swap3A_235 = arith.constant 496 : index
    %swap3A_236 = tpu.vector_load %arg7[%swap3A_235] {strides = array<i32>} : memref<640xf32, #tpu.memory_space<vmem>>, vector<16xf32>,
    %swap3A_237 = vector.shape_cast %swap3A_236 : vector<16xf32> to vector<16xf32>
    %swap3A_238 = vector.shape_cast %broadcast_in_dim3A_234 : vector<16xf32> to vector<16xf32>
    tpu.vector_store %arg7[%swap3A_235], %swap3A_238 {strides = array<i32>} : memref<640xf32, #tpu.memory_space<vmem>>, vector<16xf32>,
    %broadcast_in_dim3A_239 = arith.constant 0.000000e+00 : f32
    %broadcast_in_dim3A_240 = vector.broadcast %broadcast_in_dim3A_239 : f32 to vector<16xf32>
    %swap3A_241 = arith.constant 512 : index
    %swap3A_242 = tpu.vector_load %arg7[%swap3A_241] {strides = array<i32>} : memref<640xf32, #tpu.memory_space<vmem>>, vector<16xf32>,
    %swap3A_243 = vector.shape_cast %swap3A_242 : vector<16xf32> to vector<16xf32>
    %swap3A_244 = vector.shape_cast %broadcast_in_dim3A_240 : vector<16xf32> to vector<16xf32>
    tpu.vector_store %arg7[%swap3A_241], %swap3A_244 {strides = array<i32>} : memref<640xf32, #tpu.memory_space<vmem>>, vector<16xf32>,
    %broadcast_in_dim3A_245 = arith.constant 0.000000e+00 : f32
    %broadcast_in_dim3A_246 = vector.broadcast %broadcast_in_dim3A_245 : f32 to vector<16xf32>
    %swap3A_247 = arith.constant 528 : index
    %swap3A_248 = tpu.vector_load %arg7[%swap3A_247] {strides = array<i32>} : memref<640xf32, #tpu.memory_space<vmem>>, vector<16xf32>,
    %swap3A_249 = vector.shape_cast %swap3A_248 : vector<16xf32> to vector<16xf32>
    %swap3A_250 = vector.shape_cast %broadcast_in_dim3A_246 : vector<16xf32> to vector<16xf32>
    tpu.vector_store %arg7[%swap3A_247], %swap3A_250 {strides = array<i32>} : memref<640xf32, #tpu.memory_space<vmem>>, vector<16xf32>,
    %broadcast_in_dim3A_251 = arith.constant 0.000000e+00 : f32
    %broadcast_in_dim3A_252 = vector.broadcast %broadcast_in_dim3A_251 : f32 to vector<16xf32>
    %swap3A_253 = arith.constant 544 : index
    %swap3A_254 = tpu.vector_load %arg7[%swap3A_253] {strides = array<i32>} : memref<640xf32, #tpu.memory_space<vmem>>, vector<16xf32>,
    %swap3A_255 = vector.shape_cast %swap3A_254 : vector<16xf32> to vector<16xf32>
    %swap3A_256 = vector.shape_cast %broadcast_in_dim3A_252 : vector<16xf32> to vector<16xf32>
    tpu.vector_store %arg7[%swap3A_253], %swap3A_256 {strides = array<i32>} : memref<640xf32, #tpu.memory_space<vmem>>, vector<16xf32>,
    %broadcast_in_dim3A_257 = arith.constant 0.000000e+00 : f32
    %broadcast_in_dim3A_258 = vector.broadcast %broadcast_in_dim3A_257 : f32 to vector<16xf32>
    %swap3A_259 = arith.constant 560 : index
    %swap3A_260 = tpu.vector_load %arg7[%swap3A_259] {strides = array<i32>} : memref<640xf32, #tpu.memory_space<vmem>>, vector<16xf32>,
    %swap3A_261 = vector.shape_cast %swap3A_260 : vector<16xf32> to vector<16xf32>
    %swap3A_262 = vector.shape_cast %broadcast_in_dim3A_258 : vector<16xf32> to vector<16xf32>
    tpu.vector_store %arg7[%swap3A_259], %swap3A_262 {strides = array<i32>} : memref<640xf32, #tpu.memory_space<vmem>>, vector<16xf32>,
    %broadcast_in_dim3A_263 = arith.constant 0.000000e+00 : f32
    %broadcast_in_dim3A_264 = vector.broadcast %broadcast_in_dim3A_263 : f32 to vector<16xf32>
    %swap3A_265 = arith.constant 576 : index
    %swap3A_266 = tpu.vector_load %arg7[%swap3A_265] {strides = array<i32>} : memref<640xf32, #tpu.memory_space<vmem>>, vector<16xf32>,
    %swap3A_267 = vector.shape_cast %swap3A_266 : vector<16xf32> to vector<16xf32>
    %swap3A_268 = vector.shape_cast %broadcast_in_dim3A_264 : vector<16xf32> to vector<16xf32>
    tpu.vector_store %arg7[%swap3A_265], %swap3A_268 {strides = array<i32>} : memref<640xf32, #tpu.memory_space<vmem>>, vector<16xf32>,
    %broadcast_in_dim3A_269 = arith.constant 0.000000e+00 : f32
    %broadcast_in_dim3A_270 = vector.broadcast %broadcast_in_dim3A_269 : f32 to vector<16xf32>
    %swap3A_271 = arith.constant 592 : index
    %swap3A_272 = tpu.vector_load %arg7[%swap3A_271] {strides = array<i32>} : memref<640xf32, #tpu.memory_space<vmem>>, vector<16xf32>,
    %swap3A_273 = vector.shape_cast %swap3A_272 : vector<16xf32> to vector<16xf32>
    %swap3A_274 = vector.shape_cast %broadcast_in_dim3A_270 : vector<16xf32> to vector<16xf32>
    tpu.vector_store %arg7[%swap3A_271], %swap3A_274 {strides = array<i32>} : memref<640xf32, #tpu.memory_space<vmem>>, vector<16xf32>,
    %broadcast_in_dim3A_275 = arith.constant 0.000000e+00 : f32
    %broadcast_in_dim3A_276 = vector.broadcast %broadcast_in_dim3A_275 : f32 to vector<16xf32>
    %swap3A_277 = arith.constant 608 : index
    %swap3A_278 = tpu.vector_load %arg7[%swap3A_277] {strides = array<i32>} : memref<640xf32, #tpu.memory_space<vmem>>, vector<16xf32>,
    %swap3A_279 = vector.shape_cast %swap3A_278 : vector<16xf32> to vector<16xf32>
    %swap3A_280 = vector.shape_cast %broadcast_in_dim3A_276 : vector<16xf32> to vector<16xf32>
    tpu.vector_store %arg7[%swap3A_277], %swap3A_280 {strides = array<i32>} : memref<640xf32, #tpu.memory_space<vmem>>, vector<16xf32>,
    %broadcast_in_dim3A_281 = arith.constant 0.000000e+00 : f32
    %broadcast_in_dim3A_282 = vector.broadcast %broadcast_in_dim3A_281 : f32 to vector<16xf32>
    %swap3A_283 = arith.constant 624 : index
    %swap3A_284 = tpu.vector_load %arg7[%swap3A_283] {strides = array<i32>} : memref<640xf32, #tpu.memory_space<vmem>>, vector<16xf32>,
    %swap3A_285 = vector.shape_cast %swap3A_284 : vector<16xf32> to vector<16xf32>
    %swap3A_286 = vector.shape_cast %broadcast_in_dim3A_282 : vector<16xf32> to vector<16xf32>
    tpu.vector_store %arg7[%swap3A_283], %swap3A_286 {strides = array<i32>} : memref<640xf32, #tpu.memory_space<vmem>>, vector<16xf32>,
    %mul3A_287 = arith.constant 640 : i32
    %mul3A_288 = arith.muli %arg1, %mul3A_287 : i32
    "tpu.region"() ({
      %run_scoped3A = tpu.sem_alloc : memref<!tpu.dma_semaphore, #tpu.memory_space<semaphore_mem>>
      %dma_start3A = tpu.memref_slice %arg8[%mul3A_288] : memref<10240xf32, #tpu.memory_space<vmem_shared>> -> memref<640xf32, #tpu.memory_space<vmem_shared>>
      %dma_start3A_310 = tpu.memref_slice %arg8[%mul3A_288] : memref<10240xf32, #tpu.memory_space<vmem_shared>> -> memref<640xf32, #tpu.memory_space<vmem_shared>>
      tpu.enqueue_dma source(%arg7 : memref<640xf32, #tpu.memory_space<vmem>>) target(%dma_start3A_310 : memref<640xf32, #tpu.memory_space<vmem_shared>>) target_semaphore(%run_scoped3A : memref<!tpu.dma_semaphore, #tpu.memory_space<semaphore_mem>>)
      %dma_wait3A = tpu.memref_slice %arg8[%mul3A_288] : memref<10240xf32, #tpu.memory_space<vmem_shared>> -> memref<640xf32, #tpu.memory_space<vmem_shared>>
      %dma_wait3A_311 = tpu.memref_slice %arg8[%mul3A_288] : memref<10240xf32, #tpu.memory_space<vmem_shared>> -> memref<640xf32, #tpu.memory_space<vmem_shared>>
      tpu.wait_dma2 semaphore(%run_scoped3A : memref<!tpu.dma_semaphore, #tpu.memory_space<semaphore_mem>>) src(%arg7 : memref<640xf32, #tpu.memory_space<vmem>>) dst(%dma_wait3A_311 : memref<640xf32, #tpu.memory_space<vmem_shared>>)
      tpu.yield
    }) : () -> ()
    "tpu.region"() ({
      %run_scoped3A = tpu.sem_alloc : memref<!tpu.dma_semaphore, #tpu.memory_space<semaphore_mem>>
      %dma_start3A = arith.constant 0 : i32
      %dma_start3A_310 = arith.constant 0 : i32
      %dma_start3A_311 = tpu.memref_slice %arg2[%add3A, %dma_start3A, %dma_start3A_310] : memref<32x80x128xi32, #tpu.memory_space<hbm>> -> memref<1x80x128xi32, #tpu.memory_space<hbm>>
      %dma_start3A_312 = tpu.memref_squeeze %dma_start3A_311 : memref<1x80x128xi32, #tpu.memory_space<hbm>> -> memref<80x128xi32, #tpu.memory_space<hbm>>
      %dma_start3A_313 = arith.constant 0 : i32
      %dma_start3A_314 = arith.constant 0 : i32
      %dma_start3A_315 = tpu.memref_slice %arg2[%add3A, %dma_start3A_313, %dma_start3A_314] : memref<32x80x128xi32, #tpu.memory_space<hbm>> -> memref<1x80x128xi32, #tpu.memory_space<hbm>>
      %dma_start3A_316 = tpu.memref_squeeze %dma_start3A_315 : memref<1x80x128xi32, #tpu.memory_space<hbm>> -> memref<80x128xi32, #tpu.memory_space<hbm>>
      tpu.enqueue_dma source(%dma_start3A_316 : memref<80x128xi32, #tpu.memory_space<hbm>>) target(%arg5 : memref<80x128xi32, #tpu.memory_space<vmem>>) target_semaphore(%run_scoped3A : memref<!tpu.dma_semaphore, #tpu.memory_space<semaphore_mem>>)
      %dma_wait3A = arith.constant 0 : i32
      %dma_wait3A_317 = arith.constant 0 : i32
      %dma_wait3A_318 = tpu.memref_slice %arg2[%add3A, %dma_wait3A, %dma_wait3A_317] : memref<32x80x128xi32, #tpu.memory_space<hbm>> -> memref<1x80x128xi32, #tpu.memory_space<hbm>>
      %dma_wait3A_319 = tpu.memref_squeeze %dma_wait3A_318 : memref<1x80x128xi32, #tpu.memory_space<hbm>> -> memref<80x128xi32, #tpu.memory_space<hbm>>
      %dma_wait3A_320 = arith.constant 0 : i32
      %dma_wait3A_321 = arith.constant 0 : i32
      %dma_wait3A_322 = tpu.memref_slice %arg2[%add3A, %dma_wait3A_320, %dma_wait3A_321] : memref<32x80x128xi32, #tpu.memory_space<hbm>> -> memref<1x80x128xi32, #tpu.memory_space<hbm>>
      %dma_wait3A_323 = tpu.memref_squeeze %dma_wait3A_322 : memref<1x80x128xi32, #tpu.memory_space<hbm>> -> memref<80x128xi32, #tpu.memory_space<hbm>>
      tpu.wait_dma2 semaphore(%run_scoped3A : memref<!tpu.dma_semaphore, #tpu.memory_space<semaphore_mem>>) src(%dma_wait3A_323 : memref<80x128xi32, #tpu.memory_space<hbm>>) dst(%arg5 : memref<80x128xi32, #tpu.memory_space<vmem>>)
      tpu.yield
    }) : () -> ()
    %barrier3A = arith.constant 0 : index
    tpu.barrier barrier_id(%barrier3A)
    %scan3A = arith.constant 0 : i32
    %scan3A_289 = arith.constant 0 : i32
    %scan3A_290 = arith.constant 80 : i32
    %scan3A_291 = arith.addi %scan3A_289, %scan3A_290 : i32
    %scan3A_292 = arith.constant 1 : i32
    scf.for %scan3A_310 = %scan3A_289 to %scan3A_291 step %scan3A_292  : i32 {
      %dma_start3A = arith.constant 0 : i32
      %dma_start3A_311 = tpu.memref_slice %arg5[%scan3A_310, %dma_start3A] : memref<80x128xi32, #tpu.memory_space<vmem>> -> memref<1x128xi32, #tpu.memory_space<vmem>>
      %dma_start3A_312 = tpu.memref_squeeze %dma_start3A_311 : memref<1x128xi32, #tpu.memory_space<vmem>> -> memref<128xi32, #tpu.memory_space<vmem>>
      %dma_start3A_313 = arith.constant 0 : i32
      %dma_start3A_314 = tpu.memref_slice %arg8[%dma_start3A_313] : memref<10240xf32, #tpu.memory_space<vmem_shared>> -> memref<10240xf32, #tpu.memory_space<vmem_shared>>
      tpu.enqueue_indirect_dma source(%arg6 : memref<128xf32, #tpu.memory_space<vmem>>) target(%dma_start3A_314 : memref<10240xf32, #tpu.memory_space<vmem_shared>>) offsets(%dma_start3A_312 : memref<128xi32, #tpu.memory_space<vmem>>) semaphore(%arg9 : memref<!tpu.dma_semaphore, #tpu.memory_space<semaphore_mem>>) {add = true}
    }
    %scan3A_293 = arith.constant 80 : i32
    %scan3A_294 = arith.constant 0 : i32
    %scan3A_295 = arith.constant 0 : i32
    %scan3A_296 = arith.constant 80 : i32
    %scan3A_297 = arith.addi %scan3A_295, %scan3A_296 : i32
    %scan3A_298 = arith.constant 1 : i32
    scf.for %scan3A_310 = %scan3A_295 to %scan3A_297 step %scan3A_298  : i32 {
      %dma_wait3A = arith.constant 0 : i32
      %dma_wait3A_311 = tpu.memref_slice %arg5[%scan3A_310, %dma_wait3A] : memref<80x128xi32, #tpu.memory_space<vmem>> -> memref<1x128xi32, #tpu.memory_space<vmem>>
      %dma_wait3A_312 = tpu.memref_squeeze %dma_wait3A_311 : memref<1x128xi32, #tpu.memory_space<vmem>> -> memref<128xi32, #tpu.memory_space<vmem>>
      %dma_wait3A_313 = arith.constant 0 : i32
      %dma_wait3A_314 = tpu.memref_slice %arg8[%dma_wait3A_313] : memref<10240xf32, #tpu.memory_space<vmem_shared>> -> memref<10240xf32, #tpu.memory_space<vmem_shared>>
      tpu.wait_indirect_dma semaphore(%arg9 : memref<!tpu.dma_semaphore, #tpu.memory_space<semaphore_mem>>) src(%arg6 : memref<128xf32, #tpu.memory_space<vmem>>) dst(%dma_wait3A_314 : memref<10240xf32, #tpu.memory_space<vmem_shared>>)
    }
    %scan3A_299 = arith.constant 80 : i32
    %barrier3A_300 = arith.constant 0 : index
    tpu.barrier barrier_id(%barrier3A_300)
    %mul3A_301 = arith.constant 640 : i32
    %mul3A_302 = arith.muli %arg1, %mul3A_301 : i32
    %eq3A = arith.constant 0 : i32
    %eq3A_303 = arith.cmpi eq, %arg0, %eq3A : i32
    %convert_element_type3A = arith.extui %eq3A_303 : i1 to i32
    %cond3A = arith.constant 0 : i32
    %cond3A_304 = arith.cmpi ne, %convert_element_type3A, %cond3A : i32
    scf.if %cond3A_304 {
      "tpu.region"() ({
        %run_scoped3A = tpu.sem_alloc : memref<!tpu.dma_semaphore, #tpu.memory_space<semaphore_mem>>
        %dma_start3A = tpu.memref_slice %arg3[%mul3A_302] : memref<10240xf32, #tpu.memory_space<hbm>> -> memref<640xf32, #tpu.memory_space<hbm>>
        %dma_start3A_310 = tpu.memref_slice %arg8[%mul3A_302] : memref<10240xf32, #tpu.memory_space<vmem_shared>> -> memref<640xf32, #tpu.memory_space<vmem_shared>>
        tpu.enqueue_dma source(%dma_start3A_310 : memref<640xf32, #tpu.memory_space<vmem_shared>>) target(%dma_start3A : memref<640xf32, #tpu.memory_space<hbm>>) target_semaphore(%run_scoped3A : memref<!tpu.dma_semaphore, #tpu.memory_space<semaphore_mem>>)
        %dma_wait3A = tpu.memref_slice %arg3[%mul3A_302] : memref<10240xf32, #tpu.memory_space<hbm>> -> memref<640xf32, #tpu.memory_space<hbm>>
        %dma_wait3A_311 = tpu.memref_slice %arg8[%mul3A_302] : memref<10240xf32, #tpu.memory_space<vmem_shared>> -> memref<640xf32, #tpu.memory_space<vmem_shared>>
        tpu.wait_dma2 semaphore(%run_scoped3A : memref<!tpu.dma_semaphore, #tpu.memory_space<semaphore_mem>>) src(%dma_wait3A_311 : memref<640xf32, #tpu.memory_space<vmem_shared>>) dst(%dma_wait3A : memref<640xf32, #tpu.memory_space<hbm>>)
        tpu.yield
      }) : () -> ()
    } else {
    }
    %eq3A_305 = arith.constant 1 : i32
    %eq3A_306 = arith.cmpi eq, %arg0, %eq3A_305 : i32
    %convert_element_type3A_307 = arith.extui %eq3A_306 : i1 to i32
    %cond3A_308 = arith.constant 0 : i32
    %cond3A_309 = arith.cmpi ne, %convert_element_type3A_307, %cond3A_308 : i32
    scf.if %cond3A_309 {
      "tpu.region"() ({
        %run_scoped3A = tpu.sem_alloc : memref<!tpu.dma_semaphore, #tpu.memory_space<semaphore_mem>>
        %dma_start3A = tpu.memref_slice %arg4[%mul3A_302] : memref<10240xf32, #tpu.memory_space<hbm>> -> memref<640xf32, #tpu.memory_space<hbm>>
        %dma_start3A_310 = tpu.memref_slice %arg8[%mul3A_302] : memref<10240xf32, #tpu.memory_space<vmem_shared>> -> memref<640xf32, #tpu.memory_space<vmem_shared>>
        tpu.enqueue_dma source(%dma_start3A_310 : memref<640xf32, #tpu.memory_space<vmem_shared>>) target(%dma_start3A : memref<640xf32, #tpu.memory_space<hbm>>) target_semaphore(%run_scoped3A : memref<!tpu.dma_semaphore, #tpu.memory_space<semaphore_mem>>)
        %dma_wait3A = tpu.memref_slice %arg4[%mul3A_302] : memref<10240xf32, #tpu.memory_space<hbm>> -> memref<640xf32, #tpu.memory_space<hbm>>
        %dma_wait3A_311 = tpu.memref_slice %arg8[%mul3A_302] : memref<10240xf32, #tpu.memory_space<vmem_shared>> -> memref<640xf32, #tpu.memory_space<vmem_shared>>
        tpu.wait_dma2 semaphore(%run_scoped3A : memref<!tpu.dma_semaphore, #tpu.memory_space<semaphore_mem>>) src(%dma_wait3A_311 : memref<640xf32, #tpu.memory_space<vmem_shared>>) dst(%dma_wait3A : memref<640xf32, #tpu.memory_space<hbm>>)
        tpu.yield
      }) : () -> ()
    } else {
    }
    return
  }
}

#map = affine_map<(d0, d1) -> (0, 0)>
#map1 = affine_map<(d0, d1) -> (0, 0, 0)>
module attributes {stable_mosaic.version = 14 : i64} {
  func.func @_agg_kernel(%arg0: i32, %arg1: i32, %arg2: memref<10048x128xf32, #tpu.memory_space<hbm>>, %arg3: memref<32x80x128xi32, #tpu.memory_space<hbm>>, %arg4: memref<32x80x128xi32, #tpu.memory_space<hbm>>, %arg5: memref<2x10048x128xf32, #tpu.memory_space<hbm>>, %arg6: memref<1x128xi32, #tpu.memory_space<vmem>>, %arg7: memref<1x128xi32, #tpu.memory_space<vmem>>, %arg8: memref<1x128xi32, #tpu.memory_space<vmem>>, %arg9: memref<1x128xi32, #tpu.memory_space<vmem>>, %arg10: memref<1x128xi32, #tpu.memory_space<vmem>>, %arg11: memref<1x128xi32, #tpu.memory_space<vmem>>, %arg12: memref<1x128xi32, #tpu.memory_space<vmem>>, %arg13: memref<1x128xi32, #tpu.memory_space<vmem>>, %arg14: memref<1x128xi32, #tpu.memory_space<vmem>>, %arg15: memref<1x128xi32, #tpu.memory_space<vmem>>, %arg16: memref<128x128xf32, #tpu.memory_space<vmem>>, %arg17: memref<128x128xf32, #tpu.memory_space<vmem>>, %arg18: memref<128x128xf32, #tpu.memory_space<vmem>>, %arg19: memref<!tpu.dma_semaphore, #tpu.memory_space<semaphore_mem>>, %arg20: memref<!tpu.dma_semaphore, #tpu.memory_space<semaphore_mem>>, %arg21: memref<!tpu.dma_semaphore, #tpu.memory_space<semaphore_mem>>, %arg22: memref<!tpu.dma_semaphore, #tpu.memory_space<semaphore_mem>>, %arg23: memref<!tpu.dma_semaphore, #tpu.memory_space<semaphore_mem>>, %arg24: memref<!tpu.dma_semaphore, #tpu.memory_space<semaphore_mem>>, %arg25: memref<!tpu.dma_semaphore, #tpu.memory_space<semaphore_mem>>, %arg26: memref<!tpu.dma_semaphore, #tpu.memory_space<semaphore_mem>>, %arg27: memref<!tpu.dma_semaphore, #tpu.memory_space<semaphore_mem>>, %arg28: memref<!tpu.dma_semaphore, #tpu.memory_space<semaphore_mem>>, %arg29: memref<!tpu.dma_semaphore, #tpu.memory_space<semaphore_mem>>, %arg30: memref<10048x128xf32, #tpu.memory_space<vmem_shared>>) attributes {dimension_semantics = [#tpu.dimension_semantics<core_parallel>, #tpu.dimension_semantics<subcore_parallel>], iteration_bounds = array<i64: 2, 16>, scalar_prefetch = 0 : i64, scratch_operands = 25 : i64, tpu.core_type = #tpu.core_type<sc_vector_subcore>, window_params = [{transform_indices = #map}, {transform_indices = #map1}, {transform_indices = #map1}, {transform_indices = #map1}]} {
    %mul3A = arith.constant 16 : i32
    %mul3A_0 = arith.muli %arg0, %mul3A : i32
    %add3A = arith.addi %mul3A_0, %arg1 : i32
    %jit3A = arith.constant 2 : i32
    %div3A = arith.divsi %arg1, %jit3A : i32
    %sign3A = arith.constant 0 : i32
    %sign3A_1 = arith.cmpi sgt, %arg1, %sign3A : i32
    %sign3A_2 = arith.extui %sign3A_1 : i1 to i32
    %sign3A_3 = arith.constant 0 : i32
    %sign3A_4 = arith.cmpi slt, %arg1, %sign3A_3 : i32
    %sign3A_5 = arith.extui %sign3A_4 : i1 to i32
    %sign3A_6 = arith.subi %sign3A_2, %sign3A_5 : i32
    %sign3A_7 = arith.constant 0 : i32
    %sign3A_8 = arith.cmpi sgt, %jit3A, %sign3A_7 : i32
    %sign3A_9 = arith.extui %sign3A_8 : i1 to i32
    %sign3A_10 = arith.constant 0 : i32
    %sign3A_11 = arith.cmpi slt, %jit3A, %sign3A_10 : i32
    %sign3A_12 = arith.extui %sign3A_11 : i1 to i32
    %sign3A_13 = arith.subi %sign3A_9, %sign3A_12 : i32
    %ne3A = arith.cmpi ne, %sign3A_6, %sign3A_13 : i32
    %rem3A = arith.remsi %arg1, %jit3A : i32
    %ne3A_14 = arith.constant 0 : i32
    %ne3A_15 = arith.cmpi ne, %rem3A, %ne3A_14 : i32
    %and3A = arith.andi %ne3A, %ne3A_15 : i1
    %sub3A = arith.constant 1 : i32
    %sub3A_16 = arith.subi %div3A, %sub3A : i32
    %select_n3A = arith.select %and3A, %sub3A_16, %div3A : i32
    %mul3A_17 = arith.constant 1256 : i32
    %mul3A_18 = arith.muli %select_n3A, %mul3A_17 : i32
    %multiple_of3A = tpu.assume_multiple %mul3A_18, 8 : i32
    %scan3A = arith.constant 0 : i32
    %scan3A_19 = arith.constant 0 : i32
    %scan3A_20 = arith.constant 128 : i32
    %scan3A_21 = arith.addi %scan3A_19, %scan3A_20 : i32
    %scan3A_22 = arith.constant 1 : i32
    scf.for %scan3A_124 = %scan3A_19 to %scan3A_21 step %scan3A_22  : i32 {
      %broadcast_in_dim3A = arith.constant 0.000000e+00 : f32
      %broadcast_in_dim3A_125 = vector.broadcast %broadcast_in_dim3A : f32 to vector<16xf32>
      %swap3A = arith.index_cast %scan3A_124 : i32 to index
      %swap3A_126 = arith.constant 0 : index
      %swap3A_127 = tpu.vector_load %arg16[%swap3A, %swap3A_126] {strides = array<i32>} : memref<128x128xf32, #tpu.memory_space<vmem>>, vector<1x16xf32>,
      %swap3A_128 = vector.shape_cast %swap3A_127 : vector<1x16xf32> to vector<16xf32>
      %swap3A_129 = vector.shape_cast %broadcast_in_dim3A_125 : vector<16xf32> to vector<1x16xf32>
      tpu.vector_store %arg16[%swap3A, %swap3A_126], %swap3A_129 {strides = array<i32>} : memref<128x128xf32, #tpu.memory_space<vmem>>, vector<1x16xf32>,
      %broadcast_in_dim3A_130 = arith.constant 0.000000e+00 : f32
      %broadcast_in_dim3A_131 = vector.broadcast %broadcast_in_dim3A_130 : f32 to vector<16xf32>
      %swap3A_132 = arith.index_cast %scan3A_124 : i32 to index
      %swap3A_133 = arith.constant 16 : index
      %swap3A_134 = tpu.vector_load %arg16[%swap3A_132, %swap3A_133] {strides = array<i32>} : memref<128x128xf32, #tpu.memory_space<vmem>>, vector<1x16xf32>,
      %swap3A_135 = vector.shape_cast %swap3A_134 : vector<1x16xf32> to vector<16xf32>
      %swap3A_136 = vector.shape_cast %broadcast_in_dim3A_131 : vector<16xf32> to vector<1x16xf32>
      tpu.vector_store %arg16[%swap3A_132, %swap3A_133], %swap3A_136 {strides = array<i32>} : memref<128x128xf32, #tpu.memory_space<vmem>>, vector<1x16xf32>,
      %broadcast_in_dim3A_137 = arith.constant 0.000000e+00 : f32
      %broadcast_in_dim3A_138 = vector.broadcast %broadcast_in_dim3A_137 : f32 to vector<16xf32>
      %swap3A_139 = arith.index_cast %scan3A_124 : i32 to index
      %swap3A_140 = arith.constant 32 : index
      %swap3A_141 = tpu.vector_load %arg16[%swap3A_139, %swap3A_140] {strides = array<i32>} : memref<128x128xf32, #tpu.memory_space<vmem>>, vector<1x16xf32>,
      %swap3A_142 = vector.shape_cast %swap3A_141 : vector<1x16xf32> to vector<16xf32>
      %swap3A_143 = vector.shape_cast %broadcast_in_dim3A_138 : vector<16xf32> to vector<1x16xf32>
      tpu.vector_store %arg16[%swap3A_139, %swap3A_140], %swap3A_143 {strides = array<i32>} : memref<128x128xf32, #tpu.memory_space<vmem>>, vector<1x16xf32>,
      %broadcast_in_dim3A_144 = arith.constant 0.000000e+00 : f32
      %broadcast_in_dim3A_145 = vector.broadcast %broadcast_in_dim3A_144 : f32 to vector<16xf32>
      %swap3A_146 = arith.index_cast %scan3A_124 : i32 to index
      %swap3A_147 = arith.constant 48 : index
      %swap3A_148 = tpu.vector_load %arg16[%swap3A_146, %swap3A_147] {strides = array<i32>} : memref<128x128xf32, #tpu.memory_space<vmem>>, vector<1x16xf32>,
      %swap3A_149 = vector.shape_cast %swap3A_148 : vector<1x16xf32> to vector<16xf32>
      %swap3A_150 = vector.shape_cast %broadcast_in_dim3A_145 : vector<16xf32> to vector<1x16xf32>
      tpu.vector_store %arg16[%swap3A_146, %swap3A_147], %swap3A_150 {strides = array<i32>} : memref<128x128xf32, #tpu.memory_space<vmem>>, vector<1x16xf32>,
      %broadcast_in_dim3A_151 = arith.constant 0.000000e+00 : f32
      %broadcast_in_dim3A_152 = vector.broadcast %broadcast_in_dim3A_151 : f32 to vector<16xf32>
      %swap3A_153 = arith.index_cast %scan3A_124 : i32 to index
      %swap3A_154 = arith.constant 64 : index
      %swap3A_155 = tpu.vector_load %arg16[%swap3A_153, %swap3A_154] {strides = array<i32>} : memref<128x128xf32, #tpu.memory_space<vmem>>, vector<1x16xf32>,
      %swap3A_156 = vector.shape_cast %swap3A_155 : vector<1x16xf32> to vector<16xf32>
      %swap3A_157 = vector.shape_cast %broadcast_in_dim3A_152 : vector<16xf32> to vector<1x16xf32>
      tpu.vector_store %arg16[%swap3A_153, %swap3A_154], %swap3A_157 {strides = array<i32>} : memref<128x128xf32, #tpu.memory_space<vmem>>, vector<1x16xf32>,
      %broadcast_in_dim3A_158 = arith.constant 0.000000e+00 : f32
      %broadcast_in_dim3A_159 = vector.broadcast %broadcast_in_dim3A_158 : f32 to vector<16xf32>
      %swap3A_160 = arith.index_cast %scan3A_124 : i32 to index
      %swap3A_161 = arith.constant 80 : index
      %swap3A_162 = tpu.vector_load %arg16[%swap3A_160, %swap3A_161] {strides = array<i32>} : memref<128x128xf32, #tpu.memory_space<vmem>>, vector<1x16xf32>,
      %swap3A_163 = vector.shape_cast %swap3A_162 : vector<1x16xf32> to vector<16xf32>
      %swap3A_164 = vector.shape_cast %broadcast_in_dim3A_159 : vector<16xf32> to vector<1x16xf32>
      tpu.vector_store %arg16[%swap3A_160, %swap3A_161], %swap3A_164 {strides = array<i32>} : memref<128x128xf32, #tpu.memory_space<vmem>>, vector<1x16xf32>,
      %broadcast_in_dim3A_165 = arith.constant 0.000000e+00 : f32
      %broadcast_in_dim3A_166 = vector.broadcast %broadcast_in_dim3A_165 : f32 to vector<16xf32>
      %swap3A_167 = arith.index_cast %scan3A_124 : i32 to index
      %swap3A_168 = arith.constant 96 : index
      %swap3A_169 = tpu.vector_load %arg16[%swap3A_167, %swap3A_168] {strides = array<i32>} : memref<128x128xf32, #tpu.memory_space<vmem>>, vector<1x16xf32>,
      %swap3A_170 = vector.shape_cast %swap3A_169 : vector<1x16xf32> to vector<16xf32>
      %swap3A_171 = vector.shape_cast %broadcast_in_dim3A_166 : vector<16xf32> to vector<1x16xf32>
      tpu.vector_store %arg16[%swap3A_167, %swap3A_168], %swap3A_171 {strides = array<i32>} : memref<128x128xf32, #tpu.memory_space<vmem>>, vector<1x16xf32>,
      %broadcast_in_dim3A_172 = arith.constant 0.000000e+00 : f32
      %broadcast_in_dim3A_173 = vector.broadcast %broadcast_in_dim3A_172 : f32 to vector<16xf32>
      %swap3A_174 = arith.index_cast %scan3A_124 : i32 to index
      %swap3A_175 = arith.constant 112 : index
      %swap3A_176 = tpu.vector_load %arg16[%swap3A_174, %swap3A_175] {strides = array<i32>} : memref<128x128xf32, #tpu.memory_space<vmem>>, vector<1x16xf32>,
      %swap3A_177 = vector.shape_cast %swap3A_176 : vector<1x16xf32> to vector<16xf32>
      %swap3A_178 = vector.shape_cast %broadcast_in_dim3A_173 : vector<16xf32> to vector<1x16xf32>
      tpu.vector_store %arg16[%swap3A_174, %swap3A_175], %swap3A_178 {strides = array<i32>} : memref<128x128xf32, #tpu.memory_space<vmem>>, vector<1x16xf32>,
    }
    %scan3A_23 = arith.constant 128 : i32
    %jit3A_24 = arith.constant 2 : i32
    %eq3A = arith.constant 0 : i32
    %eq3A_25 = arith.cmpi eq, %jit3A_24, %eq3A : i32
    %jit3A_26 = arith.constant 1 : i32
    %select_n3A_27 = arith.select %eq3A_25, %jit3A_26, %jit3A_24 : i32
    %rem3A_28 = arith.remsi %arg1, %select_n3A_27 : i32
    %ne3A_29 = arith.constant 0 : i32
    %ne3A_30 = arith.cmpi ne, %rem3A_28, %ne3A_29 : i32
    %lt3A = arith.constant 0 : i32
    %lt3A_31 = arith.cmpi slt, %rem3A_28, %lt3A : i32
    %lt3A_32 = arith.constant 0 : i32
    %lt3A_33 = arith.cmpi slt, %select_n3A_27, %lt3A_32 : i32
    %ne3A_34 = arith.xori %lt3A_31, %lt3A_33 : i1
    %and3A_35 = arith.andi %ne3A_34, %ne3A_30 : i1
    %add3A_36 = arith.addi %rem3A_28, %select_n3A_27 : i32
    %select_n3A_37 = arith.select %and3A_35, %add3A_36, %rem3A_28 : i32
    %eq3A_38 = arith.constant 0 : i32
    %eq3A_39 = arith.cmpi eq, %select_n3A_37, %eq3A_38 : i32
    %convert_element_type3A = arith.extui %eq3A_39 : i1 to i32
    %cond3A = arith.constant 0 : i32
    %cond3A_40 = arith.cmpi ne, %convert_element_type3A, %cond3A : i32
    scf.if %cond3A_40 {
      %jit3A_124 = arith.constant 2 : i32
      %div3A_125 = arith.divsi %arg1, %jit3A_124 : i32
      %sign3A_126 = arith.constant 0 : i32
      %sign3A_127 = arith.cmpi sgt, %arg1, %sign3A_126 : i32
      %sign3A_128 = arith.extui %sign3A_127 : i1 to i32
      %sign3A_129 = arith.constant 0 : i32
      %sign3A_130 = arith.cmpi slt, %arg1, %sign3A_129 : i32
      %sign3A_131 = arith.extui %sign3A_130 : i1 to i32
      %sign3A_132 = arith.subi %sign3A_128, %sign3A_131 : i32
      %sign3A_133 = arith.constant 0 : i32
      %sign3A_134 = arith.cmpi sgt, %jit3A_124, %sign3A_133 : i32
      %sign3A_135 = arith.extui %sign3A_134 : i1 to i32
      %sign3A_136 = arith.constant 0 : i32
      %sign3A_137 = arith.cmpi slt, %jit3A_124, %sign3A_136 : i32
      %sign3A_138 = arith.extui %sign3A_137 : i1 to i32
      %sign3A_139 = arith.subi %sign3A_135, %sign3A_138 : i32
      %ne3A_140 = arith.cmpi ne, %sign3A_132, %sign3A_139 : i32
      %rem3A_141 = arith.remsi %arg1, %jit3A_124 : i32
      %ne3A_142 = arith.constant 0 : i32
      %ne3A_143 = arith.cmpi ne, %rem3A_141, %ne3A_142 : i32
      %and3A_144 = arith.andi %ne3A_140, %ne3A_143 : i1
      %sub3A_145 = arith.constant 1 : i32
      %sub3A_146 = arith.subi %div3A_125, %sub3A_145 : i32
      %select_n3A_147 = arith.select %and3A_144, %sub3A_146, %div3A_125 : i32
      %mul3A_148 = arith.constant 1256 : i32
      %mul3A_149 = arith.muli %select_n3A_147, %mul3A_148 : i32
      %multiple_of3A_150 = tpu.assume_multiple %mul3A_149, 8 : i32
      %add3A_151 = arith.constant 0 : i32
      %add3A_152 = arith.addi %multiple_of3A_150, %add3A_151 : i32
      "tpu.region"() ({
        %run_scoped3A = tpu.sem_alloc : memref<!tpu.dma_semaphore, #tpu.memory_space<semaphore_mem>>
        %dma_start3A_171 = arith.constant 0 : i32
        %dma_start3A_172 = arith.constant 0 : i32
        %dma_start3A_173 = tpu.memref_slice %arg16[%dma_start3A_171, %dma_start3A_172] : memref<128x128xf32, #tpu.memory_space<vmem>> -> memref<128x128xf32, #tpu.memory_space<vmem>>
        %dma_start3A_174 = arith.constant 0 : i32
        %dma_start3A_175 = tpu.memref_slice %arg30[%add3A_152, %dma_start3A_174] : memref<10048x128xf32, #tpu.memory_space<vmem_shared>> -> memref<128x128xf32, #tpu.memory_space<vmem_shared>>
        %dma_start3A_176 = arith.constant 0 : i32
        %dma_start3A_177 = tpu.memref_slice %arg30[%add3A_152, %dma_start3A_176] : memref<10048x128xf32, #tpu.memory_space<vmem_shared>> -> memref<128x128xf32, #tpu.memory_space<vmem_shared>>
        %dma_start3A_178 = arith.constant 0 : i32
        %dma_start3A_179 = arith.constant 0 : i32
        %dma_start3A_180 = tpu.memref_slice %arg16[%dma_start3A_178, %dma_start3A_179] : memref<128x128xf32, #tpu.memory_space<vmem>> -> memref<128x128xf32, #tpu.memory_space<vmem>>
        tpu.enqueue_dma source(%dma_start3A_180 : memref<128x128xf32, #tpu.memory_space<vmem>>) target(%dma_start3A_177 : memref<128x128xf32, #tpu.memory_space<vmem_shared>>) target_semaphore(%run_scoped3A : memref<!tpu.dma_semaphore, #tpu.memory_space<semaphore_mem>>)
        %dma_wait3A = arith.constant 0 : i32
        %dma_wait3A_181 = arith.constant 0 : i32
        %dma_wait3A_182 = tpu.memref_slice %arg16[%dma_wait3A, %dma_wait3A_181] : memref<128x128xf32, #tpu.memory_space<vmem>> -> memref<128x128xf32, #tpu.memory_space<vmem>>
        %dma_wait3A_183 = arith.constant 0 : i32
        %dma_wait3A_184 = tpu.memref_slice %arg30[%add3A_152, %dma_wait3A_183] : memref<10048x128xf32, #tpu.memory_space<vmem_shared>> -> memref<128x128xf32, #tpu.memory_space<vmem_shared>>
        %dma_wait3A_185 = arith.constant 0 : i32
        %dma_wait3A_186 = tpu.memref_slice %arg30[%add3A_152, %dma_wait3A_185] : memref<10048x128xf32, #tpu.memory_space<vmem_shared>> -> memref<128x128xf32, #tpu.memory_space<vmem_shared>>
        %dma_wait3A_187 = arith.constant 0 : i32
        %dma_wait3A_188 = arith.constant 0 : i32
        %dma_wait3A_189 = tpu.memref_slice %arg16[%dma_wait3A_187, %dma_wait3A_188] : memref<128x128xf32, #tpu.memory_space<vmem>> -> memref<128x128xf32, #tpu.memory_space<vmem>>
        tpu.wait_dma2 semaphore(%run_scoped3A : memref<!tpu.dma_semaphore, #tpu.memory_space<semaphore_mem>>) src(%dma_wait3A_189 : memref<128x128xf32, #tpu.memory_space<vmem>>) dst(%dma_wait3A_186 : memref<128x128xf32, #tpu.memory_space<vmem_shared>>)
        tpu.yield
      }) : () -> ()
      %add3A_153 = arith.constant 128 : i32
      %add3A_154 = arith.addi %multiple_of3A_150, %add3A_153 : i32
      "tpu.region"() ({
        %run_scoped3A = tpu.sem_alloc : memref<!tpu.dma_semaphore, #tpu.memory_space<semaphore_mem>>
        %dma_start3A_171 = arith.constant 0 : i32
        %dma_start3A_172 = arith.constant 0 : i32
        %dma_start3A_173 = tpu.memref_slice %arg16[%dma_start3A_171, %dma_start3A_172] : memref<128x128xf32, #tpu.memory_space<vmem>> -> memref<128x128xf32, #tpu.memory_space<vmem>>
        %dma_start3A_174 = arith.constant 0 : i32
        %dma_start3A_175 = tpu.memref_slice %arg30[%add3A_154, %dma_start3A_174] : memref<10048x128xf32, #tpu.memory_space<vmem_shared>> -> memref<128x128xf32, #tpu.memory_space<vmem_shared>>
        %dma_start3A_176 = arith.constant 0 : i32
        %dma_start3A_177 = tpu.memref_slice %arg30[%add3A_154, %dma_start3A_176] : memref<10048x128xf32, #tpu.memory_space<vmem_shared>> -> memref<128x128xf32, #tpu.memory_space<vmem_shared>>
        %dma_start3A_178 = arith.constant 0 : i32
        %dma_start3A_179 = arith.constant 0 : i32
        %dma_start3A_180 = tpu.memref_slice %arg16[%dma_start3A_178, %dma_start3A_179] : memref<128x128xf32, #tpu.memory_space<vmem>> -> memref<128x128xf32, #tpu.memory_space<vmem>>
        tpu.enqueue_dma source(%dma_start3A_180 : memref<128x128xf32, #tpu.memory_space<vmem>>) target(%dma_start3A_177 : memref<128x128xf32, #tpu.memory_space<vmem_shared>>) target_semaphore(%run_scoped3A : memref<!tpu.dma_semaphore, #tpu.memory_space<semaphore_mem>>)
        %dma_wait3A = arith.constant 0 : i32
        %dma_wait3A_181 = arith.constant 0 : i32
        %dma_wait3A_182 = tpu.memref_slice %arg16[%dma_wait3A, %dma_wait3A_181] : memref<128x128xf32, #tpu.memory_space<vmem>> -> memref<128x128xf32, #tpu.memory_space<vmem>>
        %dma_wait3A_183 = arith.constant 0 : i32
        %dma_wait3A_184 = tpu.memref_slice %arg30[%add3A_154, %dma_wait3A_183] : memref<10048x128xf32, #tpu.memory_space<vmem_shared>> -> memref<128x128xf32, #tpu.memory_space<vmem_shared>>
        %dma_wait3A_185 = arith.constant 0 : i32
        %dma_wait3A_186 = tpu.memref_slice %arg30[%add3A_154, %dma_wait3A_185] : memref<10048x128xf32, #tpu.memory_space<vmem_shared>> -> memref<128x128xf32, #tpu.memory_space<vmem_shared>>
        %dma_wait3A_187 = arith.constant 0 : i32
        %dma_wait3A_188 = arith.constant 0 : i32
        %dma_wait3A_189 = tpu.memref_slice %arg16[%dma_wait3A_187, %dma_wait3A_188] : memref<128x128xf32, #tpu.memory_space<vmem>> -> memref<128x128xf32, #tpu.memory_space<vmem>>
        tpu.wait_dma2 semaphore(%run_scoped3A : memref<!tpu.dma_semaphore, #tpu.memory_space<semaphore_mem>>) src(%dma_wait3A_189 : memref<128x128xf32, #tpu.memory_space<vmem>>) dst(%dma_wait3A_186 : memref<128x128xf32, #tpu.memory_space<vmem_shared>>)
        tpu.yield
      }) : () -> ()
      %add3A_155 = arith.constant 256 : i32
      %add3A_156 = arith.addi %multiple_of3A_150, %add3A_155 : i32
      "tpu.region"() ({
        %run_scoped3A = tpu.sem_alloc : memref<!tpu.dma_semaphore, #tpu.memory_space<semaphore_mem>>
        %dma_start3A_171 = arith.constant 0 : i32
        %dma_start3A_172 = arith.constant 0 : i32
        %dma_start3A_173 = tpu.memref_slice %arg16[%dma_start3A_171, %dma_start3A_172] : memref<128x128xf32, #tpu.memory_space<vmem>> -> memref<128x128xf32, #tpu.memory_space<vmem>>
        %dma_start3A_174 = arith.constant 0 : i32
        %dma_start3A_175 = tpu.memref_slice %arg30[%add3A_156, %dma_start3A_174] : memref<10048x128xf32, #tpu.memory_space<vmem_shared>> -> memref<128x128xf32, #tpu.memory_space<vmem_shared>>
        %dma_start3A_176 = arith.constant 0 : i32
        %dma_start3A_177 = tpu.memref_slice %arg30[%add3A_156, %dma_start3A_176] : memref<10048x128xf32, #tpu.memory_space<vmem_shared>> -> memref<128x128xf32, #tpu.memory_space<vmem_shared>>
        %dma_start3A_178 = arith.constant 0 : i32
        %dma_start3A_179 = arith.constant 0 : i32
        %dma_start3A_180 = tpu.memref_slice %arg16[%dma_start3A_178, %dma_start3A_179] : memref<128x128xf32, #tpu.memory_space<vmem>> -> memref<128x128xf32, #tpu.memory_space<vmem>>
        tpu.enqueue_dma source(%dma_start3A_180 : memref<128x128xf32, #tpu.memory_space<vmem>>) target(%dma_start3A_177 : memref<128x128xf32, #tpu.memory_space<vmem_shared>>) target_semaphore(%run_scoped3A : memref<!tpu.dma_semaphore, #tpu.memory_space<semaphore_mem>>)
        %dma_wait3A = arith.constant 0 : i32
        %dma_wait3A_181 = arith.constant 0 : i32
        %dma_wait3A_182 = tpu.memref_slice %arg16[%dma_wait3A, %dma_wait3A_181] : memref<128x128xf32, #tpu.memory_space<vmem>> -> memref<128x128xf32, #tpu.memory_space<vmem>>
        %dma_wait3A_183 = arith.constant 0 : i32
        %dma_wait3A_184 = tpu.memref_slice %arg30[%add3A_156, %dma_wait3A_183] : memref<10048x128xf32, #tpu.memory_space<vmem_shared>> -> memref<128x128xf32, #tpu.memory_space<vmem_shared>>
        %dma_wait3A_185 = arith.constant 0 : i32
        %dma_wait3A_186 = tpu.memref_slice %arg30[%add3A_156, %dma_wait3A_185] : memref<10048x128xf32, #tpu.memory_space<vmem_shared>> -> memref<128x128xf32, #tpu.memory_space<vmem_shared>>
        %dma_wait3A_187 = arith.constant 0 : i32
        %dma_wait3A_188 = arith.constant 0 : i32
        %dma_wait3A_189 = tpu.memref_slice %arg16[%dma_wait3A_187, %dma_wait3A_188] : memref<128x128xf32, #tpu.memory_space<vmem>> -> memref<128x128xf32, #tpu.memory_space<vmem>>
        tpu.wait_dma2 semaphore(%run_scoped3A : memref<!tpu.dma_semaphore, #tpu.memory_space<semaphore_mem>>) src(%dma_wait3A_189 : memref<128x128xf32, #tpu.memory_space<vmem>>) dst(%dma_wait3A_186 : memref<128x128xf32, #tpu.memory_space<vmem_shared>>)
        tpu.yield
      }) : () -> ()
      %add3A_157 = arith.constant 384 : i32
      %add3A_158 = arith.addi %multiple_of3A_150, %add3A_157 : i32
      "tpu.region"() ({
        %run_scoped3A = tpu.sem_alloc : memref<!tpu.dma_semaphore, #tpu.memory_space<semaphore_mem>>
        %dma_start3A_171 = arith.constant 0 : i32
        %dma_start3A_172 = arith.constant 0 : i32
        %dma_start3A_173 = tpu.memref_slice %arg16[%dma_start3A_171, %dma_start3A_172] : memref<128x128xf32, #tpu.memory_space<vmem>> -> memref<128x128xf32, #tpu.memory_space<vmem>>
        %dma_start3A_174 = arith.constant 0 : i32
        %dma_start3A_175 = tpu.memref_slice %arg30[%add3A_158, %dma_start3A_174] : memref<10048x128xf32, #tpu.memory_space<vmem_shared>> -> memref<128x128xf32, #tpu.memory_space<vmem_shared>>
        %dma_start3A_176 = arith.constant 0 : i32
        %dma_start3A_177 = tpu.memref_slice %arg30[%add3A_158, %dma_start3A_176] : memref<10048x128xf32, #tpu.memory_space<vmem_shared>> -> memref<128x128xf32, #tpu.memory_space<vmem_shared>>
        %dma_start3A_178 = arith.constant 0 : i32
        %dma_start3A_179 = arith.constant 0 : i32
        %dma_start3A_180 = tpu.memref_slice %arg16[%dma_start3A_178, %dma_start3A_179] : memref<128x128xf32, #tpu.memory_space<vmem>> -> memref<128x128xf32, #tpu.memory_space<vmem>>
        tpu.enqueue_dma source(%dma_start3A_180 : memref<128x128xf32, #tpu.memory_space<vmem>>) target(%dma_start3A_177 : memref<128x128xf32, #tpu.memory_space<vmem_shared>>) target_semaphore(%run_scoped3A : memref<!tpu.dma_semaphore, #tpu.memory_space<semaphore_mem>>)
        %dma_wait3A = arith.constant 0 : i32
        %dma_wait3A_181 = arith.constant 0 : i32
        %dma_wait3A_182 = tpu.memref_slice %arg16[%dma_wait3A, %dma_wait3A_181] : memref<128x128xf32, #tpu.memory_space<vmem>> -> memref<128x128xf32, #tpu.memory_space<vmem>>
        %dma_wait3A_183 = arith.constant 0 : i32
        %dma_wait3A_184 = tpu.memref_slice %arg30[%add3A_158, %dma_wait3A_183] : memref<10048x128xf32, #tpu.memory_space<vmem_shared>> -> memref<128x128xf32, #tpu.memory_space<vmem_shared>>
        %dma_wait3A_185 = arith.constant 0 : i32
        %dma_wait3A_186 = tpu.memref_slice %arg30[%add3A_158, %dma_wait3A_185] : memref<10048x128xf32, #tpu.memory_space<vmem_shared>> -> memref<128x128xf32, #tpu.memory_space<vmem_shared>>
        %dma_wait3A_187 = arith.constant 0 : i32
        %dma_wait3A_188 = arith.constant 0 : i32
        %dma_wait3A_189 = tpu.memref_slice %arg16[%dma_wait3A_187, %dma_wait3A_188] : memref<128x128xf32, #tpu.memory_space<vmem>> -> memref<128x128xf32, #tpu.memory_space<vmem>>
        tpu.wait_dma2 semaphore(%run_scoped3A : memref<!tpu.dma_semaphore, #tpu.memory_space<semaphore_mem>>) src(%dma_wait3A_189 : memref<128x128xf32, #tpu.memory_space<vmem>>) dst(%dma_wait3A_186 : memref<128x128xf32, #tpu.memory_space<vmem_shared>>)
        tpu.yield
      }) : () -> ()
      %add3A_159 = arith.constant 512 : i32
      %add3A_160 = arith.addi %multiple_of3A_150, %add3A_159 : i32
      "tpu.region"() ({
        %run_scoped3A = tpu.sem_alloc : memref<!tpu.dma_semaphore, #tpu.memory_space<semaphore_mem>>
        %dma_start3A_171 = arith.constant 0 : i32
        %dma_start3A_172 = arith.constant 0 : i32
        %dma_start3A_173 = tpu.memref_slice %arg16[%dma_start3A_171, %dma_start3A_172] : memref<128x128xf32, #tpu.memory_space<vmem>> -> memref<128x128xf32, #tpu.memory_space<vmem>>
        %dma_start3A_174 = arith.constant 0 : i32
        %dma_start3A_175 = tpu.memref_slice %arg30[%add3A_160, %dma_start3A_174] : memref<10048x128xf32, #tpu.memory_space<vmem_shared>> -> memref<128x128xf32, #tpu.memory_space<vmem_shared>>
        %dma_start3A_176 = arith.constant 0 : i32
        %dma_start3A_177 = tpu.memref_slice %arg30[%add3A_160, %dma_start3A_176] : memref<10048x128xf32, #tpu.memory_space<vmem_shared>> -> memref<128x128xf32, #tpu.memory_space<vmem_shared>>
        %dma_start3A_178 = arith.constant 0 : i32
        %dma_start3A_179 = arith.constant 0 : i32
        %dma_start3A_180 = tpu.memref_slice %arg16[%dma_start3A_178, %dma_start3A_179] : memref<128x128xf32, #tpu.memory_space<vmem>> -> memref<128x128xf32, #tpu.memory_space<vmem>>
        tpu.enqueue_dma source(%dma_start3A_180 : memref<128x128xf32, #tpu.memory_space<vmem>>) target(%dma_start3A_177 : memref<128x128xf32, #tpu.memory_space<vmem_shared>>) target_semaphore(%run_scoped3A : memref<!tpu.dma_semaphore, #tpu.memory_space<semaphore_mem>>)
        %dma_wait3A = arith.constant 0 : i32
        %dma_wait3A_181 = arith.constant 0 : i32
        %dma_wait3A_182 = tpu.memref_slice %arg16[%dma_wait3A, %dma_wait3A_181] : memref<128x128xf32, #tpu.memory_space<vmem>> -> memref<128x128xf32, #tpu.memory_space<vmem>>
        %dma_wait3A_183 = arith.constant 0 : i32
        %dma_wait3A_184 = tpu.memref_slice %arg30[%add3A_160, %dma_wait3A_183] : memref<10048x128xf32, #tpu.memory_space<vmem_shared>> -> memref<128x128xf32, #tpu.memory_space<vmem_shared>>
        %dma_wait3A_185 = arith.constant 0 : i32
        %dma_wait3A_186 = tpu.memref_slice %arg30[%add3A_160, %dma_wait3A_185] : memref<10048x128xf32, #tpu.memory_space<vmem_shared>> -> memref<128x128xf32, #tpu.memory_space<vmem_shared>>
        %dma_wait3A_187 = arith.constant 0 : i32
        %dma_wait3A_188 = arith.constant 0 : i32
        %dma_wait3A_189 = tpu.memref_slice %arg16[%dma_wait3A_187, %dma_wait3A_188] : memref<128x128xf32, #tpu.memory_space<vmem>> -> memref<128x128xf32, #tpu.memory_space<vmem>>
        tpu.wait_dma2 semaphore(%run_scoped3A : memref<!tpu.dma_semaphore, #tpu.memory_space<semaphore_mem>>) src(%dma_wait3A_189 : memref<128x128xf32, #tpu.memory_space<vmem>>) dst(%dma_wait3A_186 : memref<128x128xf32, #tpu.memory_space<vmem_shared>>)
        tpu.yield
      }) : () -> ()
      %add3A_161 = arith.constant 640 : i32
      %add3A_162 = arith.addi %multiple_of3A_150, %add3A_161 : i32
      "tpu.region"() ({
        %run_scoped3A = tpu.sem_alloc : memref<!tpu.dma_semaphore, #tpu.memory_space<semaphore_mem>>
        %dma_start3A_171 = arith.constant 0 : i32
        %dma_start3A_172 = arith.constant 0 : i32
        %dma_start3A_173 = tpu.memref_slice %arg16[%dma_start3A_171, %dma_start3A_172] : memref<128x128xf32, #tpu.memory_space<vmem>> -> memref<128x128xf32, #tpu.memory_space<vmem>>
        %dma_start3A_174 = arith.constant 0 : i32
        %dma_start3A_175 = tpu.memref_slice %arg30[%add3A_162, %dma_start3A_174] : memref<10048x128xf32, #tpu.memory_space<vmem_shared>> -> memref<128x128xf32, #tpu.memory_space<vmem_shared>>
        %dma_start3A_176 = arith.constant 0 : i32
        %dma_start3A_177 = tpu.memref_slice %arg30[%add3A_162, %dma_start3A_176] : memref<10048x128xf32, #tpu.memory_space<vmem_shared>> -> memref<128x128xf32, #tpu.memory_space<vmem_shared>>
        %dma_start3A_178 = arith.constant 0 : i32
        %dma_start3A_179 = arith.constant 0 : i32
        %dma_start3A_180 = tpu.memref_slice %arg16[%dma_start3A_178, %dma_start3A_179] : memref<128x128xf32, #tpu.memory_space<vmem>> -> memref<128x128xf32, #tpu.memory_space<vmem>>
        tpu.enqueue_dma source(%dma_start3A_180 : memref<128x128xf32, #tpu.memory_space<vmem>>) target(%dma_start3A_177 : memref<128x128xf32, #tpu.memory_space<vmem_shared>>) target_semaphore(%run_scoped3A : memref<!tpu.dma_semaphore, #tpu.memory_space<semaphore_mem>>)
        %dma_wait3A = arith.constant 0 : i32
        %dma_wait3A_181 = arith.constant 0 : i32
        %dma_wait3A_182 = tpu.memref_slice %arg16[%dma_wait3A, %dma_wait3A_181] : memref<128x128xf32, #tpu.memory_space<vmem>> -> memref<128x128xf32, #tpu.memory_space<vmem>>
        %dma_wait3A_183 = arith.constant 0 : i32
        %dma_wait3A_184 = tpu.memref_slice %arg30[%add3A_162, %dma_wait3A_183] : memref<10048x128xf32, #tpu.memory_space<vmem_shared>> -> memref<128x128xf32, #tpu.memory_space<vmem_shared>>
        %dma_wait3A_185 = arith.constant 0 : i32
        %dma_wait3A_186 = tpu.memref_slice %arg30[%add3A_162, %dma_wait3A_185] : memref<10048x128xf32, #tpu.memory_space<vmem_shared>> -> memref<128x128xf32, #tpu.memory_space<vmem_shared>>
        %dma_wait3A_187 = arith.constant 0 : i32
        %dma_wait3A_188 = arith.constant 0 : i32
        %dma_wait3A_189 = tpu.memref_slice %arg16[%dma_wait3A_187, %dma_wait3A_188] : memref<128x128xf32, #tpu.memory_space<vmem>> -> memref<128x128xf32, #tpu.memory_space<vmem>>
        tpu.wait_dma2 semaphore(%run_scoped3A : memref<!tpu.dma_semaphore, #tpu.memory_space<semaphore_mem>>) src(%dma_wait3A_189 : memref<128x128xf32, #tpu.memory_space<vmem>>) dst(%dma_wait3A_186 : memref<128x128xf32, #tpu.memory_space<vmem_shared>>)
        tpu.yield
      }) : () -> ()
      %add3A_163 = arith.constant 768 : i32
      %add3A_164 = arith.addi %multiple_of3A_150, %add3A_163 : i32
      "tpu.region"() ({
        %run_scoped3A = tpu.sem_alloc : memref<!tpu.dma_semaphore, #tpu.memory_space<semaphore_mem>>
        %dma_start3A_171 = arith.constant 0 : i32
        %dma_start3A_172 = arith.constant 0 : i32
        %dma_start3A_173 = tpu.memref_slice %arg16[%dma_start3A_171, %dma_start3A_172] : memref<128x128xf32, #tpu.memory_space<vmem>> -> memref<128x128xf32, #tpu.memory_space<vmem>>
        %dma_start3A_174 = arith.constant 0 : i32
        %dma_start3A_175 = tpu.memref_slice %arg30[%add3A_164, %dma_start3A_174] : memref<10048x128xf32, #tpu.memory_space<vmem_shared>> -> memref<128x128xf32, #tpu.memory_space<vmem_shared>>
        %dma_start3A_176 = arith.constant 0 : i32
        %dma_start3A_177 = tpu.memref_slice %arg30[%add3A_164, %dma_start3A_176] : memref<10048x128xf32, #tpu.memory_space<vmem_shared>> -> memref<128x128xf32, #tpu.memory_space<vmem_shared>>
        %dma_start3A_178 = arith.constant 0 : i32
        %dma_start3A_179 = arith.constant 0 : i32
        %dma_start3A_180 = tpu.memref_slice %arg16[%dma_start3A_178, %dma_start3A_179] : memref<128x128xf32, #tpu.memory_space<vmem>> -> memref<128x128xf32, #tpu.memory_space<vmem>>
        tpu.enqueue_dma source(%dma_start3A_180 : memref<128x128xf32, #tpu.memory_space<vmem>>) target(%dma_start3A_177 : memref<128x128xf32, #tpu.memory_space<vmem_shared>>) target_semaphore(%run_scoped3A : memref<!tpu.dma_semaphore, #tpu.memory_space<semaphore_mem>>)
        %dma_wait3A = arith.constant 0 : i32
        %dma_wait3A_181 = arith.constant 0 : i32
        %dma_wait3A_182 = tpu.memref_slice %arg16[%dma_wait3A, %dma_wait3A_181] : memref<128x128xf32, #tpu.memory_space<vmem>> -> memref<128x128xf32, #tpu.memory_space<vmem>>
        %dma_wait3A_183 = arith.constant 0 : i32
        %dma_wait3A_184 = tpu.memref_slice %arg30[%add3A_164, %dma_wait3A_183] : memref<10048x128xf32, #tpu.memory_space<vmem_shared>> -> memref<128x128xf32, #tpu.memory_space<vmem_shared>>
        %dma_wait3A_185 = arith.constant 0 : i32
        %dma_wait3A_186 = tpu.memref_slice %arg30[%add3A_164, %dma_wait3A_185] : memref<10048x128xf32, #tpu.memory_space<vmem_shared>> -> memref<128x128xf32, #tpu.memory_space<vmem_shared>>
        %dma_wait3A_187 = arith.constant 0 : i32
        %dma_wait3A_188 = arith.constant 0 : i32
        %dma_wait3A_189 = tpu.memref_slice %arg16[%dma_wait3A_187, %dma_wait3A_188] : memref<128x128xf32, #tpu.memory_space<vmem>> -> memref<128x128xf32, #tpu.memory_space<vmem>>
        tpu.wait_dma2 semaphore(%run_scoped3A : memref<!tpu.dma_semaphore, #tpu.memory_space<semaphore_mem>>) src(%dma_wait3A_189 : memref<128x128xf32, #tpu.memory_space<vmem>>) dst(%dma_wait3A_186 : memref<128x128xf32, #tpu.memory_space<vmem_shared>>)
        tpu.yield
      }) : () -> ()
      %add3A_165 = arith.constant 896 : i32
      %add3A_166 = arith.addi %multiple_of3A_150, %add3A_165 : i32
      "tpu.region"() ({
        %run_scoped3A = tpu.sem_alloc : memref<!tpu.dma_semaphore, #tpu.memory_space<semaphore_mem>>
        %dma_start3A_171 = arith.constant 0 : i32
        %dma_start3A_172 = arith.constant 0 : i32
        %dma_start3A_173 = tpu.memref_slice %arg16[%dma_start3A_171, %dma_start3A_172] : memref<128x128xf32, #tpu.memory_space<vmem>> -> memref<128x128xf32, #tpu.memory_space<vmem>>
        %dma_start3A_174 = arith.constant 0 : i32
        %dma_start3A_175 = tpu.memref_slice %arg30[%add3A_166, %dma_start3A_174] : memref<10048x128xf32, #tpu.memory_space<vmem_shared>> -> memref<128x128xf32, #tpu.memory_space<vmem_shared>>
        %dma_start3A_176 = arith.constant 0 : i32
        %dma_start3A_177 = tpu.memref_slice %arg30[%add3A_166, %dma_start3A_176] : memref<10048x128xf32, #tpu.memory_space<vmem_shared>> -> memref<128x128xf32, #tpu.memory_space<vmem_shared>>
        %dma_start3A_178 = arith.constant 0 : i32
        %dma_start3A_179 = arith.constant 0 : i32
        %dma_start3A_180 = tpu.memref_slice %arg16[%dma_start3A_178, %dma_start3A_179] : memref<128x128xf32, #tpu.memory_space<vmem>> -> memref<128x128xf32, #tpu.memory_space<vmem>>
        tpu.enqueue_dma source(%dma_start3A_180 : memref<128x128xf32, #tpu.memory_space<vmem>>) target(%dma_start3A_177 : memref<128x128xf32, #tpu.memory_space<vmem_shared>>) target_semaphore(%run_scoped3A : memref<!tpu.dma_semaphore, #tpu.memory_space<semaphore_mem>>)
        %dma_wait3A = arith.constant 0 : i32
        %dma_wait3A_181 = arith.constant 0 : i32
        %dma_wait3A_182 = tpu.memref_slice %arg16[%dma_wait3A, %dma_wait3A_181] : memref<128x128xf32, #tpu.memory_space<vmem>> -> memref<128x128xf32, #tpu.memory_space<vmem>>
        %dma_wait3A_183 = arith.constant 0 : i32
        %dma_wait3A_184 = tpu.memref_slice %arg30[%add3A_166, %dma_wait3A_183] : memref<10048x128xf32, #tpu.memory_space<vmem_shared>> -> memref<128x128xf32, #tpu.memory_space<vmem_shared>>
        %dma_wait3A_185 = arith.constant 0 : i32
        %dma_wait3A_186 = tpu.memref_slice %arg30[%add3A_166, %dma_wait3A_185] : memref<10048x128xf32, #tpu.memory_space<vmem_shared>> -> memref<128x128xf32, #tpu.memory_space<vmem_shared>>
        %dma_wait3A_187 = arith.constant 0 : i32
        %dma_wait3A_188 = arith.constant 0 : i32
        %dma_wait3A_189 = tpu.memref_slice %arg16[%dma_wait3A_187, %dma_wait3A_188] : memref<128x128xf32, #tpu.memory_space<vmem>> -> memref<128x128xf32, #tpu.memory_space<vmem>>
        tpu.wait_dma2 semaphore(%run_scoped3A : memref<!tpu.dma_semaphore, #tpu.memory_space<semaphore_mem>>) src(%dma_wait3A_189 : memref<128x128xf32, #tpu.memory_space<vmem>>) dst(%dma_wait3A_186 : memref<128x128xf32, #tpu.memory_space<vmem_shared>>)
        tpu.yield
      }) : () -> ()
      %add3A_167 = arith.constant 1024 : i32
      %add3A_168 = arith.addi %multiple_of3A_150, %add3A_167 : i32
      "tpu.region"() ({
        %run_scoped3A = tpu.sem_alloc : memref<!tpu.dma_semaphore, #tpu.memory_space<semaphore_mem>>
        %dma_start3A_171 = arith.constant 0 : i32
        %dma_start3A_172 = arith.constant 0 : i32
        %dma_start3A_173 = tpu.memref_slice %arg16[%dma_start3A_171, %dma_start3A_172] : memref<128x128xf32, #tpu.memory_space<vmem>> -> memref<128x128xf32, #tpu.memory_space<vmem>>
        %dma_start3A_174 = arith.constant 0 : i32
        %dma_start3A_175 = tpu.memref_slice %arg30[%add3A_168, %dma_start3A_174] : memref<10048x128xf32, #tpu.memory_space<vmem_shared>> -> memref<128x128xf32, #tpu.memory_space<vmem_shared>>
        %dma_start3A_176 = arith.constant 0 : i32
        %dma_start3A_177 = tpu.memref_slice %arg30[%add3A_168, %dma_start3A_176] : memref<10048x128xf32, #tpu.memory_space<vmem_shared>> -> memref<128x128xf32, #tpu.memory_space<vmem_shared>>
        %dma_start3A_178 = arith.constant 0 : i32
        %dma_start3A_179 = arith.constant 0 : i32
        %dma_start3A_180 = tpu.memref_slice %arg16[%dma_start3A_178, %dma_start3A_179] : memref<128x128xf32, #tpu.memory_space<vmem>> -> memref<128x128xf32, #tpu.memory_space<vmem>>
        tpu.enqueue_dma source(%dma_start3A_180 : memref<128x128xf32, #tpu.memory_space<vmem>>) target(%dma_start3A_177 : memref<128x128xf32, #tpu.memory_space<vmem_shared>>) target_semaphore(%run_scoped3A : memref<!tpu.dma_semaphore, #tpu.memory_space<semaphore_mem>>)
        %dma_wait3A = arith.constant 0 : i32
        %dma_wait3A_181 = arith.constant 0 : i32
        %dma_wait3A_182 = tpu.memref_slice %arg16[%dma_wait3A, %dma_wait3A_181] : memref<128x128xf32, #tpu.memory_space<vmem>> -> memref<128x128xf32, #tpu.memory_space<vmem>>
        %dma_wait3A_183 = arith.constant 0 : i32
        %dma_wait3A_184 = tpu.memref_slice %arg30[%add3A_168, %dma_wait3A_183] : memref<10048x128xf32, #tpu.memory_space<vmem_shared>> -> memref<128x128xf32, #tpu.memory_space<vmem_shared>>
        %dma_wait3A_185 = arith.constant 0 : i32
        %dma_wait3A_186 = tpu.memref_slice %arg30[%add3A_168, %dma_wait3A_185] : memref<10048x128xf32, #tpu.memory_space<vmem_shared>> -> memref<128x128xf32, #tpu.memory_space<vmem_shared>>
        %dma_wait3A_187 = arith.constant 0 : i32
        %dma_wait3A_188 = arith.constant 0 : i32
        %dma_wait3A_189 = tpu.memref_slice %arg16[%dma_wait3A_187, %dma_wait3A_188] : memref<128x128xf32, #tpu.memory_space<vmem>> -> memref<128x128xf32, #tpu.memory_space<vmem>>
        tpu.wait_dma2 semaphore(%run_scoped3A : memref<!tpu.dma_semaphore, #tpu.memory_space<semaphore_mem>>) src(%dma_wait3A_189 : memref<128x128xf32, #tpu.memory_space<vmem>>) dst(%dma_wait3A_186 : memref<128x128xf32, #tpu.memory_space<vmem_shared>>)
        tpu.yield
      }) : () -> ()
      %add3A_169 = arith.constant 1152 : i32
      %add3A_170 = arith.addi %multiple_of3A_150, %add3A_169 : i32
      "tpu.region"() ({
        %run_scoped3A = tpu.sem_alloc : memref<!tpu.dma_semaphore, #tpu.memory_space<semaphore_mem>>
        %dma_start3A_171 = arith.constant 0 : i32
        %dma_start3A_172 = arith.constant 0 : i32
        %dma_start3A_173 = tpu.memref_slice %arg16[%dma_start3A_171, %dma_start3A_172] : memref<128x128xf32, #tpu.memory_space<vmem>> -> memref<104x128xf32, #tpu.memory_space<vmem>>
        %dma_start3A_174 = arith.constant 0 : i32
        %dma_start3A_175 = tpu.memref_slice %arg30[%add3A_170, %dma_start3A_174] : memref<10048x128xf32, #tpu.memory_space<vmem_shared>> -> memref<104x128xf32, #tpu.memory_space<vmem_shared>>
        %dma_start3A_176 = arith.constant 0 : i32
        %dma_start3A_177 = tpu.memref_slice %arg30[%add3A_170, %dma_start3A_176] : memref<10048x128xf32, #tpu.memory_space<vmem_shared>> -> memref<104x128xf32, #tpu.memory_space<vmem_shared>>
        %dma_start3A_178 = arith.constant 0 : i32
        %dma_start3A_179 = arith.constant 0 : i32
        %dma_start3A_180 = tpu.memref_slice %arg16[%dma_start3A_178, %dma_start3A_179] : memref<128x128xf32, #tpu.memory_space<vmem>> -> memref<104x128xf32, #tpu.memory_space<vmem>>
        tpu.enqueue_dma source(%dma_start3A_180 : memref<104x128xf32, #tpu.memory_space<vmem>>) target(%dma_start3A_177 : memref<104x128xf32, #tpu.memory_space<vmem_shared>>) target_semaphore(%run_scoped3A : memref<!tpu.dma_semaphore, #tpu.memory_space<semaphore_mem>>)
        %dma_wait3A = arith.constant 0 : i32
        %dma_wait3A_181 = arith.constant 0 : i32
        %dma_wait3A_182 = tpu.memref_slice %arg16[%dma_wait3A, %dma_wait3A_181] : memref<128x128xf32, #tpu.memory_space<vmem>> -> memref<104x128xf32, #tpu.memory_space<vmem>>
        %dma_wait3A_183 = arith.constant 0 : i32
        %dma_wait3A_184 = tpu.memref_slice %arg30[%add3A_170, %dma_wait3A_183] : memref<10048x128xf32, #tpu.memory_space<vmem_shared>> -> memref<104x128xf32, #tpu.memory_space<vmem_shared>>
        %dma_wait3A_185 = arith.constant 0 : i32
        %dma_wait3A_186 = tpu.memref_slice %arg30[%add3A_170, %dma_wait3A_185] : memref<10048x128xf32, #tpu.memory_space<vmem_shared>> -> memref<104x128xf32, #tpu.memory_space<vmem_shared>>
        %dma_wait3A_187 = arith.constant 0 : i32
        %dma_wait3A_188 = arith.constant 0 : i32
        %dma_wait3A_189 = tpu.memref_slice %arg16[%dma_wait3A_187, %dma_wait3A_188] : memref<128x128xf32, #tpu.memory_space<vmem>> -> memref<104x128xf32, #tpu.memory_space<vmem>>
        tpu.wait_dma2 semaphore(%run_scoped3A : memref<!tpu.dma_semaphore, #tpu.memory_space<semaphore_mem>>) src(%dma_wait3A_189 : memref<104x128xf32, #tpu.memory_space<vmem>>) dst(%dma_wait3A_186 : memref<104x128xf32, #tpu.memory_space<vmem_shared>>)
        tpu.yield
      }) : () -> ()
    } else {
    }
    %barrier3A = arith.constant 0 : index
    tpu.barrier barrier_id(%barrier3A)
    %dma_start3A = arith.constant 0 : i32
    %dma_start3A_41 = arith.constant 0 : i32
    %dma_start3A_42 = arith.constant 0 : i32
    %dma_start3A_43 = tpu.memref_slice %arg6[%dma_start3A_41, %dma_start3A_42] : memref<1x128xi32, #tpu.memory_space<vmem>> -> memref<1x128xi32, #tpu.memory_space<vmem>>
    %dma_start3A_44 = tpu.memref_squeeze %dma_start3A_43 : memref<1x128xi32, #tpu.memory_space<vmem>> -> memref<128xi32, #tpu.memory_space<vmem>>
    %dma_start3A_45 = arith.constant 0 : i32
    %dma_start3A_46 = tpu.memref_slice %arg3[%add3A, %dma_start3A, %dma_start3A_45] : memref<32x80x128xi32, #tpu.memory_space<hbm>> -> memref<1x1x128xi32, #tpu.memory_space<hbm>>
    %dma_start3A_47 = tpu.memref_squeeze %dma_start3A_46 : memref<1x1x128xi32, #tpu.memory_space<hbm>> -> memref<128xi32, #tpu.memory_space<hbm>>
    %dma_start3A_48 = arith.constant 0 : i32
    %dma_start3A_49 = tpu.memref_slice %arg6[%dma_start3A_41, %dma_start3A_48] : memref<1x128xi32, #tpu.memory_space<vmem>> -> memref<1x128xi32, #tpu.memory_space<vmem>>
    %dma_start3A_50 = tpu.memref_squeeze %dma_start3A_49 : memref<1x128xi32, #tpu.memory_space<vmem>> -> memref<128xi32, #tpu.memory_space<vmem>>
    %dma_start3A_51 = arith.constant 0 : i32
    %dma_start3A_52 = tpu.memref_slice %arg3[%add3A, %dma_start3A, %dma_start3A_51] : memref<32x80x128xi32, #tpu.memory_space<hbm>> -> memref<1x1x128xi32, #tpu.memory_space<hbm>>
    %dma_start3A_53 = tpu.memref_squeeze %dma_start3A_52 : memref<1x1x128xi32, #tpu.memory_space<hbm>> -> memref<128xi32, #tpu.memory_space<hbm>>
    tpu.enqueue_dma source(%dma_start3A_53 : memref<128xi32, #tpu.memory_space<hbm>>) target(%dma_start3A_50 : memref<128xi32, #tpu.memory_space<vmem>>) target_semaphore(%arg25 : memref<!tpu.dma_semaphore, #tpu.memory_space<semaphore_mem>>)
    %dma_start3A_54 = arith.constant 0 : i32
    %dma_start3A_55 = arith.constant 0 : i32
    %dma_start3A_56 = arith.constant 0 : i32
    %dma_start3A_57 = tpu.memref_slice %arg7[%dma_start3A_55, %dma_start3A_56] : memref<1x128xi32, #tpu.memory_space<vmem>> -> memref<1x128xi32, #tpu.memory_space<vmem>>
    %dma_start3A_58 = tpu.memref_squeeze %dma_start3A_57 : memref<1x128xi32, #tpu.memory_space<vmem>> -> memref<128xi32, #tpu.memory_space<vmem>>
    %dma_start3A_59 = arith.constant 0 : i32
    %dma_start3A_60 = tpu.memref_slice %arg4[%add3A, %dma_start3A_54, %dma_start3A_59] : memref<32x80x128xi32, #tpu.memory_space<hbm>> -> memref<1x1x128xi32, #tpu.memory_space<hbm>>
    %dma_start3A_61 = tpu.memref_squeeze %dma_start3A_60 : memref<1x1x128xi32, #tpu.memory_space<hbm>> -> memref<128xi32, #tpu.memory_space<hbm>>
    %dma_start3A_62 = arith.constant 0 : i32
    %dma_start3A_63 = tpu.memref_slice %arg7[%dma_start3A_55, %dma_start3A_62] : memref<1x128xi32, #tpu.memory_space<vmem>> -> memref<1x128xi32, #tpu.memory_space<vmem>>
    %dma_start3A_64 = tpu.memref_squeeze %dma_start3A_63 : memref<1x128xi32, #tpu.memory_space<vmem>> -> memref<128xi32, #tpu.memory_space<vmem>>
    %dma_start3A_65 = arith.constant 0 : i32
    %dma_start3A_66 = tpu.memref_slice %arg4[%add3A, %dma_start3A_54, %dma_start3A_65] : memref<32x80x128xi32, #tpu.memory_space<hbm>> -> memref<1x1x128xi32, #tpu.memory_space<hbm>>
    %dma_start3A_67 = tpu.memref_squeeze %dma_start3A_66 : memref<1x1x128xi32, #tpu.memory_space<hbm>> -> memref<128xi32, #tpu.memory_space<hbm>>
    tpu.enqueue_dma source(%dma_start3A_67 : memref<128xi32, #tpu.memory_space<hbm>>) target(%dma_start3A_64 : memref<128xi32, #tpu.memory_space<vmem>>) target_semaphore(%arg25 : memref<!tpu.dma_semaphore, #tpu.memory_space<semaphore_mem>>)
    %dma_start3A_68 = arith.constant 1 : i32
    %dma_start3A_69 = arith.constant 0 : i32
    %dma_start3A_70 = arith.constant 0 : i32
    %dma_start3A_71 = tpu.memref_slice %arg8[%dma_start3A_69, %dma_start3A_70] : memref<1x128xi32, #tpu.memory_space<vmem>> -> memref<1x128xi32, #tpu.memory_space<vmem>>
    %dma_start3A_72 = tpu.memref_squeeze %dma_start3A_71 : memref<1x128xi32, #tpu.memory_space<vmem>> -> memref<128xi32, #tpu.memory_space<vmem>>
    %dma_start3A_73 = arith.constant 0 : i32
    %dma_start3A_74 = tpu.memref_slice %arg3[%add3A, %dma_start3A_68, %dma_start3A_73] : memref<32x80x128xi32, #tpu.memory_space<hbm>> -> memref<1x1x128xi32, #tpu.memory_space<hbm>>
    %dma_start3A_75 = tpu.memref_squeeze %dma_start3A_74 : memref<1x1x128xi32, #tpu.memory_space<hbm>> -> memref<128xi32, #tpu.memory_space<hbm>>
    %dma_start3A_76 = arith.constant 0 : i32
    %dma_start3A_77 = tpu.memref_slice %arg8[%dma_start3A_69, %dma_start3A_76] : memref<1x128xi32, #tpu.memory_space<vmem>> -> memref<1x128xi32, #tpu.memory_space<vmem>>
    %dma_start3A_78 = tpu.memref_squeeze %dma_start3A_77 : memref<1x128xi32, #tpu.memory_space<vmem>> -> memref<128xi32, #tpu.memory_space<vmem>>
    %dma_start3A_79 = arith.constant 0 : i32
    %dma_start3A_80 = tpu.memref_slice %arg3[%add3A, %dma_start3A_68, %dma_start3A_79] : memref<32x80x128xi32, #tpu.memory_space<hbm>> -> memref<1x1x128xi32, #tpu.memory_space<hbm>>
    %dma_start3A_81 = tpu.memref_squeeze %dma_start3A_80 : memref<1x1x128xi32, #tpu.memory_space<hbm>> -> memref<128xi32, #tpu.memory_space<hbm>>
    tpu.enqueue_dma source(%dma_start3A_81 : memref<128xi32, #tpu.memory_space<hbm>>) target(%dma_start3A_78 : memref<128xi32, #tpu.memory_space<vmem>>) target_semaphore(%arg26 : memref<!tpu.dma_semaphore, #tpu.memory_space<semaphore_mem>>)
    %dma_start3A_82 = arith.constant 1 : i32
    %dma_start3A_83 = arith.constant 0 : i32
    %dma_start3A_84 = arith.constant 0 : i32
    %dma_start3A_85 = tpu.memref_slice %arg9[%dma_start3A_83, %dma_start3A_84] : memref<1x128xi32, #tpu.memory_space<vmem>> -> memref<1x128xi32, #tpu.memory_space<vmem>>
    %dma_start3A_86 = tpu.memref_squeeze %dma_start3A_85 : memref<1x128xi32, #tpu.memory_space<vmem>> -> memref<128xi32, #tpu.memory_space<vmem>>
    %dma_start3A_87 = arith.constant 0 : i32
    %dma_start3A_88 = tpu.memref_slice %arg4[%add3A, %dma_start3A_82, %dma_start3A_87] : memref<32x80x128xi32, #tpu.memory_space<hbm>> -> memref<1x1x128xi32, #tpu.memory_space<hbm>>
    %dma_start3A_89 = tpu.memref_squeeze %dma_start3A_88 : memref<1x1x128xi32, #tpu.memory_space<hbm>> -> memref<128xi32, #tpu.memory_space<hbm>>
    %dma_start3A_90 = arith.constant 0 : i32
    %dma_start3A_91 = tpu.memref_slice %arg9[%dma_start3A_83, %dma_start3A_90] : memref<1x128xi32, #tpu.memory_space<vmem>> -> memref<1x128xi32, #tpu.memory_space<vmem>>
    %dma_start3A_92 = tpu.memref_squeeze %dma_start3A_91 : memref<1x128xi32, #tpu.memory_space<vmem>> -> memref<128xi32, #tpu.memory_space<vmem>>
    %dma_start3A_93 = arith.constant 0 : i32
    %dma_start3A_94 = tpu.memref_slice %arg4[%add3A, %dma_start3A_82, %dma_start3A_93] : memref<32x80x128xi32, #tpu.memory_space<hbm>> -> memref<1x1x128xi32, #tpu.memory_space<hbm>>
    %dma_start3A_95 = tpu.memref_squeeze %dma_start3A_94 : memref<1x1x128xi32, #tpu.memory_space<hbm>> -> memref<128xi32, #tpu.memory_space<hbm>>
    tpu.enqueue_dma source(%dma_start3A_95 : memref<128xi32, #tpu.memory_space<hbm>>) target(%dma_start3A_92 : memref<128xi32, #tpu.memory_space<vmem>>) target_semaphore(%arg26 : memref<!tpu.dma_semaphore, #tpu.memory_space<semaphore_mem>>)
    %scan3A_96 = arith.constant 0 : i32
    %scan3A_97 = arith.constant 0 : i32
    %scan3A_98 = arith.constant 6 : i32
    %scan3A_99 = arith.addi %scan3A_97, %scan3A_98 : i32
    %scan3A_100 = arith.constant 1 : i32
    scf.for %scan3A_124 = %scan3A_97 to %scan3A_99 step %scan3A_100  : i32 {
      %mul3A_125 = arith.constant 15 : i32
      %mul3A_126 = arith.muli %mul3A_125, %scan3A_124 : i32
      %add3A_127 = arith.constant 0 : i32
      %add3A_128 = arith.addi %mul3A_126, %add3A_127 : i32
      %ge3A = arith.constant 3 : i32
      %ge3A_129 = arith.cmpi sge, %add3A_128, %ge3A : i32
      %lt3A_130 = arith.constant 83 : i32
      %lt3A_131 = arith.cmpi slt, %add3A_128, %lt3A_130 : i32
      %and3A_132 = arith.andi %ge3A_129, %lt3A_131 : i1
      %convert_element_type3A_133 = arith.extui %and3A_132 : i1 to i32
      %cond3A_134 = arith.constant 0 : i32
      %cond3A_135 = arith.cmpi ne, %convert_element_type3A_133, %cond3A_134 : i32
      scf.if %cond3A_135 {
        %dma_wait3A = arith.constant 0 : i32
        %dma_wait3A_604 = arith.constant 0 : i32
        %dma_wait3A_605 = tpu.memref_slice %arg11[%dma_wait3A, %dma_wait3A_604] : memref<1x128xi32, #tpu.memory_space<vmem>> -> memref<1x128xi32, #tpu.memory_space<vmem>>
        %dma_wait3A_606 = tpu.memref_squeeze %dma_wait3A_605 : memref<1x128xi32, #tpu.memory_space<vmem>> -> memref<128xi32, #tpu.memory_space<vmem>>
        %dma_wait3A_607 = arith.constant 0 : i32
        %dma_wait3A_608 = arith.constant 0 : i32
        %dma_wait3A_609 = tpu.memref_slice %arg30[%dma_wait3A_607, %dma_wait3A_608] : memref<10048x128xf32, #tpu.memory_space<vmem_shared>> -> memref<10048x128xf32, #tpu.memory_space<vmem_shared>>
        tpu.wait_indirect_dma semaphore(%arg22 : memref<!tpu.dma_semaphore, #tpu.memory_space<semaphore_mem>>) src(%arg16 : memref<128x128xf32, #tpu.memory_space<vmem>>) dst(%dma_wait3A_609 : memref<10048x128xf32, #tpu.memory_space<vmem_shared>>)
      } else {
      }
      %add3A_136 = arith.constant 2 : i32
      %add3A_137 = arith.addi %add3A_128, %add3A_136 : i32
      %lt3A_138 = arith.constant 80 : i32
      %lt3A_139 = arith.cmpi slt, %add3A_137, %lt3A_138 : i32
      %convert_element_type3A_140 = arith.extui %lt3A_139 : i1 to i32
      %cond3A_141 = arith.constant 0 : i32
      %cond3A_142 = arith.cmpi ne, %convert_element_type3A_140, %cond3A_141 : i32
      scf.if %cond3A_142 {
        %add3A_604 = arith.constant 2 : i32
        %add3A_605 = arith.addi %add3A_128, %add3A_604 : i32
        %dma_start3A_606 = arith.constant 0 : i32
        %dma_start3A_607 = arith.constant 0 : i32
        %dma_start3A_608 = tpu.memref_slice %arg10[%dma_start3A_606, %dma_start3A_607] : memref<1x128xi32, #tpu.memory_space<vmem>> -> memref<1x128xi32, #tpu.memory_space<vmem>>
        %dma_start3A_609 = tpu.memref_squeeze %dma_start3A_608 : memref<1x128xi32, #tpu.memory_space<vmem>> -> memref<128xi32, #tpu.memory_space<vmem>>
        %dma_start3A_610 = arith.constant 0 : i32
        %dma_start3A_611 = tpu.memref_slice %arg3[%add3A, %add3A_605, %dma_start3A_610] : memref<32x80x128xi32, #tpu.memory_space<hbm>> -> memref<1x1x128xi32, #tpu.memory_space<hbm>>
        %dma_start3A_612 = tpu.memref_squeeze %dma_start3A_611 : memref<1x1x128xi32, #tpu.memory_space<hbm>> -> memref<128xi32, #tpu.memory_space<hbm>>
        %dma_start3A_613 = arith.constant 0 : i32
        %dma_start3A_614 = tpu.memref_slice %arg10[%dma_start3A_606, %dma_start3A_613] : memref<1x128xi32, #tpu.memory_space<vmem>> -> memref<1x128xi32, #tpu.memory_space<vmem>>
        %dma_start3A_615 = tpu.memref_squeeze %dma_start3A_614 : memref<1x128xi32, #tpu.memory_space<vmem>> -> memref<128xi32, #tpu.memory_space<vmem>>
        %dma_start3A_616 = arith.constant 0 : i32
        %dma_start3A_617 = tpu.memref_slice %arg3[%add3A, %add3A_605, %dma_start3A_616] : memref<32x80x128xi32, #tpu.memory_space<hbm>> -> memref<1x1x128xi32, #tpu.memory_space<hbm>>
        %dma_start3A_618 = tpu.memref_squeeze %dma_start3A_617 : memref<1x1x128xi32, #tpu.memory_space<hbm>> -> memref<128xi32, #tpu.memory_space<hbm>>
        tpu.enqueue_dma source(%dma_start3A_618 : memref<128xi32, #tpu.memory_space<hbm>>) target(%dma_start3A_615 : memref<128xi32, #tpu.memory_space<vmem>>) target_semaphore(%arg27 : memref<!tpu.dma_semaphore, #tpu.memory_space<semaphore_mem>>)
        %dma_start3A_619 = arith.constant 0 : i32
        %dma_start3A_620 = arith.constant 0 : i32
        %dma_start3A_621 = tpu.memref_slice %arg11[%dma_start3A_619, %dma_start3A_620] : memref<1x128xi32, #tpu.memory_space<vmem>> -> memref<1x128xi32, #tpu.memory_space<vmem>>
        %dma_start3A_622 = tpu.memref_squeeze %dma_start3A_621 : memref<1x128xi32, #tpu.memory_space<vmem>> -> memref<128xi32, #tpu.memory_space<vmem>>
        %dma_start3A_623 = arith.constant 0 : i32
        %dma_start3A_624 = tpu.memref_slice %arg4[%add3A, %add3A_605, %dma_start3A_623] : memref<32x80x128xi32, #tpu.memory_space<hbm>> -> memref<1x1x128xi32, #tpu.memory_space<hbm>>
        %dma_start3A_625 = tpu.memref_squeeze %dma_start3A_624 : memref<1x1x128xi32, #tpu.memory_space<hbm>> -> memref<128xi32, #tpu.memory_space<hbm>>
        %dma_start3A_626 = arith.constant 0 : i32
        %dma_start3A_627 = tpu.memref_slice %arg11[%dma_start3A_619, %dma_start3A_626] : memref<1x128xi32, #tpu.memory_space<vmem>> -> memref<1x128xi32, #tpu.memory_space<vmem>>
        %dma_start3A_628 = tpu.memref_squeeze %dma_start3A_627 : memref<1x128xi32, #tpu.memory_space<vmem>> -> memref<128xi32, #tpu.memory_space<vmem>>
        %dma_start3A_629 = arith.constant 0 : i32
        %dma_start3A_630 = tpu.memref_slice %arg4[%add3A, %add3A_605, %dma_start3A_629] : memref<32x80x128xi32, #tpu.memory_space<hbm>> -> memref<1x1x128xi32, #tpu.memory_space<hbm>>
        %dma_start3A_631 = tpu.memref_squeeze %dma_start3A_630 : memref<1x1x128xi32, #tpu.memory_space<hbm>> -> memref<128xi32, #tpu.memory_space<hbm>>
        tpu.enqueue_dma source(%dma_start3A_631 : memref<128xi32, #tpu.memory_space<hbm>>) target(%dma_start3A_628 : memref<128xi32, #tpu.memory_space<vmem>>) target_semaphore(%arg27 : memref<!tpu.dma_semaphore, #tpu.memory_space<semaphore_mem>>)
      } else {
      }
      %lt3A_143 = arith.constant 80 : i32
      %lt3A_144 = arith.cmpi slt, %add3A_128, %lt3A_143 : i32
      %convert_element_type3A_145 = arith.extui %lt3A_144 : i1 to i32
      %cond3A_146 = arith.constant 0 : i32
      %cond3A_147 = arith.cmpi ne, %convert_element_type3A_145, %cond3A_146 : i32
      scf.if %cond3A_147 {
        %dma_wait3A = arith.constant 0 : i32
        %dma_wait3A_604 = arith.constant 0 : i32
        %dma_wait3A_605 = tpu.memref_slice %arg6[%dma_wait3A, %dma_wait3A_604] : memref<1x128xi32, #tpu.memory_space<vmem>> -> memref<1x128xi32, #tpu.memory_space<vmem>>
        %dma_wait3A_606 = tpu.memref_squeeze %dma_wait3A_605 : memref<1x128xi32, #tpu.memory_space<vmem>> -> memref<128xi32, #tpu.memory_space<vmem>>
        %dma_wait3A_607 = arith.constant 0 : i32
        %dma_wait3A_608 = tpu.memref_slice %arg3[%add3A, %add3A_128, %dma_wait3A_607] : memref<32x80x128xi32, #tpu.memory_space<hbm>> -> memref<1x1x128xi32, #tpu.memory_space<hbm>>
        %dma_wait3A_609 = tpu.memref_squeeze %dma_wait3A_608 : memref<1x1x128xi32, #tpu.memory_space<hbm>> -> memref<128xi32, #tpu.memory_space<hbm>>
        %dma_wait3A_610 = arith.constant 0 : i32
        %dma_wait3A_611 = tpu.memref_slice %arg6[%dma_wait3A, %dma_wait3A_610] : memref<1x128xi32, #tpu.memory_space<vmem>> -> memref<1x128xi32, #tpu.memory_space<vmem>>
        %dma_wait3A_612 = tpu.memref_squeeze %dma_wait3A_611 : memref<1x128xi32, #tpu.memory_space<vmem>> -> memref<128xi32, #tpu.memory_space<vmem>>
        %dma_wait3A_613 = arith.constant 0 : i32
        %dma_wait3A_614 = tpu.memref_slice %arg3[%add3A, %add3A_128, %dma_wait3A_613] : memref<32x80x128xi32, #tpu.memory_space<hbm>> -> memref<1x1x128xi32, #tpu.memory_space<hbm>>
        %dma_wait3A_615 = tpu.memref_squeeze %dma_wait3A_614 : memref<1x1x128xi32, #tpu.memory_space<hbm>> -> memref<128xi32, #tpu.memory_space<hbm>>
        tpu.wait_dma2 semaphore(%arg25 : memref<!tpu.dma_semaphore, #tpu.memory_space<semaphore_mem>>) src(%dma_wait3A_615 : memref<128xi32, #tpu.memory_space<hbm>>) dst(%dma_wait3A_612 : memref<128xi32, #tpu.memory_space<vmem>>)
        %dma_wait3A_616 = arith.constant 0 : i32
        %dma_wait3A_617 = arith.constant 0 : i32
        %dma_wait3A_618 = tpu.memref_slice %arg7[%dma_wait3A_616, %dma_wait3A_617] : memref<1x128xi32, #tpu.memory_space<vmem>> -> memref<1x128xi32, #tpu.memory_space<vmem>>
        %dma_wait3A_619 = tpu.memref_squeeze %dma_wait3A_618 : memref<1x128xi32, #tpu.memory_space<vmem>> -> memref<128xi32, #tpu.memory_space<vmem>>
        %dma_wait3A_620 = arith.constant 0 : i32
        %dma_wait3A_621 = tpu.memref_slice %arg4[%add3A, %add3A_128, %dma_wait3A_620] : memref<32x80x128xi32, #tpu.memory_space<hbm>> -> memref<1x1x128xi32, #tpu.memory_space<hbm>>
        %dma_wait3A_622 = tpu.memref_squeeze %dma_wait3A_621 : memref<1x1x128xi32, #tpu.memory_space<hbm>> -> memref<128xi32, #tpu.memory_space<hbm>>
        %dma_wait3A_623 = arith.constant 0 : i32
        %dma_wait3A_624 = tpu.memref_slice %arg7[%dma_wait3A_616, %dma_wait3A_623] : memref<1x128xi32, #tpu.memory_space<vmem>> -> memref<1x128xi32, #tpu.memory_space<vmem>>
        %dma_wait3A_625 = tpu.memref_squeeze %dma_wait3A_624 : memref<1x128xi32, #tpu.memory_space<vmem>> -> memref<128xi32, #tpu.memory_space<vmem>>
        %dma_wait3A_626 = arith.constant 0 : i32
        %dma_wait3A_627 = tpu.memref_slice %arg4[%add3A, %add3A_128, %dma_wait3A_626] : memref<32x80x128xi32, #tpu.memory_space<hbm>> -> memref<1x1x128xi32, #tpu.memory_space<hbm>>
        %dma_wait3A_628 = tpu.memref_squeeze %dma_wait3A_627 : memref<1x1x128xi32, #tpu.memory_space<hbm>> -> memref<128xi32, #tpu.memory_space<hbm>>
        tpu.wait_dma2 semaphore(%arg25 : memref<!tpu.dma_semaphore, #tpu.memory_space<semaphore_mem>>) src(%dma_wait3A_628 : memref<128xi32, #tpu.memory_space<hbm>>) dst(%dma_wait3A_625 : memref<128xi32, #tpu.memory_space<vmem>>)
        %dma_start3A_629 = arith.constant 0 : i32
        %dma_start3A_630 = arith.constant 0 : i32
        %dma_start3A_631 = tpu.memref_slice %arg6[%dma_start3A_629, %dma_start3A_630] : memref<1x128xi32, #tpu.memory_space<vmem>> -> memref<1x128xi32, #tpu.memory_space<vmem>>
        %dma_start3A_632 = tpu.memref_squeeze %dma_start3A_631 : memref<1x128xi32, #tpu.memory_space<vmem>> -> memref<128xi32, #tpu.memory_space<vmem>>
        %dma_start3A_633 = arith.constant 0 : i32
        %dma_start3A_634 = arith.constant 0 : i32
        %dma_start3A_635 = tpu.memref_slice %arg2[%dma_start3A_633, %dma_start3A_634] : memref<10048x128xf32, #tpu.memory_space<hbm>> -> memref<10048x128xf32, #tpu.memory_space<hbm>>
        tpu.enqueue_indirect_dma source(%dma_start3A_635 : memref<10048x128xf32, #tpu.memory_space<hbm>>) target(%arg16 : memref<128x128xf32, #tpu.memory_space<vmem>>) offsets(%dma_start3A_632 : memref<128xi32, #tpu.memory_space<vmem>>) semaphore(%arg19 : memref<!tpu.dma_semaphore, #tpu.memory_space<semaphore_mem>>)
      } else {
      }
      %ge3A_148 = arith.constant 2 : i32
      %ge3A_149 = arith.cmpi sge, %add3A_128, %ge3A_148 : i32
      %lt3A_150 = arith.constant 82 : i32
      %lt3A_151 = arith.cmpi slt, %add3A_128, %lt3A_150 : i32
      %and3A_152 = arith.andi %ge3A_149, %lt3A_151 : i1
      %convert_element_type3A_153 = arith.extui %and3A_152 : i1 to i32
      %cond3A_154 = arith.constant 0 : i32
      %cond3A_155 = arith.cmpi ne, %convert_element_type3A_153, %cond3A_154 : i32
      scf.if %cond3A_155 {
        %dma_wait3A = arith.constant 0 : i32
        %dma_wait3A_604 = arith.constant 0 : i32
        %dma_wait3A_605 = tpu.memref_slice %arg12[%dma_wait3A, %dma_wait3A_604] : memref<1x128xi32, #tpu.memory_space<vmem>> -> memref<1x128xi32, #tpu.memory_space<vmem>>
        %dma_wait3A_606 = tpu.memref_squeeze %dma_wait3A_605 : memref<1x128xi32, #tpu.memory_space<vmem>> -> memref<128xi32, #tpu.memory_space<vmem>>
        %dma_wait3A_607 = arith.constant 0 : i32
        %dma_wait3A_608 = arith.constant 0 : i32
        %dma_wait3A_609 = tpu.memref_slice %arg2[%dma_wait3A_607, %dma_wait3A_608] : memref<10048x128xf32, #tpu.memory_space<hbm>> -> memref<10048x128xf32, #tpu.memory_space<hbm>>
        tpu.wait_indirect_dma semaphore(%arg20 : memref<!tpu.dma_semaphore, #tpu.memory_space<semaphore_mem>>) src(%dma_wait3A_609 : memref<10048x128xf32, #tpu.memory_space<hbm>>) dst(%arg17 : memref<128x128xf32, #tpu.memory_space<vmem>>)
        %dma_start3A_610 = arith.constant 0 : i32
        %dma_start3A_611 = arith.constant 0 : i32
        %dma_start3A_612 = tpu.memref_slice %arg13[%dma_start3A_610, %dma_start3A_611] : memref<1x128xi32, #tpu.memory_space<vmem>> -> memref<1x128xi32, #tpu.memory_space<vmem>>
        %dma_start3A_613 = tpu.memref_squeeze %dma_start3A_612 : memref<1x128xi32, #tpu.memory_space<vmem>> -> memref<128xi32, #tpu.memory_space<vmem>>
        %dma_start3A_614 = arith.constant 0 : i32
        %dma_start3A_615 = arith.constant 0 : i32
        %dma_start3A_616 = tpu.memref_slice %arg30[%dma_start3A_614, %dma_start3A_615] : memref<10048x128xf32, #tpu.memory_space<vmem_shared>> -> memref<10048x128xf32, #tpu.memory_space<vmem_shared>>
        tpu.enqueue_indirect_dma source(%arg17 : memref<128x128xf32, #tpu.memory_space<vmem>>) target(%dma_start3A_616 : memref<10048x128xf32, #tpu.memory_space<vmem_shared>>) offsets(%dma_start3A_613 : memref<128xi32, #tpu.memory_space<vmem>>) semaphore(%arg23 : memref<!tpu.dma_semaphore, #tpu.memory_space<semaphore_mem>>) {add = true}
      } else {
      }
      %mul3A_156 = arith.constant 15 : i32
      %mul3A_157 = arith.muli %mul3A_156, %scan3A_124 : i32
      %add3A_158 = arith.constant 1 : i32
      %add3A_159 = arith.addi %mul3A_157, %add3A_158 : i32
      %ge3A_160 = arith.constant 3 : i32
      %ge3A_161 = arith.cmpi sge, %add3A_159, %ge3A_160 : i32
      %lt3A_162 = arith.constant 83 : i32
      %lt3A_163 = arith.cmpi slt, %add3A_159, %lt3A_162 : i32
      %and3A_164 = arith.andi %ge3A_161, %lt3A_163 : i1
      %convert_element_type3A_165 = arith.extui %and3A_164 : i1 to i32
      %cond3A_166 = arith.constant 0 : i32
      %cond3A_167 = arith.cmpi ne, %convert_element_type3A_165, %cond3A_166 : i32
      scf.if %cond3A_167 {
        %dma_wait3A = arith.constant 0 : i32
        %dma_wait3A_604 = arith.constant 0 : i32
        %dma_wait3A_605 = tpu.memref_slice %arg13[%dma_wait3A, %dma_wait3A_604] : memref<1x128xi32, #tpu.memory_space<vmem>> -> memref<1x128xi32, #tpu.memory_space<vmem>>
        %dma_wait3A_606 = tpu.memref_squeeze %dma_wait3A_605 : memref<1x128xi32, #tpu.memory_space<vmem>> -> memref<128xi32, #tpu.memory_space<vmem>>
        %dma_wait3A_607 = arith.constant 0 : i32
        %dma_wait3A_608 = arith.constant 0 : i32
        %dma_wait3A_609 = tpu.memref_slice %arg30[%dma_wait3A_607, %dma_wait3A_608] : memref<10048x128xf32, #tpu.memory_space<vmem_shared>> -> memref<10048x128xf32, #tpu.memory_space<vmem_shared>>
        tpu.wait_indirect_dma semaphore(%arg23 : memref<!tpu.dma_semaphore, #tpu.memory_space<semaphore_mem>>) src(%arg17 : memref<128x128xf32, #tpu.memory_space<vmem>>) dst(%dma_wait3A_609 : memref<10048x128xf32, #tpu.memory_space<vmem_shared>>)
      } else {
      }
      %add3A_168 = arith.constant 2 : i32
      %add3A_169 = arith.addi %add3A_159, %add3A_168 : i32
      %lt3A_170 = arith.constant 80 : i32
      %lt3A_171 = arith.cmpi slt, %add3A_169, %lt3A_170 : i32
      %convert_element_type3A_172 = arith.extui %lt3A_171 : i1 to i32
      %cond3A_173 = arith.constant 0 : i32
      %cond3A_174 = arith.cmpi ne, %convert_element_type3A_172, %cond3A_173 : i32
      scf.if %cond3A_174 {
        %add3A_604 = arith.constant 2 : i32
        %add3A_605 = arith.addi %add3A_159, %add3A_604 : i32
        %dma_start3A_606 = arith.constant 0 : i32
        %dma_start3A_607 = arith.constant 0 : i32
        %dma_start3A_608 = tpu.memref_slice %arg12[%dma_start3A_606, %dma_start3A_607] : memref<1x128xi32, #tpu.memory_space<vmem>> -> memref<1x128xi32, #tpu.memory_space<vmem>>
        %dma_start3A_609 = tpu.memref_squeeze %dma_start3A_608 : memref<1x128xi32, #tpu.memory_space<vmem>> -> memref<128xi32, #tpu.memory_space<vmem>>
        %dma_start3A_610 = arith.constant 0 : i32
        %dma_start3A_611 = tpu.memref_slice %arg3[%add3A, %add3A_605, %dma_start3A_610] : memref<32x80x128xi32, #tpu.memory_space<hbm>> -> memref<1x1x128xi32, #tpu.memory_space<hbm>>
        %dma_start3A_612 = tpu.memref_squeeze %dma_start3A_611 : memref<1x1x128xi32, #tpu.memory_space<hbm>> -> memref<128xi32, #tpu.memory_space<hbm>>
        %dma_start3A_613 = arith.constant 0 : i32
        %dma_start3A_614 = tpu.memref_slice %arg12[%dma_start3A_606, %dma_start3A_613] : memref<1x128xi32, #tpu.memory_space<vmem>> -> memref<1x128xi32, #tpu.memory_space<vmem>>
        %dma_start3A_615 = tpu.memref_squeeze %dma_start3A_614 : memref<1x128xi32, #tpu.memory_space<vmem>> -> memref<128xi32, #tpu.memory_space<vmem>>
        %dma_start3A_616 = arith.constant 0 : i32
        %dma_start3A_617 = tpu.memref_slice %arg3[%add3A, %add3A_605, %dma_start3A_616] : memref<32x80x128xi32, #tpu.memory_space<hbm>> -> memref<1x1x128xi32, #tpu.memory_space<hbm>>
        %dma_start3A_618 = tpu.memref_squeeze %dma_start3A_617 : memref<1x1x128xi32, #tpu.memory_space<hbm>> -> memref<128xi32, #tpu.memory_space<hbm>>
        tpu.enqueue_dma source(%dma_start3A_618 : memref<128xi32, #tpu.memory_space<hbm>>) target(%dma_start3A_615 : memref<128xi32, #tpu.memory_space<vmem>>) target_semaphore(%arg28 : memref<!tpu.dma_semaphore, #tpu.memory_space<semaphore_mem>>)
        %dma_start3A_619 = arith.constant 0 : i32
        %dma_start3A_620 = arith.constant 0 : i32
        %dma_start3A_621 = tpu.memref_slice %arg13[%dma_start3A_619, %dma_start3A_620] : memref<1x128xi32, #tpu.memory_space<vmem>> -> memref<1x128xi32, #tpu.memory_space<vmem>>
        %dma_start3A_622 = tpu.memref_squeeze %dma_start3A_621 : memref<1x128xi32, #tpu.memory_space<vmem>> -> memref<128xi32, #tpu.memory_space<vmem>>
        %dma_start3A_623 = arith.constant 0 : i32
        %dma_start3A_624 = tpu.memref_slice %arg4[%add3A, %add3A_605, %dma_start3A_623] : memref<32x80x128xi32, #tpu.memory_space<hbm>> -> memref<1x1x128xi32, #tpu.memory_space<hbm>>
        %dma_start3A_625 = tpu.memref_squeeze %dma_start3A_624 : memref<1x1x128xi32, #tpu.memory_space<hbm>> -> memref<128xi32, #tpu.memory_space<hbm>>
        %dma_start3A_626 = arith.constant 0 : i32
        %dma_start3A_627 = tpu.memref_slice %arg13[%dma_start3A_619, %dma_start3A_626] : memref<1x128xi32, #tpu.memory_space<vmem>> -> memref<1x128xi32, #tpu.memory_space<vmem>>
        %dma_start3A_628 = tpu.memref_squeeze %dma_start3A_627 : memref<1x128xi32, #tpu.memory_space<vmem>> -> memref<128xi32, #tpu.memory_space<vmem>>
        %dma_start3A_629 = arith.constant 0 : i32
        %dma_start3A_630 = tpu.memref_slice %arg4[%add3A, %add3A_605, %dma_start3A_629] : memref<32x80x128xi32, #tpu.memory_space<hbm>> -> memref<1x1x128xi32, #tpu.memory_space<hbm>>
        %dma_start3A_631 = tpu.memref_squeeze %dma_start3A_630 : memref<1x1x128xi32, #tpu.memory_space<hbm>> -> memref<128xi32, #tpu.memory_space<hbm>>
        tpu.enqueue_dma source(%dma_start3A_631 : memref<128xi32, #tpu.memory_space<hbm>>) target(%dma_start3A_628 : memref<128xi32, #tpu.memory_space<vmem>>) target_semaphore(%arg28 : memref<!tpu.dma_semaphore, #tpu.memory_space<semaphore_mem>>)
      } else {
      }
      %lt3A_175 = arith.constant 80 : i32
      %lt3A_176 = arith.cmpi slt, %add3A_159, %lt3A_175 : i32
      %convert_element_type3A_177 = arith.extui %lt3A_176 : i1 to i32
      %cond3A_178 = arith.constant 0 : i32
      %cond3A_179 = arith.cmpi ne, %convert_element_type3A_177, %cond3A_178 : i32
      scf.if %cond3A_179 {
        %dma_wait3A = arith.constant 0 : i32
        %dma_wait3A_604 = arith.constant 0 : i32
        %dma_wait3A_605 = tpu.memref_slice %arg8[%dma_wait3A, %dma_wait3A_604] : memref<1x128xi32, #tpu.memory_space<vmem>> -> memref<1x128xi32, #tpu.memory_space<vmem>>
        %dma_wait3A_606 = tpu.memref_squeeze %dma_wait3A_605 : memref<1x128xi32, #tpu.memory_space<vmem>> -> memref<128xi32, #tpu.memory_space<vmem>>
        %dma_wait3A_607 = arith.constant 0 : i32
        %dma_wait3A_608 = tpu.memref_slice %arg3[%add3A, %add3A_159, %dma_wait3A_607] : memref<32x80x128xi32, #tpu.memory_space<hbm>> -> memref<1x1x128xi32, #tpu.memory_space<hbm>>
        %dma_wait3A_609 = tpu.memref_squeeze %dma_wait3A_608 : memref<1x1x128xi32, #tpu.memory_space<hbm>> -> memref<128xi32, #tpu.memory_space<hbm>>
        %dma_wait3A_610 = arith.constant 0 : i32
        %dma_wait3A_611 = tpu.memref_slice %arg8[%dma_wait3A, %dma_wait3A_610] : memref<1x128xi32, #tpu.memory_space<vmem>> -> memref<1x128xi32, #tpu.memory_space<vmem>>
        %dma_wait3A_612 = tpu.memref_squeeze %dma_wait3A_611 : memref<1x128xi32, #tpu.memory_space<vmem>> -> memref<128xi32, #tpu.memory_space<vmem>>
        %dma_wait3A_613 = arith.constant 0 : i32
        %dma_wait3A_614 = tpu.memref_slice %arg3[%add3A, %add3A_159, %dma_wait3A_613] : memref<32x80x128xi32, #tpu.memory_space<hbm>> -> memref<1x1x128xi32, #tpu.memory_space<hbm>>
        %dma_wait3A_615 = tpu.memref_squeeze %dma_wait3A_614 : memref<1x1x128xi32, #tpu.memory_space<hbm>> -> memref<128xi32, #tpu.memory_space<hbm>>
        tpu.wait_dma2 semaphore(%arg26 : memref<!tpu.dma_semaphore, #tpu.memory_space<semaphore_mem>>) src(%dma_wait3A_615 : memref<128xi32, #tpu.memory_space<hbm>>) dst(%dma_wait3A_612 : memref<128xi32, #tpu.memory_space<vmem>>)
        %dma_wait3A_616 = arith.constant 0 : i32
        %dma_wait3A_617 = arith.constant 0 : i32
        %dma_wait3A_618 = tpu.memref_slice %arg9[%dma_wait3A_616, %dma_wait3A_617] : memref<1x128xi32, #tpu.memory_space<vmem>> -> memref<1x128xi32, #tpu.memory_space<vmem>>
        %dma_wait3A_619 = tpu.memref_squeeze %dma_wait3A_618 : memref<1x128xi32, #tpu.memory_space<vmem>> -> memref<128xi32, #tpu.memory_space<vmem>>
        %dma_wait3A_620 = arith.constant 0 : i32
        %dma_wait3A_621 = tpu.memref_slice %arg4[%add3A, %add3A_159, %dma_wait3A_620] : memref<32x80x128xi32, #tpu.memory_space<hbm>> -> memref<1x1x128xi32, #tpu.memory_space<hbm>>
        %dma_wait3A_622 = tpu.memref_squeeze %dma_wait3A_621 : memref<1x1x128xi32, #tpu.memory_space<hbm>> -> memref<128xi32, #tpu.memory_space<hbm>>
        %dma_wait3A_623 = arith.constant 0 : i32
        %dma_wait3A_624 = tpu.memref_slice %arg9[%dma_wait3A_616, %dma_wait3A_623] : memref<1x128xi32, #tpu.memory_space<vmem>> -> memref<1x128xi32, #tpu.memory_space<vmem>>
        %dma_wait3A_625 = tpu.memref_squeeze %dma_wait3A_624 : memref<1x128xi32, #tpu.memory_space<vmem>> -> memref<128xi32, #tpu.memory_space<vmem>>
        %dma_wait3A_626 = arith.constant 0 : i32
        %dma_wait3A_627 = tpu.memref_slice %arg4[%add3A, %add3A_159, %dma_wait3A_626] : memref<32x80x128xi32, #tpu.memory_space<hbm>> -> memref<1x1x128xi32, #tpu.memory_space<hbm>>
        %dma_wait3A_628 = tpu.memref_squeeze %dma_wait3A_627 : memref<1x1x128xi32, #tpu.memory_space<hbm>> -> memref<128xi32, #tpu.memory_space<hbm>>
        tpu.wait_dma2 semaphore(%arg26 : memref<!tpu.dma_semaphore, #tpu.memory_space<semaphore_mem>>) src(%dma_wait3A_628 : memref<128xi32, #tpu.memory_space<hbm>>) dst(%dma_wait3A_625 : memref<128xi32, #tpu.memory_space<vmem>>)
        %dma_start3A_629 = arith.constant 0 : i32
        %dma_start3A_630 = arith.constant 0 : i32
        %dma_start3A_631 = tpu.memref_slice %arg8[%dma_start3A_629, %dma_start3A_630] : memref<1x128xi32, #tpu.memory_space<vmem>> -> memref<1x128xi32, #tpu.memory_space<vmem>>
        %dma_start3A_632 = tpu.memref_squeeze %dma_start3A_631 : memref<1x128xi32, #tpu.memory_space<vmem>> -> memref<128xi32, #tpu.memory_space<vmem>>
        %dma_start3A_633 = arith.constant 0 : i32
        %dma_start3A_634 = arith.constant 0 : i32
        %dma_start3A_635 = tpu.memref_slice %arg2[%dma_start3A_633, %dma_start3A_634] : memref<10048x128xf32, #tpu.memory_space<hbm>> -> memref<10048x128xf32, #tpu.memory_space<hbm>>
        tpu.enqueue_indirect_dma source(%dma_start3A_635 : memref<10048x128xf32, #tpu.memory_space<hbm>>) target(%arg17 : memref<128x128xf32, #tpu.memory_space<vmem>>) offsets(%dma_start3A_632 : memref<128xi32, #tpu.memory_space<vmem>>) semaphore(%arg20 : memref<!tpu.dma_semaphore, #tpu.memory_space<semaphore_mem>>)
      } else {
      }
      %ge3A_180 = arith.constant 2 : i32
      %ge3A_181 = arith.cmpi sge, %add3A_159, %ge3A_180 : i32
      %lt3A_182 = arith.constant 82 : i32
      %lt3A_183 = arith.cmpi slt, %add3A_159, %lt3A_182 : i32
      %and3A_184 = arith.andi %ge3A_181, %lt3A_183 : i1
      %convert_element_type3A_185 = arith.extui %and3A_184 : i1 to i32
      %cond3A_186 = arith.constant 0 : i32
      %cond3A_187 = arith.cmpi ne, %convert_element_type3A_185, %cond3A_186 : i32
      scf.if %cond3A_187 {
        %dma_wait3A = arith.constant 0 : i32
        %dma_wait3A_604 = arith.constant 0 : i32
        %dma_wait3A_605 = tpu.memref_slice %arg14[%dma_wait3A, %dma_wait3A_604] : memref<1x128xi32, #tpu.memory_space<vmem>> -> memref<1x128xi32, #tpu.memory_space<vmem>>
        %dma_wait3A_606 = tpu.memref_squeeze %dma_wait3A_605 : memref<1x128xi32, #tpu.memory_space<vmem>> -> memref<128xi32, #tpu.memory_space<vmem>>
        %dma_wait3A_607 = arith.constant 0 : i32
        %dma_wait3A_608 = arith.constant 0 : i32
        %dma_wait3A_609 = tpu.memref_slice %arg2[%dma_wait3A_607, %dma_wait3A_608] : memref<10048x128xf32, #tpu.memory_space<hbm>> -> memref<10048x128xf32, #tpu.memory_space<hbm>>
        tpu.wait_indirect_dma semaphore(%arg21 : memref<!tpu.dma_semaphore, #tpu.memory_space<semaphore_mem>>) src(%dma_wait3A_609 : memref<10048x128xf32, #tpu.memory_space<hbm>>) dst(%arg18 : memref<128x128xf32, #tpu.memory_space<vmem>>)
        %dma_start3A_610 = arith.constant 0 : i32
        %dma_start3A_611 = arith.constant 0 : i32
        %dma_start3A_612 = tpu.memref_slice %arg15[%dma_start3A_610, %dma_start3A_611] : memref<1x128xi32, #tpu.memory_space<vmem>> -> memref<1x128xi32, #tpu.memory_space<vmem>>
        %dma_start3A_613 = tpu.memref_squeeze %dma_start3A_612 : memref<1x128xi32, #tpu.memory_space<vmem>> -> memref<128xi32, #tpu.memory_space<vmem>>
        %dma_start3A_614 = arith.constant 0 : i32
        %dma_start3A_615 = arith.constant 0 : i32
        %dma_start3A_616 = tpu.memref_slice %arg30[%dma_start3A_614, %dma_start3A_615] : memref<10048x128xf32, #tpu.memory_space<vmem_shared>> -> memref<10048x128xf32, #tpu.memory_space<vmem_shared>>
        tpu.enqueue_indirect_dma source(%arg18 : memref<128x128xf32, #tpu.memory_space<vmem>>) target(%dma_start3A_616 : memref<10048x128xf32, #tpu.memory_space<vmem_shared>>) offsets(%dma_start3A_613 : memref<128xi32, #tpu.memory_space<vmem>>) semaphore(%arg24 : memref<!tpu.dma_semaphore, #tpu.memory_space<semaphore_mem>>) {add = true}
      } else {
      }
      %mul3A_188 = arith.constant 15 : i32
      %mul3A_189 = arith.muli %mul3A_188, %scan3A_124 : i32
      %add3A_190 = arith.constant 2 : i32
      %add3A_191 = arith.addi %mul3A_189, %add3A_190 : i32
      %ge3A_192 = arith.constant 3 : i32
      %ge3A_193 = arith.cmpi sge, %add3A_191, %ge3A_192 : i32
      %lt3A_194 = arith.constant 83 : i32
      %lt3A_195 = arith.cmpi slt, %add3A_191, %lt3A_194 : i32
      %and3A_196 = arith.andi %ge3A_193, %lt3A_195 : i1
      %convert_element_type3A_197 = arith.extui %and3A_196 : i1 to i32
      %cond3A_198 = arith.constant 0 : i32
      %cond3A_199 = arith.cmpi ne, %convert_element_type3A_197, %cond3A_198 : i32
      scf.if %cond3A_199 {
        %dma_wait3A = arith.constant 0 : i32
        %dma_wait3A_604 = arith.constant 0 : i32
        %dma_wait3A_605 = tpu.memref_slice %arg15[%dma_wait3A, %dma_wait3A_604] : memref<1x128xi32, #tpu.memory_space<vmem>> -> memref<1x128xi32, #tpu.memory_space<vmem>>
        %dma_wait3A_606 = tpu.memref_squeeze %dma_wait3A_605 : memref<1x128xi32, #tpu.memory_space<vmem>> -> memref<128xi32, #tpu.memory_space<vmem>>
        %dma_wait3A_607 = arith.constant 0 : i32
        %dma_wait3A_608 = arith.constant 0 : i32
        %dma_wait3A_609 = tpu.memref_slice %arg30[%dma_wait3A_607, %dma_wait3A_608] : memref<10048x128xf32, #tpu.memory_space<vmem_shared>> -> memref<10048x128xf32, #tpu.memory_space<vmem_shared>>
        tpu.wait_indirect_dma semaphore(%arg24 : memref<!tpu.dma_semaphore, #tpu.memory_space<semaphore_mem>>) src(%arg18 : memref<128x128xf32, #tpu.memory_space<vmem>>) dst(%dma_wait3A_609 : memref<10048x128xf32, #tpu.memory_space<vmem_shared>>)
      } else {
      }
      %add3A_200 = arith.constant 2 : i32
      %add3A_201 = arith.addi %add3A_191, %add3A_200 : i32
      %lt3A_202 = arith.constant 80 : i32
      %lt3A_203 = arith.cmpi slt, %add3A_201, %lt3A_202 : i32
      %convert_element_type3A_204 = arith.extui %lt3A_203 : i1 to i32
      %cond3A_205 = arith.constant 0 : i32
      %cond3A_206 = arith.cmpi ne, %convert_element_type3A_204, %cond3A_205 : i32
      scf.if %cond3A_206 {
        %add3A_604 = arith.constant 2 : i32
        %add3A_605 = arith.addi %add3A_191, %add3A_604 : i32
        %dma_start3A_606 = arith.constant 0 : i32
        %dma_start3A_607 = arith.constant 0 : i32
        %dma_start3A_608 = tpu.memref_slice %arg14[%dma_start3A_606, %dma_start3A_607] : memref<1x128xi32, #tpu.memory_space<vmem>> -> memref<1x128xi32, #tpu.memory_space<vmem>>
        %dma_start3A_609 = tpu.memref_squeeze %dma_start3A_608 : memref<1x128xi32, #tpu.memory_space<vmem>> -> memref<128xi32, #tpu.memory_space<vmem>>
        %dma_start3A_610 = arith.constant 0 : i32
        %dma_start3A_611 = tpu.memref_slice %arg3[%add3A, %add3A_605, %dma_start3A_610] : memref<32x80x128xi32, #tpu.memory_space<hbm>> -> memref<1x1x128xi32, #tpu.memory_space<hbm>>
        %dma_start3A_612 = tpu.memref_squeeze %dma_start3A_611 : memref<1x1x128xi32, #tpu.memory_space<hbm>> -> memref<128xi32, #tpu.memory_space<hbm>>
        %dma_start3A_613 = arith.constant 0 : i32
        %dma_start3A_614 = tpu.memref_slice %arg14[%dma_start3A_606, %dma_start3A_613] : memref<1x128xi32, #tpu.memory_space<vmem>> -> memref<1x128xi32, #tpu.memory_space<vmem>>
        %dma_start3A_615 = tpu.memref_squeeze %dma_start3A_614 : memref<1x128xi32, #tpu.memory_space<vmem>> -> memref<128xi32, #tpu.memory_space<vmem>>
        %dma_start3A_616 = arith.constant 0 : i32
        %dma_start3A_617 = tpu.memref_slice %arg3[%add3A, %add3A_605, %dma_start3A_616] : memref<32x80x128xi32, #tpu.memory_space<hbm>> -> memref<1x1x128xi32, #tpu.memory_space<hbm>>
        %dma_start3A_618 = tpu.memref_squeeze %dma_start3A_617 : memref<1x1x128xi32, #tpu.memory_space<hbm>> -> memref<128xi32, #tpu.memory_space<hbm>>
        tpu.enqueue_dma source(%dma_start3A_618 : memref<128xi32, #tpu.memory_space<hbm>>) target(%dma_start3A_615 : memref<128xi32, #tpu.memory_space<vmem>>) target_semaphore(%arg29 : memref<!tpu.dma_semaphore, #tpu.memory_space<semaphore_mem>>)
        %dma_start3A_619 = arith.constant 0 : i32
        %dma_start3A_620 = arith.constant 0 : i32
        %dma_start3A_621 = tpu.memref_slice %arg15[%dma_start3A_619, %dma_start3A_620] : memref<1x128xi32, #tpu.memory_space<vmem>> -> memref<1x128xi32, #tpu.memory_space<vmem>>
        %dma_start3A_622 = tpu.memref_squeeze %dma_start3A_621 : memref<1x128xi32, #tpu.memory_space<vmem>> -> memref<128xi32, #tpu.memory_space<vmem>>
        %dma_start3A_623 = arith.constant 0 : i32
        %dma_start3A_624 = tpu.memref_slice %arg4[%add3A, %add3A_605, %dma_start3A_623] : memref<32x80x128xi32, #tpu.memory_space<hbm>> -> memref<1x1x128xi32, #tpu.memory_space<hbm>>
        %dma_start3A_625 = tpu.memref_squeeze %dma_start3A_624 : memref<1x1x128xi32, #tpu.memory_space<hbm>> -> memref<128xi32, #tpu.memory_space<hbm>>
        %dma_start3A_626 = arith.constant 0 : i32
        %dma_start3A_627 = tpu.memref_slice %arg15[%dma_start3A_619, %dma_start3A_626] : memref<1x128xi32, #tpu.memory_space<vmem>> -> memref<1x128xi32, #tpu.memory_space<vmem>>
        %dma_start3A_628 = tpu.memref_squeeze %dma_start3A_627 : memref<1x128xi32, #tpu.memory_space<vmem>> -> memref<128xi32, #tpu.memory_space<vmem>>
        %dma_start3A_629 = arith.constant 0 : i32
        %dma_start3A_630 = tpu.memref_slice %arg4[%add3A, %add3A_605, %dma_start3A_629] : memref<32x80x128xi32, #tpu.memory_space<hbm>> -> memref<1x1x128xi32, #tpu.memory_space<hbm>>
        %dma_start3A_631 = tpu.memref_squeeze %dma_start3A_630 : memref<1x1x128xi32, #tpu.memory_space<hbm>> -> memref<128xi32, #tpu.memory_space<hbm>>
        tpu.enqueue_dma source(%dma_start3A_631 : memref<128xi32, #tpu.memory_space<hbm>>) target(%dma_start3A_628 : memref<128xi32, #tpu.memory_space<vmem>>) target_semaphore(%arg29 : memref<!tpu.dma_semaphore, #tpu.memory_space<semaphore_mem>>)
      } else {
      }
      %lt3A_207 = arith.constant 80 : i32
      %lt3A_208 = arith.cmpi slt, %add3A_191, %lt3A_207 : i32
      %convert_element_type3A_209 = arith.extui %lt3A_208 : i1 to i32
      %cond3A_210 = arith.constant 0 : i32
      %cond3A_211 = arith.cmpi ne, %convert_element_type3A_209, %cond3A_210 : i32
      scf.if %cond3A_211 {
        %dma_wait3A = arith.constant 0 : i32
        %dma_wait3A_604 = arith.constant 0 : i32
        %dma_wait3A_605 = tpu.memref_slice %arg10[%dma_wait3A, %dma_wait3A_604] : memref<1x128xi32, #tpu.memory_space<vmem>> -> memref<1x128xi32, #tpu.memory_space<vmem>>
        %dma_wait3A_606 = tpu.memref_squeeze %dma_wait3A_605 : memref<1x128xi32, #tpu.memory_space<vmem>> -> memref<128xi32, #tpu.memory_space<vmem>>
        %dma_wait3A_607 = arith.constant 0 : i32
        %dma_wait3A_608 = tpu.memref_slice %arg3[%add3A, %add3A_191, %dma_wait3A_607] : memref<32x80x128xi32, #tpu.memory_space<hbm>> -> memref<1x1x128xi32, #tpu.memory_space<hbm>>
        %dma_wait3A_609 = tpu.memref_squeeze %dma_wait3A_608 : memref<1x1x128xi32, #tpu.memory_space<hbm>> -> memref<128xi32, #tpu.memory_space<hbm>>
        %dma_wait3A_610 = arith.constant 0 : i32
        %dma_wait3A_611 = tpu.memref_slice %arg10[%dma_wait3A, %dma_wait3A_610] : memref<1x128xi32, #tpu.memory_space<vmem>> -> memref<1x128xi32, #tpu.memory_space<vmem>>
        %dma_wait3A_612 = tpu.memref_squeeze %dma_wait3A_611 : memref<1x128xi32, #tpu.memory_space<vmem>> -> memref<128xi32, #tpu.memory_space<vmem>>
        %dma_wait3A_613 = arith.constant 0 : i32
        %dma_wait3A_614 = tpu.memref_slice %arg3[%add3A, %add3A_191, %dma_wait3A_613] : memref<32x80x128xi32, #tpu.memory_space<hbm>> -> memref<1x1x128xi32, #tpu.memory_space<hbm>>
        %dma_wait3A_615 = tpu.memref_squeeze %dma_wait3A_614 : memref<1x1x128xi32, #tpu.memory_space<hbm>> -> memref<128xi32, #tpu.memory_space<hbm>>
        tpu.wait_dma2 semaphore(%arg27 : memref<!tpu.dma_semaphore, #tpu.memory_space<semaphore_mem>>) src(%dma_wait3A_615 : memref<128xi32, #tpu.memory_space<hbm>>) dst(%dma_wait3A_612 : memref<128xi32, #tpu.memory_space<vmem>>)
        %dma_wait3A_616 = arith.constant 0 : i32
        %dma_wait3A_617 = arith.constant 0 : i32
        %dma_wait3A_618 = tpu.memref_slice %arg11[%dma_wait3A_616, %dma_wait3A_617] : memref<1x128xi32, #tpu.memory_space<vmem>> -> memref<1x128xi32, #tpu.memory_space<vmem>>
        %dma_wait3A_619 = tpu.memref_squeeze %dma_wait3A_618 : memref<1x128xi32, #tpu.memory_space<vmem>> -> memref<128xi32, #tpu.memory_space<vmem>>
        %dma_wait3A_620 = arith.constant 0 : i32
        %dma_wait3A_621 = tpu.memref_slice %arg4[%add3A, %add3A_191, %dma_wait3A_620] : memref<32x80x128xi32, #tpu.memory_space<hbm>> -> memref<1x1x128xi32, #tpu.memory_space<hbm>>
        %dma_wait3A_622 = tpu.memref_squeeze %dma_wait3A_621 : memref<1x1x128xi32, #tpu.memory_space<hbm>> -> memref<128xi32, #tpu.memory_space<hbm>>
        %dma_wait3A_623 = arith.constant 0 : i32
        %dma_wait3A_624 = tpu.memref_slice %arg11[%dma_wait3A_616, %dma_wait3A_623] : memref<1x128xi32, #tpu.memory_space<vmem>> -> memref<1x128xi32, #tpu.memory_space<vmem>>
        %dma_wait3A_625 = tpu.memref_squeeze %dma_wait3A_624 : memref<1x128xi32, #tpu.memory_space<vmem>> -> memref<128xi32, #tpu.memory_space<vmem>>
        %dma_wait3A_626 = arith.constant 0 : i32
        %dma_wait3A_627 = tpu.memref_slice %arg4[%add3A, %add3A_191, %dma_wait3A_626] : memref<32x80x128xi32, #tpu.memory_space<hbm>> -> memref<1x1x128xi32, #tpu.memory_space<hbm>>
        %dma_wait3A_628 = tpu.memref_squeeze %dma_wait3A_627 : memref<1x1x128xi32, #tpu.memory_space<hbm>> -> memref<128xi32, #tpu.memory_space<hbm>>
        tpu.wait_dma2 semaphore(%arg27 : memref<!tpu.dma_semaphore, #tpu.memory_space<semaphore_mem>>) src(%dma_wait3A_628 : memref<128xi32, #tpu.memory_space<hbm>>) dst(%dma_wait3A_625 : memref<128xi32, #tpu.memory_space<vmem>>)
        %dma_start3A_629 = arith.constant 0 : i32
        %dma_start3A_630 = arith.constant 0 : i32
        %dma_start3A_631 = tpu.memref_slice %arg10[%dma_start3A_629, %dma_start3A_630] : memref<1x128xi32, #tpu.memory_space<vmem>> -> memref<1x128xi32, #tpu.memory_space<vmem>>
        %dma_start3A_632 = tpu.memref_squeeze %dma_start3A_631 : memref<1x128xi32, #tpu.memory_space<vmem>> -> memref<128xi32, #tpu.memory_space<vmem>>
        %dma_start3A_633 = arith.constant 0 : i32
        %dma_start3A_634 = arith.constant 0 : i32
        %dma_start3A_635 = tpu.memref_slice %arg2[%dma_start3A_633, %dma_start3A_634] : memref<10048x128xf32, #tpu.memory_space<hbm>> -> memref<10048x128xf32, #tpu.memory_space<hbm>>
        tpu.enqueue_indirect_dma source(%dma_start3A_635 : memref<10048x128xf32, #tpu.memory_space<hbm>>) target(%arg18 : memref<128x128xf32, #tpu.memory_space<vmem>>) offsets(%dma_start3A_632 : memref<128xi32, #tpu.memory_space<vmem>>) semaphore(%arg21 : memref<!tpu.dma_semaphore, #tpu.memory_space<semaphore_mem>>)
      } else {
      }
      %ge3A_212 = arith.constant 2 : i32
      %ge3A_213 = arith.cmpi sge, %add3A_191, %ge3A_212 : i32
      %lt3A_214 = arith.constant 82 : i32
      %lt3A_215 = arith.cmpi slt, %add3A_191, %lt3A_214 : i32
      %and3A_216 = arith.andi %ge3A_213, %lt3A_215 : i1
      %convert_element_type3A_217 = arith.extui %and3A_216 : i1 to i32
      %cond3A_218 = arith.constant 0 : i32
      %cond3A_219 = arith.cmpi ne, %convert_element_type3A_217, %cond3A_218 : i32
      scf.if %cond3A_219 {
        %dma_wait3A = arith.constant 0 : i32
        %dma_wait3A_604 = arith.constant 0 : i32
        %dma_wait3A_605 = tpu.memref_slice %arg6[%dma_wait3A, %dma_wait3A_604] : memref<1x128xi32, #tpu.memory_space<vmem>> -> memref<1x128xi32, #tpu.memory_space<vmem>>
        %dma_wait3A_606 = tpu.memref_squeeze %dma_wait3A_605 : memref<1x128xi32, #tpu.memory_space<vmem>> -> memref<128xi32, #tpu.memory_space<vmem>>
        %dma_wait3A_607 = arith.constant 0 : i32
        %dma_wait3A_608 = arith.constant 0 : i32
        %dma_wait3A_609 = tpu.memref_slice %arg2[%dma_wait3A_607, %dma_wait3A_608] : memref<10048x128xf32, #tpu.memory_space<hbm>> -> memref<10048x128xf32, #tpu.memory_space<hbm>>
        tpu.wait_indirect_dma semaphore(%arg19 : memref<!tpu.dma_semaphore, #tpu.memory_space<semaphore_mem>>) src(%dma_wait3A_609 : memref<10048x128xf32, #tpu.memory_space<hbm>>) dst(%arg16 : memref<128x128xf32, #tpu.memory_space<vmem>>)
        %dma_start3A_610 = arith.constant 0 : i32
        %dma_start3A_611 = arith.constant 0 : i32
        %dma_start3A_612 = tpu.memref_slice %arg7[%dma_start3A_610, %dma_start3A_611] : memref<1x128xi32, #tpu.memory_space<vmem>> -> memref<1x128xi32, #tpu.memory_space<vmem>>
        %dma_start3A_613 = tpu.memref_squeeze %dma_start3A_612 : memref<1x128xi32, #tpu.memory_space<vmem>> -> memref<128xi32, #tpu.memory_space<vmem>>
        %dma_start3A_614 = arith.constant 0 : i32
        %dma_start3A_615 = arith.constant 0 : i32
        %dma_start3A_616 = tpu.memref_slice %arg30[%dma_start3A_614, %dma_start3A_615] : memref<10048x128xf32, #tpu.memory_space<vmem_shared>> -> memref<10048x128xf32, #tpu.memory_space<vmem_shared>>
        tpu.enqueue_indirect_dma source(%arg16 : memref<128x128xf32, #tpu.memory_space<vmem>>) target(%dma_start3A_616 : memref<10048x128xf32, #tpu.memory_space<vmem_shared>>) offsets(%dma_start3A_613 : memref<128xi32, #tpu.memory_space<vmem>>) semaphore(%arg22 : memref<!tpu.dma_semaphore, #tpu.memory_space<semaphore_mem>>) {add = true}
      } else {
      }
      %mul3A_220 = arith.constant 15 : i32
      %mul3A_221 = arith.muli %mul3A_220, %scan3A_124 : i32
      %add3A_222 = arith.constant 3 : i32
      %add3A_223 = arith.addi %mul3A_221, %add3A_222 : i32
      %ge3A_224 = arith.constant 3 : i32
      %ge3A_225 = arith.cmpi sge, %add3A_223, %ge3A_224 : i32
      %lt3A_226 = arith.constant 83 : i32
      %lt3A_227 = arith.cmpi slt, %add3A_223, %lt3A_226 : i32
      %and3A_228 = arith.andi %ge3A_225, %lt3A_227 : i1
      %convert_element_type3A_229 = arith.extui %and3A_228 : i1 to i32
      %cond3A_230 = arith.constant 0 : i32
      %cond3A_231 = arith.cmpi ne, %convert_element_type3A_229, %cond3A_230 : i32
      scf.if %cond3A_231 {
        %dma_wait3A = arith.constant 0 : i32
        %dma_wait3A_604 = arith.constant 0 : i32
        %dma_wait3A_605 = tpu.memref_slice %arg7[%dma_wait3A, %dma_wait3A_604] : memref<1x128xi32, #tpu.memory_space<vmem>> -> memref<1x128xi32, #tpu.memory_space<vmem>>
        %dma_wait3A_606 = tpu.memref_squeeze %dma_wait3A_605 : memref<1x128xi32, #tpu.memory_space<vmem>> -> memref<128xi32, #tpu.memory_space<vmem>>
        %dma_wait3A_607 = arith.constant 0 : i32
        %dma_wait3A_608 = arith.constant 0 : i32
        %dma_wait3A_609 = tpu.memref_slice %arg30[%dma_wait3A_607, %dma_wait3A_608] : memref<10048x128xf32, #tpu.memory_space<vmem_shared>> -> memref<10048x128xf32, #tpu.memory_space<vmem_shared>>
        tpu.wait_indirect_dma semaphore(%arg22 : memref<!tpu.dma_semaphore, #tpu.memory_space<semaphore_mem>>) src(%arg16 : memref<128x128xf32, #tpu.memory_space<vmem>>) dst(%dma_wait3A_609 : memref<10048x128xf32, #tpu.memory_space<vmem_shared>>)
      } else {
      }
      %add3A_232 = arith.constant 2 : i32
      %add3A_233 = arith.addi %add3A_223, %add3A_232 : i32
      %lt3A_234 = arith.constant 80 : i32
      %lt3A_235 = arith.cmpi slt, %add3A_233, %lt3A_234 : i32
      %convert_element_type3A_236 = arith.extui %lt3A_235 : i1 to i32
      %cond3A_237 = arith.constant 0 : i32
      %cond3A_238 = arith.cmpi ne, %convert_element_type3A_236, %cond3A_237 : i32
      scf.if %cond3A_238 {
        %add3A_604 = arith.constant 2 : i32
        %add3A_605 = arith.addi %add3A_223, %add3A_604 : i32
        %dma_start3A_606 = arith.constant 0 : i32
        %dma_start3A_607 = arith.constant 0 : i32
        %dma_start3A_608 = tpu.memref_slice %arg6[%dma_start3A_606, %dma_start3A_607] : memref<1x128xi32, #tpu.memory_space<vmem>> -> memref<1x128xi32, #tpu.memory_space<vmem>>
        %dma_start3A_609 = tpu.memref_squeeze %dma_start3A_608 : memref<1x128xi32, #tpu.memory_space<vmem>> -> memref<128xi32, #tpu.memory_space<vmem>>
        %dma_start3A_610 = arith.constant 0 : i32
        %dma_start3A_611 = tpu.memref_slice %arg3[%add3A, %add3A_605, %dma_start3A_610] : memref<32x80x128xi32, #tpu.memory_space<hbm>> -> memref<1x1x128xi32, #tpu.memory_space<hbm>>
        %dma_start3A_612 = tpu.memref_squeeze %dma_start3A_611 : memref<1x1x128xi32, #tpu.memory_space<hbm>> -> memref<128xi32, #tpu.memory_space<hbm>>
        %dma_start3A_613 = arith.constant 0 : i32
        %dma_start3A_614 = tpu.memref_slice %arg6[%dma_start3A_606, %dma_start3A_613] : memref<1x128xi32, #tpu.memory_space<vmem>> -> memref<1x128xi32, #tpu.memory_space<vmem>>
        %dma_start3A_615 = tpu.memref_squeeze %dma_start3A_614 : memref<1x128xi32, #tpu.memory_space<vmem>> -> memref<128xi32, #tpu.memory_space<vmem>>
        %dma_start3A_616 = arith.constant 0 : i32
        %dma_start3A_617 = tpu.memref_slice %arg3[%add3A, %add3A_605, %dma_start3A_616] : memref<32x80x128xi32, #tpu.memory_space<hbm>> -> memref<1x1x128xi32, #tpu.memory_space<hbm>>
        %dma_start3A_618 = tpu.memref_squeeze %dma_start3A_617 : memref<1x1x128xi32, #tpu.memory_space<hbm>> -> memref<128xi32, #tpu.memory_space<hbm>>
        tpu.enqueue_dma source(%dma_start3A_618 : memref<128xi32, #tpu.memory_space<hbm>>) target(%dma_start3A_615 : memref<128xi32, #tpu.memory_space<vmem>>) target_semaphore(%arg25 : memref<!tpu.dma_semaphore, #tpu.memory_space<semaphore_mem>>)
        %dma_start3A_619 = arith.constant 0 : i32
        %dma_start3A_620 = arith.constant 0 : i32
        %dma_start3A_621 = tpu.memref_slice %arg7[%dma_start3A_619, %dma_start3A_620] : memref<1x128xi32, #tpu.memory_space<vmem>> -> memref<1x128xi32, #tpu.memory_space<vmem>>
        %dma_start3A_622 = tpu.memref_squeeze %dma_start3A_621 : memref<1x128xi32, #tpu.memory_space<vmem>> -> memref<128xi32, #tpu.memory_space<vmem>>
        %dma_start3A_623 = arith.constant 0 : i32
        %dma_start3A_624 = tpu.memref_slice %arg4[%add3A, %add3A_605, %dma_start3A_623] : memref<32x80x128xi32, #tpu.memory_space<hbm>> -> memref<1x1x128xi32, #tpu.memory_space<hbm>>
        %dma_start3A_625 = tpu.memref_squeeze %dma_start3A_624 : memref<1x1x128xi32, #tpu.memory_space<hbm>> -> memref<128xi32, #tpu.memory_space<hbm>>
        %dma_start3A_626 = arith.constant 0 : i32
        %dma_start3A_627 = tpu.memref_slice %arg7[%dma_start3A_619, %dma_start3A_626] : memref<1x128xi32, #tpu.memory_space<vmem>> -> memref<1x128xi32, #tpu.memory_space<vmem>>
        %dma_start3A_628 = tpu.memref_squeeze %dma_start3A_627 : memref<1x128xi32, #tpu.memory_space<vmem>> -> memref<128xi32, #tpu.memory_space<vmem>>
        %dma_start3A_629 = arith.constant 0 : i32
        %dma_start3A_630 = tpu.memref_slice %arg4[%add3A, %add3A_605, %dma_start3A_629] : memref<32x80x128xi32, #tpu.memory_space<hbm>> -> memref<1x1x128xi32, #tpu.memory_space<hbm>>
        %dma_start3A_631 = tpu.memref_squeeze %dma_start3A_630 : memref<1x1x128xi32, #tpu.memory_space<hbm>> -> memref<128xi32, #tpu.memory_space<hbm>>
        tpu.enqueue_dma source(%dma_start3A_631 : memref<128xi32, #tpu.memory_space<hbm>>) target(%dma_start3A_628 : memref<128xi32, #tpu.memory_space<vmem>>) target_semaphore(%arg25 : memref<!tpu.dma_semaphore, #tpu.memory_space<semaphore_mem>>)
      } else {
      }
      %lt3A_239 = arith.constant 80 : i32
      %lt3A_240 = arith.cmpi slt, %add3A_223, %lt3A_239 : i32
      %convert_element_type3A_241 = arith.extui %lt3A_240 : i1 to i32
      %cond3A_242 = arith.constant 0 : i32
      %cond3A_243 = arith.cmpi ne, %convert_element_type3A_241, %cond3A_242 : i32
      scf.if %cond3A_243 {
        %dma_wait3A = arith.constant 0 : i32
        %dma_wait3A_604 = arith.constant 0 : i32
        %dma_wait3A_605 = tpu.memref_slice %arg12[%dma_wait3A, %dma_wait3A_604] : memref<1x128xi32, #tpu.memory_space<vmem>> -> memref<1x128xi32, #tpu.memory_space<vmem>>
        %dma_wait3A_606 = tpu.memref_squeeze %dma_wait3A_605 : memref<1x128xi32, #tpu.memory_space<vmem>> -> memref<128xi32, #tpu.memory_space<vmem>>
        %dma_wait3A_607 = arith.constant 0 : i32
        %dma_wait3A_608 = tpu.memref_slice %arg3[%add3A, %add3A_223, %dma_wait3A_607] : memref<32x80x128xi32, #tpu.memory_space<hbm>> -> memref<1x1x128xi32, #tpu.memory_space<hbm>>
        %dma_wait3A_609 = tpu.memref_squeeze %dma_wait3A_608 : memref<1x1x128xi32, #tpu.memory_space<hbm>> -> memref<128xi32, #tpu.memory_space<hbm>>
        %dma_wait3A_610 = arith.constant 0 : i32
        %dma_wait3A_611 = tpu.memref_slice %arg12[%dma_wait3A, %dma_wait3A_610] : memref<1x128xi32, #tpu.memory_space<vmem>> -> memref<1x128xi32, #tpu.memory_space<vmem>>
        %dma_wait3A_612 = tpu.memref_squeeze %dma_wait3A_611 : memref<1x128xi32, #tpu.memory_space<vmem>> -> memref<128xi32, #tpu.memory_space<vmem>>
        %dma_wait3A_613 = arith.constant 0 : i32
        %dma_wait3A_614 = tpu.memref_slice %arg3[%add3A, %add3A_223, %dma_wait3A_613] : memref<32x80x128xi32, #tpu.memory_space<hbm>> -> memref<1x1x128xi32, #tpu.memory_space<hbm>>
        %dma_wait3A_615 = tpu.memref_squeeze %dma_wait3A_614 : memref<1x1x128xi32, #tpu.memory_space<hbm>> -> memref<128xi32, #tpu.memory_space<hbm>>
        tpu.wait_dma2 semaphore(%arg28 : memref<!tpu.dma_semaphore, #tpu.memory_space<semaphore_mem>>) src(%dma_wait3A_615 : memref<128xi32, #tpu.memory_space<hbm>>) dst(%dma_wait3A_612 : memref<128xi32, #tpu.memory_space<vmem>>)
        %dma_wait3A_616 = arith.constant 0 : i32
        %dma_wait3A_617 = arith.constant 0 : i32
        %dma_wait3A_618 = tpu.memref_slice %arg13[%dma_wait3A_616, %dma_wait3A_617] : memref<1x128xi32, #tpu.memory_space<vmem>> -> memref<1x128xi32, #tpu.memory_space<vmem>>
        %dma_wait3A_619 = tpu.memref_squeeze %dma_wait3A_618 : memref<1x128xi32, #tpu.memory_space<vmem>> -> memref<128xi32, #tpu.memory_space<vmem>>
        %dma_wait3A_620 = arith.constant 0 : i32
        %dma_wait3A_621 = tpu.memref_slice %arg4[%add3A, %add3A_223, %dma_wait3A_620] : memref<32x80x128xi32, #tpu.memory_space<hbm>> -> memref<1x1x128xi32, #tpu.memory_space<hbm>>
        %dma_wait3A_622 = tpu.memref_squeeze %dma_wait3A_621 : memref<1x1x128xi32, #tpu.memory_space<hbm>> -> memref<128xi32, #tpu.memory_space<hbm>>
        %dma_wait3A_623 = arith.constant 0 : i32
        %dma_wait3A_624 = tpu.memref_slice %arg13[%dma_wait3A_616, %dma_wait3A_623] : memref<1x128xi32, #tpu.memory_space<vmem>> -> memref<1x128xi32, #tpu.memory_space<vmem>>
        %dma_wait3A_625 = tpu.memref_squeeze %dma_wait3A_624 : memref<1x128xi32, #tpu.memory_space<vmem>> -> memref<128xi32, #tpu.memory_space<vmem>>
        %dma_wait3A_626 = arith.constant 0 : i32
        %dma_wait3A_627 = tpu.memref_slice %arg4[%add3A, %add3A_223, %dma_wait3A_626] : memref<32x80x128xi32, #tpu.memory_space<hbm>> -> memref<1x1x128xi32, #tpu.memory_space<hbm>>
        %dma_wait3A_628 = tpu.memref_squeeze %dma_wait3A_627 : memref<1x1x128xi32, #tpu.memory_space<hbm>> -> memref<128xi32, #tpu.memory_space<hbm>>
        tpu.wait_dma2 semaphore(%arg28 : memref<!tpu.dma_semaphore, #tpu.memory_space<semaphore_mem>>) src(%dma_wait3A_628 : memref<128xi32, #tpu.memory_space<hbm>>) dst(%dma_wait3A_625 : memref<128xi32, #tpu.memory_space<vmem>>)
        %dma_start3A_629 = arith.constant 0 : i32
        %dma_start3A_630 = arith.constant 0 : i32
        %dma_start3A_631 = tpu.memref_slice %arg12[%dma_start3A_629, %dma_start3A_630] : memref<1x128xi32, #tpu.memory_space<vmem>> -> memref<1x128xi32, #tpu.memory_space<vmem>>
        %dma_start3A_632 = tpu.memref_squeeze %dma_start3A_631 : memref<1x128xi32, #tpu.memory_space<vmem>> -> memref<128xi32, #tpu.memory_space<vmem>>
        %dma_start3A_633 = arith.constant 0 : i32
        %dma_start3A_634 = arith.constant 0 : i32
        %dma_start3A_635 = tpu.memref_slice %arg2[%dma_start3A_633, %dma_start3A_634] : memref<10048x128xf32, #tpu.memory_space<hbm>> -> memref<10048x128xf32, #tpu.memory_space<hbm>>
        tpu.enqueue_indirect_dma source(%dma_start3A_635 : memref<10048x128xf32, #tpu.memory_space<hbm>>) target(%arg16 : memref<128x128xf32, #tpu.memory_space<vmem>>) offsets(%dma_start3A_632 : memref<128xi32, #tpu.memory_space<vmem>>) semaphore(%arg19 : memref<!tpu.dma_semaphore, #tpu.memory_space<semaphore_mem>>)
      } else {
      }
      %ge3A_244 = arith.constant 2 : i32
      %ge3A_245 = arith.cmpi sge, %add3A_223, %ge3A_244 : i32
      %lt3A_246 = arith.constant 82 : i32
      %lt3A_247 = arith.cmpi slt, %add3A_223, %lt3A_246 : i32
      %and3A_248 = arith.andi %ge3A_245, %lt3A_247 : i1
      %convert_element_type3A_249 = arith.extui %and3A_248 : i1 to i32
      %cond3A_250 = arith.constant 0 : i32
      %cond3A_251 = arith.cmpi ne, %convert_element_type3A_249, %cond3A_250 : i32
      scf.if %cond3A_251 {
        %dma_wait3A = arith.constant 0 : i32
        %dma_wait3A_604 = arith.constant 0 : i32
        %dma_wait3A_605 = tpu.memref_slice %arg8[%dma_wait3A, %dma_wait3A_604] : memref<1x128xi32, #tpu.memory_space<vmem>> -> memref<1x128xi32, #tpu.memory_space<vmem>>
        %dma_wait3A_606 = tpu.memref_squeeze %dma_wait3A_605 : memref<1x128xi32, #tpu.memory_space<vmem>> -> memref<128xi32, #tpu.memory_space<vmem>>
        %dma_wait3A_607 = arith.constant 0 : i32
        %dma_wait3A_608 = arith.constant 0 : i32
        %dma_wait3A_609 = tpu.memref_slice %arg2[%dma_wait3A_607, %dma_wait3A_608] : memref<10048x128xf32, #tpu.memory_space<hbm>> -> memref<10048x128xf32, #tpu.memory_space<hbm>>
        tpu.wait_indirect_dma semaphore(%arg20 : memref<!tpu.dma_semaphore, #tpu.memory_space<semaphore_mem>>) src(%dma_wait3A_609 : memref<10048x128xf32, #tpu.memory_space<hbm>>) dst(%arg17 : memref<128x128xf32, #tpu.memory_space<vmem>>)
        %dma_start3A_610 = arith.constant 0 : i32
        %dma_start3A_611 = arith.constant 0 : i32
        %dma_start3A_612 = tpu.memref_slice %arg9[%dma_start3A_610, %dma_start3A_611] : memref<1x128xi32, #tpu.memory_space<vmem>> -> memref<1x128xi32, #tpu.memory_space<vmem>>
        %dma_start3A_613 = tpu.memref_squeeze %dma_start3A_612 : memref<1x128xi32, #tpu.memory_space<vmem>> -> memref<128xi32, #tpu.memory_space<vmem>>
        %dma_start3A_614 = arith.constant 0 : i32
        %dma_start3A_615 = arith.constant 0 : i32
        %dma_start3A_616 = tpu.memref_slice %arg30[%dma_start3A_614, %dma_start3A_615] : memref<10048x128xf32, #tpu.memory_space<vmem_shared>> -> memref<10048x128xf32, #tpu.memory_space<vmem_shared>>
        tpu.enqueue_indirect_dma source(%arg17 : memref<128x128xf32, #tpu.memory_space<vmem>>) target(%dma_start3A_616 : memref<10048x128xf32, #tpu.memory_space<vmem_shared>>) offsets(%dma_start3A_613 : memref<128xi32, #tpu.memory_space<vmem>>) semaphore(%arg23 : memref<!tpu.dma_semaphore, #tpu.memory_space<semaphore_mem>>) {add = true}
      } else {
      }
      %mul3A_252 = arith.constant 15 : i32
      %mul3A_253 = arith.muli %mul3A_252, %scan3A_124 : i32
      %add3A_254 = arith.constant 4 : i32
      %add3A_255 = arith.addi %mul3A_253, %add3A_254 : i32
      %ge3A_256 = arith.constant 3 : i32
      %ge3A_257 = arith.cmpi sge, %add3A_255, %ge3A_256 : i32
      %lt3A_258 = arith.constant 83 : i32
      %lt3A_259 = arith.cmpi slt, %add3A_255, %lt3A_258 : i32
      %and3A_260 = arith.andi %ge3A_257, %lt3A_259 : i1
      %convert_element_type3A_261 = arith.extui %and3A_260 : i1 to i32
      %cond3A_262 = arith.constant 0 : i32
      %cond3A_263 = arith.cmpi ne, %convert_element_type3A_261, %cond3A_262 : i32
      scf.if %cond3A_263 {
        %dma_wait3A = arith.constant 0 : i32
        %dma_wait3A_604 = arith.constant 0 : i32
        %dma_wait3A_605 = tpu.memref_slice %arg9[%dma_wait3A, %dma_wait3A_604] : memref<1x128xi32, #tpu.memory_space<vmem>> -> memref<1x128xi32, #tpu.memory_space<vmem>>
        %dma_wait3A_606 = tpu.memref_squeeze %dma_wait3A_605 : memref<1x128xi32, #tpu.memory_space<vmem>> -> memref<128xi32, #tpu.memory_space<vmem>>
        %dma_wait3A_607 = arith.constant 0 : i32
        %dma_wait3A_608 = arith.constant 0 : i32
        %dma_wait3A_609 = tpu.memref_slice %arg30[%dma_wait3A_607, %dma_wait3A_608] : memref<10048x128xf32, #tpu.memory_space<vmem_shared>> -> memref<10048x128xf32, #tpu.memory_space<vmem_shared>>
        tpu.wait_indirect_dma semaphore(%arg23 : memref<!tpu.dma_semaphore, #tpu.memory_space<semaphore_mem>>) src(%arg17 : memref<128x128xf32, #tpu.memory_space<vmem>>) dst(%dma_wait3A_609 : memref<10048x128xf32, #tpu.memory_space<vmem_shared>>)
      } else {
      }
      %add3A_264 = arith.constant 2 : i32
      %add3A_265 = arith.addi %add3A_255, %add3A_264 : i32
      %lt3A_266 = arith.constant 80 : i32
      %lt3A_267 = arith.cmpi slt, %add3A_265, %lt3A_266 : i32
      %convert_element_type3A_268 = arith.extui %lt3A_267 : i1 to i32
      %cond3A_269 = arith.constant 0 : i32
      %cond3A_270 = arith.cmpi ne, %convert_element_type3A_268, %cond3A_269 : i32
      scf.if %cond3A_270 {
        %add3A_604 = arith.constant 2 : i32
        %add3A_605 = arith.addi %add3A_255, %add3A_604 : i32
        %dma_start3A_606 = arith.constant 0 : i32
        %dma_start3A_607 = arith.constant 0 : i32
        %dma_start3A_608 = tpu.memref_slice %arg8[%dma_start3A_606, %dma_start3A_607] : memref<1x128xi32, #tpu.memory_space<vmem>> -> memref<1x128xi32, #tpu.memory_space<vmem>>
        %dma_start3A_609 = tpu.memref_squeeze %dma_start3A_608 : memref<1x128xi32, #tpu.memory_space<vmem>> -> memref<128xi32, #tpu.memory_space<vmem>>
        %dma_start3A_610 = arith.constant 0 : i32
        %dma_start3A_611 = tpu.memref_slice %arg3[%add3A, %add3A_605, %dma_start3A_610] : memref<32x80x128xi32, #tpu.memory_space<hbm>> -> memref<1x1x128xi32, #tpu.memory_space<hbm>>
        %dma_start3A_612 = tpu.memref_squeeze %dma_start3A_611 : memref<1x1x128xi32, #tpu.memory_space<hbm>> -> memref<128xi32, #tpu.memory_space<hbm>>
        %dma_start3A_613 = arith.constant 0 : i32
        %dma_start3A_614 = tpu.memref_slice %arg8[%dma_start3A_606, %dma_start3A_613] : memref<1x128xi32, #tpu.memory_space<vmem>> -> memref<1x128xi32, #tpu.memory_space<vmem>>
        %dma_start3A_615 = tpu.memref_squeeze %dma_start3A_614 : memref<1x128xi32, #tpu.memory_space<vmem>> -> memref<128xi32, #tpu.memory_space<vmem>>
        %dma_start3A_616 = arith.constant 0 : i32
        %dma_start3A_617 = tpu.memref_slice %arg3[%add3A, %add3A_605, %dma_start3A_616] : memref<32x80x128xi32, #tpu.memory_space<hbm>> -> memref<1x1x128xi32, #tpu.memory_space<hbm>>
        %dma_start3A_618 = tpu.memref_squeeze %dma_start3A_617 : memref<1x1x128xi32, #tpu.memory_space<hbm>> -> memref<128xi32, #tpu.memory_space<hbm>>
        tpu.enqueue_dma source(%dma_start3A_618 : memref<128xi32, #tpu.memory_space<hbm>>) target(%dma_start3A_615 : memref<128xi32, #tpu.memory_space<vmem>>) target_semaphore(%arg26 : memref<!tpu.dma_semaphore, #tpu.memory_space<semaphore_mem>>)
        %dma_start3A_619 = arith.constant 0 : i32
        %dma_start3A_620 = arith.constant 0 : i32
        %dma_start3A_621 = tpu.memref_slice %arg9[%dma_start3A_619, %dma_start3A_620] : memref<1x128xi32, #tpu.memory_space<vmem>> -> memref<1x128xi32, #tpu.memory_space<vmem>>
        %dma_start3A_622 = tpu.memref_squeeze %dma_start3A_621 : memref<1x128xi32, #tpu.memory_space<vmem>> -> memref<128xi32, #tpu.memory_space<vmem>>
        %dma_start3A_623 = arith.constant 0 : i32
        %dma_start3A_624 = tpu.memref_slice %arg4[%add3A, %add3A_605, %dma_start3A_623] : memref<32x80x128xi32, #tpu.memory_space<hbm>> -> memref<1x1x128xi32, #tpu.memory_space<hbm>>
        %dma_start3A_625 = tpu.memref_squeeze %dma_start3A_624 : memref<1x1x128xi32, #tpu.memory_space<hbm>> -> memref<128xi32, #tpu.memory_space<hbm>>
        %dma_start3A_626 = arith.constant 0 : i32
        %dma_start3A_627 = tpu.memref_slice %arg9[%dma_start3A_619, %dma_start3A_626] : memref<1x128xi32, #tpu.memory_space<vmem>> -> memref<1x128xi32, #tpu.memory_space<vmem>>
        %dma_start3A_628 = tpu.memref_squeeze %dma_start3A_627 : memref<1x128xi32, #tpu.memory_space<vmem>> -> memref<128xi32, #tpu.memory_space<vmem>>
        %dma_start3A_629 = arith.constant 0 : i32
        %dma_start3A_630 = tpu.memref_slice %arg4[%add3A, %add3A_605, %dma_start3A_629] : memref<32x80x128xi32, #tpu.memory_space<hbm>> -> memref<1x1x128xi32, #tpu.memory_space<hbm>>
        %dma_start3A_631 = tpu.memref_squeeze %dma_start3A_630 : memref<1x1x128xi32, #tpu.memory_space<hbm>> -> memref<128xi32, #tpu.memory_space<hbm>>
        tpu.enqueue_dma source(%dma_start3A_631 : memref<128xi32, #tpu.memory_space<hbm>>) target(%dma_start3A_628 : memref<128xi32, #tpu.memory_space<vmem>>) target_semaphore(%arg26 : memref<!tpu.dma_semaphore, #tpu.memory_space<semaphore_mem>>)
      } else {
      }
      %lt3A_271 = arith.constant 80 : i32
      %lt3A_272 = arith.cmpi slt, %add3A_255, %lt3A_271 : i32
      %convert_element_type3A_273 = arith.extui %lt3A_272 : i1 to i32
      %cond3A_274 = arith.constant 0 : i32
      %cond3A_275 = arith.cmpi ne, %convert_element_type3A_273, %cond3A_274 : i32
      scf.if %cond3A_275 {
        %dma_wait3A = arith.constant 0 : i32
        %dma_wait3A_604 = arith.constant 0 : i32
        %dma_wait3A_605 = tpu.memref_slice %arg14[%dma_wait3A, %dma_wait3A_604] : memref<1x128xi32, #tpu.memory_space<vmem>> -> memref<1x128xi32, #tpu.memory_space<vmem>>
        %dma_wait3A_606 = tpu.memref_squeeze %dma_wait3A_605 : memref<1x128xi32, #tpu.memory_space<vmem>> -> memref<128xi32, #tpu.memory_space<vmem>>
        %dma_wait3A_607 = arith.constant 0 : i32
        %dma_wait3A_608 = tpu.memref_slice %arg3[%add3A, %add3A_255, %dma_wait3A_607] : memref<32x80x128xi32, #tpu.memory_space<hbm>> -> memref<1x1x128xi32, #tpu.memory_space<hbm>>
        %dma_wait3A_609 = tpu.memref_squeeze %dma_wait3A_608 : memref<1x1x128xi32, #tpu.memory_space<hbm>> -> memref<128xi32, #tpu.memory_space<hbm>>
        %dma_wait3A_610 = arith.constant 0 : i32
        %dma_wait3A_611 = tpu.memref_slice %arg14[%dma_wait3A, %dma_wait3A_610] : memref<1x128xi32, #tpu.memory_space<vmem>> -> memref<1x128xi32, #tpu.memory_space<vmem>>
        %dma_wait3A_612 = tpu.memref_squeeze %dma_wait3A_611 : memref<1x128xi32, #tpu.memory_space<vmem>> -> memref<128xi32, #tpu.memory_space<vmem>>
        %dma_wait3A_613 = arith.constant 0 : i32
        %dma_wait3A_614 = tpu.memref_slice %arg3[%add3A, %add3A_255, %dma_wait3A_613] : memref<32x80x128xi32, #tpu.memory_space<hbm>> -> memref<1x1x128xi32, #tpu.memory_space<hbm>>
        %dma_wait3A_615 = tpu.memref_squeeze %dma_wait3A_614 : memref<1x1x128xi32, #tpu.memory_space<hbm>> -> memref<128xi32, #tpu.memory_space<hbm>>
        tpu.wait_dma2 semaphore(%arg29 : memref<!tpu.dma_semaphore, #tpu.memory_space<semaphore_mem>>) src(%dma_wait3A_615 : memref<128xi32, #tpu.memory_space<hbm>>) dst(%dma_wait3A_612 : memref<128xi32, #tpu.memory_space<vmem>>)
        %dma_wait3A_616 = arith.constant 0 : i32
        %dma_wait3A_617 = arith.constant 0 : i32
        %dma_wait3A_618 = tpu.memref_slice %arg15[%dma_wait3A_616, %dma_wait3A_617] : memref<1x128xi32, #tpu.memory_space<vmem>> -> memref<1x128xi32, #tpu.memory_space<vmem>>
        %dma_wait3A_619 = tpu.memref_squeeze %dma_wait3A_618 : memref<1x128xi32, #tpu.memory_space<vmem>> -> memref<128xi32, #tpu.memory_space<vmem>>
        %dma_wait3A_620 = arith.constant 0 : i32
        %dma_wait3A_621 = tpu.memref_slice %arg4[%add3A, %add3A_255, %dma_wait3A_620] : memref<32x80x128xi32, #tpu.memory_space<hbm>> -> memref<1x1x128xi32, #tpu.memory_space<hbm>>
        %dma_wait3A_622 = tpu.memref_squeeze %dma_wait3A_621 : memref<1x1x128xi32, #tpu.memory_space<hbm>> -> memref<128xi32, #tpu.memory_space<hbm>>
        %dma_wait3A_623 = arith.constant 0 : i32
        %dma_wait3A_624 = tpu.memref_slice %arg15[%dma_wait3A_616, %dma_wait3A_623] : memref<1x128xi32, #tpu.memory_space<vmem>> -> memref<1x128xi32, #tpu.memory_space<vmem>>
        %dma_wait3A_625 = tpu.memref_squeeze %dma_wait3A_624 : memref<1x128xi32, #tpu.memory_space<vmem>> -> memref<128xi32, #tpu.memory_space<vmem>>
        %dma_wait3A_626 = arith.constant 0 : i32
        %dma_wait3A_627 = tpu.memref_slice %arg4[%add3A, %add3A_255, %dma_wait3A_626] : memref<32x80x128xi32, #tpu.memory_space<hbm>> -> memref<1x1x128xi32, #tpu.memory_space<hbm>>
        %dma_wait3A_628 = tpu.memref_squeeze %dma_wait3A_627 : memref<1x1x128xi32, #tpu.memory_space<hbm>> -> memref<128xi32, #tpu.memory_space<hbm>>
        tpu.wait_dma2 semaphore(%arg29 : memref<!tpu.dma_semaphore, #tpu.memory_space<semaphore_mem>>) src(%dma_wait3A_628 : memref<128xi32, #tpu.memory_space<hbm>>) dst(%dma_wait3A_625 : memref<128xi32, #tpu.memory_space<vmem>>)
        %dma_start3A_629 = arith.constant 0 : i32
        %dma_start3A_630 = arith.constant 0 : i32
        %dma_start3A_631 = tpu.memref_slice %arg14[%dma_start3A_629, %dma_start3A_630] : memref<1x128xi32, #tpu.memory_space<vmem>> -> memref<1x128xi32, #tpu.memory_space<vmem>>
        %dma_start3A_632 = tpu.memref_squeeze %dma_start3A_631 : memref<1x128xi32, #tpu.memory_space<vmem>> -> memref<128xi32, #tpu.memory_space<vmem>>
        %dma_start3A_633 = arith.constant 0 : i32
        %dma_start3A_634 = arith.constant 0 : i32
        %dma_start3A_635 = tpu.memref_slice %arg2[%dma_start3A_633, %dma_start3A_634] : memref<10048x128xf32, #tpu.memory_space<hbm>> -> memref<10048x128xf32, #tpu.memory_space<hbm>>
        tpu.enqueue_indirect_dma source(%dma_start3A_635 : memref<10048x128xf32, #tpu.memory_space<hbm>>) target(%arg17 : memref<128x128xf32, #tpu.memory_space<vmem>>) offsets(%dma_start3A_632 : memref<128xi32, #tpu.memory_space<vmem>>) semaphore(%arg20 : memref<!tpu.dma_semaphore, #tpu.memory_space<semaphore_mem>>)
      } else {
      }
      %ge3A_276 = arith.constant 2 : i32
      %ge3A_277 = arith.cmpi sge, %add3A_255, %ge3A_276 : i32
      %lt3A_278 = arith.constant 82 : i32
      %lt3A_279 = arith.cmpi slt, %add3A_255, %lt3A_278 : i32
      %and3A_280 = arith.andi %ge3A_277, %lt3A_279 : i1
      %convert_element_type3A_281 = arith.extui %and3A_280 : i1 to i32
      %cond3A_282 = arith.constant 0 : i32
      %cond3A_283 = arith.cmpi ne, %convert_element_type3A_281, %cond3A_282 : i32
      scf.if %cond3A_283 {
        %dma_wait3A = arith.constant 0 : i32
        %dma_wait3A_604 = arith.constant 0 : i32
        %dma_wait3A_605 = tpu.memref_slice %arg10[%dma_wait3A, %dma_wait3A_604] : memref<1x128xi32, #tpu.memory_space<vmem>> -> memref<1x128xi32, #tpu.memory_space<vmem>>
        %dma_wait3A_606 = tpu.memref_squeeze %dma_wait3A_605 : memref<1x128xi32, #tpu.memory_space<vmem>> -> memref<128xi32, #tpu.memory_space<vmem>>
        %dma_wait3A_607 = arith.constant 0 : i32
        %dma_wait3A_608 = arith.constant 0 : i32
        %dma_wait3A_609 = tpu.memref_slice %arg2[%dma_wait3A_607, %dma_wait3A_608] : memref<10048x128xf32, #tpu.memory_space<hbm>> -> memref<10048x128xf32, #tpu.memory_space<hbm>>
        tpu.wait_indirect_dma semaphore(%arg21 : memref<!tpu.dma_semaphore, #tpu.memory_space<semaphore_mem>>) src(%dma_wait3A_609 : memref<10048x128xf32, #tpu.memory_space<hbm>>) dst(%arg18 : memref<128x128xf32, #tpu.memory_space<vmem>>)
        %dma_start3A_610 = arith.constant 0 : i32
        %dma_start3A_611 = arith.constant 0 : i32
        %dma_start3A_612 = tpu.memref_slice %arg11[%dma_start3A_610, %dma_start3A_611] : memref<1x128xi32, #tpu.memory_space<vmem>> -> memref<1x128xi32, #tpu.memory_space<vmem>>
        %dma_start3A_613 = tpu.memref_squeeze %dma_start3A_612 : memref<1x128xi32, #tpu.memory_space<vmem>> -> memref<128xi32, #tpu.memory_space<vmem>>
        %dma_start3A_614 = arith.constant 0 : i32
        %dma_start3A_615 = arith.constant 0 : i32
        %dma_start3A_616 = tpu.memref_slice %arg30[%dma_start3A_614, %dma_start3A_615] : memref<10048x128xf32, #tpu.memory_space<vmem_shared>> -> memref<10048x128xf32, #tpu.memory_space<vmem_shared>>
        tpu.enqueue_indirect_dma source(%arg18 : memref<128x128xf32, #tpu.memory_space<vmem>>) target(%dma_start3A_616 : memref<10048x128xf32, #tpu.memory_space<vmem_shared>>) offsets(%dma_start3A_613 : memref<128xi32, #tpu.memory_space<vmem>>) semaphore(%arg24 : memref<!tpu.dma_semaphore, #tpu.memory_space<semaphore_mem>>) {add = true}
      } else {
      }
      %mul3A_284 = arith.constant 15 : i32
      %mul3A_285 = arith.muli %mul3A_284, %scan3A_124 : i32
      %add3A_286 = arith.constant 5 : i32
      %add3A_287 = arith.addi %mul3A_285, %add3A_286 : i32
      %ge3A_288 = arith.constant 3 : i32
      %ge3A_289 = arith.cmpi sge, %add3A_287, %ge3A_288 : i32
      %lt3A_290 = arith.constant 83 : i32
      %lt3A_291 = arith.cmpi slt, %add3A_287, %lt3A_290 : i32
      %and3A_292 = arith.andi %ge3A_289, %lt3A_291 : i1
      %convert_element_type3A_293 = arith.extui %and3A_292 : i1 to i32
      %cond3A_294 = arith.constant 0 : i32
      %cond3A_295 = arith.cmpi ne, %convert_element_type3A_293, %cond3A_294 : i32
      scf.if %cond3A_295 {
        %dma_wait3A = arith.constant 0 : i32
        %dma_wait3A_604 = arith.constant 0 : i32
        %dma_wait3A_605 = tpu.memref_slice %arg11[%dma_wait3A, %dma_wait3A_604] : memref<1x128xi32, #tpu.memory_space<vmem>> -> memref<1x128xi32, #tpu.memory_space<vmem>>
        %dma_wait3A_606 = tpu.memref_squeeze %dma_wait3A_605 : memref<1x128xi32, #tpu.memory_space<vmem>> -> memref<128xi32, #tpu.memory_space<vmem>>
        %dma_wait3A_607 = arith.constant 0 : i32
        %dma_wait3A_608 = arith.constant 0 : i32
        %dma_wait3A_609 = tpu.memref_slice %arg30[%dma_wait3A_607, %dma_wait3A_608] : memref<10048x128xf32, #tpu.memory_space<vmem_shared>> -> memref<10048x128xf32, #tpu.memory_space<vmem_shared>>
        tpu.wait_indirect_dma semaphore(%arg24 : memref<!tpu.dma_semaphore, #tpu.memory_space<semaphore_mem>>) src(%arg18 : memref<128x128xf32, #tpu.memory_space<vmem>>) dst(%dma_wait3A_609 : memref<10048x128xf32, #tpu.memory_space<vmem_shared>>)
      } else {
      }
      %add3A_296 = arith.constant 2 : i32
      %add3A_297 = arith.addi %add3A_287, %add3A_296 : i32
      %lt3A_298 = arith.constant 80 : i32
      %lt3A_299 = arith.cmpi slt, %add3A_297, %lt3A_298 : i32
      %convert_element_type3A_300 = arith.extui %lt3A_299 : i1 to i32
      %cond3A_301 = arith.constant 0 : i32
      %cond3A_302 = arith.cmpi ne, %convert_element_type3A_300, %cond3A_301 : i32
      scf.if %cond3A_302 {
        %add3A_604 = arith.constant 2 : i32
        %add3A_605 = arith.addi %add3A_287, %add3A_604 : i32
        %dma_start3A_606 = arith.constant 0 : i32
        %dma_start3A_607 = arith.constant 0 : i32
        %dma_start3A_608 = tpu.memref_slice %arg10[%dma_start3A_606, %dma_start3A_607] : memref<1x128xi32, #tpu.memory_space<vmem>> -> memref<1x128xi32, #tpu.memory_space<vmem>>
        %dma_start3A_609 = tpu.memref_squeeze %dma_start3A_608 : memref<1x128xi32, #tpu.memory_space<vmem>> -> memref<128xi32, #tpu.memory_space<vmem>>
        %dma_start3A_610 = arith.constant 0 : i32
        %dma_start3A_611 = tpu.memref_slice %arg3[%add3A, %add3A_605, %dma_start3A_610] : memref<32x80x128xi32, #tpu.memory_space<hbm>> -> memref<1x1x128xi32, #tpu.memory_space<hbm>>
        %dma_start3A_612 = tpu.memref_squeeze %dma_start3A_611 : memref<1x1x128xi32, #tpu.memory_space<hbm>> -> memref<128xi32, #tpu.memory_space<hbm>>
        %dma_start3A_613 = arith.constant 0 : i32
        %dma_start3A_614 = tpu.memref_slice %arg10[%dma_start3A_606, %dma_start3A_613] : memref<1x128xi32, #tpu.memory_space<vmem>> -> memref<1x128xi32, #tpu.memory_space<vmem>>
        %dma_start3A_615 = tpu.memref_squeeze %dma_start3A_614 : memref<1x128xi32, #tpu.memory_space<vmem>> -> memref<128xi32, #tpu.memory_space<vmem>>
        %dma_start3A_616 = arith.constant 0 : i32
        %dma_start3A_617 = tpu.memref_slice %arg3[%add3A, %add3A_605, %dma_start3A_616] : memref<32x80x128xi32, #tpu.memory_space<hbm>> -> memref<1x1x128xi32, #tpu.memory_space<hbm>>
        %dma_start3A_618 = tpu.memref_squeeze %dma_start3A_617 : memref<1x1x128xi32, #tpu.memory_space<hbm>> -> memref<128xi32, #tpu.memory_space<hbm>>
        tpu.enqueue_dma source(%dma_start3A_618 : memref<128xi32, #tpu.memory_space<hbm>>) target(%dma_start3A_615 : memref<128xi32, #tpu.memory_space<vmem>>) target_semaphore(%arg27 : memref<!tpu.dma_semaphore, #tpu.memory_space<semaphore_mem>>)
        %dma_start3A_619 = arith.constant 0 : i32
        %dma_start3A_620 = arith.constant 0 : i32
        %dma_start3A_621 = tpu.memref_slice %arg11[%dma_start3A_619, %dma_start3A_620] : memref<1x128xi32, #tpu.memory_space<vmem>> -> memref<1x128xi32, #tpu.memory_space<vmem>>
        %dma_start3A_622 = tpu.memref_squeeze %dma_start3A_621 : memref<1x128xi32, #tpu.memory_space<vmem>> -> memref<128xi32, #tpu.memory_space<vmem>>
        %dma_start3A_623 = arith.constant 0 : i32
        %dma_start3A_624 = tpu.memref_slice %arg4[%add3A, %add3A_605, %dma_start3A_623] : memref<32x80x128xi32, #tpu.memory_space<hbm>> -> memref<1x1x128xi32, #tpu.memory_space<hbm>>
        %dma_start3A_625 = tpu.memref_squeeze %dma_start3A_624 : memref<1x1x128xi32, #tpu.memory_space<hbm>> -> memref<128xi32, #tpu.memory_space<hbm>>
        %dma_start3A_626 = arith.constant 0 : i32
        %dma_start3A_627 = tpu.memref_slice %arg11[%dma_start3A_619, %dma_start3A_626] : memref<1x128xi32, #tpu.memory_space<vmem>> -> memref<1x128xi32, #tpu.memory_space<vmem>>
        %dma_start3A_628 = tpu.memref_squeeze %dma_start3A_627 : memref<1x128xi32, #tpu.memory_space<vmem>> -> memref<128xi32, #tpu.memory_space<vmem>>
        %dma_start3A_629 = arith.constant 0 : i32
        %dma_start3A_630 = tpu.memref_slice %arg4[%add3A, %add3A_605, %dma_start3A_629] : memref<32x80x128xi32, #tpu.memory_space<hbm>> -> memref<1x1x128xi32, #tpu.memory_space<hbm>>
        %dma_start3A_631 = tpu.memref_squeeze %dma_start3A_630 : memref<1x1x128xi32, #tpu.memory_space<hbm>> -> memref<128xi32, #tpu.memory_space<hbm>>
        tpu.enqueue_dma source(%dma_start3A_631 : memref<128xi32, #tpu.memory_space<hbm>>) target(%dma_start3A_628 : memref<128xi32, #tpu.memory_space<vmem>>) target_semaphore(%arg27 : memref<!tpu.dma_semaphore, #tpu.memory_space<semaphore_mem>>)
      } else {
      }
      %lt3A_303 = arith.constant 80 : i32
      %lt3A_304 = arith.cmpi slt, %add3A_287, %lt3A_303 : i32
      %convert_element_type3A_305 = arith.extui %lt3A_304 : i1 to i32
      %cond3A_306 = arith.constant 0 : i32
      %cond3A_307 = arith.cmpi ne, %convert_element_type3A_305, %cond3A_306 : i32
      scf.if %cond3A_307 {
        %dma_wait3A = arith.constant 0 : i32
        %dma_wait3A_604 = arith.constant 0 : i32
        %dma_wait3A_605 = tpu.memref_slice %arg6[%dma_wait3A, %dma_wait3A_604] : memref<1x128xi32, #tpu.memory_space<vmem>> -> memref<1x128xi32, #tpu.memory_space<vmem>>
        %dma_wait3A_606 = tpu.memref_squeeze %dma_wait3A_605 : memref<1x128xi32, #tpu.memory_space<vmem>> -> memref<128xi32, #tpu.memory_space<vmem>>
        %dma_wait3A_607 = arith.constant 0 : i32
        %dma_wait3A_608 = tpu.memref_slice %arg3[%add3A, %add3A_287, %dma_wait3A_607] : memref<32x80x128xi32, #tpu.memory_space<hbm>> -> memref<1x1x128xi32, #tpu.memory_space<hbm>>
        %dma_wait3A_609 = tpu.memref_squeeze %dma_wait3A_608 : memref<1x1x128xi32, #tpu.memory_space<hbm>> -> memref<128xi32, #tpu.memory_space<hbm>>
        %dma_wait3A_610 = arith.constant 0 : i32
        %dma_wait3A_611 = tpu.memref_slice %arg6[%dma_wait3A, %dma_wait3A_610] : memref<1x128xi32, #tpu.memory_space<vmem>> -> memref<1x128xi32, #tpu.memory_space<vmem>>
        %dma_wait3A_612 = tpu.memref_squeeze %dma_wait3A_611 : memref<1x128xi32, #tpu.memory_space<vmem>> -> memref<128xi32, #tpu.memory_space<vmem>>
        %dma_wait3A_613 = arith.constant 0 : i32
        %dma_wait3A_614 = tpu.memref_slice %arg3[%add3A, %add3A_287, %dma_wait3A_613] : memref<32x80x128xi32, #tpu.memory_space<hbm>> -> memref<1x1x128xi32, #tpu.memory_space<hbm>>
        %dma_wait3A_615 = tpu.memref_squeeze %dma_wait3A_614 : memref<1x1x128xi32, #tpu.memory_space<hbm>> -> memref<128xi32, #tpu.memory_space<hbm>>
        tpu.wait_dma2 semaphore(%arg25 : memref<!tpu.dma_semaphore, #tpu.memory_space<semaphore_mem>>) src(%dma_wait3A_615 : memref<128xi32, #tpu.memory_space<hbm>>) dst(%dma_wait3A_612 : memref<128xi32, #tpu.memory_space<vmem>>)
        %dma_wait3A_616 = arith.constant 0 : i32
        %dma_wait3A_617 = arith.constant 0 : i32
        %dma_wait3A_618 = tpu.memref_slice %arg7[%dma_wait3A_616, %dma_wait3A_617] : memref<1x128xi32, #tpu.memory_space<vmem>> -> memref<1x128xi32, #tpu.memory_space<vmem>>
        %dma_wait3A_619 = tpu.memref_squeeze %dma_wait3A_618 : memref<1x128xi32, #tpu.memory_space<vmem>> -> memref<128xi32, #tpu.memory_space<vmem>>
        %dma_wait3A_620 = arith.constant 0 : i32
        %dma_wait3A_621 = tpu.memref_slice %arg4[%add3A, %add3A_287, %dma_wait3A_620] : memref<32x80x128xi32, #tpu.memory_space<hbm>> -> memref<1x1x128xi32, #tpu.memory_space<hbm>>
        %dma_wait3A_622 = tpu.memref_squeeze %dma_wait3A_621 : memref<1x1x128xi32, #tpu.memory_space<hbm>> -> memref<128xi32, #tpu.memory_space<hbm>>
        %dma_wait3A_623 = arith.constant 0 : i32
        %dma_wait3A_624 = tpu.memref_slice %arg7[%dma_wait3A_616, %dma_wait3A_623] : memref<1x128xi32, #tpu.memory_space<vmem>> -> memref<1x128xi32, #tpu.memory_space<vmem>>
        %dma_wait3A_625 = tpu.memref_squeeze %dma_wait3A_624 : memref<1x128xi32, #tpu.memory_space<vmem>> -> memref<128xi32, #tpu.memory_space<vmem>>
        %dma_wait3A_626 = arith.constant 0 : i32
        %dma_wait3A_627 = tpu.memref_slice %arg4[%add3A, %add3A_287, %dma_wait3A_626] : memref<32x80x128xi32, #tpu.memory_space<hbm>> -> memref<1x1x128xi32, #tpu.memory_space<hbm>>
        %dma_wait3A_628 = tpu.memref_squeeze %dma_wait3A_627 : memref<1x1x128xi32, #tpu.memory_space<hbm>> -> memref<128xi32, #tpu.memory_space<hbm>>
        tpu.wait_dma2 semaphore(%arg25 : memref<!tpu.dma_semaphore, #tpu.memory_space<semaphore_mem>>) src(%dma_wait3A_628 : memref<128xi32, #tpu.memory_space<hbm>>) dst(%dma_wait3A_625 : memref<128xi32, #tpu.memory_space<vmem>>)
        %dma_start3A_629 = arith.constant 0 : i32
        %dma_start3A_630 = arith.constant 0 : i32
        %dma_start3A_631 = tpu.memref_slice %arg6[%dma_start3A_629, %dma_start3A_630] : memref<1x128xi32, #tpu.memory_space<vmem>> -> memref<1x128xi32, #tpu.memory_space<vmem>>
        %dma_start3A_632 = tpu.memref_squeeze %dma_start3A_631 : memref<1x128xi32, #tpu.memory_space<vmem>> -> memref<128xi32, #tpu.memory_space<vmem>>
        %dma_start3A_633 = arith.constant 0 : i32
        %dma_start3A_634 = arith.constant 0 : i32
        %dma_start3A_635 = tpu.memref_slice %arg2[%dma_start3A_633, %dma_start3A_634] : memref<10048x128xf32, #tpu.memory_space<hbm>> -> memref<10048x128xf32, #tpu.memory_space<hbm>>
        tpu.enqueue_indirect_dma source(%dma_start3A_635 : memref<10048x128xf32, #tpu.memory_space<hbm>>) target(%arg18 : memref<128x128xf32, #tpu.memory_space<vmem>>) offsets(%dma_start3A_632 : memref<128xi32, #tpu.memory_space<vmem>>) semaphore(%arg21 : memref<!tpu.dma_semaphore, #tpu.memory_space<semaphore_mem>>)
      } else {
      }
      %ge3A_308 = arith.constant 2 : i32
      %ge3A_309 = arith.cmpi sge, %add3A_287, %ge3A_308 : i32
      %lt3A_310 = arith.constant 82 : i32
      %lt3A_311 = arith.cmpi slt, %add3A_287, %lt3A_310 : i32
      %and3A_312 = arith.andi %ge3A_309, %lt3A_311 : i1
      %convert_element_type3A_313 = arith.extui %and3A_312 : i1 to i32
      %cond3A_314 = arith.constant 0 : i32
      %cond3A_315 = arith.cmpi ne, %convert_element_type3A_313, %cond3A_314 : i32
      scf.if %cond3A_315 {
        %dma_wait3A = arith.constant 0 : i32
        %dma_wait3A_604 = arith.constant 0 : i32
        %dma_wait3A_605 = tpu.memref_slice %arg12[%dma_wait3A, %dma_wait3A_604] : memref<1x128xi32, #tpu.memory_space<vmem>> -> memref<1x128xi32, #tpu.memory_space<vmem>>
        %dma_wait3A_606 = tpu.memref_squeeze %dma_wait3A_605 : memref<1x128xi32, #tpu.memory_space<vmem>> -> memref<128xi32, #tpu.memory_space<vmem>>
        %dma_wait3A_607 = arith.constant 0 : i32
        %dma_wait3A_608 = arith.constant 0 : i32
        %dma_wait3A_609 = tpu.memref_slice %arg2[%dma_wait3A_607, %dma_wait3A_608] : memref<10048x128xf32, #tpu.memory_space<hbm>> -> memref<10048x128xf32, #tpu.memory_space<hbm>>
        tpu.wait_indirect_dma semaphore(%arg19 : memref<!tpu.dma_semaphore, #tpu.memory_space<semaphore_mem>>) src(%dma_wait3A_609 : memref<10048x128xf32, #tpu.memory_space<hbm>>) dst(%arg16 : memref<128x128xf32, #tpu.memory_space<vmem>>)
        %dma_start3A_610 = arith.constant 0 : i32
        %dma_start3A_611 = arith.constant 0 : i32
        %dma_start3A_612 = tpu.memref_slice %arg13[%dma_start3A_610, %dma_start3A_611] : memref<1x128xi32, #tpu.memory_space<vmem>> -> memref<1x128xi32, #tpu.memory_space<vmem>>
        %dma_start3A_613 = tpu.memref_squeeze %dma_start3A_612 : memref<1x128xi32, #tpu.memory_space<vmem>> -> memref<128xi32, #tpu.memory_space<vmem>>
        %dma_start3A_614 = arith.constant 0 : i32
        %dma_start3A_615 = arith.constant 0 : i32
        %dma_start3A_616 = tpu.memref_slice %arg30[%dma_start3A_614, %dma_start3A_615] : memref<10048x128xf32, #tpu.memory_space<vmem_shared>> -> memref<10048x128xf32, #tpu.memory_space<vmem_shared>>
        tpu.enqueue_indirect_dma source(%arg16 : memref<128x128xf32, #tpu.memory_space<vmem>>) target(%dma_start3A_616 : memref<10048x128xf32, #tpu.memory_space<vmem_shared>>) offsets(%dma_start3A_613 : memref<128xi32, #tpu.memory_space<vmem>>) semaphore(%arg22 : memref<!tpu.dma_semaphore, #tpu.memory_space<semaphore_mem>>) {add = true}
      } else {
      }
      %mul3A_316 = arith.constant 15 : i32
      %mul3A_317 = arith.muli %mul3A_316, %scan3A_124 : i32
      %add3A_318 = arith.constant 6 : i32
      %add3A_319 = arith.addi %mul3A_317, %add3A_318 : i32
      %ge3A_320 = arith.constant 3 : i32
      %ge3A_321 = arith.cmpi sge, %add3A_319, %ge3A_320 : i32
      %lt3A_322 = arith.constant 83 : i32
      %lt3A_323 = arith.cmpi slt, %add3A_319, %lt3A_322 : i32
      %and3A_324 = arith.andi %ge3A_321, %lt3A_323 : i1
      %convert_element_type3A_325 = arith.extui %and3A_324 : i1 to i32
      %cond3A_326 = arith.constant 0 : i32
      %cond3A_327 = arith.cmpi ne, %convert_element_type3A_325, %cond3A_326 : i32
      scf.if %cond3A_327 {
        %dma_wait3A = arith.constant 0 : i32
        %dma_wait3A_604 = arith.constant 0 : i32
        %dma_wait3A_605 = tpu.memref_slice %arg13[%dma_wait3A, %dma_wait3A_604] : memref<1x128xi32, #tpu.memory_space<vmem>> -> memref<1x128xi32, #tpu.memory_space<vmem>>
        %dma_wait3A_606 = tpu.memref_squeeze %dma_wait3A_605 : memref<1x128xi32, #tpu.memory_space<vmem>> -> memref<128xi32, #tpu.memory_space<vmem>>
        %dma_wait3A_607 = arith.constant 0 : i32
        %dma_wait3A_608 = arith.constant 0 : i32
        %dma_wait3A_609 = tpu.memref_slice %arg30[%dma_wait3A_607, %dma_wait3A_608] : memref<10048x128xf32, #tpu.memory_space<vmem_shared>> -> memref<10048x128xf32, #tpu.memory_space<vmem_shared>>
        tpu.wait_indirect_dma semaphore(%arg22 : memref<!tpu.dma_semaphore, #tpu.memory_space<semaphore_mem>>) src(%arg16 : memref<128x128xf32, #tpu.memory_space<vmem>>) dst(%dma_wait3A_609 : memref<10048x128xf32, #tpu.memory_space<vmem_shared>>)
      } else {
      }
      %add3A_328 = arith.constant 2 : i32
      %add3A_329 = arith.addi %add3A_319, %add3A_328 : i32
      %lt3A_330 = arith.constant 80 : i32
      %lt3A_331 = arith.cmpi slt, %add3A_329, %lt3A_330 : i32
      %convert_element_type3A_332 = arith.extui %lt3A_331 : i1 to i32
      %cond3A_333 = arith.constant 0 : i32
      %cond3A_334 = arith.cmpi ne, %convert_element_type3A_332, %cond3A_333 : i32
      scf.if %cond3A_334 {
        %add3A_604 = arith.constant 2 : i32
        %add3A_605 = arith.addi %add3A_319, %add3A_604 : i32
        %dma_start3A_606 = arith.constant 0 : i32
        %dma_start3A_607 = arith.constant 0 : i32
        %dma_start3A_608 = tpu.memref_slice %arg12[%dma_start3A_606, %dma_start3A_607] : memref<1x128xi32, #tpu.memory_space<vmem>> -> memref<1x128xi32, #tpu.memory_space<vmem>>
        %dma_start3A_609 = tpu.memref_squeeze %dma_start3A_608 : memref<1x128xi32, #tpu.memory_space<vmem>> -> memref<128xi32, #tpu.memory_space<vmem>>
        %dma_start3A_610 = arith.constant 0 : i32
        %dma_start3A_611 = tpu.memref_slice %arg3[%add3A, %add3A_605, %dma_start3A_610] : memref<32x80x128xi32, #tpu.memory_space<hbm>> -> memref<1x1x128xi32, #tpu.memory_space<hbm>>
        %dma_start3A_612 = tpu.memref_squeeze %dma_start3A_611 : memref<1x1x128xi32, #tpu.memory_space<hbm>> -> memref<128xi32, #tpu.memory_space<hbm>>
        %dma_start3A_613 = arith.constant 0 : i32
        %dma_start3A_614 = tpu.memref_slice %arg12[%dma_start3A_606, %dma_start3A_613] : memref<1x128xi32, #tpu.memory_space<vmem>> -> memref<1x128xi32, #tpu.memory_space<vmem>>
        %dma_start3A_615 = tpu.memref_squeeze %dma_start3A_614 : memref<1x128xi32, #tpu.memory_space<vmem>> -> memref<128xi32, #tpu.memory_space<vmem>>
        %dma_start3A_616 = arith.constant 0 : i32
        %dma_start3A_617 = tpu.memref_slice %arg3[%add3A, %add3A_605, %dma_start3A_616] : memref<32x80x128xi32, #tpu.memory_space<hbm>> -> memref<1x1x128xi32, #tpu.memory_space<hbm>>
        %dma_start3A_618 = tpu.memref_squeeze %dma_start3A_617 : memref<1x1x128xi32, #tpu.memory_space<hbm>> -> memref<128xi32, #tpu.memory_space<hbm>>
        tpu.enqueue_dma source(%dma_start3A_618 : memref<128xi32, #tpu.memory_space<hbm>>) target(%dma_start3A_615 : memref<128xi32, #tpu.memory_space<vmem>>) target_semaphore(%arg28 : memref<!tpu.dma_semaphore, #tpu.memory_space<semaphore_mem>>)
        %dma_start3A_619 = arith.constant 0 : i32
        %dma_start3A_620 = arith.constant 0 : i32
        %dma_start3A_621 = tpu.memref_slice %arg13[%dma_start3A_619, %dma_start3A_620] : memref<1x128xi32, #tpu.memory_space<vmem>> -> memref<1x128xi32, #tpu.memory_space<vmem>>
        %dma_start3A_622 = tpu.memref_squeeze %dma_start3A_621 : memref<1x128xi32, #tpu.memory_space<vmem>> -> memref<128xi32, #tpu.memory_space<vmem>>
        %dma_start3A_623 = arith.constant 0 : i32
        %dma_start3A_624 = tpu.memref_slice %arg4[%add3A, %add3A_605, %dma_start3A_623] : memref<32x80x128xi32, #tpu.memory_space<hbm>> -> memref<1x1x128xi32, #tpu.memory_space<hbm>>
        %dma_start3A_625 = tpu.memref_squeeze %dma_start3A_624 : memref<1x1x128xi32, #tpu.memory_space<hbm>> -> memref<128xi32, #tpu.memory_space<hbm>>
        %dma_start3A_626 = arith.constant 0 : i32
        %dma_start3A_627 = tpu.memref_slice %arg13[%dma_start3A_619, %dma_start3A_626] : memref<1x128xi32, #tpu.memory_space<vmem>> -> memref<1x128xi32, #tpu.memory_space<vmem>>
        %dma_start3A_628 = tpu.memref_squeeze %dma_start3A_627 : memref<1x128xi32, #tpu.memory_space<vmem>> -> memref<128xi32, #tpu.memory_space<vmem>>
        %dma_start3A_629 = arith.constant 0 : i32
        %dma_start3A_630 = tpu.memref_slice %arg4[%add3A, %add3A_605, %dma_start3A_629] : memref<32x80x128xi32, #tpu.memory_space<hbm>> -> memref<1x1x128xi32, #tpu.memory_space<hbm>>
        %dma_start3A_631 = tpu.memref_squeeze %dma_start3A_630 : memref<1x1x128xi32, #tpu.memory_space<hbm>> -> memref<128xi32, #tpu.memory_space<hbm>>
        tpu.enqueue_dma source(%dma_start3A_631 : memref<128xi32, #tpu.memory_space<hbm>>) target(%dma_start3A_628 : memref<128xi32, #tpu.memory_space<vmem>>) target_semaphore(%arg28 : memref<!tpu.dma_semaphore, #tpu.memory_space<semaphore_mem>>)
      } else {
      }
      %lt3A_335 = arith.constant 80 : i32
      %lt3A_336 = arith.cmpi slt, %add3A_319, %lt3A_335 : i32
      %convert_element_type3A_337 = arith.extui %lt3A_336 : i1 to i32
      %cond3A_338 = arith.constant 0 : i32
      %cond3A_339 = arith.cmpi ne, %convert_element_type3A_337, %cond3A_338 : i32
      scf.if %cond3A_339 {
        %dma_wait3A = arith.constant 0 : i32
        %dma_wait3A_604 = arith.constant 0 : i32
        %dma_wait3A_605 = tpu.memref_slice %arg8[%dma_wait3A, %dma_wait3A_604] : memref<1x128xi32, #tpu.memory_space<vmem>> -> memref<1x128xi32, #tpu.memory_space<vmem>>
        %dma_wait3A_606 = tpu.memref_squeeze %dma_wait3A_605 : memref<1x128xi32, #tpu.memory_space<vmem>> -> memref<128xi32, #tpu.memory_space<vmem>>
        %dma_wait3A_607 = arith.constant 0 : i32
        %dma_wait3A_608 = tpu.memref_slice %arg3[%add3A, %add3A_319, %dma_wait3A_607] : memref<32x80x128xi32, #tpu.memory_space<hbm>> -> memref<1x1x128xi32, #tpu.memory_space<hbm>>
        %dma_wait3A_609 = tpu.memref_squeeze %dma_wait3A_608 : memref<1x1x128xi32, #tpu.memory_space<hbm>> -> memref<128xi32, #tpu.memory_space<hbm>>
        %dma_wait3A_610 = arith.constant 0 : i32
        %dma_wait3A_611 = tpu.memref_slice %arg8[%dma_wait3A, %dma_wait3A_610] : memref<1x128xi32, #tpu.memory_space<vmem>> -> memref<1x128xi32, #tpu.memory_space<vmem>>
        %dma_wait3A_612 = tpu.memref_squeeze %dma_wait3A_611 : memref<1x128xi32, #tpu.memory_space<vmem>> -> memref<128xi32, #tpu.memory_space<vmem>>
        %dma_wait3A_613 = arith.constant 0 : i32
        %dma_wait3A_614 = tpu.memref_slice %arg3[%add3A, %add3A_319, %dma_wait3A_613] : memref<32x80x128xi32, #tpu.memory_space<hbm>> -> memref<1x1x128xi32, #tpu.memory_space<hbm>>
        %dma_wait3A_615 = tpu.memref_squeeze %dma_wait3A_614 : memref<1x1x128xi32, #tpu.memory_space<hbm>> -> memref<128xi32, #tpu.memory_space<hbm>>
        tpu.wait_dma2 semaphore(%arg26 : memref<!tpu.dma_semaphore, #tpu.memory_space<semaphore_mem>>) src(%dma_wait3A_615 : memref<128xi32, #tpu.memory_space<hbm>>) dst(%dma_wait3A_612 : memref<128xi32, #tpu.memory_space<vmem>>)
        %dma_wait3A_616 = arith.constant 0 : i32
        %dma_wait3A_617 = arith.constant 0 : i32
        %dma_wait3A_618 = tpu.memref_slice %arg9[%dma_wait3A_616, %dma_wait3A_617] : memref<1x128xi32, #tpu.memory_space<vmem>> -> memref<1x128xi32, #tpu.memory_space<vmem>>
        %dma_wait3A_619 = tpu.memref_squeeze %dma_wait3A_618 : memref<1x128xi32, #tpu.memory_space<vmem>> -> memref<128xi32, #tpu.memory_space<vmem>>
        %dma_wait3A_620 = arith.constant 0 : i32
        %dma_wait3A_621 = tpu.memref_slice %arg4[%add3A, %add3A_319, %dma_wait3A_620] : memref<32x80x128xi32, #tpu.memory_space<hbm>> -> memref<1x1x128xi32, #tpu.memory_space<hbm>>
        %dma_wait3A_622 = tpu.memref_squeeze %dma_wait3A_621 : memref<1x1x128xi32, #tpu.memory_space<hbm>> -> memref<128xi32, #tpu.memory_space<hbm>>
        %dma_wait3A_623 = arith.constant 0 : i32
        %dma_wait3A_624 = tpu.memref_slice %arg9[%dma_wait3A_616, %dma_wait3A_623] : memref<1x128xi32, #tpu.memory_space<vmem>> -> memref<1x128xi32, #tpu.memory_space<vmem>>
        %dma_wait3A_625 = tpu.memref_squeeze %dma_wait3A_624 : memref<1x128xi32, #tpu.memory_space<vmem>> -> memref<128xi32, #tpu.memory_space<vmem>>
        %dma_wait3A_626 = arith.constant 0 : i32
        %dma_wait3A_627 = tpu.memref_slice %arg4[%add3A, %add3A_319, %dma_wait3A_626] : memref<32x80x128xi32, #tpu.memory_space<hbm>> -> memref<1x1x128xi32, #tpu.memory_space<hbm>>
        %dma_wait3A_628 = tpu.memref_squeeze %dma_wait3A_627 : memref<1x1x128xi32, #tpu.memory_space<hbm>> -> memref<128xi32, #tpu.memory_space<hbm>>
        tpu.wait_dma2 semaphore(%arg26 : memref<!tpu.dma_semaphore, #tpu.memory_space<semaphore_mem>>) src(%dma_wait3A_628 : memref<128xi32, #tpu.memory_space<hbm>>) dst(%dma_wait3A_625 : memref<128xi32, #tpu.memory_space<vmem>>)
        %dma_start3A_629 = arith.constant 0 : i32
        %dma_start3A_630 = arith.constant 0 : i32
        %dma_start3A_631 = tpu.memref_slice %arg8[%dma_start3A_629, %dma_start3A_630] : memref<1x128xi32, #tpu.memory_space<vmem>> -> memref<1x128xi32, #tpu.memory_space<vmem>>
        %dma_start3A_632 = tpu.memref_squeeze %dma_start3A_631 : memref<1x128xi32, #tpu.memory_space<vmem>> -> memref<128xi32, #tpu.memory_space<vmem>>
        %dma_start3A_633 = arith.constant 0 : i32
        %dma_start3A_634 = arith.constant 0 : i32
        %dma_start3A_635 = tpu.memref_slice %arg2[%dma_start3A_633, %dma_start3A_634] : memref<10048x128xf32, #tpu.memory_space<hbm>> -> memref<10048x128xf32, #tpu.memory_space<hbm>>
        tpu.enqueue_indirect_dma source(%dma_start3A_635 : memref<10048x128xf32, #tpu.memory_space<hbm>>) target(%arg16 : memref<128x128xf32, #tpu.memory_space<vmem>>) offsets(%dma_start3A_632 : memref<128xi32, #tpu.memory_space<vmem>>) semaphore(%arg19 : memref<!tpu.dma_semaphore, #tpu.memory_space<semaphore_mem>>)
      } else {
      }
      %ge3A_340 = arith.constant 2 : i32
      %ge3A_341 = arith.cmpi sge, %add3A_319, %ge3A_340 : i32
      %lt3A_342 = arith.constant 82 : i32
      %lt3A_343 = arith.cmpi slt, %add3A_319, %lt3A_342 : i32
      %and3A_344 = arith.andi %ge3A_341, %lt3A_343 : i1
      %convert_element_type3A_345 = arith.extui %and3A_344 : i1 to i32
      %cond3A_346 = arith.constant 0 : i32
      %cond3A_347 = arith.cmpi ne, %convert_element_type3A_345, %cond3A_346 : i32
      scf.if %cond3A_347 {
        %dma_wait3A = arith.constant 0 : i32
        %dma_wait3A_604 = arith.constant 0 : i32
        %dma_wait3A_605 = tpu.memref_slice %arg14[%dma_wait3A, %dma_wait3A_604] : memref<1x128xi32, #tpu.memory_space<vmem>> -> memref<1x128xi32, #tpu.memory_space<vmem>>
        %dma_wait3A_606 = tpu.memref_squeeze %dma_wait3A_605 : memref<1x128xi32, #tpu.memory_space<vmem>> -> memref<128xi32, #tpu.memory_space<vmem>>
        %dma_wait3A_607 = arith.constant 0 : i32
        %dma_wait3A_608 = arith.constant 0 : i32
        %dma_wait3A_609 = tpu.memref_slice %arg2[%dma_wait3A_607, %dma_wait3A_608] : memref<10048x128xf32, #tpu.memory_space<hbm>> -> memref<10048x128xf32, #tpu.memory_space<hbm>>
        tpu.wait_indirect_dma semaphore(%arg20 : memref<!tpu.dma_semaphore, #tpu.memory_space<semaphore_mem>>) src(%dma_wait3A_609 : memref<10048x128xf32, #tpu.memory_space<hbm>>) dst(%arg17 : memref<128x128xf32, #tpu.memory_space<vmem>>)
        %dma_start3A_610 = arith.constant 0 : i32
        %dma_start3A_611 = arith.constant 0 : i32
        %dma_start3A_612 = tpu.memref_slice %arg15[%dma_start3A_610, %dma_start3A_611] : memref<1x128xi32, #tpu.memory_space<vmem>> -> memref<1x128xi32, #tpu.memory_space<vmem>>
        %dma_start3A_613 = tpu.memref_squeeze %dma_start3A_612 : memref<1x128xi32, #tpu.memory_space<vmem>> -> memref<128xi32, #tpu.memory_space<vmem>>
        %dma_start3A_614 = arith.constant 0 : i32
        %dma_start3A_615 = arith.constant 0 : i32
        %dma_start3A_616 = tpu.memref_slice %arg30[%dma_start3A_614, %dma_start3A_615] : memref<10048x128xf32, #tpu.memory_space<vmem_shared>> -> memref<10048x128xf32, #tpu.memory_space<vmem_shared>>
        tpu.enqueue_indirect_dma source(%arg17 : memref<128x128xf32, #tpu.memory_space<vmem>>) target(%dma_start3A_616 : memref<10048x128xf32, #tpu.memory_space<vmem_shared>>) offsets(%dma_start3A_613 : memref<128xi32, #tpu.memory_space<vmem>>) semaphore(%arg23 : memref<!tpu.dma_semaphore, #tpu.memory_space<semaphore_mem>>) {add = true}
      } else {
      }
      %mul3A_348 = arith.constant 15 : i32
      %mul3A_349 = arith.muli %mul3A_348, %scan3A_124 : i32
      %add3A_350 = arith.constant 7 : i32
      %add3A_351 = arith.addi %mul3A_349, %add3A_350 : i32
      %ge3A_352 = arith.constant 3 : i32
      %ge3A_353 = arith.cmpi sge, %add3A_351, %ge3A_352 : i32
      %lt3A_354 = arith.constant 83 : i32
      %lt3A_355 = arith.cmpi slt, %add3A_351, %lt3A_354 : i32
      %and3A_356 = arith.andi %ge3A_353, %lt3A_355 : i1
      %convert_element_type3A_357 = arith.extui %and3A_356 : i1 to i32
      %cond3A_358 = arith.constant 0 : i32
      %cond3A_359 = arith.cmpi ne, %convert_element_type3A_357, %cond3A_358 : i32
      scf.if %cond3A_359 {
        %dma_wait3A = arith.constant 0 : i32
        %dma_wait3A_604 = arith.constant 0 : i32
        %dma_wait3A_605 = tpu.memref_slice %arg15[%dma_wait3A, %dma_wait3A_604] : memref<1x128xi32, #tpu.memory_space<vmem>> -> memref<1x128xi32, #tpu.memory_space<vmem>>
        %dma_wait3A_606 = tpu.memref_squeeze %dma_wait3A_605 : memref<1x128xi32, #tpu.memory_space<vmem>> -> memref<128xi32, #tpu.memory_space<vmem>>
        %dma_wait3A_607 = arith.constant 0 : i32
        %dma_wait3A_608 = arith.constant 0 : i32
        %dma_wait3A_609 = tpu.memref_slice %arg30[%dma_wait3A_607, %dma_wait3A_608] : memref<10048x128xf32, #tpu.memory_space<vmem_shared>> -> memref<10048x128xf32, #tpu.memory_space<vmem_shared>>
        tpu.wait_indirect_dma semaphore(%arg23 : memref<!tpu.dma_semaphore, #tpu.memory_space<semaphore_mem>>) src(%arg17 : memref<128x128xf32, #tpu.memory_space<vmem>>) dst(%dma_wait3A_609 : memref<10048x128xf32, #tpu.memory_space<vmem_shared>>)
      } else {
      }
      %add3A_360 = arith.constant 2 : i32
      %add3A_361 = arith.addi %add3A_351, %add3A_360 : i32
      %lt3A_362 = arith.constant 80 : i32
      %lt3A_363 = arith.cmpi slt, %add3A_361, %lt3A_362 : i32
      %convert_element_type3A_364 = arith.extui %lt3A_363 : i1 to i32
      %cond3A_365 = arith.constant 0 : i32
      %cond3A_366 = arith.cmpi ne, %convert_element_type3A_364, %cond3A_365 : i32
      scf.if %cond3A_366 {
        %add3A_604 = arith.constant 2 : i32
        %add3A_605 = arith.addi %add3A_351, %add3A_604 : i32
        %dma_start3A_606 = arith.constant 0 : i32
        %dma_start3A_607 = arith.constant 0 : i32
        %dma_start3A_608 = tpu.memref_slice %arg14[%dma_start3A_606, %dma_start3A_607] : memref<1x128xi32, #tpu.memory_space<vmem>> -> memref<1x128xi32, #tpu.memory_space<vmem>>
        %dma_start3A_609 = tpu.memref_squeeze %dma_start3A_608 : memref<1x128xi32, #tpu.memory_space<vmem>> -> memref<128xi32, #tpu.memory_space<vmem>>
        %dma_start3A_610 = arith.constant 0 : i32
        %dma_start3A_611 = tpu.memref_slice %arg3[%add3A, %add3A_605, %dma_start3A_610] : memref<32x80x128xi32, #tpu.memory_space<hbm>> -> memref<1x1x128xi32, #tpu.memory_space<hbm>>
        %dma_start3A_612 = tpu.memref_squeeze %dma_start3A_611 : memref<1x1x128xi32, #tpu.memory_space<hbm>> -> memref<128xi32, #tpu.memory_space<hbm>>
        %dma_start3A_613 = arith.constant 0 : i32
        %dma_start3A_614 = tpu.memref_slice %arg14[%dma_start3A_606, %dma_start3A_613] : memref<1x128xi32, #tpu.memory_space<vmem>> -> memref<1x128xi32, #tpu.memory_space<vmem>>
        %dma_start3A_615 = tpu.memref_squeeze %dma_start3A_614 : memref<1x128xi32, #tpu.memory_space<vmem>> -> memref<128xi32, #tpu.memory_space<vmem>>
        %dma_start3A_616 = arith.constant 0 : i32
        %dma_start3A_617 = tpu.memref_slice %arg3[%add3A, %add3A_605, %dma_start3A_616] : memref<32x80x128xi32, #tpu.memory_space<hbm>> -> memref<1x1x128xi32, #tpu.memory_space<hbm>>
        %dma_start3A_618 = tpu.memref_squeeze %dma_start3A_617 : memref<1x1x128xi32, #tpu.memory_space<hbm>> -> memref<128xi32, #tpu.memory_space<hbm>>
        tpu.enqueue_dma source(%dma_start3A_618 : memref<128xi32, #tpu.memory_space<hbm>>) target(%dma_start3A_615 : memref<128xi32, #tpu.memory_space<vmem>>) target_semaphore(%arg29 : memref<!tpu.dma_semaphore, #tpu.memory_space<semaphore_mem>>)
        %dma_start3A_619 = arith.constant 0 : i32
        %dma_start3A_620 = arith.constant 0 : i32
        %dma_start3A_621 = tpu.memref_slice %arg15[%dma_start3A_619, %dma_start3A_620] : memref<1x128xi32, #tpu.memory_space<vmem>> -> memref<1x128xi32, #tpu.memory_space<vmem>>
        %dma_start3A_622 = tpu.memref_squeeze %dma_start3A_621 : memref<1x128xi32, #tpu.memory_space<vmem>> -> memref<128xi32, #tpu.memory_space<vmem>>
        %dma_start3A_623 = arith.constant 0 : i32
        %dma_start3A_624 = tpu.memref_slice %arg4[%add3A, %add3A_605, %dma_start3A_623] : memref<32x80x128xi32, #tpu.memory_space<hbm>> -> memref<1x1x128xi32, #tpu.memory_space<hbm>>
        %dma_start3A_625 = tpu.memref_squeeze %dma_start3A_624 : memref<1x1x128xi32, #tpu.memory_space<hbm>> -> memref<128xi32, #tpu.memory_space<hbm>>
        %dma_start3A_626 = arith.constant 0 : i32
        %dma_start3A_627 = tpu.memref_slice %arg15[%dma_start3A_619, %dma_start3A_626] : memref<1x128xi32, #tpu.memory_space<vmem>> -> memref<1x128xi32, #tpu.memory_space<vmem>>
        %dma_start3A_628 = tpu.memref_squeeze %dma_start3A_627 : memref<1x128xi32, #tpu.memory_space<vmem>> -> memref<128xi32, #tpu.memory_space<vmem>>
        %dma_start3A_629 = arith.constant 0 : i32
        %dma_start3A_630 = tpu.memref_slice %arg4[%add3A, %add3A_605, %dma_start3A_629] : memref<32x80x128xi32, #tpu.memory_space<hbm>> -> memref<1x1x128xi32, #tpu.memory_space<hbm>>
        %dma_start3A_631 = tpu.memref_squeeze %dma_start3A_630 : memref<1x1x128xi32, #tpu.memory_space<hbm>> -> memref<128xi32, #tpu.memory_space<hbm>>
        tpu.enqueue_dma source(%dma_start3A_631 : memref<128xi32, #tpu.memory_space<hbm>>) target(%dma_start3A_628 : memref<128xi32, #tpu.memory_space<vmem>>) target_semaphore(%arg29 : memref<!tpu.dma_semaphore, #tpu.memory_space<semaphore_mem>>)
      } else {
      }
      %lt3A_367 = arith.constant 80 : i32
      %lt3A_368 = arith.cmpi slt, %add3A_351, %lt3A_367 : i32
      %convert_element_type3A_369 = arith.extui %lt3A_368 : i1 to i32
      %cond3A_370 = arith.constant 0 : i32
      %cond3A_371 = arith.cmpi ne, %convert_element_type3A_369, %cond3A_370 : i32
      scf.if %cond3A_371 {
        %dma_wait3A = arith.constant 0 : i32
        %dma_wait3A_604 = arith.constant 0 : i32
        %dma_wait3A_605 = tpu.memref_slice %arg10[%dma_wait3A, %dma_wait3A_604] : memref<1x128xi32, #tpu.memory_space<vmem>> -> memref<1x128xi32, #tpu.memory_space<vmem>>
        %dma_wait3A_606 = tpu.memref_squeeze %dma_wait3A_605 : memref<1x128xi32, #tpu.memory_space<vmem>> -> memref<128xi32, #tpu.memory_space<vmem>>
        %dma_wait3A_607 = arith.constant 0 : i32
        %dma_wait3A_608 = tpu.memref_slice %arg3[%add3A, %add3A_351, %dma_wait3A_607] : memref<32x80x128xi32, #tpu.memory_space<hbm>> -> memref<1x1x128xi32, #tpu.memory_space<hbm>>
        %dma_wait3A_609 = tpu.memref_squeeze %dma_wait3A_608 : memref<1x1x128xi32, #tpu.memory_space<hbm>> -> memref<128xi32, #tpu.memory_space<hbm>>
        %dma_wait3A_610 = arith.constant 0 : i32
        %dma_wait3A_611 = tpu.memref_slice %arg10[%dma_wait3A, %dma_wait3A_610] : memref<1x128xi32, #tpu.memory_space<vmem>> -> memref<1x128xi32, #tpu.memory_space<vmem>>
        %dma_wait3A_612 = tpu.memref_squeeze %dma_wait3A_611 : memref<1x128xi32, #tpu.memory_space<vmem>> -> memref<128xi32, #tpu.memory_space<vmem>>
        %dma_wait3A_613 = arith.constant 0 : i32
        %dma_wait3A_614 = tpu.memref_slice %arg3[%add3A, %add3A_351, %dma_wait3A_613] : memref<32x80x128xi32, #tpu.memory_space<hbm>> -> memref<1x1x128xi32, #tpu.memory_space<hbm>>
        %dma_wait3A_615 = tpu.memref_squeeze %dma_wait3A_614 : memref<1x1x128xi32, #tpu.memory_space<hbm>> -> memref<128xi32, #tpu.memory_space<hbm>>
        tpu.wait_dma2 semaphore(%arg27 : memref<!tpu.dma_semaphore, #tpu.memory_space<semaphore_mem>>) src(%dma_wait3A_615 : memref<128xi32, #tpu.memory_space<hbm>>) dst(%dma_wait3A_612 : memref<128xi32, #tpu.memory_space<vmem>>)
        %dma_wait3A_616 = arith.constant 0 : i32
        %dma_wait3A_617 = arith.constant 0 : i32
        %dma_wait3A_618 = tpu.memref_slice %arg11[%dma_wait3A_616, %dma_wait3A_617] : memref<1x128xi32, #tpu.memory_space<vmem>> -> memref<1x128xi32, #tpu.memory_space<vmem>>
        %dma_wait3A_619 = tpu.memref_squeeze %dma_wait3A_618 : memref<1x128xi32, #tpu.memory_space<vmem>> -> memref<128xi32, #tpu.memory_space<vmem>>
        %dma_wait3A_620 = arith.constant 0 : i32
        %dma_wait3A_621 = tpu.memref_slice %arg4[%add3A, %add3A_351, %dma_wait3A_620] : memref<32x80x128xi32, #tpu.memory_space<hbm>> -> memref<1x1x128xi32, #tpu.memory_space<hbm>>
        %dma_wait3A_622 = tpu.memref_squeeze %dma_wait3A_621 : memref<1x1x128xi32, #tpu.memory_space<hbm>> -> memref<128xi32, #tpu.memory_space<hbm>>
        %dma_wait3A_623 = arith.constant 0 : i32
        %dma_wait3A_624 = tpu.memref_slice %arg11[%dma_wait3A_616, %dma_wait3A_623] : memref<1x128xi32, #tpu.memory_space<vmem>> -> memref<1x128xi32, #tpu.memory_space<vmem>>
        %dma_wait3A_625 = tpu.memref_squeeze %dma_wait3A_624 : memref<1x128xi32, #tpu.memory_space<vmem>> -> memref<128xi32, #tpu.memory_space<vmem>>
        %dma_wait3A_626 = arith.constant 0 : i32
        %dma_wait3A_627 = tpu.memref_slice %arg4[%add3A, %add3A_351, %dma_wait3A_626] : memref<32x80x128xi32, #tpu.memory_space<hbm>> -> memref<1x1x128xi32, #tpu.memory_space<hbm>>
        %dma_wait3A_628 = tpu.memref_squeeze %dma_wait3A_627 : memref<1x1x128xi32, #tpu.memory_space<hbm>> -> memref<128xi32, #tpu.memory_space<hbm>>
        tpu.wait_dma2 semaphore(%arg27 : memref<!tpu.dma_semaphore, #tpu.memory_space<semaphore_mem>>) src(%dma_wait3A_628 : memref<128xi32, #tpu.memory_space<hbm>>) dst(%dma_wait3A_625 : memref<128xi32, #tpu.memory_space<vmem>>)
        %dma_start3A_629 = arith.constant 0 : i32
        %dma_start3A_630 = arith.constant 0 : i32
        %dma_start3A_631 = tpu.memref_slice %arg10[%dma_start3A_629, %dma_start3A_630] : memref<1x128xi32, #tpu.memory_space<vmem>> -> memref<1x128xi32, #tpu.memory_space<vmem>>
        %dma_start3A_632 = tpu.memref_squeeze %dma_start3A_631 : memref<1x128xi32, #tpu.memory_space<vmem>> -> memref<128xi32, #tpu.memory_space<vmem>>
        %dma_start3A_633 = arith.constant 0 : i32
        %dma_start3A_634 = arith.constant 0 : i32
        %dma_start3A_635 = tpu.memref_slice %arg2[%dma_start3A_633, %dma_start3A_634] : memref<10048x128xf32, #tpu.memory_space<hbm>> -> memref<10048x128xf32, #tpu.memory_space<hbm>>
        tpu.enqueue_indirect_dma source(%dma_start3A_635 : memref<10048x128xf32, #tpu.memory_space<hbm>>) target(%arg17 : memref<128x128xf32, #tpu.memory_space<vmem>>) offsets(%dma_start3A_632 : memref<128xi32, #tpu.memory_space<vmem>>) semaphore(%arg20 : memref<!tpu.dma_semaphore, #tpu.memory_space<semaphore_mem>>)
      } else {
      }
      %ge3A_372 = arith.constant 2 : i32
      %ge3A_373 = arith.cmpi sge, %add3A_351, %ge3A_372 : i32
      %lt3A_374 = arith.constant 82 : i32
      %lt3A_375 = arith.cmpi slt, %add3A_351, %lt3A_374 : i32
      %and3A_376 = arith.andi %ge3A_373, %lt3A_375 : i1
      %convert_element_type3A_377 = arith.extui %and3A_376 : i1 to i32
      %cond3A_378 = arith.constant 0 : i32
      %cond3A_379 = arith.cmpi ne, %convert_element_type3A_377, %cond3A_378 : i32
      scf.if %cond3A_379 {
        %dma_wait3A = arith.constant 0 : i32
        %dma_wait3A_604 = arith.constant 0 : i32
        %dma_wait3A_605 = tpu.memref_slice %arg6[%dma_wait3A, %dma_wait3A_604] : memref<1x128xi32, #tpu.memory_space<vmem>> -> memref<1x128xi32, #tpu.memory_space<vmem>>
        %dma_wait3A_606 = tpu.memref_squeeze %dma_wait3A_605 : memref<1x128xi32, #tpu.memory_space<vmem>> -> memref<128xi32, #tpu.memory_space<vmem>>
        %dma_wait3A_607 = arith.constant 0 : i32
        %dma_wait3A_608 = arith.constant 0 : i32
        %dma_wait3A_609 = tpu.memref_slice %arg2[%dma_wait3A_607, %dma_wait3A_608] : memref<10048x128xf32, #tpu.memory_space<hbm>> -> memref<10048x128xf32, #tpu.memory_space<hbm>>
        tpu.wait_indirect_dma semaphore(%arg21 : memref<!tpu.dma_semaphore, #tpu.memory_space<semaphore_mem>>) src(%dma_wait3A_609 : memref<10048x128xf32, #tpu.memory_space<hbm>>) dst(%arg18 : memref<128x128xf32, #tpu.memory_space<vmem>>)
        %dma_start3A_610 = arith.constant 0 : i32
        %dma_start3A_611 = arith.constant 0 : i32
        %dma_start3A_612 = tpu.memref_slice %arg7[%dma_start3A_610, %dma_start3A_611] : memref<1x128xi32, #tpu.memory_space<vmem>> -> memref<1x128xi32, #tpu.memory_space<vmem>>
        %dma_start3A_613 = tpu.memref_squeeze %dma_start3A_612 : memref<1x128xi32, #tpu.memory_space<vmem>> -> memref<128xi32, #tpu.memory_space<vmem>>
        %dma_start3A_614 = arith.constant 0 : i32
        %dma_start3A_615 = arith.constant 0 : i32
        %dma_start3A_616 = tpu.memref_slice %arg30[%dma_start3A_614, %dma_start3A_615] : memref<10048x128xf32, #tpu.memory_space<vmem_shared>> -> memref<10048x128xf32, #tpu.memory_space<vmem_shared>>
        tpu.enqueue_indirect_dma source(%arg18 : memref<128x128xf32, #tpu.memory_space<vmem>>) target(%dma_start3A_616 : memref<10048x128xf32, #tpu.memory_space<vmem_shared>>) offsets(%dma_start3A_613 : memref<128xi32, #tpu.memory_space<vmem>>) semaphore(%arg24 : memref<!tpu.dma_semaphore, #tpu.memory_space<semaphore_mem>>) {add = true}
      } else {
      }
      %mul3A_380 = arith.constant 15 : i32
      %mul3A_381 = arith.muli %mul3A_380, %scan3A_124 : i32
      %add3A_382 = arith.constant 8 : i32
      %add3A_383 = arith.addi %mul3A_381, %add3A_382 : i32
      %ge3A_384 = arith.constant 3 : i32
      %ge3A_385 = arith.cmpi sge, %add3A_383, %ge3A_384 : i32
      %lt3A_386 = arith.constant 83 : i32
      %lt3A_387 = arith.cmpi slt, %add3A_383, %lt3A_386 : i32
      %and3A_388 = arith.andi %ge3A_385, %lt3A_387 : i1
      %convert_element_type3A_389 = arith.extui %and3A_388 : i1 to i32
      %cond3A_390 = arith.constant 0 : i32
      %cond3A_391 = arith.cmpi ne, %convert_element_type3A_389, %cond3A_390 : i32
      scf.if %cond3A_391 {
        %dma_wait3A = arith.constant 0 : i32
        %dma_wait3A_604 = arith.constant 0 : i32
        %dma_wait3A_605 = tpu.memref_slice %arg7[%dma_wait3A, %dma_wait3A_604] : memref<1x128xi32, #tpu.memory_space<vmem>> -> memref<1x128xi32, #tpu.memory_space<vmem>>
        %dma_wait3A_606 = tpu.memref_squeeze %dma_wait3A_605 : memref<1x128xi32, #tpu.memory_space<vmem>> -> memref<128xi32, #tpu.memory_space<vmem>>
        %dma_wait3A_607 = arith.constant 0 : i32
        %dma_wait3A_608 = arith.constant 0 : i32
        %dma_wait3A_609 = tpu.memref_slice %arg30[%dma_wait3A_607, %dma_wait3A_608] : memref<10048x128xf32, #tpu.memory_space<vmem_shared>> -> memref<10048x128xf32, #tpu.memory_space<vmem_shared>>
        tpu.wait_indirect_dma semaphore(%arg24 : memref<!tpu.dma_semaphore, #tpu.memory_space<semaphore_mem>>) src(%arg18 : memref<128x128xf32, #tpu.memory_space<vmem>>) dst(%dma_wait3A_609 : memref<10048x128xf32, #tpu.memory_space<vmem_shared>>)
      } else {
      }
      %add3A_392 = arith.constant 2 : i32
      %add3A_393 = arith.addi %add3A_383, %add3A_392 : i32
      %lt3A_394 = arith.constant 80 : i32
      %lt3A_395 = arith.cmpi slt, %add3A_393, %lt3A_394 : i32
      %convert_element_type3A_396 = arith.extui %lt3A_395 : i1 to i32
      %cond3A_397 = arith.constant 0 : i32
      %cond3A_398 = arith.cmpi ne, %convert_element_type3A_396, %cond3A_397 : i32
      scf.if %cond3A_398 {
        %add3A_604 = arith.constant 2 : i32
        %add3A_605 = arith.addi %add3A_383, %add3A_604 : i32
        %dma_start3A_606 = arith.constant 0 : i32
        %dma_start3A_607 = arith.constant 0 : i32
        %dma_start3A_608 = tpu.memref_slice %arg6[%dma_start3A_606, %dma_start3A_607] : memref<1x128xi32, #tpu.memory_space<vmem>> -> memref<1x128xi32, #tpu.memory_space<vmem>>
        %dma_start3A_609 = tpu.memref_squeeze %dma_start3A_608 : memref<1x128xi32, #tpu.memory_space<vmem>> -> memref<128xi32, #tpu.memory_space<vmem>>
        %dma_start3A_610 = arith.constant 0 : i32
        %dma_start3A_611 = tpu.memref_slice %arg3[%add3A, %add3A_605, %dma_start3A_610] : memref<32x80x128xi32, #tpu.memory_space<hbm>> -> memref<1x1x128xi32, #tpu.memory_space<hbm>>
        %dma_start3A_612 = tpu.memref_squeeze %dma_start3A_611 : memref<1x1x128xi32, #tpu.memory_space<hbm>> -> memref<128xi32, #tpu.memory_space<hbm>>
        %dma_start3A_613 = arith.constant 0 : i32
        %dma_start3A_614 = tpu.memref_slice %arg6[%dma_start3A_606, %dma_start3A_613] : memref<1x128xi32, #tpu.memory_space<vmem>> -> memref<1x128xi32, #tpu.memory_space<vmem>>
        %dma_start3A_615 = tpu.memref_squeeze %dma_start3A_614 : memref<1x128xi32, #tpu.memory_space<vmem>> -> memref<128xi32, #tpu.memory_space<vmem>>
        %dma_start3A_616 = arith.constant 0 : i32
        %dma_start3A_617 = tpu.memref_slice %arg3[%add3A, %add3A_605, %dma_start3A_616] : memref<32x80x128xi32, #tpu.memory_space<hbm>> -> memref<1x1x128xi32, #tpu.memory_space<hbm>>
        %dma_start3A_618 = tpu.memref_squeeze %dma_start3A_617 : memref<1x1x128xi32, #tpu.memory_space<hbm>> -> memref<128xi32, #tpu.memory_space<hbm>>
        tpu.enqueue_dma source(%dma_start3A_618 : memref<128xi32, #tpu.memory_space<hbm>>) target(%dma_start3A_615 : memref<128xi32, #tpu.memory_space<vmem>>) target_semaphore(%arg25 : memref<!tpu.dma_semaphore, #tpu.memory_space<semaphore_mem>>)
        %dma_start3A_619 = arith.constant 0 : i32
        %dma_start3A_620 = arith.constant 0 : i32
        %dma_start3A_621 = tpu.memref_slice %arg7[%dma_start3A_619, %dma_start3A_620] : memref<1x128xi32, #tpu.memory_space<vmem>> -> memref<1x128xi32, #tpu.memory_space<vmem>>
        %dma_start3A_622 = tpu.memref_squeeze %dma_start3A_621 : memref<1x128xi32, #tpu.memory_space<vmem>> -> memref<128xi32, #tpu.memory_space<vmem>>
        %dma_start3A_623 = arith.constant 0 : i32
        %dma_start3A_624 = tpu.memref_slice %arg4[%add3A, %add3A_605, %dma_start3A_623] : memref<32x80x128xi32, #tpu.memory_space<hbm>> -> memref<1x1x128xi32, #tpu.memory_space<hbm>>
        %dma_start3A_625 = tpu.memref_squeeze %dma_start3A_624 : memref<1x1x128xi32, #tpu.memory_space<hbm>> -> memref<128xi32, #tpu.memory_space<hbm>>
        %dma_start3A_626 = arith.constant 0 : i32
        %dma_start3A_627 = tpu.memref_slice %arg7[%dma_start3A_619, %dma_start3A_626] : memref<1x128xi32, #tpu.memory_space<vmem>> -> memref<1x128xi32, #tpu.memory_space<vmem>>
        %dma_start3A_628 = tpu.memref_squeeze %dma_start3A_627 : memref<1x128xi32, #tpu.memory_space<vmem>> -> memref<128xi32, #tpu.memory_space<vmem>>
        %dma_start3A_629 = arith.constant 0 : i32
        %dma_start3A_630 = tpu.memref_slice %arg4[%add3A, %add3A_605, %dma_start3A_629] : memref<32x80x128xi32, #tpu.memory_space<hbm>> -> memref<1x1x128xi32, #tpu.memory_space<hbm>>
        %dma_start3A_631 = tpu.memref_squeeze %dma_start3A_630 : memref<1x1x128xi32, #tpu.memory_space<hbm>> -> memref<128xi32, #tpu.memory_space<hbm>>
        tpu.enqueue_dma source(%dma_start3A_631 : memref<128xi32, #tpu.memory_space<hbm>>) target(%dma_start3A_628 : memref<128xi32, #tpu.memory_space<vmem>>) target_semaphore(%arg25 : memref<!tpu.dma_semaphore, #tpu.memory_space<semaphore_mem>>)
      } else {
      }
      %lt3A_399 = arith.constant 80 : i32
      %lt3A_400 = arith.cmpi slt, %add3A_383, %lt3A_399 : i32
      %convert_element_type3A_401 = arith.extui %lt3A_400 : i1 to i32
      %cond3A_402 = arith.constant 0 : i32
      %cond3A_403 = arith.cmpi ne, %convert_element_type3A_401, %cond3A_402 : i32
      scf.if %cond3A_403 {
        %dma_wait3A = arith.constant 0 : i32
        %dma_wait3A_604 = arith.constant 0 : i32
        %dma_wait3A_605 = tpu.memref_slice %arg12[%dma_wait3A, %dma_wait3A_604] : memref<1x128xi32, #tpu.memory_space<vmem>> -> memref<1x128xi32, #tpu.memory_space<vmem>>
        %dma_wait3A_606 = tpu.memref_squeeze %dma_wait3A_605 : memref<1x128xi32, #tpu.memory_space<vmem>> -> memref<128xi32, #tpu.memory_space<vmem>>
        %dma_wait3A_607 = arith.constant 0 : i32
        %dma_wait3A_608 = tpu.memref_slice %arg3[%add3A, %add3A_383, %dma_wait3A_607] : memref<32x80x128xi32, #tpu.memory_space<hbm>> -> memref<1x1x128xi32, #tpu.memory_space<hbm>>
        %dma_wait3A_609 = tpu.memref_squeeze %dma_wait3A_608 : memref<1x1x128xi32, #tpu.memory_space<hbm>> -> memref<128xi32, #tpu.memory_space<hbm>>
        %dma_wait3A_610 = arith.constant 0 : i32
        %dma_wait3A_611 = tpu.memref_slice %arg12[%dma_wait3A, %dma_wait3A_610] : memref<1x128xi32, #tpu.memory_space<vmem>> -> memref<1x128xi32, #tpu.memory_space<vmem>>
        %dma_wait3A_612 = tpu.memref_squeeze %dma_wait3A_611 : memref<1x128xi32, #tpu.memory_space<vmem>> -> memref<128xi32, #tpu.memory_space<vmem>>
        %dma_wait3A_613 = arith.constant 0 : i32
        %dma_wait3A_614 = tpu.memref_slice %arg3[%add3A, %add3A_383, %dma_wait3A_613] : memref<32x80x128xi32, #tpu.memory_space<hbm>> -> memref<1x1x128xi32, #tpu.memory_space<hbm>>
        %dma_wait3A_615 = tpu.memref_squeeze %dma_wait3A_614 : memref<1x1x128xi32, #tpu.memory_space<hbm>> -> memref<128xi32, #tpu.memory_space<hbm>>
        tpu.wait_dma2 semaphore(%arg28 : memref<!tpu.dma_semaphore, #tpu.memory_space<semaphore_mem>>) src(%dma_wait3A_615 : memref<128xi32, #tpu.memory_space<hbm>>) dst(%dma_wait3A_612 : memref<128xi32, #tpu.memory_space<vmem>>)
        %dma_wait3A_616 = arith.constant 0 : i32
        %dma_wait3A_617 = arith.constant 0 : i32
        %dma_wait3A_618 = tpu.memref_slice %arg13[%dma_wait3A_616, %dma_wait3A_617] : memref<1x128xi32, #tpu.memory_space<vmem>> -> memref<1x128xi32, #tpu.memory_space<vmem>>
        %dma_wait3A_619 = tpu.memref_squeeze %dma_wait3A_618 : memref<1x128xi32, #tpu.memory_space<vmem>> -> memref<128xi32, #tpu.memory_space<vmem>>
        %dma_wait3A_620 = arith.constant 0 : i32
        %dma_wait3A_621 = tpu.memref_slice %arg4[%add3A, %add3A_383, %dma_wait3A_620] : memref<32x80x128xi32, #tpu.memory_space<hbm>> -> memref<1x1x128xi32, #tpu.memory_space<hbm>>
        %dma_wait3A_622 = tpu.memref_squeeze %dma_wait3A_621 : memref<1x1x128xi32, #tpu.memory_space<hbm>> -> memref<128xi32, #tpu.memory_space<hbm>>
        %dma_wait3A_623 = arith.constant 0 : i32
        %dma_wait3A_624 = tpu.memref_slice %arg13[%dma_wait3A_616, %dma_wait3A_623] : memref<1x128xi32, #tpu.memory_space<vmem>> -> memref<1x128xi32, #tpu.memory_space<vmem>>
        %dma_wait3A_625 = tpu.memref_squeeze %dma_wait3A_624 : memref<1x128xi32, #tpu.memory_space<vmem>> -> memref<128xi32, #tpu.memory_space<vmem>>
        %dma_wait3A_626 = arith.constant 0 : i32
        %dma_wait3A_627 = tpu.memref_slice %arg4[%add3A, %add3A_383, %dma_wait3A_626] : memref<32x80x128xi32, #tpu.memory_space<hbm>> -> memref<1x1x128xi32, #tpu.memory_space<hbm>>
        %dma_wait3A_628 = tpu.memref_squeeze %dma_wait3A_627 : memref<1x1x128xi32, #tpu.memory_space<hbm>> -> memref<128xi32, #tpu.memory_space<hbm>>
        tpu.wait_dma2 semaphore(%arg28 : memref<!tpu.dma_semaphore, #tpu.memory_space<semaphore_mem>>) src(%dma_wait3A_628 : memref<128xi32, #tpu.memory_space<hbm>>) dst(%dma_wait3A_625 : memref<128xi32, #tpu.memory_space<vmem>>)
        %dma_start3A_629 = arith.constant 0 : i32
        %dma_start3A_630 = arith.constant 0 : i32
        %dma_start3A_631 = tpu.memref_slice %arg12[%dma_start3A_629, %dma_start3A_630] : memref<1x128xi32, #tpu.memory_space<vmem>> -> memref<1x128xi32, #tpu.memory_space<vmem>>
        %dma_start3A_632 = tpu.memref_squeeze %dma_start3A_631 : memref<1x128xi32, #tpu.memory_space<vmem>> -> memref<128xi32, #tpu.memory_space<vmem>>
        %dma_start3A_633 = arith.constant 0 : i32
        %dma_start3A_634 = arith.constant 0 : i32
        %dma_start3A_635 = tpu.memref_slice %arg2[%dma_start3A_633, %dma_start3A_634] : memref<10048x128xf32, #tpu.memory_space<hbm>> -> memref<10048x128xf32, #tpu.memory_space<hbm>>
        tpu.enqueue_indirect_dma source(%dma_start3A_635 : memref<10048x128xf32, #tpu.memory_space<hbm>>) target(%arg18 : memref<128x128xf32, #tpu.memory_space<vmem>>) offsets(%dma_start3A_632 : memref<128xi32, #tpu.memory_space<vmem>>) semaphore(%arg21 : memref<!tpu.dma_semaphore, #tpu.memory_space<semaphore_mem>>)
      } else {
      }
      %ge3A_404 = arith.constant 2 : i32
      %ge3A_405 = arith.cmpi sge, %add3A_383, %ge3A_404 : i32
      %lt3A_406 = arith.constant 82 : i32
      %lt3A_407 = arith.cmpi slt, %add3A_383, %lt3A_406 : i32
      %and3A_408 = arith.andi %ge3A_405, %lt3A_407 : i1
      %convert_element_type3A_409 = arith.extui %and3A_408 : i1 to i32
      %cond3A_410 = arith.constant 0 : i32
      %cond3A_411 = arith.cmpi ne, %convert_element_type3A_409, %cond3A_410 : i32
      scf.if %cond3A_411 {
        %dma_wait3A = arith.constant 0 : i32
        %dma_wait3A_604 = arith.constant 0 : i32
        %dma_wait3A_605 = tpu.memref_slice %arg8[%dma_wait3A, %dma_wait3A_604] : memref<1x128xi32, #tpu.memory_space<vmem>> -> memref<1x128xi32, #tpu.memory_space<vmem>>
        %dma_wait3A_606 = tpu.memref_squeeze %dma_wait3A_605 : memref<1x128xi32, #tpu.memory_space<vmem>> -> memref<128xi32, #tpu.memory_space<vmem>>
        %dma_wait3A_607 = arith.constant 0 : i32
        %dma_wait3A_608 = arith.constant 0 : i32
        %dma_wait3A_609 = tpu.memref_slice %arg2[%dma_wait3A_607, %dma_wait3A_608] : memref<10048x128xf32, #tpu.memory_space<hbm>> -> memref<10048x128xf32, #tpu.memory_space<hbm>>
        tpu.wait_indirect_dma semaphore(%arg19 : memref<!tpu.dma_semaphore, #tpu.memory_space<semaphore_mem>>) src(%dma_wait3A_609 : memref<10048x128xf32, #tpu.memory_space<hbm>>) dst(%arg16 : memref<128x128xf32, #tpu.memory_space<vmem>>)
        %dma_start3A_610 = arith.constant 0 : i32
        %dma_start3A_611 = arith.constant 0 : i32
        %dma_start3A_612 = tpu.memref_slice %arg9[%dma_start3A_610, %dma_start3A_611] : memref<1x128xi32, #tpu.memory_space<vmem>> -> memref<1x128xi32, #tpu.memory_space<vmem>>
        %dma_start3A_613 = tpu.memref_squeeze %dma_start3A_612 : memref<1x128xi32, #tpu.memory_space<vmem>> -> memref<128xi32, #tpu.memory_space<vmem>>
        %dma_start3A_614 = arith.constant 0 : i32
        %dma_start3A_615 = arith.constant 0 : i32
        %dma_start3A_616 = tpu.memref_slice %arg30[%dma_start3A_614, %dma_start3A_615] : memref<10048x128xf32, #tpu.memory_space<vmem_shared>> -> memref<10048x128xf32, #tpu.memory_space<vmem_shared>>
        tpu.enqueue_indirect_dma source(%arg16 : memref<128x128xf32, #tpu.memory_space<vmem>>) target(%dma_start3A_616 : memref<10048x128xf32, #tpu.memory_space<vmem_shared>>) offsets(%dma_start3A_613 : memref<128xi32, #tpu.memory_space<vmem>>) semaphore(%arg22 : memref<!tpu.dma_semaphore, #tpu.memory_space<semaphore_mem>>) {add = true}
      } else {
      }
      %mul3A_412 = arith.constant 15 : i32
      %mul3A_413 = arith.muli %mul3A_412, %scan3A_124 : i32
      %add3A_414 = arith.constant 9 : i32
      %add3A_415 = arith.addi %mul3A_413, %add3A_414 : i32
      %ge3A_416 = arith.constant 3 : i32
      %ge3A_417 = arith.cmpi sge, %add3A_415, %ge3A_416 : i32
      %lt3A_418 = arith.constant 83 : i32
      %lt3A_419 = arith.cmpi slt, %add3A_415, %lt3A_418 : i32
      %and3A_420 = arith.andi %ge3A_417, %lt3A_419 : i1
      %convert_element_type3A_421 = arith.extui %and3A_420 : i1 to i32
      %cond3A_422 = arith.constant 0 : i32
      %cond3A_423 = arith.cmpi ne, %convert_element_type3A_421, %cond3A_422 : i32
      scf.if %cond3A_423 {
        %dma_wait3A = arith.constant 0 : i32
        %dma_wait3A_604 = arith.constant 0 : i32
        %dma_wait3A_605 = tpu.memref_slice %arg9[%dma_wait3A, %dma_wait3A_604] : memref<1x128xi32, #tpu.memory_space<vmem>> -> memref<1x128xi32, #tpu.memory_space<vmem>>
        %dma_wait3A_606 = tpu.memref_squeeze %dma_wait3A_605 : memref<1x128xi32, #tpu.memory_space<vmem>> -> memref<128xi32, #tpu.memory_space<vmem>>
        %dma_wait3A_607 = arith.constant 0 : i32
        %dma_wait3A_608 = arith.constant 0 : i32
        %dma_wait3A_609 = tpu.memref_slice %arg30[%dma_wait3A_607, %dma_wait3A_608] : memref<10048x128xf32, #tpu.memory_space<vmem_shared>> -> memref<10048x128xf32, #tpu.memory_space<vmem_shared>>
        tpu.wait_indirect_dma semaphore(%arg22 : memref<!tpu.dma_semaphore, #tpu.memory_space<semaphore_mem>>) src(%arg16 : memref<128x128xf32, #tpu.memory_space<vmem>>) dst(%dma_wait3A_609 : memref<10048x128xf32, #tpu.memory_space<vmem_shared>>)
      } else {
      }
      %add3A_424 = arith.constant 2 : i32
      %add3A_425 = arith.addi %add3A_415, %add3A_424 : i32
      %lt3A_426 = arith.constant 80 : i32
      %lt3A_427 = arith.cmpi slt, %add3A_425, %lt3A_426 : i32
      %convert_element_type3A_428 = arith.extui %lt3A_427 : i1 to i32
      %cond3A_429 = arith.constant 0 : i32
      %cond3A_430 = arith.cmpi ne, %convert_element_type3A_428, %cond3A_429 : i32
      scf.if %cond3A_430 {
        %add3A_604 = arith.constant 2 : i32
        %add3A_605 = arith.addi %add3A_415, %add3A_604 : i32
        %dma_start3A_606 = arith.constant 0 : i32
        %dma_start3A_607 = arith.constant 0 : i32
        %dma_start3A_608 = tpu.memref_slice %arg8[%dma_start3A_606, %dma_start3A_607] : memref<1x128xi32, #tpu.memory_space<vmem>> -> memref<1x128xi32, #tpu.memory_space<vmem>>
        %dma_start3A_609 = tpu.memref_squeeze %dma_start3A_608 : memref<1x128xi32, #tpu.memory_space<vmem>> -> memref<128xi32, #tpu.memory_space<vmem>>
        %dma_start3A_610 = arith.constant 0 : i32
        %dma_start3A_611 = tpu.memref_slice %arg3[%add3A, %add3A_605, %dma_start3A_610] : memref<32x80x128xi32, #tpu.memory_space<hbm>> -> memref<1x1x128xi32, #tpu.memory_space<hbm>>
        %dma_start3A_612 = tpu.memref_squeeze %dma_start3A_611 : memref<1x1x128xi32, #tpu.memory_space<hbm>> -> memref<128xi32, #tpu.memory_space<hbm>>
        %dma_start3A_613 = arith.constant 0 : i32
        %dma_start3A_614 = tpu.memref_slice %arg8[%dma_start3A_606, %dma_start3A_613] : memref<1x128xi32, #tpu.memory_space<vmem>> -> memref<1x128xi32, #tpu.memory_space<vmem>>
        %dma_start3A_615 = tpu.memref_squeeze %dma_start3A_614 : memref<1x128xi32, #tpu.memory_space<vmem>> -> memref<128xi32, #tpu.memory_space<vmem>>
        %dma_start3A_616 = arith.constant 0 : i32
        %dma_start3A_617 = tpu.memref_slice %arg3[%add3A, %add3A_605, %dma_start3A_616] : memref<32x80x128xi32, #tpu.memory_space<hbm>> -> memref<1x1x128xi32, #tpu.memory_space<hbm>>
        %dma_start3A_618 = tpu.memref_squeeze %dma_start3A_617 : memref<1x1x128xi32, #tpu.memory_space<hbm>> -> memref<128xi32, #tpu.memory_space<hbm>>
        tpu.enqueue_dma source(%dma_start3A_618 : memref<128xi32, #tpu.memory_space<hbm>>) target(%dma_start3A_615 : memref<128xi32, #tpu.memory_space<vmem>>) target_semaphore(%arg26 : memref<!tpu.dma_semaphore, #tpu.memory_space<semaphore_mem>>)
        %dma_start3A_619 = arith.constant 0 : i32
        %dma_start3A_620 = arith.constant 0 : i32
        %dma_start3A_621 = tpu.memref_slice %arg9[%dma_start3A_619, %dma_start3A_620] : memref<1x128xi32, #tpu.memory_space<vmem>> -> memref<1x128xi32, #tpu.memory_space<vmem>>
        %dma_start3A_622 = tpu.memref_squeeze %dma_start3A_621 : memref<1x128xi32, #tpu.memory_space<vmem>> -> memref<128xi32, #tpu.memory_space<vmem>>
        %dma_start3A_623 = arith.constant 0 : i32
        %dma_start3A_624 = tpu.memref_slice %arg4[%add3A, %add3A_605, %dma_start3A_623] : memref<32x80x128xi32, #tpu.memory_space<hbm>> -> memref<1x1x128xi32, #tpu.memory_space<hbm>>
        %dma_start3A_625 = tpu.memref_squeeze %dma_start3A_624 : memref<1x1x128xi32, #tpu.memory_space<hbm>> -> memref<128xi32, #tpu.memory_space<hbm>>
        %dma_start3A_626 = arith.constant 0 : i32
        %dma_start3A_627 = tpu.memref_slice %arg9[%dma_start3A_619, %dma_start3A_626] : memref<1x128xi32, #tpu.memory_space<vmem>> -> memref<1x128xi32, #tpu.memory_space<vmem>>
        %dma_start3A_628 = tpu.memref_squeeze %dma_start3A_627 : memref<1x128xi32, #tpu.memory_space<vmem>> -> memref<128xi32, #tpu.memory_space<vmem>>
        %dma_start3A_629 = arith.constant 0 : i32
        %dma_start3A_630 = tpu.memref_slice %arg4[%add3A, %add3A_605, %dma_start3A_629] : memref<32x80x128xi32, #tpu.memory_space<hbm>> -> memref<1x1x128xi32, #tpu.memory_space<hbm>>
        %dma_start3A_631 = tpu.memref_squeeze %dma_start3A_630 : memref<1x1x128xi32, #tpu.memory_space<hbm>> -> memref<128xi32, #tpu.memory_space<hbm>>
        tpu.enqueue_dma source(%dma_start3A_631 : memref<128xi32, #tpu.memory_space<hbm>>) target(%dma_start3A_628 : memref<128xi32, #tpu.memory_space<vmem>>) target_semaphore(%arg26 : memref<!tpu.dma_semaphore, #tpu.memory_space<semaphore_mem>>)
      } else {
      }
      %lt3A_431 = arith.constant 80 : i32
      %lt3A_432 = arith.cmpi slt, %add3A_415, %lt3A_431 : i32
      %convert_element_type3A_433 = arith.extui %lt3A_432 : i1 to i32
      %cond3A_434 = arith.constant 0 : i32
      %cond3A_435 = arith.cmpi ne, %convert_element_type3A_433, %cond3A_434 : i32
      scf.if %cond3A_435 {
        %dma_wait3A = arith.constant 0 : i32
        %dma_wait3A_604 = arith.constant 0 : i32
        %dma_wait3A_605 = tpu.memref_slice %arg14[%dma_wait3A, %dma_wait3A_604] : memref<1x128xi32, #tpu.memory_space<vmem>> -> memref<1x128xi32, #tpu.memory_space<vmem>>
        %dma_wait3A_606 = tpu.memref_squeeze %dma_wait3A_605 : memref<1x128xi32, #tpu.memory_space<vmem>> -> memref<128xi32, #tpu.memory_space<vmem>>
        %dma_wait3A_607 = arith.constant 0 : i32
        %dma_wait3A_608 = tpu.memref_slice %arg3[%add3A, %add3A_415, %dma_wait3A_607] : memref<32x80x128xi32, #tpu.memory_space<hbm>> -> memref<1x1x128xi32, #tpu.memory_space<hbm>>
        %dma_wait3A_609 = tpu.memref_squeeze %dma_wait3A_608 : memref<1x1x128xi32, #tpu.memory_space<hbm>> -> memref<128xi32, #tpu.memory_space<hbm>>
        %dma_wait3A_610 = arith.constant 0 : i32
        %dma_wait3A_611 = tpu.memref_slice %arg14[%dma_wait3A, %dma_wait3A_610] : memref<1x128xi32, #tpu.memory_space<vmem>> -> memref<1x128xi32, #tpu.memory_space<vmem>>
        %dma_wait3A_612 = tpu.memref_squeeze %dma_wait3A_611 : memref<1x128xi32, #tpu.memory_space<vmem>> -> memref<128xi32, #tpu.memory_space<vmem>>
        %dma_wait3A_613 = arith.constant 0 : i32
        %dma_wait3A_614 = tpu.memref_slice %arg3[%add3A, %add3A_415, %dma_wait3A_613] : memref<32x80x128xi32, #tpu.memory_space<hbm>> -> memref<1x1x128xi32, #tpu.memory_space<hbm>>
        %dma_wait3A_615 = tpu.memref_squeeze %dma_wait3A_614 : memref<1x1x128xi32, #tpu.memory_space<hbm>> -> memref<128xi32, #tpu.memory_space<hbm>>
        tpu.wait_dma2 semaphore(%arg29 : memref<!tpu.dma_semaphore, #tpu.memory_space<semaphore_mem>>) src(%dma_wait3A_615 : memref<128xi32, #tpu.memory_space<hbm>>) dst(%dma_wait3A_612 : memref<128xi32, #tpu.memory_space<vmem>>)
        %dma_wait3A_616 = arith.constant 0 : i32
        %dma_wait3A_617 = arith.constant 0 : i32
        %dma_wait3A_618 = tpu.memref_slice %arg15[%dma_wait3A_616, %dma_wait3A_617] : memref<1x128xi32, #tpu.memory_space<vmem>> -> memref<1x128xi32, #tpu.memory_space<vmem>>
        %dma_wait3A_619 = tpu.memref_squeeze %dma_wait3A_618 : memref<1x128xi32, #tpu.memory_space<vmem>> -> memref<128xi32, #tpu.memory_space<vmem>>
        %dma_wait3A_620 = arith.constant 0 : i32
        %dma_wait3A_621 = tpu.memref_slice %arg4[%add3A, %add3A_415, %dma_wait3A_620] : memref<32x80x128xi32, #tpu.memory_space<hbm>> -> memref<1x1x128xi32, #tpu.memory_space<hbm>>
        %dma_wait3A_622 = tpu.memref_squeeze %dma_wait3A_621 : memref<1x1x128xi32, #tpu.memory_space<hbm>> -> memref<128xi32, #tpu.memory_space<hbm>>
        %dma_wait3A_623 = arith.constant 0 : i32
        %dma_wait3A_624 = tpu.memref_slice %arg15[%dma_wait3A_616, %dma_wait3A_623] : memref<1x128xi32, #tpu.memory_space<vmem>> -> memref<1x128xi32, #tpu.memory_space<vmem>>
        %dma_wait3A_625 = tpu.memref_squeeze %dma_wait3A_624 : memref<1x128xi32, #tpu.memory_space<vmem>> -> memref<128xi32, #tpu.memory_space<vmem>>
        %dma_wait3A_626 = arith.constant 0 : i32
        %dma_wait3A_627 = tpu.memref_slice %arg4[%add3A, %add3A_415, %dma_wait3A_626] : memref<32x80x128xi32, #tpu.memory_space<hbm>> -> memref<1x1x128xi32, #tpu.memory_space<hbm>>
        %dma_wait3A_628 = tpu.memref_squeeze %dma_wait3A_627 : memref<1x1x128xi32, #tpu.memory_space<hbm>> -> memref<128xi32, #tpu.memory_space<hbm>>
        tpu.wait_dma2 semaphore(%arg29 : memref<!tpu.dma_semaphore, #tpu.memory_space<semaphore_mem>>) src(%dma_wait3A_628 : memref<128xi32, #tpu.memory_space<hbm>>) dst(%dma_wait3A_625 : memref<128xi32, #tpu.memory_space<vmem>>)
        %dma_start3A_629 = arith.constant 0 : i32
        %dma_start3A_630 = arith.constant 0 : i32
        %dma_start3A_631 = tpu.memref_slice %arg14[%dma_start3A_629, %dma_start3A_630] : memref<1x128xi32, #tpu.memory_space<vmem>> -> memref<1x128xi32, #tpu.memory_space<vmem>>
        %dma_start3A_632 = tpu.memref_squeeze %dma_start3A_631 : memref<1x128xi32, #tpu.memory_space<vmem>> -> memref<128xi32, #tpu.memory_space<vmem>>
        %dma_start3A_633 = arith.constant 0 : i32
        %dma_start3A_634 = arith.constant 0 : i32
        %dma_start3A_635 = tpu.memref_slice %arg2[%dma_start3A_633, %dma_start3A_634] : memref<10048x128xf32, #tpu.memory_space<hbm>> -> memref<10048x128xf32, #tpu.memory_space<hbm>>
        tpu.enqueue_indirect_dma source(%dma_start3A_635 : memref<10048x128xf32, #tpu.memory_space<hbm>>) target(%arg16 : memref<128x128xf32, #tpu.memory_space<vmem>>) offsets(%dma_start3A_632 : memref<128xi32, #tpu.memory_space<vmem>>) semaphore(%arg19 : memref<!tpu.dma_semaphore, #tpu.memory_space<semaphore_mem>>)
      } else {
      }
      %ge3A_436 = arith.constant 2 : i32
      %ge3A_437 = arith.cmpi sge, %add3A_415, %ge3A_436 : i32
      %lt3A_438 = arith.constant 82 : i32
      %lt3A_439 = arith.cmpi slt, %add3A_415, %lt3A_438 : i32
      %and3A_440 = arith.andi %ge3A_437, %lt3A_439 : i1
      %convert_element_type3A_441 = arith.extui %and3A_440 : i1 to i32
      %cond3A_442 = arith.constant 0 : i32
      %cond3A_443 = arith.cmpi ne, %convert_element_type3A_441, %cond3A_442 : i32
      scf.if %cond3A_443 {
        %dma_wait3A = arith.constant 0 : i32
        %dma_wait3A_604 = arith.constant 0 : i32
        %dma_wait3A_605 = tpu.memref_slice %arg10[%dma_wait3A, %dma_wait3A_604] : memref<1x128xi32, #tpu.memory_space<vmem>> -> memref<1x128xi32, #tpu.memory_space<vmem>>
        %dma_wait3A_606 = tpu.memref_squeeze %dma_wait3A_605 : memref<1x128xi32, #tpu.memory_space<vmem>> -> memref<128xi32, #tpu.memory_space<vmem>>
        %dma_wait3A_607 = arith.constant 0 : i32
        %dma_wait3A_608 = arith.constant 0 : i32
        %dma_wait3A_609 = tpu.memref_slice %arg2[%dma_wait3A_607, %dma_wait3A_608] : memref<10048x128xf32, #tpu.memory_space<hbm>> -> memref<10048x128xf32, #tpu.memory_space<hbm>>
        tpu.wait_indirect_dma semaphore(%arg20 : memref<!tpu.dma_semaphore, #tpu.memory_space<semaphore_mem>>) src(%dma_wait3A_609 : memref<10048x128xf32, #tpu.memory_space<hbm>>) dst(%arg17 : memref<128x128xf32, #tpu.memory_space<vmem>>)
        %dma_start3A_610 = arith.constant 0 : i32
        %dma_start3A_611 = arith.constant 0 : i32
        %dma_start3A_612 = tpu.memref_slice %arg11[%dma_start3A_610, %dma_start3A_611] : memref<1x128xi32, #tpu.memory_space<vmem>> -> memref<1x128xi32, #tpu.memory_space<vmem>>
        %dma_start3A_613 = tpu.memref_squeeze %dma_start3A_612 : memref<1x128xi32, #tpu.memory_space<vmem>> -> memref<128xi32, #tpu.memory_space<vmem>>
        %dma_start3A_614 = arith.constant 0 : i32
        %dma_start3A_615 = arith.constant 0 : i32
        %dma_start3A_616 = tpu.memref_slice %arg30[%dma_start3A_614, %dma_start3A_615] : memref<10048x128xf32, #tpu.memory_space<vmem_shared>> -> memref<10048x128xf32, #tpu.memory_space<vmem_shared>>
        tpu.enqueue_indirect_dma source(%arg17 : memref<128x128xf32, #tpu.memory_space<vmem>>) target(%dma_start3A_616 : memref<10048x128xf32, #tpu.memory_space<vmem_shared>>) offsets(%dma_start3A_613 : memref<128xi32, #tpu.memory_space<vmem>>) semaphore(%arg23 : memref<!tpu.dma_semaphore, #tpu.memory_space<semaphore_mem>>) {add = true}
      } else {
      }
      %mul3A_444 = arith.constant 15 : i32
      %mul3A_445 = arith.muli %mul3A_444, %scan3A_124 : i32
      %add3A_446 = arith.constant 10 : i32
      %add3A_447 = arith.addi %mul3A_445, %add3A_446 : i32
      %ge3A_448 = arith.constant 3 : i32
      %ge3A_449 = arith.cmpi sge, %add3A_447, %ge3A_448 : i32
      %lt3A_450 = arith.constant 83 : i32
      %lt3A_451 = arith.cmpi slt, %add3A_447, %lt3A_450 : i32
      %and3A_452 = arith.andi %ge3A_449, %lt3A_451 : i1
      %convert_element_type3A_453 = arith.extui %and3A_452 : i1 to i32
      %cond3A_454 = arith.constant 0 : i32
      %cond3A_455 = arith.cmpi ne, %convert_element_type3A_453, %cond3A_454 : i32
      scf.if %cond3A_455 {
        %dma_wait3A = arith.constant 0 : i32
        %dma_wait3A_604 = arith.constant 0 : i32
        %dma_wait3A_605 = tpu.memref_slice %arg11[%dma_wait3A, %dma_wait3A_604] : memref<1x128xi32, #tpu.memory_space<vmem>> -> memref<1x128xi32, #tpu.memory_space<vmem>>
        %dma_wait3A_606 = tpu.memref_squeeze %dma_wait3A_605 : memref<1x128xi32, #tpu.memory_space<vmem>> -> memref<128xi32, #tpu.memory_space<vmem>>
        %dma_wait3A_607 = arith.constant 0 : i32
        %dma_wait3A_608 = arith.constant 0 : i32
        %dma_wait3A_609 = tpu.memref_slice %arg30[%dma_wait3A_607, %dma_wait3A_608] : memref<10048x128xf32, #tpu.memory_space<vmem_shared>> -> memref<10048x128xf32, #tpu.memory_space<vmem_shared>>
        tpu.wait_indirect_dma semaphore(%arg23 : memref<!tpu.dma_semaphore, #tpu.memory_space<semaphore_mem>>) src(%arg17 : memref<128x128xf32, #tpu.memory_space<vmem>>) dst(%dma_wait3A_609 : memref<10048x128xf32, #tpu.memory_space<vmem_shared>>)
      } else {
      }
      %add3A_456 = arith.constant 2 : i32
      %add3A_457 = arith.addi %add3A_447, %add3A_456 : i32
      %lt3A_458 = arith.constant 80 : i32
      %lt3A_459 = arith.cmpi slt, %add3A_457, %lt3A_458 : i32
      %convert_element_type3A_460 = arith.extui %lt3A_459 : i1 to i32
      %cond3A_461 = arith.constant 0 : i32
      %cond3A_462 = arith.cmpi ne, %convert_element_type3A_460, %cond3A_461 : i32
      scf.if %cond3A_462 {
        %add3A_604 = arith.constant 2 : i32
        %add3A_605 = arith.addi %add3A_447, %add3A_604 : i32
        %dma_start3A_606 = arith.constant 0 : i32
        %dma_start3A_607 = arith.constant 0 : i32
        %dma_start3A_608 = tpu.memref_slice %arg10[%dma_start3A_606, %dma_start3A_607] : memref<1x128xi32, #tpu.memory_space<vmem>> -> memref<1x128xi32, #tpu.memory_space<vmem>>
        %dma_start3A_609 = tpu.memref_squeeze %dma_start3A_608 : memref<1x128xi32, #tpu.memory_space<vmem>> -> memref<128xi32, #tpu.memory_space<vmem>>
        %dma_start3A_610 = arith.constant 0 : i32
        %dma_start3A_611 = tpu.memref_slice %arg3[%add3A, %add3A_605, %dma_start3A_610] : memref<32x80x128xi32, #tpu.memory_space<hbm>> -> memref<1x1x128xi32, #tpu.memory_space<hbm>>
        %dma_start3A_612 = tpu.memref_squeeze %dma_start3A_611 : memref<1x1x128xi32, #tpu.memory_space<hbm>> -> memref<128xi32, #tpu.memory_space<hbm>>
        %dma_start3A_613 = arith.constant 0 : i32
        %dma_start3A_614 = tpu.memref_slice %arg10[%dma_start3A_606, %dma_start3A_613] : memref<1x128xi32, #tpu.memory_space<vmem>> -> memref<1x128xi32, #tpu.memory_space<vmem>>
        %dma_start3A_615 = tpu.memref_squeeze %dma_start3A_614 : memref<1x128xi32, #tpu.memory_space<vmem>> -> memref<128xi32, #tpu.memory_space<vmem>>
        %dma_start3A_616 = arith.constant 0 : i32
        %dma_start3A_617 = tpu.memref_slice %arg3[%add3A, %add3A_605, %dma_start3A_616] : memref<32x80x128xi32, #tpu.memory_space<hbm>> -> memref<1x1x128xi32, #tpu.memory_space<hbm>>
        %dma_start3A_618 = tpu.memref_squeeze %dma_start3A_617 : memref<1x1x128xi32, #tpu.memory_space<hbm>> -> memref<128xi32, #tpu.memory_space<hbm>>
        tpu.enqueue_dma source(%dma_start3A_618 : memref<128xi32, #tpu.memory_space<hbm>>) target(%dma_start3A_615 : memref<128xi32, #tpu.memory_space<vmem>>) target_semaphore(%arg27 : memref<!tpu.dma_semaphore, #tpu.memory_space<semaphore_mem>>)
        %dma_start3A_619 = arith.constant 0 : i32
        %dma_start3A_620 = arith.constant 0 : i32
        %dma_start3A_621 = tpu.memref_slice %arg11[%dma_start3A_619, %dma_start3A_620] : memref<1x128xi32, #tpu.memory_space<vmem>> -> memref<1x128xi32, #tpu.memory_space<vmem>>
        %dma_start3A_622 = tpu.memref_squeeze %dma_start3A_621 : memref<1x128xi32, #tpu.memory_space<vmem>> -> memref<128xi32, #tpu.memory_space<vmem>>
        %dma_start3A_623 = arith.constant 0 : i32
        %dma_start3A_624 = tpu.memref_slice %arg4[%add3A, %add3A_605, %dma_start3A_623] : memref<32x80x128xi32, #tpu.memory_space<hbm>> -> memref<1x1x128xi32, #tpu.memory_space<hbm>>
        %dma_start3A_625 = tpu.memref_squeeze %dma_start3A_624 : memref<1x1x128xi32, #tpu.memory_space<hbm>> -> memref<128xi32, #tpu.memory_space<hbm>>
        %dma_start3A_626 = arith.constant 0 : i32
        %dma_start3A_627 = tpu.memref_slice %arg11[%dma_start3A_619, %dma_start3A_626] : memref<1x128xi32, #tpu.memory_space<vmem>> -> memref<1x128xi32, #tpu.memory_space<vmem>>
        %dma_start3A_628 = tpu.memref_squeeze %dma_start3A_627 : memref<1x128xi32, #tpu.memory_space<vmem>> -> memref<128xi32, #tpu.memory_space<vmem>>
        %dma_start3A_629 = arith.constant 0 : i32
        %dma_start3A_630 = tpu.memref_slice %arg4[%add3A, %add3A_605, %dma_start3A_629] : memref<32x80x128xi32, #tpu.memory_space<hbm>> -> memref<1x1x128xi32, #tpu.memory_space<hbm>>
        %dma_start3A_631 = tpu.memref_squeeze %dma_start3A_630 : memref<1x1x128xi32, #tpu.memory_space<hbm>> -> memref<128xi32, #tpu.memory_space<hbm>>
        tpu.enqueue_dma source(%dma_start3A_631 : memref<128xi32, #tpu.memory_space<hbm>>) target(%dma_start3A_628 : memref<128xi32, #tpu.memory_space<vmem>>) target_semaphore(%arg27 : memref<!tpu.dma_semaphore, #tpu.memory_space<semaphore_mem>>)
      } else {
      }
      %lt3A_463 = arith.constant 80 : i32
      %lt3A_464 = arith.cmpi slt, %add3A_447, %lt3A_463 : i32
      %convert_element_type3A_465 = arith.extui %lt3A_464 : i1 to i32
      %cond3A_466 = arith.constant 0 : i32
      %cond3A_467 = arith.cmpi ne, %convert_element_type3A_465, %cond3A_466 : i32
      scf.if %cond3A_467 {
        %dma_wait3A = arith.constant 0 : i32
        %dma_wait3A_604 = arith.constant 0 : i32
        %dma_wait3A_605 = tpu.memref_slice %arg6[%dma_wait3A, %dma_wait3A_604] : memref<1x128xi32, #tpu.memory_space<vmem>> -> memref<1x128xi32, #tpu.memory_space<vmem>>
        %dma_wait3A_606 = tpu.memref_squeeze %dma_wait3A_605 : memref<1x128xi32, #tpu.memory_space<vmem>> -> memref<128xi32, #tpu.memory_space<vmem>>
        %dma_wait3A_607 = arith.constant 0 : i32
        %dma_wait3A_608 = tpu.memref_slice %arg3[%add3A, %add3A_447, %dma_wait3A_607] : memref<32x80x128xi32, #tpu.memory_space<hbm>> -> memref<1x1x128xi32, #tpu.memory_space<hbm>>
        %dma_wait3A_609 = tpu.memref_squeeze %dma_wait3A_608 : memref<1x1x128xi32, #tpu.memory_space<hbm>> -> memref<128xi32, #tpu.memory_space<hbm>>
        %dma_wait3A_610 = arith.constant 0 : i32
        %dma_wait3A_611 = tpu.memref_slice %arg6[%dma_wait3A, %dma_wait3A_610] : memref<1x128xi32, #tpu.memory_space<vmem>> -> memref<1x128xi32, #tpu.memory_space<vmem>>
        %dma_wait3A_612 = tpu.memref_squeeze %dma_wait3A_611 : memref<1x128xi32, #tpu.memory_space<vmem>> -> memref<128xi32, #tpu.memory_space<vmem>>
        %dma_wait3A_613 = arith.constant 0 : i32
        %dma_wait3A_614 = tpu.memref_slice %arg3[%add3A, %add3A_447, %dma_wait3A_613] : memref<32x80x128xi32, #tpu.memory_space<hbm>> -> memref<1x1x128xi32, #tpu.memory_space<hbm>>
        %dma_wait3A_615 = tpu.memref_squeeze %dma_wait3A_614 : memref<1x1x128xi32, #tpu.memory_space<hbm>> -> memref<128xi32, #tpu.memory_space<hbm>>
        tpu.wait_dma2 semaphore(%arg25 : memref<!tpu.dma_semaphore, #tpu.memory_space<semaphore_mem>>) src(%dma_wait3A_615 : memref<128xi32, #tpu.memory_space<hbm>>) dst(%dma_wait3A_612 : memref<128xi32, #tpu.memory_space<vmem>>)
        %dma_wait3A_616 = arith.constant 0 : i32
        %dma_wait3A_617 = arith.constant 0 : i32
        %dma_wait3A_618 = tpu.memref_slice %arg7[%dma_wait3A_616, %dma_wait3A_617] : memref<1x128xi32, #tpu.memory_space<vmem>> -> memref<1x128xi32, #tpu.memory_space<vmem>>
        %dma_wait3A_619 = tpu.memref_squeeze %dma_wait3A_618 : memref<1x128xi32, #tpu.memory_space<vmem>> -> memref<128xi32, #tpu.memory_space<vmem>>
        %dma_wait3A_620 = arith.constant 0 : i32
        %dma_wait3A_621 = tpu.memref_slice %arg4[%add3A, %add3A_447, %dma_wait3A_620] : memref<32x80x128xi32, #tpu.memory_space<hbm>> -> memref<1x1x128xi32, #tpu.memory_space<hbm>>
        %dma_wait3A_622 = tpu.memref_squeeze %dma_wait3A_621 : memref<1x1x128xi32, #tpu.memory_space<hbm>> -> memref<128xi32, #tpu.memory_space<hbm>>
        %dma_wait3A_623 = arith.constant 0 : i32
        %dma_wait3A_624 = tpu.memref_slice %arg7[%dma_wait3A_616, %dma_wait3A_623] : memref<1x128xi32, #tpu.memory_space<vmem>> -> memref<1x128xi32, #tpu.memory_space<vmem>>
        %dma_wait3A_625 = tpu.memref_squeeze %dma_wait3A_624 : memref<1x128xi32, #tpu.memory_space<vmem>> -> memref<128xi32, #tpu.memory_space<vmem>>
        %dma_wait3A_626 = arith.constant 0 : i32
        %dma_wait3A_627 = tpu.memref_slice %arg4[%add3A, %add3A_447, %dma_wait3A_626] : memref<32x80x128xi32, #tpu.memory_space<hbm>> -> memref<1x1x128xi32, #tpu.memory_space<hbm>>
        %dma_wait3A_628 = tpu.memref_squeeze %dma_wait3A_627 : memref<1x1x128xi32, #tpu.memory_space<hbm>> -> memref<128xi32, #tpu.memory_space<hbm>>
        tpu.wait_dma2 semaphore(%arg25 : memref<!tpu.dma_semaphore, #tpu.memory_space<semaphore_mem>>) src(%dma_wait3A_628 : memref<128xi32, #tpu.memory_space<hbm>>) dst(%dma_wait3A_625 : memref<128xi32, #tpu.memory_space<vmem>>)
        %dma_start3A_629 = arith.constant 0 : i32
        %dma_start3A_630 = arith.constant 0 : i32
        %dma_start3A_631 = tpu.memref_slice %arg6[%dma_start3A_629, %dma_start3A_630] : memref<1x128xi32, #tpu.memory_space<vmem>> -> memref<1x128xi32, #tpu.memory_space<vmem>>
        %dma_start3A_632 = tpu.memref_squeeze %dma_start3A_631 : memref<1x128xi32, #tpu.memory_space<vmem>> -> memref<128xi32, #tpu.memory_space<vmem>>
        %dma_start3A_633 = arith.constant 0 : i32
        %dma_start3A_634 = arith.constant 0 : i32
        %dma_start3A_635 = tpu.memref_slice %arg2[%dma_start3A_633, %dma_start3A_634] : memref<10048x128xf32, #tpu.memory_space<hbm>> -> memref<10048x128xf32, #tpu.memory_space<hbm>>
        tpu.enqueue_indirect_dma source(%dma_start3A_635 : memref<10048x128xf32, #tpu.memory_space<hbm>>) target(%arg17 : memref<128x128xf32, #tpu.memory_space<vmem>>) offsets(%dma_start3A_632 : memref<128xi32, #tpu.memory_space<vmem>>) semaphore(%arg20 : memref<!tpu.dma_semaphore, #tpu.memory_space<semaphore_mem>>)
      } else {
      }
      %ge3A_468 = arith.constant 2 : i32
      %ge3A_469 = arith.cmpi sge, %add3A_447, %ge3A_468 : i32
      %lt3A_470 = arith.constant 82 : i32
      %lt3A_471 = arith.cmpi slt, %add3A_447, %lt3A_470 : i32
      %and3A_472 = arith.andi %ge3A_469, %lt3A_471 : i1
      %convert_element_type3A_473 = arith.extui %and3A_472 : i1 to i32
      %cond3A_474 = arith.constant 0 : i32
      %cond3A_475 = arith.cmpi ne, %convert_element_type3A_473, %cond3A_474 : i32
      scf.if %cond3A_475 {
        %dma_wait3A = arith.constant 0 : i32
        %dma_wait3A_604 = arith.constant 0 : i32
        %dma_wait3A_605 = tpu.memref_slice %arg12[%dma_wait3A, %dma_wait3A_604] : memref<1x128xi32, #tpu.memory_space<vmem>> -> memref<1x128xi32, #tpu.memory_space<vmem>>
        %dma_wait3A_606 = tpu.memref_squeeze %dma_wait3A_605 : memref<1x128xi32, #tpu.memory_space<vmem>> -> memref<128xi32, #tpu.memory_space<vmem>>
        %dma_wait3A_607 = arith.constant 0 : i32
        %dma_wait3A_608 = arith.constant 0 : i32
        %dma_wait3A_609 = tpu.memref_slice %arg2[%dma_wait3A_607, %dma_wait3A_608] : memref<10048x128xf32, #tpu.memory_space<hbm>> -> memref<10048x128xf32, #tpu.memory_space<hbm>>
        tpu.wait_indirect_dma semaphore(%arg21 : memref<!tpu.dma_semaphore, #tpu.memory_space<semaphore_mem>>) src(%dma_wait3A_609 : memref<10048x128xf32, #tpu.memory_space<hbm>>) dst(%arg18 : memref<128x128xf32, #tpu.memory_space<vmem>>)
        %dma_start3A_610 = arith.constant 0 : i32
        %dma_start3A_611 = arith.constant 0 : i32
        %dma_start3A_612 = tpu.memref_slice %arg13[%dma_start3A_610, %dma_start3A_611] : memref<1x128xi32, #tpu.memory_space<vmem>> -> memref<1x128xi32, #tpu.memory_space<vmem>>
        %dma_start3A_613 = tpu.memref_squeeze %dma_start3A_612 : memref<1x128xi32, #tpu.memory_space<vmem>> -> memref<128xi32, #tpu.memory_space<vmem>>
        %dma_start3A_614 = arith.constant 0 : i32
        %dma_start3A_615 = arith.constant 0 : i32
        %dma_start3A_616 = tpu.memref_slice %arg30[%dma_start3A_614, %dma_start3A_615] : memref<10048x128xf32, #tpu.memory_space<vmem_shared>> -> memref<10048x128xf32, #tpu.memory_space<vmem_shared>>
        tpu.enqueue_indirect_dma source(%arg18 : memref<128x128xf32, #tpu.memory_space<vmem>>) target(%dma_start3A_616 : memref<10048x128xf32, #tpu.memory_space<vmem_shared>>) offsets(%dma_start3A_613 : memref<128xi32, #tpu.memory_space<vmem>>) semaphore(%arg24 : memref<!tpu.dma_semaphore, #tpu.memory_space<semaphore_mem>>) {add = true}
      } else {
      }
      %mul3A_476 = arith.constant 15 : i32
      %mul3A_477 = arith.muli %mul3A_476, %scan3A_124 : i32
      %add3A_478 = arith.constant 11 : i32
      %add3A_479 = arith.addi %mul3A_477, %add3A_478 : i32
      %ge3A_480 = arith.constant 3 : i32
      %ge3A_481 = arith.cmpi sge, %add3A_479, %ge3A_480 : i32
      %lt3A_482 = arith.constant 83 : i32
      %lt3A_483 = arith.cmpi slt, %add3A_479, %lt3A_482 : i32
      %and3A_484 = arith.andi %ge3A_481, %lt3A_483 : i1
      %convert_element_type3A_485 = arith.extui %and3A_484 : i1 to i32
      %cond3A_486 = arith.constant 0 : i32
      %cond3A_487 = arith.cmpi ne, %convert_element_type3A_485, %cond3A_486 : i32
      scf.if %cond3A_487 {
        %dma_wait3A = arith.constant 0 : i32
        %dma_wait3A_604 = arith.constant 0 : i32
        %dma_wait3A_605 = tpu.memref_slice %arg13[%dma_wait3A, %dma_wait3A_604] : memref<1x128xi32, #tpu.memory_space<vmem>> -> memref<1x128xi32, #tpu.memory_space<vmem>>
        %dma_wait3A_606 = tpu.memref_squeeze %dma_wait3A_605 : memref<1x128xi32, #tpu.memory_space<vmem>> -> memref<128xi32, #tpu.memory_space<vmem>>
        %dma_wait3A_607 = arith.constant 0 : i32
        %dma_wait3A_608 = arith.constant 0 : i32
        %dma_wait3A_609 = tpu.memref_slice %arg30[%dma_wait3A_607, %dma_wait3A_608] : memref<10048x128xf32, #tpu.memory_space<vmem_shared>> -> memref<10048x128xf32, #tpu.memory_space<vmem_shared>>
        tpu.wait_indirect_dma semaphore(%arg24 : memref<!tpu.dma_semaphore, #tpu.memory_space<semaphore_mem>>) src(%arg18 : memref<128x128xf32, #tpu.memory_space<vmem>>) dst(%dma_wait3A_609 : memref<10048x128xf32, #tpu.memory_space<vmem_shared>>)
      } else {
      }
      %add3A_488 = arith.constant 2 : i32
      %add3A_489 = arith.addi %add3A_479, %add3A_488 : i32
      %lt3A_490 = arith.constant 80 : i32
      %lt3A_491 = arith.cmpi slt, %add3A_489, %lt3A_490 : i32
      %convert_element_type3A_492 = arith.extui %lt3A_491 : i1 to i32
      %cond3A_493 = arith.constant 0 : i32
      %cond3A_494 = arith.cmpi ne, %convert_element_type3A_492, %cond3A_493 : i32
      scf.if %cond3A_494 {
        %add3A_604 = arith.constant 2 : i32
        %add3A_605 = arith.addi %add3A_479, %add3A_604 : i32
        %dma_start3A_606 = arith.constant 0 : i32
        %dma_start3A_607 = arith.constant 0 : i32
        %dma_start3A_608 = tpu.memref_slice %arg12[%dma_start3A_606, %dma_start3A_607] : memref<1x128xi32, #tpu.memory_space<vmem>> -> memref<1x128xi32, #tpu.memory_space<vmem>>
        %dma_start3A_609 = tpu.memref_squeeze %dma_start3A_608 : memref<1x128xi32, #tpu.memory_space<vmem>> -> memref<128xi32, #tpu.memory_space<vmem>>
        %dma_start3A_610 = arith.constant 0 : i32
        %dma_start3A_611 = tpu.memref_slice %arg3[%add3A, %add3A_605, %dma_start3A_610] : memref<32x80x128xi32, #tpu.memory_space<hbm>> -> memref<1x1x128xi32, #tpu.memory_space<hbm>>
        %dma_start3A_612 = tpu.memref_squeeze %dma_start3A_611 : memref<1x1x128xi32, #tpu.memory_space<hbm>> -> memref<128xi32, #tpu.memory_space<hbm>>
        %dma_start3A_613 = arith.constant 0 : i32
        %dma_start3A_614 = tpu.memref_slice %arg12[%dma_start3A_606, %dma_start3A_613] : memref<1x128xi32, #tpu.memory_space<vmem>> -> memref<1x128xi32, #tpu.memory_space<vmem>>
        %dma_start3A_615 = tpu.memref_squeeze %dma_start3A_614 : memref<1x128xi32, #tpu.memory_space<vmem>> -> memref<128xi32, #tpu.memory_space<vmem>>
        %dma_start3A_616 = arith.constant 0 : i32
        %dma_start3A_617 = tpu.memref_slice %arg3[%add3A, %add3A_605, %dma_start3A_616] : memref<32x80x128xi32, #tpu.memory_space<hbm>> -> memref<1x1x128xi32, #tpu.memory_space<hbm>>
        %dma_start3A_618 = tpu.memref_squeeze %dma_start3A_617 : memref<1x1x128xi32, #tpu.memory_space<hbm>> -> memref<128xi32, #tpu.memory_space<hbm>>
        tpu.enqueue_dma source(%dma_start3A_618 : memref<128xi32, #tpu.memory_space<hbm>>) target(%dma_start3A_615 : memref<128xi32, #tpu.memory_space<vmem>>) target_semaphore(%arg28 : memref<!tpu.dma_semaphore, #tpu.memory_space<semaphore_mem>>)
        %dma_start3A_619 = arith.constant 0 : i32
        %dma_start3A_620 = arith.constant 0 : i32
        %dma_start3A_621 = tpu.memref_slice %arg13[%dma_start3A_619, %dma_start3A_620] : memref<1x128xi32, #tpu.memory_space<vmem>> -> memref<1x128xi32, #tpu.memory_space<vmem>>
        %dma_start3A_622 = tpu.memref_squeeze %dma_start3A_621 : memref<1x128xi32, #tpu.memory_space<vmem>> -> memref<128xi32, #tpu.memory_space<vmem>>
        %dma_start3A_623 = arith.constant 0 : i32
        %dma_start3A_624 = tpu.memref_slice %arg4[%add3A, %add3A_605, %dma_start3A_623] : memref<32x80x128xi32, #tpu.memory_space<hbm>> -> memref<1x1x128xi32, #tpu.memory_space<hbm>>
        %dma_start3A_625 = tpu.memref_squeeze %dma_start3A_624 : memref<1x1x128xi32, #tpu.memory_space<hbm>> -> memref<128xi32, #tpu.memory_space<hbm>>
        %dma_start3A_626 = arith.constant 0 : i32
        %dma_start3A_627 = tpu.memref_slice %arg13[%dma_start3A_619, %dma_start3A_626] : memref<1x128xi32, #tpu.memory_space<vmem>> -> memref<1x128xi32, #tpu.memory_space<vmem>>
        %dma_start3A_628 = tpu.memref_squeeze %dma_start3A_627 : memref<1x128xi32, #tpu.memory_space<vmem>> -> memref<128xi32, #tpu.memory_space<vmem>>
        %dma_start3A_629 = arith.constant 0 : i32
        %dma_start3A_630 = tpu.memref_slice %arg4[%add3A, %add3A_605, %dma_start3A_629] : memref<32x80x128xi32, #tpu.memory_space<hbm>> -> memref<1x1x128xi32, #tpu.memory_space<hbm>>
        %dma_start3A_631 = tpu.memref_squeeze %dma_start3A_630 : memref<1x1x128xi32, #tpu.memory_space<hbm>> -> memref<128xi32, #tpu.memory_space<hbm>>
        tpu.enqueue_dma source(%dma_start3A_631 : memref<128xi32, #tpu.memory_space<hbm>>) target(%dma_start3A_628 : memref<128xi32, #tpu.memory_space<vmem>>) target_semaphore(%arg28 : memref<!tpu.dma_semaphore, #tpu.memory_space<semaphore_mem>>)
      } else {
      }
      %lt3A_495 = arith.constant 80 : i32
      %lt3A_496 = arith.cmpi slt, %add3A_479, %lt3A_495 : i32
      %convert_element_type3A_497 = arith.extui %lt3A_496 : i1 to i32
      %cond3A_498 = arith.constant 0 : i32
      %cond3A_499 = arith.cmpi ne, %convert_element_type3A_497, %cond3A_498 : i32
      scf.if %cond3A_499 {
        %dma_wait3A = arith.constant 0 : i32
        %dma_wait3A_604 = arith.constant 0 : i32
        %dma_wait3A_605 = tpu.memref_slice %arg8[%dma_wait3A, %dma_wait3A_604] : memref<1x128xi32, #tpu.memory_space<vmem>> -> memref<1x128xi32, #tpu.memory_space<vmem>>
        %dma_wait3A_606 = tpu.memref_squeeze %dma_wait3A_605 : memref<1x128xi32, #tpu.memory_space<vmem>> -> memref<128xi32, #tpu.memory_space<vmem>>
        %dma_wait3A_607 = arith.constant 0 : i32
        %dma_wait3A_608 = tpu.memref_slice %arg3[%add3A, %add3A_479, %dma_wait3A_607] : memref<32x80x128xi32, #tpu.memory_space<hbm>> -> memref<1x1x128xi32, #tpu.memory_space<hbm>>
        %dma_wait3A_609 = tpu.memref_squeeze %dma_wait3A_608 : memref<1x1x128xi32, #tpu.memory_space<hbm>> -> memref<128xi32, #tpu.memory_space<hbm>>
        %dma_wait3A_610 = arith.constant 0 : i32
        %dma_wait3A_611 = tpu.memref_slice %arg8[%dma_wait3A, %dma_wait3A_610] : memref<1x128xi32, #tpu.memory_space<vmem>> -> memref<1x128xi32, #tpu.memory_space<vmem>>
        %dma_wait3A_612 = tpu.memref_squeeze %dma_wait3A_611 : memref<1x128xi32, #tpu.memory_space<vmem>> -> memref<128xi32, #tpu.memory_space<vmem>>
        %dma_wait3A_613 = arith.constant 0 : i32
        %dma_wait3A_614 = tpu.memref_slice %arg3[%add3A, %add3A_479, %dma_wait3A_613] : memref<32x80x128xi32, #tpu.memory_space<hbm>> -> memref<1x1x128xi32, #tpu.memory_space<hbm>>
        %dma_wait3A_615 = tpu.memref_squeeze %dma_wait3A_614 : memref<1x1x128xi32, #tpu.memory_space<hbm>> -> memref<128xi32, #tpu.memory_space<hbm>>
        tpu.wait_dma2 semaphore(%arg26 : memref<!tpu.dma_semaphore, #tpu.memory_space<semaphore_mem>>) src(%dma_wait3A_615 : memref<128xi32, #tpu.memory_space<hbm>>) dst(%dma_wait3A_612 : memref<128xi32, #tpu.memory_space<vmem>>)
        %dma_wait3A_616 = arith.constant 0 : i32
        %dma_wait3A_617 = arith.constant 0 : i32
        %dma_wait3A_618 = tpu.memref_slice %arg9[%dma_wait3A_616, %dma_wait3A_617] : memref<1x128xi32, #tpu.memory_space<vmem>> -> memref<1x128xi32, #tpu.memory_space<vmem>>
        %dma_wait3A_619 = tpu.memref_squeeze %dma_wait3A_618 : memref<1x128xi32, #tpu.memory_space<vmem>> -> memref<128xi32, #tpu.memory_space<vmem>>
        %dma_wait3A_620 = arith.constant 0 : i32
        %dma_wait3A_621 = tpu.memref_slice %arg4[%add3A, %add3A_479, %dma_wait3A_620] : memref<32x80x128xi32, #tpu.memory_space<hbm>> -> memref<1x1x128xi32, #tpu.memory_space<hbm>>
        %dma_wait3A_622 = tpu.memref_squeeze %dma_wait3A_621 : memref<1x1x128xi32, #tpu.memory_space<hbm>> -> memref<128xi32, #tpu.memory_space<hbm>>
        %dma_wait3A_623 = arith.constant 0 : i32
        %dma_wait3A_624 = tpu.memref_slice %arg9[%dma_wait3A_616, %dma_wait3A_623] : memref<1x128xi32, #tpu.memory_space<vmem>> -> memref<1x128xi32, #tpu.memory_space<vmem>>
        %dma_wait3A_625 = tpu.memref_squeeze %dma_wait3A_624 : memref<1x128xi32, #tpu.memory_space<vmem>> -> memref<128xi32, #tpu.memory_space<vmem>>
        %dma_wait3A_626 = arith.constant 0 : i32
        %dma_wait3A_627 = tpu.memref_slice %arg4[%add3A, %add3A_479, %dma_wait3A_626] : memref<32x80x128xi32, #tpu.memory_space<hbm>> -> memref<1x1x128xi32, #tpu.memory_space<hbm>>
        %dma_wait3A_628 = tpu.memref_squeeze %dma_wait3A_627 : memref<1x1x128xi32, #tpu.memory_space<hbm>> -> memref<128xi32, #tpu.memory_space<hbm>>
        tpu.wait_dma2 semaphore(%arg26 : memref<!tpu.dma_semaphore, #tpu.memory_space<semaphore_mem>>) src(%dma_wait3A_628 : memref<128xi32, #tpu.memory_space<hbm>>) dst(%dma_wait3A_625 : memref<128xi32, #tpu.memory_space<vmem>>)
        %dma_start3A_629 = arith.constant 0 : i32
        %dma_start3A_630 = arith.constant 0 : i32
        %dma_start3A_631 = tpu.memref_slice %arg8[%dma_start3A_629, %dma_start3A_630] : memref<1x128xi32, #tpu.memory_space<vmem>> -> memref<1x128xi32, #tpu.memory_space<vmem>>
        %dma_start3A_632 = tpu.memref_squeeze %dma_start3A_631 : memref<1x128xi32, #tpu.memory_space<vmem>> -> memref<128xi32, #tpu.memory_space<vmem>>
        %dma_start3A_633 = arith.constant 0 : i32
        %dma_start3A_634 = arith.constant 0 : i32
        %dma_start3A_635 = tpu.memref_slice %arg2[%dma_start3A_633, %dma_start3A_634] : memref<10048x128xf32, #tpu.memory_space<hbm>> -> memref<10048x128xf32, #tpu.memory_space<hbm>>
        tpu.enqueue_indirect_dma source(%dma_start3A_635 : memref<10048x128xf32, #tpu.memory_space<hbm>>) target(%arg18 : memref<128x128xf32, #tpu.memory_space<vmem>>) offsets(%dma_start3A_632 : memref<128xi32, #tpu.memory_space<vmem>>) semaphore(%arg21 : memref<!tpu.dma_semaphore, #tpu.memory_space<semaphore_mem>>)
      } else {
      }
      %ge3A_500 = arith.constant 2 : i32
      %ge3A_501 = arith.cmpi sge, %add3A_479, %ge3A_500 : i32
      %lt3A_502 = arith.constant 82 : i32
      %lt3A_503 = arith.cmpi slt, %add3A_479, %lt3A_502 : i32
      %and3A_504 = arith.andi %ge3A_501, %lt3A_503 : i1
      %convert_element_type3A_505 = arith.extui %and3A_504 : i1 to i32
      %cond3A_506 = arith.constant 0 : i32
      %cond3A_507 = arith.cmpi ne, %convert_element_type3A_505, %cond3A_506 : i32
      scf.if %cond3A_507 {
        %dma_wait3A = arith.constant 0 : i32
        %dma_wait3A_604 = arith.constant 0 : i32
        %dma_wait3A_605 = tpu.memref_slice %arg14[%dma_wait3A, %dma_wait3A_604] : memref<1x128xi32, #tpu.memory_space<vmem>> -> memref<1x128xi32, #tpu.memory_space<vmem>>
        %dma_wait3A_606 = tpu.memref_squeeze %dma_wait3A_605 : memref<1x128xi32, #tpu.memory_space<vmem>> -> memref<128xi32, #tpu.memory_space<vmem>>
        %dma_wait3A_607 = arith.constant 0 : i32
        %dma_wait3A_608 = arith.constant 0 : i32
        %dma_wait3A_609 = tpu.memref_slice %arg2[%dma_wait3A_607, %dma_wait3A_608] : memref<10048x128xf32, #tpu.memory_space<hbm>> -> memref<10048x128xf32, #tpu.memory_space<hbm>>
        tpu.wait_indirect_dma semaphore(%arg19 : memref<!tpu.dma_semaphore, #tpu.memory_space<semaphore_mem>>) src(%dma_wait3A_609 : memref<10048x128xf32, #tpu.memory_space<hbm>>) dst(%arg16 : memref<128x128xf32, #tpu.memory_space<vmem>>)
        %dma_start3A_610 = arith.constant 0 : i32
        %dma_start3A_611 = arith.constant 0 : i32
        %dma_start3A_612 = tpu.memref_slice %arg15[%dma_start3A_610, %dma_start3A_611] : memref<1x128xi32, #tpu.memory_space<vmem>> -> memref<1x128xi32, #tpu.memory_space<vmem>>
        %dma_start3A_613 = tpu.memref_squeeze %dma_start3A_612 : memref<1x128xi32, #tpu.memory_space<vmem>> -> memref<128xi32, #tpu.memory_space<vmem>>
        %dma_start3A_614 = arith.constant 0 : i32
        %dma_start3A_615 = arith.constant 0 : i32
        %dma_start3A_616 = tpu.memref_slice %arg30[%dma_start3A_614, %dma_start3A_615] : memref<10048x128xf32, #tpu.memory_space<vmem_shared>> -> memref<10048x128xf32, #tpu.memory_space<vmem_shared>>
        tpu.enqueue_indirect_dma source(%arg16 : memref<128x128xf32, #tpu.memory_space<vmem>>) target(%dma_start3A_616 : memref<10048x128xf32, #tpu.memory_space<vmem_shared>>) offsets(%dma_start3A_613 : memref<128xi32, #tpu.memory_space<vmem>>) semaphore(%arg22 : memref<!tpu.dma_semaphore, #tpu.memory_space<semaphore_mem>>) {add = true}
      } else {
      }
      %mul3A_508 = arith.constant 15 : i32
      %mul3A_509 = arith.muli %mul3A_508, %scan3A_124 : i32
      %add3A_510 = arith.constant 12 : i32
      %add3A_511 = arith.addi %mul3A_509, %add3A_510 : i32
      %ge3A_512 = arith.constant 3 : i32
      %ge3A_513 = arith.cmpi sge, %add3A_511, %ge3A_512 : i32
      %lt3A_514 = arith.constant 83 : i32
      %lt3A_515 = arith.cmpi slt, %add3A_511, %lt3A_514 : i32
      %and3A_516 = arith.andi %ge3A_513, %lt3A_515 : i1
      %convert_element_type3A_517 = arith.extui %and3A_516 : i1 to i32
      %cond3A_518 = arith.constant 0 : i32
      %cond3A_519 = arith.cmpi ne, %convert_element_type3A_517, %cond3A_518 : i32
      scf.if %cond3A_519 {
        %dma_wait3A = arith.constant 0 : i32
        %dma_wait3A_604 = arith.constant 0 : i32
        %dma_wait3A_605 = tpu.memref_slice %arg15[%dma_wait3A, %dma_wait3A_604] : memref<1x128xi32, #tpu.memory_space<vmem>> -> memref<1x128xi32, #tpu.memory_space<vmem>>
        %dma_wait3A_606 = tpu.memref_squeeze %dma_wait3A_605 : memref<1x128xi32, #tpu.memory_space<vmem>> -> memref<128xi32, #tpu.memory_space<vmem>>
        %dma_wait3A_607 = arith.constant 0 : i32
        %dma_wait3A_608 = arith.constant 0 : i32
        %dma_wait3A_609 = tpu.memref_slice %arg30[%dma_wait3A_607, %dma_wait3A_608] : memref<10048x128xf32, #tpu.memory_space<vmem_shared>> -> memref<10048x128xf32, #tpu.memory_space<vmem_shared>>
        tpu.wait_indirect_dma semaphore(%arg22 : memref<!tpu.dma_semaphore, #tpu.memory_space<semaphore_mem>>) src(%arg16 : memref<128x128xf32, #tpu.memory_space<vmem>>) dst(%dma_wait3A_609 : memref<10048x128xf32, #tpu.memory_space<vmem_shared>>)
      } else {
      }
      %add3A_520 = arith.constant 2 : i32
      %add3A_521 = arith.addi %add3A_511, %add3A_520 : i32
      %lt3A_522 = arith.constant 80 : i32
      %lt3A_523 = arith.cmpi slt, %add3A_521, %lt3A_522 : i32
      %convert_element_type3A_524 = arith.extui %lt3A_523 : i1 to i32
      %cond3A_525 = arith.constant 0 : i32
      %cond3A_526 = arith.cmpi ne, %convert_element_type3A_524, %cond3A_525 : i32
      scf.if %cond3A_526 {
        %add3A_604 = arith.constant 2 : i32
        %add3A_605 = arith.addi %add3A_511, %add3A_604 : i32
        %dma_start3A_606 = arith.constant 0 : i32
        %dma_start3A_607 = arith.constant 0 : i32
        %dma_start3A_608 = tpu.memref_slice %arg14[%dma_start3A_606, %dma_start3A_607] : memref<1x128xi32, #tpu.memory_space<vmem>> -> memref<1x128xi32, #tpu.memory_space<vmem>>
        %dma_start3A_609 = tpu.memref_squeeze %dma_start3A_608 : memref<1x128xi32, #tpu.memory_space<vmem>> -> memref<128xi32, #tpu.memory_space<vmem>>
        %dma_start3A_610 = arith.constant 0 : i32
        %dma_start3A_611 = tpu.memref_slice %arg3[%add3A, %add3A_605, %dma_start3A_610] : memref<32x80x128xi32, #tpu.memory_space<hbm>> -> memref<1x1x128xi32, #tpu.memory_space<hbm>>
        %dma_start3A_612 = tpu.memref_squeeze %dma_start3A_611 : memref<1x1x128xi32, #tpu.memory_space<hbm>> -> memref<128xi32, #tpu.memory_space<hbm>>
        %dma_start3A_613 = arith.constant 0 : i32
        %dma_start3A_614 = tpu.memref_slice %arg14[%dma_start3A_606, %dma_start3A_613] : memref<1x128xi32, #tpu.memory_space<vmem>> -> memref<1x128xi32, #tpu.memory_space<vmem>>
        %dma_start3A_615 = tpu.memref_squeeze %dma_start3A_614 : memref<1x128xi32, #tpu.memory_space<vmem>> -> memref<128xi32, #tpu.memory_space<vmem>>
        %dma_start3A_616 = arith.constant 0 : i32
        %dma_start3A_617 = tpu.memref_slice %arg3[%add3A, %add3A_605, %dma_start3A_616] : memref<32x80x128xi32, #tpu.memory_space<hbm>> -> memref<1x1x128xi32, #tpu.memory_space<hbm>>
        %dma_start3A_618 = tpu.memref_squeeze %dma_start3A_617 : memref<1x1x128xi32, #tpu.memory_space<hbm>> -> memref<128xi32, #tpu.memory_space<hbm>>
        tpu.enqueue_dma source(%dma_start3A_618 : memref<128xi32, #tpu.memory_space<hbm>>) target(%dma_start3A_615 : memref<128xi32, #tpu.memory_space<vmem>>) target_semaphore(%arg29 : memref<!tpu.dma_semaphore, #tpu.memory_space<semaphore_mem>>)
        %dma_start3A_619 = arith.constant 0 : i32
        %dma_start3A_620 = arith.constant 0 : i32
        %dma_start3A_621 = tpu.memref_slice %arg15[%dma_start3A_619, %dma_start3A_620] : memref<1x128xi32, #tpu.memory_space<vmem>> -> memref<1x128xi32, #tpu.memory_space<vmem>>
        %dma_start3A_622 = tpu.memref_squeeze %dma_start3A_621 : memref<1x128xi32, #tpu.memory_space<vmem>> -> memref<128xi32, #tpu.memory_space<vmem>>
        %dma_start3A_623 = arith.constant 0 : i32
        %dma_start3A_624 = tpu.memref_slice %arg4[%add3A, %add3A_605, %dma_start3A_623] : memref<32x80x128xi32, #tpu.memory_space<hbm>> -> memref<1x1x128xi32, #tpu.memory_space<hbm>>
        %dma_start3A_625 = tpu.memref_squeeze %dma_start3A_624 : memref<1x1x128xi32, #tpu.memory_space<hbm>> -> memref<128xi32, #tpu.memory_space<hbm>>
        %dma_start3A_626 = arith.constant 0 : i32
        %dma_start3A_627 = tpu.memref_slice %arg15[%dma_start3A_619, %dma_start3A_626] : memref<1x128xi32, #tpu.memory_space<vmem>> -> memref<1x128xi32, #tpu.memory_space<vmem>>
        %dma_start3A_628 = tpu.memref_squeeze %dma_start3A_627 : memref<1x128xi32, #tpu.memory_space<vmem>> -> memref<128xi32, #tpu.memory_space<vmem>>
        %dma_start3A_629 = arith.constant 0 : i32
        %dma_start3A_630 = tpu.memref_slice %arg4[%add3A, %add3A_605, %dma_start3A_629] : memref<32x80x128xi32, #tpu.memory_space<hbm>> -> memref<1x1x128xi32, #tpu.memory_space<hbm>>
        %dma_start3A_631 = tpu.memref_squeeze %dma_start3A_630 : memref<1x1x128xi32, #tpu.memory_space<hbm>> -> memref<128xi32, #tpu.memory_space<hbm>>
        tpu.enqueue_dma source(%dma_start3A_631 : memref<128xi32, #tpu.memory_space<hbm>>) target(%dma_start3A_628 : memref<128xi32, #tpu.memory_space<vmem>>) target_semaphore(%arg29 : memref<!tpu.dma_semaphore, #tpu.memory_space<semaphore_mem>>)
      } else {
      }
      %lt3A_527 = arith.constant 80 : i32
      %lt3A_528 = arith.cmpi slt, %add3A_511, %lt3A_527 : i32
      %convert_element_type3A_529 = arith.extui %lt3A_528 : i1 to i32
      %cond3A_530 = arith.constant 0 : i32
      %cond3A_531 = arith.cmpi ne, %convert_element_type3A_529, %cond3A_530 : i32
      scf.if %cond3A_531 {
        %dma_wait3A = arith.constant 0 : i32
        %dma_wait3A_604 = arith.constant 0 : i32
        %dma_wait3A_605 = tpu.memref_slice %arg10[%dma_wait3A, %dma_wait3A_604] : memref<1x128xi32, #tpu.memory_space<vmem>> -> memref<1x128xi32, #tpu.memory_space<vmem>>
        %dma_wait3A_606 = tpu.memref_squeeze %dma_wait3A_605 : memref<1x128xi32, #tpu.memory_space<vmem>> -> memref<128xi32, #tpu.memory_space<vmem>>
        %dma_wait3A_607 = arith.constant 0 : i32
        %dma_wait3A_608 = tpu.memref_slice %arg3[%add3A, %add3A_511, %dma_wait3A_607] : memref<32x80x128xi32, #tpu.memory_space<hbm>> -> memref<1x1x128xi32, #tpu.memory_space<hbm>>
        %dma_wait3A_609 = tpu.memref_squeeze %dma_wait3A_608 : memref<1x1x128xi32, #tpu.memory_space<hbm>> -> memref<128xi32, #tpu.memory_space<hbm>>
        %dma_wait3A_610 = arith.constant 0 : i32
        %dma_wait3A_611 = tpu.memref_slice %arg10[%dma_wait3A, %dma_wait3A_610] : memref<1x128xi32, #tpu.memory_space<vmem>> -> memref<1x128xi32, #tpu.memory_space<vmem>>
        %dma_wait3A_612 = tpu.memref_squeeze %dma_wait3A_611 : memref<1x128xi32, #tpu.memory_space<vmem>> -> memref<128xi32, #tpu.memory_space<vmem>>
        %dma_wait3A_613 = arith.constant 0 : i32
        %dma_wait3A_614 = tpu.memref_slice %arg3[%add3A, %add3A_511, %dma_wait3A_613] : memref<32x80x128xi32, #tpu.memory_space<hbm>> -> memref<1x1x128xi32, #tpu.memory_space<hbm>>
        %dma_wait3A_615 = tpu.memref_squeeze %dma_wait3A_614 : memref<1x1x128xi32, #tpu.memory_space<hbm>> -> memref<128xi32, #tpu.memory_space<hbm>>
        tpu.wait_dma2 semaphore(%arg27 : memref<!tpu.dma_semaphore, #tpu.memory_space<semaphore_mem>>) src(%dma_wait3A_615 : memref<128xi32, #tpu.memory_space<hbm>>) dst(%dma_wait3A_612 : memref<128xi32, #tpu.memory_space<vmem>>)
        %dma_wait3A_616 = arith.constant 0 : i32
        %dma_wait3A_617 = arith.constant 0 : i32
        %dma_wait3A_618 = tpu.memref_slice %arg11[%dma_wait3A_616, %dma_wait3A_617] : memref<1x128xi32, #tpu.memory_space<vmem>> -> memref<1x128xi32, #tpu.memory_space<vmem>>
        %dma_wait3A_619 = tpu.memref_squeeze %dma_wait3A_618 : memref<1x128xi32, #tpu.memory_space<vmem>> -> memref<128xi32, #tpu.memory_space<vmem>>
        %dma_wait3A_620 = arith.constant 0 : i32
        %dma_wait3A_621 = tpu.memref_slice %arg4[%add3A, %add3A_511, %dma_wait3A_620] : memref<32x80x128xi32, #tpu.memory_space<hbm>> -> memref<1x1x128xi32, #tpu.memory_space<hbm>>
        %dma_wait3A_622 = tpu.memref_squeeze %dma_wait3A_621 : memref<1x1x128xi32, #tpu.memory_space<hbm>> -> memref<128xi32, #tpu.memory_space<hbm>>
        %dma_wait3A_623 = arith.constant 0 : i32
        %dma_wait3A_624 = tpu.memref_slice %arg11[%dma_wait3A_616, %dma_wait3A_623] : memref<1x128xi32, #tpu.memory_space<vmem>> -> memref<1x128xi32, #tpu.memory_space<vmem>>
        %dma_wait3A_625 = tpu.memref_squeeze %dma_wait3A_624 : memref<1x128xi32, #tpu.memory_space<vmem>> -> memref<128xi32, #tpu.memory_space<vmem>>
        %dma_wait3A_626 = arith.constant 0 : i32
        %dma_wait3A_627 = tpu.memref_slice %arg4[%add3A, %add3A_511, %dma_wait3A_626] : memref<32x80x128xi32, #tpu.memory_space<hbm>> -> memref<1x1x128xi32, #tpu.memory_space<hbm>>
        %dma_wait3A_628 = tpu.memref_squeeze %dma_wait3A_627 : memref<1x1x128xi32, #tpu.memory_space<hbm>> -> memref<128xi32, #tpu.memory_space<hbm>>
        tpu.wait_dma2 semaphore(%arg27 : memref<!tpu.dma_semaphore, #tpu.memory_space<semaphore_mem>>) src(%dma_wait3A_628 : memref<128xi32, #tpu.memory_space<hbm>>) dst(%dma_wait3A_625 : memref<128xi32, #tpu.memory_space<vmem>>)
        %dma_start3A_629 = arith.constant 0 : i32
        %dma_start3A_630 = arith.constant 0 : i32
        %dma_start3A_631 = tpu.memref_slice %arg10[%dma_start3A_629, %dma_start3A_630] : memref<1x128xi32, #tpu.memory_space<vmem>> -> memref<1x128xi32, #tpu.memory_space<vmem>>
        %dma_start3A_632 = tpu.memref_squeeze %dma_start3A_631 : memref<1x128xi32, #tpu.memory_space<vmem>> -> memref<128xi32, #tpu.memory_space<vmem>>
        %dma_start3A_633 = arith.constant 0 : i32
        %dma_start3A_634 = arith.constant 0 : i32
        %dma_start3A_635 = tpu.memref_slice %arg2[%dma_start3A_633, %dma_start3A_634] : memref<10048x128xf32, #tpu.memory_space<hbm>> -> memref<10048x128xf32, #tpu.memory_space<hbm>>
        tpu.enqueue_indirect_dma source(%dma_start3A_635 : memref<10048x128xf32, #tpu.memory_space<hbm>>) target(%arg16 : memref<128x128xf32, #tpu.memory_space<vmem>>) offsets(%dma_start3A_632 : memref<128xi32, #tpu.memory_space<vmem>>) semaphore(%arg19 : memref<!tpu.dma_semaphore, #tpu.memory_space<semaphore_mem>>)
      } else {
      }
      %ge3A_532 = arith.constant 2 : i32
      %ge3A_533 = arith.cmpi sge, %add3A_511, %ge3A_532 : i32
      %lt3A_534 = arith.constant 82 : i32
      %lt3A_535 = arith.cmpi slt, %add3A_511, %lt3A_534 : i32
      %and3A_536 = arith.andi %ge3A_533, %lt3A_535 : i1
      %convert_element_type3A_537 = arith.extui %and3A_536 : i1 to i32
      %cond3A_538 = arith.constant 0 : i32
      %cond3A_539 = arith.cmpi ne, %convert_element_type3A_537, %cond3A_538 : i32
      scf.if %cond3A_539 {
        %dma_wait3A = arith.constant 0 : i32
        %dma_wait3A_604 = arith.constant 0 : i32
        %dma_wait3A_605 = tpu.memref_slice %arg6[%dma_wait3A, %dma_wait3A_604] : memref<1x128xi32, #tpu.memory_space<vmem>> -> memref<1x128xi32, #tpu.memory_space<vmem>>
        %dma_wait3A_606 = tpu.memref_squeeze %dma_wait3A_605 : memref<1x128xi32, #tpu.memory_space<vmem>> -> memref<128xi32, #tpu.memory_space<vmem>>
        %dma_wait3A_607 = arith.constant 0 : i32
        %dma_wait3A_608 = arith.constant 0 : i32
        %dma_wait3A_609 = tpu.memref_slice %arg2[%dma_wait3A_607, %dma_wait3A_608] : memref<10048x128xf32, #tpu.memory_space<hbm>> -> memref<10048x128xf32, #tpu.memory_space<hbm>>
        tpu.wait_indirect_dma semaphore(%arg20 : memref<!tpu.dma_semaphore, #tpu.memory_space<semaphore_mem>>) src(%dma_wait3A_609 : memref<10048x128xf32, #tpu.memory_space<hbm>>) dst(%arg17 : memref<128x128xf32, #tpu.memory_space<vmem>>)
        %dma_start3A_610 = arith.constant 0 : i32
        %dma_start3A_611 = arith.constant 0 : i32
        %dma_start3A_612 = tpu.memref_slice %arg7[%dma_start3A_610, %dma_start3A_611] : memref<1x128xi32, #tpu.memory_space<vmem>> -> memref<1x128xi32, #tpu.memory_space<vmem>>
        %dma_start3A_613 = tpu.memref_squeeze %dma_start3A_612 : memref<1x128xi32, #tpu.memory_space<vmem>> -> memref<128xi32, #tpu.memory_space<vmem>>
        %dma_start3A_614 = arith.constant 0 : i32
        %dma_start3A_615 = arith.constant 0 : i32
        %dma_start3A_616 = tpu.memref_slice %arg30[%dma_start3A_614, %dma_start3A_615] : memref<10048x128xf32, #tpu.memory_space<vmem_shared>> -> memref<10048x128xf32, #tpu.memory_space<vmem_shared>>
        tpu.enqueue_indirect_dma source(%arg17 : memref<128x128xf32, #tpu.memory_space<vmem>>) target(%dma_start3A_616 : memref<10048x128xf32, #tpu.memory_space<vmem_shared>>) offsets(%dma_start3A_613 : memref<128xi32, #tpu.memory_space<vmem>>) semaphore(%arg23 : memref<!tpu.dma_semaphore, #tpu.memory_space<semaphore_mem>>) {add = true}
      } else {
      }
      %mul3A_540 = arith.constant 15 : i32
      %mul3A_541 = arith.muli %mul3A_540, %scan3A_124 : i32
      %add3A_542 = arith.constant 13 : i32
      %add3A_543 = arith.addi %mul3A_541, %add3A_542 : i32
      %ge3A_544 = arith.constant 3 : i32
      %ge3A_545 = arith.cmpi sge, %add3A_543, %ge3A_544 : i32
      %lt3A_546 = arith.constant 83 : i32
      %lt3A_547 = arith.cmpi slt, %add3A_543, %lt3A_546 : i32
      %and3A_548 = arith.andi %ge3A_545, %lt3A_547 : i1
      %convert_element_type3A_549 = arith.extui %and3A_548 : i1 to i32
      %cond3A_550 = arith.constant 0 : i32
      %cond3A_551 = arith.cmpi ne, %convert_element_type3A_549, %cond3A_550 : i32
      scf.if %cond3A_551 {
        %dma_wait3A = arith.constant 0 : i32
        %dma_wait3A_604 = arith.constant 0 : i32
        %dma_wait3A_605 = tpu.memref_slice %arg7[%dma_wait3A, %dma_wait3A_604] : memref<1x128xi32, #tpu.memory_space<vmem>> -> memref<1x128xi32, #tpu.memory_space<vmem>>
        %dma_wait3A_606 = tpu.memref_squeeze %dma_wait3A_605 : memref<1x128xi32, #tpu.memory_space<vmem>> -> memref<128xi32, #tpu.memory_space<vmem>>
        %dma_wait3A_607 = arith.constant 0 : i32
        %dma_wait3A_608 = arith.constant 0 : i32
        %dma_wait3A_609 = tpu.memref_slice %arg30[%dma_wait3A_607, %dma_wait3A_608] : memref<10048x128xf32, #tpu.memory_space<vmem_shared>> -> memref<10048x128xf32, #tpu.memory_space<vmem_shared>>
        tpu.wait_indirect_dma semaphore(%arg23 : memref<!tpu.dma_semaphore, #tpu.memory_space<semaphore_mem>>) src(%arg17 : memref<128x128xf32, #tpu.memory_space<vmem>>) dst(%dma_wait3A_609 : memref<10048x128xf32, #tpu.memory_space<vmem_shared>>)
      } else {
      }
      %add3A_552 = arith.constant 2 : i32
      %add3A_553 = arith.addi %add3A_543, %add3A_552 : i32
      %lt3A_554 = arith.constant 80 : i32
      %lt3A_555 = arith.cmpi slt, %add3A_553, %lt3A_554 : i32
      %convert_element_type3A_556 = arith.extui %lt3A_555 : i1 to i32
      %cond3A_557 = arith.constant 0 : i32
      %cond3A_558 = arith.cmpi ne, %convert_element_type3A_556, %cond3A_557 : i32
      scf.if %cond3A_558 {
        %add3A_604 = arith.constant 2 : i32
        %add3A_605 = arith.addi %add3A_543, %add3A_604 : i32
        %dma_start3A_606 = arith.constant 0 : i32
        %dma_start3A_607 = arith.constant 0 : i32
        %dma_start3A_608 = tpu.memref_slice %arg6[%dma_start3A_606, %dma_start3A_607] : memref<1x128xi32, #tpu.memory_space<vmem>> -> memref<1x128xi32, #tpu.memory_space<vmem>>
        %dma_start3A_609 = tpu.memref_squeeze %dma_start3A_608 : memref<1x128xi32, #tpu.memory_space<vmem>> -> memref<128xi32, #tpu.memory_space<vmem>>
        %dma_start3A_610 = arith.constant 0 : i32
        %dma_start3A_611 = tpu.memref_slice %arg3[%add3A, %add3A_605, %dma_start3A_610] : memref<32x80x128xi32, #tpu.memory_space<hbm>> -> memref<1x1x128xi32, #tpu.memory_space<hbm>>
        %dma_start3A_612 = tpu.memref_squeeze %dma_start3A_611 : memref<1x1x128xi32, #tpu.memory_space<hbm>> -> memref<128xi32, #tpu.memory_space<hbm>>
        %dma_start3A_613 = arith.constant 0 : i32
        %dma_start3A_614 = tpu.memref_slice %arg6[%dma_start3A_606, %dma_start3A_613] : memref<1x128xi32, #tpu.memory_space<vmem>> -> memref<1x128xi32, #tpu.memory_space<vmem>>
        %dma_start3A_615 = tpu.memref_squeeze %dma_start3A_614 : memref<1x128xi32, #tpu.memory_space<vmem>> -> memref<128xi32, #tpu.memory_space<vmem>>
        %dma_start3A_616 = arith.constant 0 : i32
        %dma_start3A_617 = tpu.memref_slice %arg3[%add3A, %add3A_605, %dma_start3A_616] : memref<32x80x128xi32, #tpu.memory_space<hbm>> -> memref<1x1x128xi32, #tpu.memory_space<hbm>>
        %dma_start3A_618 = tpu.memref_squeeze %dma_start3A_617 : memref<1x1x128xi32, #tpu.memory_space<hbm>> -> memref<128xi32, #tpu.memory_space<hbm>>
        tpu.enqueue_dma source(%dma_start3A_618 : memref<128xi32, #tpu.memory_space<hbm>>) target(%dma_start3A_615 : memref<128xi32, #tpu.memory_space<vmem>>) target_semaphore(%arg25 : memref<!tpu.dma_semaphore, #tpu.memory_space<semaphore_mem>>)
        %dma_start3A_619 = arith.constant 0 : i32
        %dma_start3A_620 = arith.constant 0 : i32
        %dma_start3A_621 = tpu.memref_slice %arg7[%dma_start3A_619, %dma_start3A_620] : memref<1x128xi32, #tpu.memory_space<vmem>> -> memref<1x128xi32, #tpu.memory_space<vmem>>
        %dma_start3A_622 = tpu.memref_squeeze %dma_start3A_621 : memref<1x128xi32, #tpu.memory_space<vmem>> -> memref<128xi32, #tpu.memory_space<vmem>>
        %dma_start3A_623 = arith.constant 0 : i32
        %dma_start3A_624 = tpu.memref_slice %arg4[%add3A, %add3A_605, %dma_start3A_623] : memref<32x80x128xi32, #tpu.memory_space<hbm>> -> memref<1x1x128xi32, #tpu.memory_space<hbm>>
        %dma_start3A_625 = tpu.memref_squeeze %dma_start3A_624 : memref<1x1x128xi32, #tpu.memory_space<hbm>> -> memref<128xi32, #tpu.memory_space<hbm>>
        %dma_start3A_626 = arith.constant 0 : i32
        %dma_start3A_627 = tpu.memref_slice %arg7[%dma_start3A_619, %dma_start3A_626] : memref<1x128xi32, #tpu.memory_space<vmem>> -> memref<1x128xi32, #tpu.memory_space<vmem>>
        %dma_start3A_628 = tpu.memref_squeeze %dma_start3A_627 : memref<1x128xi32, #tpu.memory_space<vmem>> -> memref<128xi32, #tpu.memory_space<vmem>>
        %dma_start3A_629 = arith.constant 0 : i32
        %dma_start3A_630 = tpu.memref_slice %arg4[%add3A, %add3A_605, %dma_start3A_629] : memref<32x80x128xi32, #tpu.memory_space<hbm>> -> memref<1x1x128xi32, #tpu.memory_space<hbm>>
        %dma_start3A_631 = tpu.memref_squeeze %dma_start3A_630 : memref<1x1x128xi32, #tpu.memory_space<hbm>> -> memref<128xi32, #tpu.memory_space<hbm>>
        tpu.enqueue_dma source(%dma_start3A_631 : memref<128xi32, #tpu.memory_space<hbm>>) target(%dma_start3A_628 : memref<128xi32, #tpu.memory_space<vmem>>) target_semaphore(%arg25 : memref<!tpu.dma_semaphore, #tpu.memory_space<semaphore_mem>>)
      } else {
      }
      %lt3A_559 = arith.constant 80 : i32
      %lt3A_560 = arith.cmpi slt, %add3A_543, %lt3A_559 : i32
      %convert_element_type3A_561 = arith.extui %lt3A_560 : i1 to i32
      %cond3A_562 = arith.constant 0 : i32
      %cond3A_563 = arith.cmpi ne, %convert_element_type3A_561, %cond3A_562 : i32
      scf.if %cond3A_563 {
        %dma_wait3A = arith.constant 0 : i32
        %dma_wait3A_604 = arith.constant 0 : i32
        %dma_wait3A_605 = tpu.memref_slice %arg12[%dma_wait3A, %dma_wait3A_604] : memref<1x128xi32, #tpu.memory_space<vmem>> -> memref<1x128xi32, #tpu.memory_space<vmem>>
        %dma_wait3A_606 = tpu.memref_squeeze %dma_wait3A_605 : memref<1x128xi32, #tpu.memory_space<vmem>> -> memref<128xi32, #tpu.memory_space<vmem>>
        %dma_wait3A_607 = arith.constant 0 : i32
        %dma_wait3A_608 = tpu.memref_slice %arg3[%add3A, %add3A_543, %dma_wait3A_607] : memref<32x80x128xi32, #tpu.memory_space<hbm>> -> memref<1x1x128xi32, #tpu.memory_space<hbm>>
        %dma_wait3A_609 = tpu.memref_squeeze %dma_wait3A_608 : memref<1x1x128xi32, #tpu.memory_space<hbm>> -> memref<128xi32, #tpu.memory_space<hbm>>
        %dma_wait3A_610 = arith.constant 0 : i32
        %dma_wait3A_611 = tpu.memref_slice %arg12[%dma_wait3A, %dma_wait3A_610] : memref<1x128xi32, #tpu.memory_space<vmem>> -> memref<1x128xi32, #tpu.memory_space<vmem>>
        %dma_wait3A_612 = tpu.memref_squeeze %dma_wait3A_611 : memref<1x128xi32, #tpu.memory_space<vmem>> -> memref<128xi32, #tpu.memory_space<vmem>>
        %dma_wait3A_613 = arith.constant 0 : i32
        %dma_wait3A_614 = tpu.memref_slice %arg3[%add3A, %add3A_543, %dma_wait3A_613] : memref<32x80x128xi32, #tpu.memory_space<hbm>> -> memref<1x1x128xi32, #tpu.memory_space<hbm>>
        %dma_wait3A_615 = tpu.memref_squeeze %dma_wait3A_614 : memref<1x1x128xi32, #tpu.memory_space<hbm>> -> memref<128xi32, #tpu.memory_space<hbm>>
        tpu.wait_dma2 semaphore(%arg28 : memref<!tpu.dma_semaphore, #tpu.memory_space<semaphore_mem>>) src(%dma_wait3A_615 : memref<128xi32, #tpu.memory_space<hbm>>) dst(%dma_wait3A_612 : memref<128xi32, #tpu.memory_space<vmem>>)
        %dma_wait3A_616 = arith.constant 0 : i32
        %dma_wait3A_617 = arith.constant 0 : i32
        %dma_wait3A_618 = tpu.memref_slice %arg13[%dma_wait3A_616, %dma_wait3A_617] : memref<1x128xi32, #tpu.memory_space<vmem>> -> memref<1x128xi32, #tpu.memory_space<vmem>>
        %dma_wait3A_619 = tpu.memref_squeeze %dma_wait3A_618 : memref<1x128xi32, #tpu.memory_space<vmem>> -> memref<128xi32, #tpu.memory_space<vmem>>
        %dma_wait3A_620 = arith.constant 0 : i32
        %dma_wait3A_621 = tpu.memref_slice %arg4[%add3A, %add3A_543, %dma_wait3A_620] : memref<32x80x128xi32, #tpu.memory_space<hbm>> -> memref<1x1x128xi32, #tpu.memory_space<hbm>>
        %dma_wait3A_622 = tpu.memref_squeeze %dma_wait3A_621 : memref<1x1x128xi32, #tpu.memory_space<hbm>> -> memref<128xi32, #tpu.memory_space<hbm>>
        %dma_wait3A_623 = arith.constant 0 : i32
        %dma_wait3A_624 = tpu.memref_slice %arg13[%dma_wait3A_616, %dma_wait3A_623] : memref<1x128xi32, #tpu.memory_space<vmem>> -> memref<1x128xi32, #tpu.memory_space<vmem>>
        %dma_wait3A_625 = tpu.memref_squeeze %dma_wait3A_624 : memref<1x128xi32, #tpu.memory_space<vmem>> -> memref<128xi32, #tpu.memory_space<vmem>>
        %dma_wait3A_626 = arith.constant 0 : i32
        %dma_wait3A_627 = tpu.memref_slice %arg4[%add3A, %add3A_543, %dma_wait3A_626] : memref<32x80x128xi32, #tpu.memory_space<hbm>> -> memref<1x1x128xi32, #tpu.memory_space<hbm>>
        %dma_wait3A_628 = tpu.memref_squeeze %dma_wait3A_627 : memref<1x1x128xi32, #tpu.memory_space<hbm>> -> memref<128xi32, #tpu.memory_space<hbm>>
        tpu.wait_dma2 semaphore(%arg28 : memref<!tpu.dma_semaphore, #tpu.memory_space<semaphore_mem>>) src(%dma_wait3A_628 : memref<128xi32, #tpu.memory_space<hbm>>) dst(%dma_wait3A_625 : memref<128xi32, #tpu.memory_space<vmem>>)
        %dma_start3A_629 = arith.constant 0 : i32
        %dma_start3A_630 = arith.constant 0 : i32
        %dma_start3A_631 = tpu.memref_slice %arg12[%dma_start3A_629, %dma_start3A_630] : memref<1x128xi32, #tpu.memory_space<vmem>> -> memref<1x128xi32, #tpu.memory_space<vmem>>
        %dma_start3A_632 = tpu.memref_squeeze %dma_start3A_631 : memref<1x128xi32, #tpu.memory_space<vmem>> -> memref<128xi32, #tpu.memory_space<vmem>>
        %dma_start3A_633 = arith.constant 0 : i32
        %dma_start3A_634 = arith.constant 0 : i32
        %dma_start3A_635 = tpu.memref_slice %arg2[%dma_start3A_633, %dma_start3A_634] : memref<10048x128xf32, #tpu.memory_space<hbm>> -> memref<10048x128xf32, #tpu.memory_space<hbm>>
        tpu.enqueue_indirect_dma source(%dma_start3A_635 : memref<10048x128xf32, #tpu.memory_space<hbm>>) target(%arg17 : memref<128x128xf32, #tpu.memory_space<vmem>>) offsets(%dma_start3A_632 : memref<128xi32, #tpu.memory_space<vmem>>) semaphore(%arg20 : memref<!tpu.dma_semaphore, #tpu.memory_space<semaphore_mem>>)
      } else {
      }
      %ge3A_564 = arith.constant 2 : i32
      %ge3A_565 = arith.cmpi sge, %add3A_543, %ge3A_564 : i32
      %lt3A_566 = arith.constant 82 : i32
      %lt3A_567 = arith.cmpi slt, %add3A_543, %lt3A_566 : i32
      %and3A_568 = arith.andi %ge3A_565, %lt3A_567 : i1
      %convert_element_type3A_569 = arith.extui %and3A_568 : i1 to i32
      %cond3A_570 = arith.constant 0 : i32
      %cond3A_571 = arith.cmpi ne, %convert_element_type3A_569, %cond3A_570 : i32
      scf.if %cond3A_571 {
        %dma_wait3A = arith.constant 0 : i32
        %dma_wait3A_604 = arith.constant 0 : i32
        %dma_wait3A_605 = tpu.memref_slice %arg8[%dma_wait3A, %dma_wait3A_604] : memref<1x128xi32, #tpu.memory_space<vmem>> -> memref<1x128xi32, #tpu.memory_space<vmem>>
        %dma_wait3A_606 = tpu.memref_squeeze %dma_wait3A_605 : memref<1x128xi32, #tpu.memory_space<vmem>> -> memref<128xi32, #tpu.memory_space<vmem>>
        %dma_wait3A_607 = arith.constant 0 : i32
        %dma_wait3A_608 = arith.constant 0 : i32
        %dma_wait3A_609 = tpu.memref_slice %arg2[%dma_wait3A_607, %dma_wait3A_608] : memref<10048x128xf32, #tpu.memory_space<hbm>> -> memref<10048x128xf32, #tpu.memory_space<hbm>>
        tpu.wait_indirect_dma semaphore(%arg21 : memref<!tpu.dma_semaphore, #tpu.memory_space<semaphore_mem>>) src(%dma_wait3A_609 : memref<10048x128xf32, #tpu.memory_space<hbm>>) dst(%arg18 : memref<128x128xf32, #tpu.memory_space<vmem>>)
        %dma_start3A_610 = arith.constant 0 : i32
        %dma_start3A_611 = arith.constant 0 : i32
        %dma_start3A_612 = tpu.memref_slice %arg9[%dma_start3A_610, %dma_start3A_611] : memref<1x128xi32, #tpu.memory_space<vmem>> -> memref<1x128xi32, #tpu.memory_space<vmem>>
        %dma_start3A_613 = tpu.memref_squeeze %dma_start3A_612 : memref<1x128xi32, #tpu.memory_space<vmem>> -> memref<128xi32, #tpu.memory_space<vmem>>
        %dma_start3A_614 = arith.constant 0 : i32
        %dma_start3A_615 = arith.constant 0 : i32
        %dma_start3A_616 = tpu.memref_slice %arg30[%dma_start3A_614, %dma_start3A_615] : memref<10048x128xf32, #tpu.memory_space<vmem_shared>> -> memref<10048x128xf32, #tpu.memory_space<vmem_shared>>
        tpu.enqueue_indirect_dma source(%arg18 : memref<128x128xf32, #tpu.memory_space<vmem>>) target(%dma_start3A_616 : memref<10048x128xf32, #tpu.memory_space<vmem_shared>>) offsets(%dma_start3A_613 : memref<128xi32, #tpu.memory_space<vmem>>) semaphore(%arg24 : memref<!tpu.dma_semaphore, #tpu.memory_space<semaphore_mem>>) {add = true}
      } else {
      }
      %mul3A_572 = arith.constant 15 : i32
      %mul3A_573 = arith.muli %mul3A_572, %scan3A_124 : i32
      %add3A_574 = arith.constant 14 : i32
      %add3A_575 = arith.addi %mul3A_573, %add3A_574 : i32
      %ge3A_576 = arith.constant 3 : i32
      %ge3A_577 = arith.cmpi sge, %add3A_575, %ge3A_576 : i32
      %lt3A_578 = arith.constant 83 : i32
      %lt3A_579 = arith.cmpi slt, %add3A_575, %lt3A_578 : i32
      %and3A_580 = arith.andi %ge3A_577, %lt3A_579 : i1
      %convert_element_type3A_581 = arith.extui %and3A_580 : i1 to i32
      %cond3A_582 = arith.constant 0 : i32
      %cond3A_583 = arith.cmpi ne, %convert_element_type3A_581, %cond3A_582 : i32
      scf.if %cond3A_583 {
        %dma_wait3A = arith.constant 0 : i32
        %dma_wait3A_604 = arith.constant 0 : i32
        %dma_wait3A_605 = tpu.memref_slice %arg9[%dma_wait3A, %dma_wait3A_604] : memref<1x128xi32, #tpu.memory_space<vmem>> -> memref<1x128xi32, #tpu.memory_space<vmem>>
        %dma_wait3A_606 = tpu.memref_squeeze %dma_wait3A_605 : memref<1x128xi32, #tpu.memory_space<vmem>> -> memref<128xi32, #tpu.memory_space<vmem>>
        %dma_wait3A_607 = arith.constant 0 : i32
        %dma_wait3A_608 = arith.constant 0 : i32
        %dma_wait3A_609 = tpu.memref_slice %arg30[%dma_wait3A_607, %dma_wait3A_608] : memref<10048x128xf32, #tpu.memory_space<vmem_shared>> -> memref<10048x128xf32, #tpu.memory_space<vmem_shared>>
        tpu.wait_indirect_dma semaphore(%arg24 : memref<!tpu.dma_semaphore, #tpu.memory_space<semaphore_mem>>) src(%arg18 : memref<128x128xf32, #tpu.memory_space<vmem>>) dst(%dma_wait3A_609 : memref<10048x128xf32, #tpu.memory_space<vmem_shared>>)
      } else {
      }
      %add3A_584 = arith.constant 2 : i32
      %add3A_585 = arith.addi %add3A_575, %add3A_584 : i32
      %lt3A_586 = arith.constant 80 : i32
      %lt3A_587 = arith.cmpi slt, %add3A_585, %lt3A_586 : i32
      %convert_element_type3A_588 = arith.extui %lt3A_587 : i1 to i32
      %cond3A_589 = arith.constant 0 : i32
      %cond3A_590 = arith.cmpi ne, %convert_element_type3A_588, %cond3A_589 : i32
      scf.if %cond3A_590 {
        %add3A_604 = arith.constant 2 : i32
        %add3A_605 = arith.addi %add3A_575, %add3A_604 : i32
        %dma_start3A_606 = arith.constant 0 : i32
        %dma_start3A_607 = arith.constant 0 : i32
        %dma_start3A_608 = tpu.memref_slice %arg8[%dma_start3A_606, %dma_start3A_607] : memref<1x128xi32, #tpu.memory_space<vmem>> -> memref<1x128xi32, #tpu.memory_space<vmem>>
        %dma_start3A_609 = tpu.memref_squeeze %dma_start3A_608 : memref<1x128xi32, #tpu.memory_space<vmem>> -> memref<128xi32, #tpu.memory_space<vmem>>
        %dma_start3A_610 = arith.constant 0 : i32
        %dma_start3A_611 = tpu.memref_slice %arg3[%add3A, %add3A_605, %dma_start3A_610] : memref<32x80x128xi32, #tpu.memory_space<hbm>> -> memref<1x1x128xi32, #tpu.memory_space<hbm>>
        %dma_start3A_612 = tpu.memref_squeeze %dma_start3A_611 : memref<1x1x128xi32, #tpu.memory_space<hbm>> -> memref<128xi32, #tpu.memory_space<hbm>>
        %dma_start3A_613 = arith.constant 0 : i32
        %dma_start3A_614 = tpu.memref_slice %arg8[%dma_start3A_606, %dma_start3A_613] : memref<1x128xi32, #tpu.memory_space<vmem>> -> memref<1x128xi32, #tpu.memory_space<vmem>>
        %dma_start3A_615 = tpu.memref_squeeze %dma_start3A_614 : memref<1x128xi32, #tpu.memory_space<vmem>> -> memref<128xi32, #tpu.memory_space<vmem>>
        %dma_start3A_616 = arith.constant 0 : i32
        %dma_start3A_617 = tpu.memref_slice %arg3[%add3A, %add3A_605, %dma_start3A_616] : memref<32x80x128xi32, #tpu.memory_space<hbm>> -> memref<1x1x128xi32, #tpu.memory_space<hbm>>
        %dma_start3A_618 = tpu.memref_squeeze %dma_start3A_617 : memref<1x1x128xi32, #tpu.memory_space<hbm>> -> memref<128xi32, #tpu.memory_space<hbm>>
        tpu.enqueue_dma source(%dma_start3A_618 : memref<128xi32, #tpu.memory_space<hbm>>) target(%dma_start3A_615 : memref<128xi32, #tpu.memory_space<vmem>>) target_semaphore(%arg26 : memref<!tpu.dma_semaphore, #tpu.memory_space<semaphore_mem>>)
        %dma_start3A_619 = arith.constant 0 : i32
        %dma_start3A_620 = arith.constant 0 : i32
        %dma_start3A_621 = tpu.memref_slice %arg9[%dma_start3A_619, %dma_start3A_620] : memref<1x128xi32, #tpu.memory_space<vmem>> -> memref<1x128xi32, #tpu.memory_space<vmem>>
        %dma_start3A_622 = tpu.memref_squeeze %dma_start3A_621 : memref<1x128xi32, #tpu.memory_space<vmem>> -> memref<128xi32, #tpu.memory_space<vmem>>
        %dma_start3A_623 = arith.constant 0 : i32
        %dma_start3A_624 = tpu.memref_slice %arg4[%add3A, %add3A_605, %dma_start3A_623] : memref<32x80x128xi32, #tpu.memory_space<hbm>> -> memref<1x1x128xi32, #tpu.memory_space<hbm>>
        %dma_start3A_625 = tpu.memref_squeeze %dma_start3A_624 : memref<1x1x128xi32, #tpu.memory_space<hbm>> -> memref<128xi32, #tpu.memory_space<hbm>>
        %dma_start3A_626 = arith.constant 0 : i32
        %dma_start3A_627 = tpu.memref_slice %arg9[%dma_start3A_619, %dma_start3A_626] : memref<1x128xi32, #tpu.memory_space<vmem>> -> memref<1x128xi32, #tpu.memory_space<vmem>>
        %dma_start3A_628 = tpu.memref_squeeze %dma_start3A_627 : memref<1x128xi32, #tpu.memory_space<vmem>> -> memref<128xi32, #tpu.memory_space<vmem>>
        %dma_start3A_629 = arith.constant 0 : i32
        %dma_start3A_630 = tpu.memref_slice %arg4[%add3A, %add3A_605, %dma_start3A_629] : memref<32x80x128xi32, #tpu.memory_space<hbm>> -> memref<1x1x128xi32, #tpu.memory_space<hbm>>
        %dma_start3A_631 = tpu.memref_squeeze %dma_start3A_630 : memref<1x1x128xi32, #tpu.memory_space<hbm>> -> memref<128xi32, #tpu.memory_space<hbm>>
        tpu.enqueue_dma source(%dma_start3A_631 : memref<128xi32, #tpu.memory_space<hbm>>) target(%dma_start3A_628 : memref<128xi32, #tpu.memory_space<vmem>>) target_semaphore(%arg26 : memref<!tpu.dma_semaphore, #tpu.memory_space<semaphore_mem>>)
      } else {
      }
      %lt3A_591 = arith.constant 80 : i32
      %lt3A_592 = arith.cmpi slt, %add3A_575, %lt3A_591 : i32
      %convert_element_type3A_593 = arith.extui %lt3A_592 : i1 to i32
      %cond3A_594 = arith.constant 0 : i32
      %cond3A_595 = arith.cmpi ne, %convert_element_type3A_593, %cond3A_594 : i32
      scf.if %cond3A_595 {
        %dma_wait3A = arith.constant 0 : i32
        %dma_wait3A_604 = arith.constant 0 : i32
        %dma_wait3A_605 = tpu.memref_slice %arg14[%dma_wait3A, %dma_wait3A_604] : memref<1x128xi32, #tpu.memory_space<vmem>> -> memref<1x128xi32, #tpu.memory_space<vmem>>
        %dma_wait3A_606 = tpu.memref_squeeze %dma_wait3A_605 : memref<1x128xi32, #tpu.memory_space<vmem>> -> memref<128xi32, #tpu.memory_space<vmem>>
        %dma_wait3A_607 = arith.constant 0 : i32
        %dma_wait3A_608 = tpu.memref_slice %arg3[%add3A, %add3A_575, %dma_wait3A_607] : memref<32x80x128xi32, #tpu.memory_space<hbm>> -> memref<1x1x128xi32, #tpu.memory_space<hbm>>
        %dma_wait3A_609 = tpu.memref_squeeze %dma_wait3A_608 : memref<1x1x128xi32, #tpu.memory_space<hbm>> -> memref<128xi32, #tpu.memory_space<hbm>>
        %dma_wait3A_610 = arith.constant 0 : i32
        %dma_wait3A_611 = tpu.memref_slice %arg14[%dma_wait3A, %dma_wait3A_610] : memref<1x128xi32, #tpu.memory_space<vmem>> -> memref<1x128xi32, #tpu.memory_space<vmem>>
        %dma_wait3A_612 = tpu.memref_squeeze %dma_wait3A_611 : memref<1x128xi32, #tpu.memory_space<vmem>> -> memref<128xi32, #tpu.memory_space<vmem>>
        %dma_wait3A_613 = arith.constant 0 : i32
        %dma_wait3A_614 = tpu.memref_slice %arg3[%add3A, %add3A_575, %dma_wait3A_613] : memref<32x80x128xi32, #tpu.memory_space<hbm>> -> memref<1x1x128xi32, #tpu.memory_space<hbm>>
        %dma_wait3A_615 = tpu.memref_squeeze %dma_wait3A_614 : memref<1x1x128xi32, #tpu.memory_space<hbm>> -> memref<128xi32, #tpu.memory_space<hbm>>
        tpu.wait_dma2 semaphore(%arg29 : memref<!tpu.dma_semaphore, #tpu.memory_space<semaphore_mem>>) src(%dma_wait3A_615 : memref<128xi32, #tpu.memory_space<hbm>>) dst(%dma_wait3A_612 : memref<128xi32, #tpu.memory_space<vmem>>)
        %dma_wait3A_616 = arith.constant 0 : i32
        %dma_wait3A_617 = arith.constant 0 : i32
        %dma_wait3A_618 = tpu.memref_slice %arg15[%dma_wait3A_616, %dma_wait3A_617] : memref<1x128xi32, #tpu.memory_space<vmem>> -> memref<1x128xi32, #tpu.memory_space<vmem>>
        %dma_wait3A_619 = tpu.memref_squeeze %dma_wait3A_618 : memref<1x128xi32, #tpu.memory_space<vmem>> -> memref<128xi32, #tpu.memory_space<vmem>>
        %dma_wait3A_620 = arith.constant 0 : i32
        %dma_wait3A_621 = tpu.memref_slice %arg4[%add3A, %add3A_575, %dma_wait3A_620] : memref<32x80x128xi32, #tpu.memory_space<hbm>> -> memref<1x1x128xi32, #tpu.memory_space<hbm>>
        %dma_wait3A_622 = tpu.memref_squeeze %dma_wait3A_621 : memref<1x1x128xi32, #tpu.memory_space<hbm>> -> memref<128xi32, #tpu.memory_space<hbm>>
        %dma_wait3A_623 = arith.constant 0 : i32
        %dma_wait3A_624 = tpu.memref_slice %arg15[%dma_wait3A_616, %dma_wait3A_623] : memref<1x128xi32, #tpu.memory_space<vmem>> -> memref<1x128xi32, #tpu.memory_space<vmem>>
        %dma_wait3A_625 = tpu.memref_squeeze %dma_wait3A_624 : memref<1x128xi32, #tpu.memory_space<vmem>> -> memref<128xi32, #tpu.memory_space<vmem>>
        %dma_wait3A_626 = arith.constant 0 : i32
        %dma_wait3A_627 = tpu.memref_slice %arg4[%add3A, %add3A_575, %dma_wait3A_626] : memref<32x80x128xi32, #tpu.memory_space<hbm>> -> memref<1x1x128xi32, #tpu.memory_space<hbm>>
        %dma_wait3A_628 = tpu.memref_squeeze %dma_wait3A_627 : memref<1x1x128xi32, #tpu.memory_space<hbm>> -> memref<128xi32, #tpu.memory_space<hbm>>
        tpu.wait_dma2 semaphore(%arg29 : memref<!tpu.dma_semaphore, #tpu.memory_space<semaphore_mem>>) src(%dma_wait3A_628 : memref<128xi32, #tpu.memory_space<hbm>>) dst(%dma_wait3A_625 : memref<128xi32, #tpu.memory_space<vmem>>)
        %dma_start3A_629 = arith.constant 0 : i32
        %dma_start3A_630 = arith.constant 0 : i32
        %dma_start3A_631 = tpu.memref_slice %arg14[%dma_start3A_629, %dma_start3A_630] : memref<1x128xi32, #tpu.memory_space<vmem>> -> memref<1x128xi32, #tpu.memory_space<vmem>>
        %dma_start3A_632 = tpu.memref_squeeze %dma_start3A_631 : memref<1x128xi32, #tpu.memory_space<vmem>> -> memref<128xi32, #tpu.memory_space<vmem>>
        %dma_start3A_633 = arith.constant 0 : i32
        %dma_start3A_634 = arith.constant 0 : i32
        %dma_start3A_635 = tpu.memref_slice %arg2[%dma_start3A_633, %dma_start3A_634] : memref<10048x128xf32, #tpu.memory_space<hbm>> -> memref<10048x128xf32, #tpu.memory_space<hbm>>
        tpu.enqueue_indirect_dma source(%dma_start3A_635 : memref<10048x128xf32, #tpu.memory_space<hbm>>) target(%arg18 : memref<128x128xf32, #tpu.memory_space<vmem>>) offsets(%dma_start3A_632 : memref<128xi32, #tpu.memory_space<vmem>>) semaphore(%arg21 : memref<!tpu.dma_semaphore, #tpu.memory_space<semaphore_mem>>)
      } else {
      }
      %ge3A_596 = arith.constant 2 : i32
      %ge3A_597 = arith.cmpi sge, %add3A_575, %ge3A_596 : i32
      %lt3A_598 = arith.constant 82 : i32
      %lt3A_599 = arith.cmpi slt, %add3A_575, %lt3A_598 : i32
      %and3A_600 = arith.andi %ge3A_597, %lt3A_599 : i1
      %convert_element_type3A_601 = arith.extui %and3A_600 : i1 to i32
      %cond3A_602 = arith.constant 0 : i32
      %cond3A_603 = arith.cmpi ne, %convert_element_type3A_601, %cond3A_602 : i32
      scf.if %cond3A_603 {
        %dma_wait3A = arith.constant 0 : i32
        %dma_wait3A_604 = arith.constant 0 : i32
        %dma_wait3A_605 = tpu.memref_slice %arg10[%dma_wait3A, %dma_wait3A_604] : memref<1x128xi32, #tpu.memory_space<vmem>> -> memref<1x128xi32, #tpu.memory_space<vmem>>
        %dma_wait3A_606 = tpu.memref_squeeze %dma_wait3A_605 : memref<1x128xi32, #tpu.memory_space<vmem>> -> memref<128xi32, #tpu.memory_space<vmem>>
        %dma_wait3A_607 = arith.constant 0 : i32
        %dma_wait3A_608 = arith.constant 0 : i32
        %dma_wait3A_609 = tpu.memref_slice %arg2[%dma_wait3A_607, %dma_wait3A_608] : memref<10048x128xf32, #tpu.memory_space<hbm>> -> memref<10048x128xf32, #tpu.memory_space<hbm>>
        tpu.wait_indirect_dma semaphore(%arg19 : memref<!tpu.dma_semaphore, #tpu.memory_space<semaphore_mem>>) src(%dma_wait3A_609 : memref<10048x128xf32, #tpu.memory_space<hbm>>) dst(%arg16 : memref<128x128xf32, #tpu.memory_space<vmem>>)
        %dma_start3A_610 = arith.constant 0 : i32
        %dma_start3A_611 = arith.constant 0 : i32
        %dma_start3A_612 = tpu.memref_slice %arg11[%dma_start3A_610, %dma_start3A_611] : memref<1x128xi32, #tpu.memory_space<vmem>> -> memref<1x128xi32, #tpu.memory_space<vmem>>
        %dma_start3A_613 = tpu.memref_squeeze %dma_start3A_612 : memref<1x128xi32, #tpu.memory_space<vmem>> -> memref<128xi32, #tpu.memory_space<vmem>>
        %dma_start3A_614 = arith.constant 0 : i32
        %dma_start3A_615 = arith.constant 0 : i32
        %dma_start3A_616 = tpu.memref_slice %arg30[%dma_start3A_614, %dma_start3A_615] : memref<10048x128xf32, #tpu.memory_space<vmem_shared>> -> memref<10048x128xf32, #tpu.memory_space<vmem_shared>>
        tpu.enqueue_indirect_dma source(%arg16 : memref<128x128xf32, #tpu.memory_space<vmem>>) target(%dma_start3A_616 : memref<10048x128xf32, #tpu.memory_space<vmem_shared>>) offsets(%dma_start3A_613 : memref<128xi32, #tpu.memory_space<vmem>>) semaphore(%arg22 : memref<!tpu.dma_semaphore, #tpu.memory_space<semaphore_mem>>) {add = true}
      } else {
      }
    }
    %scan3A_101 = arith.constant 6 : i32
    %barrier3A_102 = arith.constant 0 : index
    tpu.barrier barrier_id(%barrier3A_102)
    %jit3A_103 = arith.constant 2 : i32
    %eq3A_104 = arith.constant 0 : i32
    %eq3A_105 = arith.cmpi eq, %jit3A_103, %eq3A_104 : i32
    %jit3A_106 = arith.constant 1 : i32
    %select_n3A_107 = arith.select %eq3A_105, %jit3A_106, %jit3A_103 : i32
    %rem3A_108 = arith.remsi %arg1, %select_n3A_107 : i32
    %ne3A_109 = arith.constant 0 : i32
    %ne3A_110 = arith.cmpi ne, %rem3A_108, %ne3A_109 : i32
    %lt3A_111 = arith.constant 0 : i32
    %lt3A_112 = arith.cmpi slt, %rem3A_108, %lt3A_111 : i32
    %lt3A_113 = arith.constant 0 : i32
    %lt3A_114 = arith.cmpi slt, %select_n3A_107, %lt3A_113 : i32
    %ne3A_115 = arith.xori %lt3A_112, %lt3A_114 : i1
    %and3A_116 = arith.andi %ne3A_115, %ne3A_110 : i1
    %add3A_117 = arith.addi %rem3A_108, %select_n3A_107 : i32
    %select_n3A_118 = arith.select %and3A_116, %add3A_117, %rem3A_108 : i32
    %eq3A_119 = arith.constant 0 : i32
    %eq3A_120 = arith.cmpi eq, %select_n3A_118, %eq3A_119 : i32
    %convert_element_type3A_121 = arith.extui %eq3A_120 : i1 to i32
    %cond3A_122 = arith.constant 0 : i32
    %cond3A_123 = arith.cmpi ne, %convert_element_type3A_121, %cond3A_122 : i32
    scf.if %cond3A_123 {
      "tpu.region"() ({
        %run_scoped3A = tpu.sem_alloc : memref<!tpu.dma_semaphore, #tpu.memory_space<semaphore_mem>>
        %dma_start3A_124 = arith.constant 0 : i32
        %dma_start3A_125 = tpu.memref_slice %arg5[%arg0, %multiple_of3A, %dma_start3A_124] : memref<2x10048x128xf32, #tpu.memory_space<hbm>> -> memref<1x1256x128xf32, #tpu.memory_space<hbm>>
        %dma_start3A_126 = tpu.memref_squeeze %dma_start3A_125 : memref<1x1256x128xf32, #tpu.memory_space<hbm>> -> memref<1256x128xf32, #tpu.memory_space<hbm>>
        %dma_start3A_127 = arith.constant 0 : i32
        %dma_start3A_128 = tpu.memref_slice %arg30[%multiple_of3A, %dma_start3A_127] : memref<10048x128xf32, #tpu.memory_space<vmem_shared>> -> memref<1256x128xf32, #tpu.memory_space<vmem_shared>>
        tpu.enqueue_dma source(%dma_start3A_128 : memref<1256x128xf32, #tpu.memory_space<vmem_shared>>) target(%dma_start3A_126 : memref<1256x128xf32, #tpu.memory_space<hbm>>) target_semaphore(%run_scoped3A : memref<!tpu.dma_semaphore, #tpu.memory_space<semaphore_mem>>)
        %dma_wait3A = arith.constant 0 : i32
        %dma_wait3A_129 = tpu.memref_slice %arg5[%arg0, %multiple_of3A, %dma_wait3A] : memref<2x10048x128xf32, #tpu.memory_space<hbm>> -> memref<1x1256x128xf32, #tpu.memory_space<hbm>>
        %dma_wait3A_130 = tpu.memref_squeeze %dma_wait3A_129 : memref<1x1256x128xf32, #tpu.memory_space<hbm>> -> memref<1256x128xf32, #tpu.memory_space<hbm>>
        %dma_wait3A_131 = arith.constant 0 : i32
        %dma_wait3A_132 = tpu.memref_slice %arg30[%multiple_of3A, %dma_wait3A_131] : memref<10048x128xf32, #tpu.memory_space<vmem_shared>> -> memref<1256x128xf32, #tpu.memory_space<vmem_shared>>
        tpu.wait_dma2 semaphore(%run_scoped3A : memref<!tpu.dma_semaphore, #tpu.memory_space<semaphore_mem>>) src(%dma_wait3A_132 : memref<1256x128xf32, #tpu.memory_space<vmem_shared>>) dst(%dma_wait3A_130 : memref<1256x128xf32, #tpu.memory_space<hbm>>)
        tpu.yield
      }) : () -> ()
    } else {
    }
    return
  }
}

module attributes {stable_mosaic.version = 14 : i64} {
  func.func @_prep_body(%arg0: memref<2x10240x1xf32, #tpu.memory_space<vmem>>, %arg1: memref<10000x128xf32, #tpu.memory_space<vmem>>, %arg2: memref<10048x128xf32, #tpu.memory_space<vmem>>, %arg3: memref<10048x1xf32, #tpu.memory_space<vmem>>, %arg4: memref<10048x1xf32, #tpu.memory_space<vmem>>) attributes {dimension_semantics = [], scalar_prefetch = 0 : i64, scratch_operands = 0 : i64, tpu.core_type = #tpu.core_type<tc>} {
    %get3A = arith.constant 0 : index
    %get3A_0 = arith.constant 0 : index
    %get3A_1 = arith.constant 0 : index
    %get3A_2 = vector.load %arg0[%get3A, %get3A_0, %get3A_1] : memref<2x10240x1xf32, #tpu.memory_space<vmem>>, vector<1x10240x1xf32>
    %get3A_3 = vector.shape_cast %get3A_2 : vector<1x10240x1xf32> to vector<10240x1xf32>
    %get3A_4 = arith.constant 1 : index
    %get3A_5 = arith.constant 0 : index
    %get3A_6 = arith.constant 0 : index
    %get3A_7 = vector.load %arg0[%get3A_4, %get3A_5, %get3A_6] : memref<2x10240x1xf32, #tpu.memory_space<vmem>>, vector<1x10240x1xf32>
    %get3A_8 = vector.shape_cast %get3A_7 : vector<1x10240x1xf32> to vector<10240x1xf32>
    %add3A = arith.addf %get3A_3, %get3A_8 : vector<10240x1xf32>
    %slice3A = vector.extract_strided_slice %add3A {offsets = [0, 0], sizes = [10048, 1], strides = [1, 1]} : vector<10240x1xf32> to vector<10048x1xf32>
    %add3A_9 = arith.constant 1.000000e+00 : f32
    %add3A_10 = vector.broadcast %add3A_9 : f32 to vector<10048x1xf32>
    %add3A_11 = arith.addf %slice3A, %add3A_10 : vector<10048x1xf32>
    %rsqrt3A = math.rsqrt %add3A_11 : vector<10048x1xf32>
    %swap3A = arith.constant 0 : index
    %swap3A_12 = arith.constant 0 : index
    %swap3A_13 = vector.load %arg3[%swap3A, %swap3A_12] : memref<10048x1xf32, #tpu.memory_space<vmem>>, vector<10048x1xf32>
    tpu.vector_store %arg3[%swap3A, %swap3A_12], %rsqrt3A {strides = array<i32>} : memref<10048x1xf32, #tpu.memory_space<vmem>>, vector<10048x1xf32>,
    %slice3A_14 = vector.extract_strided_slice %slice3A {offsets = [0, 0], sizes = [10000, 1], strides = [1, 1]} : vector<10048x1xf32> to vector<10000x1xf32>
    %reduce_max3A = vector.shape_cast %slice3A_14 : vector<10000x1xf32> to vector<1x10000x1xf32>
    %reduce_max3A_15 = arith.constant dense<0xFF800000> : vector<1xf32>
    %reduce_max3A_16 = vector.multi_reduction <maximumf>, %reduce_max3A, %reduce_max3A_15 [1, 2] : vector<1x10000x1xf32> to vector<1xf32>
    %reduce_max3A_17 = vector.shape_cast %reduce_max3A_16 : vector<1xf32> to vector<1x1x1xf32>
    %reduce_max3A_18 = vector.extract %reduce_max3A_17[0, 0, 0] : f32 from vector<1x1x1xf32>
    %max3A = arith.constant 1.000000e+00 : f32
    %max3A_19 = arith.maximumf %reduce_max3A_18, %max3A : f32
    %div3A = vector.broadcast %max3A_19 : f32 to vector<10048x1xf32>
    %div3A_20 = arith.divf %slice3A, %div3A : vector<10048x1xf32>
    %swap3A_21 = arith.constant 0 : index
    %swap3A_22 = arith.constant 0 : index
    %swap3A_23 = vector.load %arg4[%swap3A_21, %swap3A_22] : memref<10048x1xf32, #tpu.memory_space<vmem>>, vector<10048x1xf32>
    tpu.vector_store %arg4[%swap3A_21, %swap3A_22], %div3A_20 {strides = array<i32>} : memref<10048x1xf32, #tpu.memory_space<vmem>>, vector<10048x1xf32>,
    %get3A_24 = arith.constant 0 : index
    %get3A_25 = arith.constant 0 : index
    %get3A_26 = vector.load %arg1[%get3A_24, %get3A_25] : memref<10000x128xf32, #tpu.memory_space<vmem>>, vector<10000x128xf32>
    %slice3A_27 = vector.extract_strided_slice %rsqrt3A {offsets = [0, 0], sizes = [10000, 1], strides = [1, 1]} : vector<10048x1xf32> to vector<10000x1xf32>
    %mul3A = vector.broadcast %slice3A_27 : vector<10000x1xf32> to vector<10000x128xf32>
    %mul3A_28 = arith.mulf %get3A_26, %mul3A : vector<10000x128xf32>
    %swap3A_29 = arith.constant 0 : index
    %swap3A_30 = arith.constant 0 : index
    %swap3A_31 = vector.load %arg2[%swap3A_29, %swap3A_30] : memref<10048x128xf32, #tpu.memory_space<vmem>>, vector<10000x128xf32>
    tpu.vector_store %arg2[%swap3A_29, %swap3A_30], %mul3A_28 {strides = array<i32>} : memref<10048x128xf32, #tpu.memory_space<vmem>>, vector<10000x128xf32>,
    %broadcast_in_dim3A = arith.constant 0.000000e+00 : f32
    %broadcast_in_dim3A_32 = vector.broadcast %broadcast_in_dim3A : f32 to vector<48x128xf32>
    %swap3A_33 = arith.constant 10000 : index
    %swap3A_34 = arith.constant 0 : index
    %swap3A_35 = vector.load %arg2[%swap3A_33, %swap3A_34] : memref<10048x128xf32, #tpu.memory_space<vmem>>, vector<48x128xf32>
    tpu.vector_store %arg2[%swap3A_33, %swap3A_34], %broadcast_in_dim3A_32 {strides = array<i32>} : memref<10048x128xf32, #tpu.memory_space<vmem>>, vector<48x128xf32>,
    return
  }
}

module attributes {stable_mosaic.version = 14 : i64} {
  func.func @_dense_body(%arg0: memref<2x10048x128xf32, #tpu.memory_space<vmem>>, %arg1: memref<10048x128xf32, #tpu.memory_space<vmem>>, %arg2: memref<10048x1xf32, #tpu.memory_space<vmem>>, %arg3: memref<10048x1xf32, #tpu.memory_space<vmem>>, %arg4: memref<128x64xf32, #tpu.memory_space<vmem>>, %arg5: memref<1x64xf32, #tpu.memory_space<vmem>>, %arg6: memref<128x64xf32, #tpu.memory_space<vmem>>, %arg7: memref<1x64xf32, #tpu.memory_space<vmem>>, %arg8: memref<16x16x64xf32, #tpu.memory_space<vmem>>, %arg9: memref<16x16x16xf32, #tpu.memory_space<vmem>>, %arg10: memref<1x1xf32, #tpu.memory_space<vmem>>, %arg11: memref<1x64xf32, #tpu.memory_space<vmem>>, %arg12: memref<1x16xf32, #tpu.memory_space<vmem>>, %arg13: memref<1x64xf32, #tpu.memory_space<vmem>>, %arg14: memref<1x16xf32, #tpu.memory_space<vmem>>, %arg15: memref<64x8xf32, #tpu.memory_space<vmem>>, %arg16: memref<16x8xf32, #tpu.memory_space<vmem>>, %arg17: memref<1x8xf32, #tpu.memory_space<vmem>>, %arg18: memref<10000x8xf32, #tpu.memory_space<vmem>>) attributes {dimension_semantics = [], scalar_prefetch = 0 : i64, scratch_operands = 0 : i64, tpu.core_type = #tpu.core_type<tc>} {
    %get3A = arith.constant 0 : index
    %get3A_0 = arith.constant 0 : index
    %get3A_1 = arith.constant 0 : index
    %get3A_2 = vector.load %arg0[%get3A, %get3A_0, %get3A_1] : memref<2x10048x128xf32, #tpu.memory_space<vmem>>, vector<1x10048x128xf32>
    %get3A_3 = vector.shape_cast %get3A_2 : vector<1x10048x128xf32> to vector<10048x128xf32>
    %get3A_4 = arith.constant 1 : index
    %get3A_5 = arith.constant 0 : index
    %get3A_6 = arith.constant 0 : index
    %get3A_7 = vector.load %arg0[%get3A_4, %get3A_5, %get3A_6] : memref<2x10048x128xf32, #tpu.memory_space<vmem>>, vector<1x10048x128xf32>
    %get3A_8 = vector.shape_cast %get3A_7 : vector<1x10048x128xf32> to vector<10048x128xf32>
    %add3A = arith.addf %get3A_3, %get3A_8 : vector<10048x128xf32>
    %get3A_9 = arith.constant 0 : index
    %get3A_10 = arith.constant 0 : index
    %get3A_11 = vector.load %arg1[%get3A_9, %get3A_10] : memref<10048x128xf32, #tpu.memory_space<vmem>>, vector<10048x128xf32>
    %add3A_12 = arith.addf %add3A, %get3A_11 : vector<10048x128xf32>
    %get3A_13 = arith.constant 0 : index
    %get3A_14 = arith.constant 0 : index
    %get3A_15 = vector.load %arg2[%get3A_13, %get3A_14] : memref<10048x1xf32, #tpu.memory_space<vmem>>, vector<10048x1xf32>
    %mul3A = vector.broadcast %get3A_15 : vector<10048x1xf32> to vector<10048x128xf32>
    %mul3A_16 = arith.mulf %mul3A, %add3A_12 : vector<10048x128xf32>
    %get3A_17 = arith.constant 0 : index
    %get3A_18 = arith.constant 0 : index
    %get3A_19 = vector.load %arg4[%get3A_17, %get3A_18] : memref<128x64xf32, #tpu.memory_space<vmem>>, vector<128x64xf32>
    %dot_general3A = arith.constant dense<0.000000e+00> : vector<10048x64xf32>
    %dot_general3A_20 = tpu.matmul %mul3A_16, %get3A_19, %dot_general3A {dimension_numbers = #tpu.dot_dimension_numbers<[1], [0], [0], [1], [0, 0, 1, 1], [], []>, transpose_lhs_hint = false} : vector<10048x128xf32>, vector<128x64xf32>, vector<10048x64xf32> -> vector<10048x64xf32>
    %get3A_21 = arith.constant 0 : index
    %get3A_22 = arith.constant 0 : index
    %get3A_23 = vector.load %arg5[%get3A_21, %get3A_22] : memref<1x64xf32, #tpu.memory_space<vmem>>, vector<1x64xf32>
    %add3A_24 = vector.broadcast %get3A_23 : vector<1x64xf32> to vector<10048x64xf32>
    %add3A_25 = arith.addf %dot_general3A_20, %add3A_24 : vector<10048x64xf32>
    %max3A = arith.constant 0.000000e+00 : f32
    %max3A_26 = vector.broadcast %max3A : f32 to vector<10048x64xf32>
    %max3A_27 = arith.maximumf %add3A_25, %max3A_26 : vector<10048x64xf32>
    %get3A_28 = arith.constant 0 : index
    %get3A_29 = arith.constant 0 : index
    %get3A_30 = vector.load %arg6[%get3A_28, %get3A_29] : memref<128x64xf32, #tpu.memory_space<vmem>>, vector<128x64xf32>
    %dot_general3A_31 = arith.constant dense<0.000000e+00> : vector<10048x64xf32>
    %dot_general3A_32 = tpu.matmul %mul3A_16, %get3A_30, %dot_general3A_31 {dimension_numbers = #tpu.dot_dimension_numbers<[1], [0], [0], [1], [0, 0, 1, 1], [], []>, transpose_lhs_hint = false} : vector<10048x128xf32>, vector<128x64xf32>, vector<10048x64xf32> -> vector<10048x64xf32>
    %get3A_33 = arith.constant 0 : index
    %get3A_34 = arith.constant 0 : index
    %get3A_35 = vector.load %arg7[%get3A_33, %get3A_34] : memref<1x64xf32, #tpu.memory_space<vmem>>, vector<1x64xf32>
    %add3A_36 = vector.broadcast %get3A_35 : vector<1x64xf32> to vector<10048x64xf32>
    %add3A_37 = arith.addf %dot_general3A_32, %add3A_36 : vector<10048x64xf32>
    %max3A_38 = arith.constant 0.000000e+00 : f32
    %max3A_39 = vector.broadcast %max3A_38 : f32 to vector<10048x64xf32>
    %max3A_40 = arith.maximumf %add3A_37, %max3A_39 : vector<10048x64xf32>
    %get3A_41 = arith.constant 0 : index
    %get3A_42 = arith.constant 0 : index
    %get3A_43 = arith.constant 0 : index
    %get3A_44 = vector.load %arg8[%get3A_41, %get3A_42, %get3A_43] : memref<16x16x64xf32, #tpu.memory_space<vmem>>, vector<16x16x64xf32>
    %reduce_sum3A = arith.constant dense<0.000000e+00> : vector<16x64xf32>
    %reduce_sum3A_45 = vector.multi_reduction <add>, %get3A_44, %reduce_sum3A [1] : vector<16x16x64xf32> to vector<16x64xf32>
    %div3A = arith.constant 1.600000e+01 : f32
    %div3A_46 = vector.broadcast %div3A : f32 to vector<16x64xf32>
    %div3A_47 = arith.divf %reduce_sum3A_45, %div3A_46 : vector<16x64xf32>
    %mul3A_48 = arith.mulf %get3A_44, %get3A_44 : vector<16x16x64xf32>
    %reduce_sum3A_49 = arith.constant dense<0.000000e+00> : vector<16x16xf32>
    %reduce_sum3A_50 = vector.multi_reduction <add>, %mul3A_48, %reduce_sum3A_49 [2] : vector<16x16x64xf32> to vector<16x16xf32>
    %reduce_sum3A_51 = arith.constant dense<0.000000e+00> : vector<16xf32>
    %reduce_sum3A_52 = vector.multi_reduction <add>, %reduce_sum3A_50, %reduce_sum3A_51 [1] : vector<16x16xf32> to vector<16xf32>
    %div3A_53 = arith.constant 1.600000e+01 : f32
    %div3A_54 = vector.broadcast %div3A_53 : f32 to vector<16xf32>
    %div3A_55 = arith.divf %reduce_sum3A_52, %div3A_54 : vector<16xf32>
    %get3A_56 = arith.constant 0 : index
    %get3A_57 = arith.constant 0 : index
    %get3A_58 = arith.constant 0 : index
    %get3A_59 = vector.load %arg9[%get3A_56, %get3A_57, %get3A_58] : memref<16x16x16xf32, #tpu.memory_space<vmem>>, vector<16x16x16xf32>
    %reduce_sum3A_60 = arith.constant dense<0.000000e+00> : vector<16xf32>
    %reduce_sum3A_61 = vector.multi_reduction <add>, %get3A_59, %reduce_sum3A_60 [1, 2] : vector<16x16x16xf32> to vector<16xf32>
    %div3A_62 = arith.constant 2.560000e+02 : f32
    %div3A_63 = vector.broadcast %div3A_62 : f32 to vector<16xf32>
    %div3A_64 = arith.divf %reduce_sum3A_61, %div3A_63 : vector<16xf32>
    %mul3A_65 = arith.mulf %max3A_27, %max3A_27 : vector<10048x64xf32>
    %reduce_sum3A_66 = arith.constant dense<0.000000e+00> : vector<10048xf32>
    %reduce_sum3A_67 = vector.multi_reduction <add>, %mul3A_65, %reduce_sum3A_66 [1] : vector<10048x64xf32> to vector<10048xf32>
    %broadcast_in_dim3A = vector.shape_cast %reduce_sum3A_67 : vector<10048xf32> to vector<10048x1xf32>
    %dot_general3A_68 = arith.constant dense<0.000000e+00> : vector<10048x16xf32>
    %dot_general3A_69 = tpu.matmul %max3A_27, %div3A_47, %dot_general3A_68 {dimension_numbers = #tpu.dot_dimension_numbers<[1], [1], [0], [0], [0, 0, 1, 0], [], []>, transpose_lhs_hint = false} : vector<10048x64xf32>, vector<16x64xf32>, vector<10048x16xf32> -> vector<10048x16xf32>
    %broadcast_in_dim3A_70 = vector.shape_cast %div3A_55 : vector<16xf32> to vector<1x16xf32>
    %add3A_71 = vector.broadcast %broadcast_in_dim3A : vector<10048x1xf32> to vector<10048x16xf32>
    %add3A_72 = vector.broadcast %broadcast_in_dim3A_70 : vector<1x16xf32> to vector<10048x16xf32>
    %add3A_73 = arith.addf %add3A_71, %add3A_72 : vector<10048x16xf32>
    %mul3A_74 = arith.constant 2.000000e+00 : f32
    %mul3A_75 = vector.broadcast %mul3A_74 : f32 to vector<10048x16xf32>
    %mul3A_76 = arith.mulf %mul3A_75, %dot_general3A_69 : vector<10048x16xf32>
    %sub3A = arith.subf %add3A_73, %mul3A_76 : vector<10048x16xf32>
    %get3A_77 = arith.constant 0 : index
    %get3A_78 = arith.constant 0 : index
    %get3A_79 = vector.load %arg3[%get3A_77, %get3A_78] : memref<10048x1xf32, #tpu.memory_space<vmem>>, vector<10048x1xf32>
    %broadcast_in_dim3A_80 = vector.shape_cast %div3A_64 : vector<16xf32> to vector<1x16xf32>
    %sub3A_81 = vector.broadcast %get3A_79 : vector<10048x1xf32> to vector<10048x16xf32>
    %sub3A_82 = vector.broadcast %broadcast_in_dim3A_80 : vector<1x16xf32> to vector<10048x16xf32>
    %sub3A_83 = arith.subf %sub3A_81, %sub3A_82 : vector<10048x16xf32>
    %integer_pow3A = arith.mulf %sub3A_83, %sub3A_83 : vector<10048x16xf32>
    %get3A_84 = arith.constant 0 : index
    %get3A_85 = arith.constant 0 : index
    %get3A_86 = vector.load %arg10[%get3A_84, %get3A_85] : memref<1x1xf32, #tpu.memory_space<vmem>>, vector<1x1xf32>
    %get3A_87 = vector.extract %get3A_86[0, 0] : f32 from vector<1x1xf32>
    %logistic3A = arith.negf %get3A_87 : f32
    %logistic3A_88 = math.exp %logistic3A : f32
    %logistic3A_89 = arith.constant 1.000000e+00 : f32
    %logistic3A_90 = arith.addf %logistic3A_89, %logistic3A_88 : f32
    %logistic3A_91 = arith.divf %logistic3A_89, %logistic3A_90 : f32
    %mul3A_92 = vector.broadcast %logistic3A_91 : f32 to vector<10048x16xf32>
    %mul3A_93 = arith.mulf %mul3A_92, %sub3A : vector<10048x16xf32>
    %sub3A_94 = arith.constant 1.000000e+00 : f32
    %sub3A_95 = arith.subf %sub3A_94, %logistic3A_91 : f32
    %mul3A_96 = vector.broadcast %sub3A_95 : f32 to vector<10048x16xf32>
    %mul3A_97 = arith.mulf %mul3A_96, %integer_pow3A : vector<10048x16xf32>
    %add3A_98 = arith.addf %mul3A_93, %mul3A_97 : vector<10048x16xf32>
    %iota3A = tpu.iota {dimensions = array<i32: 0>} : vector<10048x64xi32>
    %lt3A = arith.constant 10000 : i32
    %lt3A_99 = vector.broadcast %lt3A : i32 to vector<10048x64xi32>
    %lt3A_100 = arith.cmpi slt, %iota3A, %lt3A_99 : vector<10048x64xi32>
    %iota3A_101 = tpu.iota {dimensions = array<i32: 0>} : vector<10048x16xi32>
    %lt3A_102 = arith.constant 10000 : i32
    %lt3A_103 = vector.broadcast %lt3A_102 : i32 to vector<10048x16xi32>
    %lt3A_104 = arith.cmpi slt, %iota3A_101, %lt3A_103 : vector<10048x16xi32>
    %jit3A = arith.constant 0.000000e+00 : f32
    %broadcast_in_dim3A_105 = vector.broadcast %jit3A : f32 to vector<10048x64xf32>
    %select_n3A = arith.select %lt3A_100, %max3A_40, %broadcast_in_dim3A_105 : vector<10048x64xi1>, vector<10048x64xf32>
    %reduce_sum3A_106 = arith.constant dense<0.000000e+00> : vector<64xf32>
    %reduce_sum3A_107 = vector.multi_reduction <add>, %select_n3A, %reduce_sum3A_106 [0] : vector<10048x64xf32> to vector<64xf32>
    %broadcast_in_dim3A_108 = vector.shape_cast %reduce_sum3A_107 : vector<64xf32> to vector<1x64xf32>
    %div3A_109 = arith.constant 1.000000e+04 : f32
    %div3A_110 = vector.broadcast %div3A_109 : f32 to vector<1x64xf32>
    %div3A_111 = arith.divf %broadcast_in_dim3A_108, %div3A_110 : vector<1x64xf32>
    %sub3A_112 = vector.broadcast %div3A_111 : vector<1x64xf32> to vector<10048x64xf32>
    %sub3A_113 = arith.subf %max3A_40, %sub3A_112 : vector<10048x64xf32>
    %jit3A_114 = arith.constant 0.000000e+00 : f32
    %broadcast_in_dim3A_115 = vector.broadcast %jit3A_114 : f32 to vector<10048x64xf32>
    %select_n3A_116 = arith.select %lt3A_100, %sub3A_113, %broadcast_in_dim3A_115 : vector<10048x64xi1>, vector<10048x64xf32>
    %mul3A_117 = arith.mulf %select_n3A_116, %select_n3A_116 : vector<10048x64xf32>
    %reduce_sum3A_118 = arith.constant dense<0.000000e+00> : vector<64xf32>
    %reduce_sum3A_119 = vector.multi_reduction <add>, %mul3A_117, %reduce_sum3A_118 [0] : vector<10048x64xf32> to vector<64xf32>
    %broadcast_in_dim3A_120 = vector.shape_cast %reduce_sum3A_119 : vector<64xf32> to vector<1x64xf32>
    %div3A_121 = arith.constant 1.000000e+04 : f32
    %div3A_122 = vector.broadcast %div3A_121 : f32 to vector<1x64xf32>
    %div3A_123 = arith.divf %broadcast_in_dim3A_120, %div3A_122 : vector<1x64xf32>
    %jit3A_124 = arith.constant 0.000000e+00 : f32
    %broadcast_in_dim3A_125 = vector.broadcast %jit3A_124 : f32 to vector<10048x16xf32>
    %select_n3A_126 = arith.select %lt3A_104, %add3A_98, %broadcast_in_dim3A_125 : vector<10048x16xi1>, vector<10048x16xf32>
    %reduce_sum3A_127 = arith.constant dense<0.000000e+00> : vector<16xf32>
    %reduce_sum3A_128 = vector.multi_reduction <add>, %select_n3A_126, %reduce_sum3A_127 [0] : vector<10048x16xf32> to vector<16xf32>
    %broadcast_in_dim3A_129 = vector.shape_cast %reduce_sum3A_128 : vector<16xf32> to vector<1x16xf32>
    %div3A_130 = arith.constant 1.000000e+04 : f32
    %div3A_131 = vector.broadcast %div3A_130 : f32 to vector<1x16xf32>
    %div3A_132 = arith.divf %broadcast_in_dim3A_129, %div3A_131 : vector<1x16xf32>
    %sub3A_133 = vector.broadcast %div3A_132 : vector<1x16xf32> to vector<10048x16xf32>
    %sub3A_134 = arith.subf %add3A_98, %sub3A_133 : vector<10048x16xf32>
    %jit3A_135 = arith.constant 0.000000e+00 : f32
    %broadcast_in_dim3A_136 = vector.broadcast %jit3A_135 : f32 to vector<10048x16xf32>
    %select_n3A_137 = arith.select %lt3A_104, %sub3A_134, %broadcast_in_dim3A_136 : vector<10048x16xi1>, vector<10048x16xf32>
    %mul3A_138 = arith.mulf %select_n3A_137, %select_n3A_137 : vector<10048x16xf32>
    %reduce_sum3A_139 = arith.constant dense<0.000000e+00> : vector<16xf32>
    %reduce_sum3A_140 = vector.multi_reduction <add>, %mul3A_138, %reduce_sum3A_139 [0] : vector<10048x16xf32> to vector<16xf32>
    %broadcast_in_dim3A_141 = vector.shape_cast %reduce_sum3A_140 : vector<16xf32> to vector<1x16xf32>
    %div3A_142 = arith.constant 1.000000e+04 : f32
    %div3A_143 = vector.broadcast %div3A_142 : f32 to vector<1x16xf32>
    %div3A_144 = arith.divf %broadcast_in_dim3A_141, %div3A_143 : vector<1x16xf32>
    %sub3A_145 = vector.broadcast %div3A_111 : vector<1x64xf32> to vector<10048x64xf32>
    %sub3A_146 = arith.subf %max3A_40, %sub3A_145 : vector<10048x64xf32>
    %add3A_147 = arith.constant 9.99999974E-6 : f32
    %add3A_148 = vector.broadcast %add3A_147 : f32 to vector<1x64xf32>
    %add3A_149 = arith.addf %div3A_123, %add3A_148 : vector<1x64xf32>
    %rsqrt3A = math.rsqrt %add3A_149 : vector<1x64xf32>
    %mul3A_150 = vector.broadcast %rsqrt3A : vector<1x64xf32> to vector<10048x64xf32>
    %mul3A_151 = arith.mulf %sub3A_146, %mul3A_150 : vector<10048x64xf32>
    %get3A_152 = arith.constant 0 : index
    %get3A_153 = arith.constant 0 : index
    %get3A_154 = vector.load %arg11[%get3A_152, %get3A_153] : memref<1x64xf32, #tpu.memory_space<vmem>>, vector<1x64xf32>
    %mul3A_155 = vector.broadcast %get3A_154 : vector<1x64xf32> to vector<10048x64xf32>
    %mul3A_156 = arith.mulf %mul3A_151, %mul3A_155 : vector<10048x64xf32>
    %get3A_157 = arith.constant 0 : index
    %get3A_158 = arith.constant 0 : index
    %get3A_159 = vector.load %arg13[%get3A_157, %get3A_158] : memref<1x64xf32, #tpu.memory_space<vmem>>, vector<1x64xf32>
    %add3A_160 = vector.broadcast %get3A_159 : vector<1x64xf32> to vector<10048x64xf32>
    %add3A_161 = arith.addf %mul3A_156, %add3A_160 : vector<10048x64xf32>
    %sub3A_162 = vector.broadcast %div3A_132 : vector<1x16xf32> to vector<10048x16xf32>
    %sub3A_163 = arith.subf %add3A_98, %sub3A_162 : vector<10048x16xf32>
    %add3A_164 = arith.constant 9.99999974E-6 : f32
    %add3A_165 = vector.broadcast %add3A_164 : f32 to vector<1x16xf32>
    %add3A_166 = arith.addf %div3A_144, %add3A_165 : vector<1x16xf32>
    %rsqrt3A_167 = math.rsqrt %add3A_166 : vector<1x16xf32>
    %mul3A_168 = vector.broadcast %rsqrt3A_167 : vector<1x16xf32> to vector<10048x16xf32>
    %mul3A_169 = arith.mulf %sub3A_163, %mul3A_168 : vector<10048x16xf32>
    %get3A_170 = arith.constant 0 : index
    %get3A_171 = arith.constant 0 : index
    %get3A_172 = vector.load %arg12[%get3A_170, %get3A_171] : memref<1x16xf32, #tpu.memory_space<vmem>>, vector<1x16xf32>
    %mul3A_173 = vector.broadcast %get3A_172 : vector<1x16xf32> to vector<10048x16xf32>
    %mul3A_174 = arith.mulf %mul3A_169, %mul3A_173 : vector<10048x16xf32>
    %get3A_175 = arith.constant 0 : index
    %get3A_176 = arith.constant 0 : index
    %get3A_177 = vector.load %arg14[%get3A_175, %get3A_176] : memref<1x16xf32, #tpu.memory_space<vmem>>, vector<1x16xf32>
    %add3A_178 = vector.broadcast %get3A_177 : vector<1x16xf32> to vector<10048x16xf32>
    %add3A_179 = arith.addf %mul3A_174, %add3A_178 : vector<10048x16xf32>
    %get3A_180 = arith.constant 0 : index
    %get3A_181 = arith.constant 0 : index
    %get3A_182 = vector.load %arg15[%get3A_180, %get3A_181] : memref<64x8xf32, #tpu.memory_space<vmem>>, vector<64x8xf32>
    %dot_general3A_183 = arith.constant dense<0.000000e+00> : vector<10048x8xf32>
    %dot_general3A_184 = tpu.matmul %add3A_161, %get3A_182, %dot_general3A_183 {dimension_numbers = #tpu.dot_dimension_numbers<[1], [0], [0], [1], [0, 0, 1, 1], [], []>, transpose_lhs_hint = false} : vector<10048x64xf32>, vector<64x8xf32>, vector<10048x8xf32> -> vector<10048x8xf32>
    %get3A_185 = arith.constant 0 : index
    %get3A_186 = arith.constant 0 : index
    %get3A_187 = vector.load %arg16[%get3A_185, %get3A_186] : memref<16x8xf32, #tpu.memory_space<vmem>>, vector<16x8xf32>
    %dot_general3A_188 = arith.constant dense<0.000000e+00> : vector<10048x8xf32>
    %dot_general3A_189 = tpu.matmul %add3A_179, %get3A_187, %dot_general3A_188 {dimension_numbers = #tpu.dot_dimension_numbers<[1], [0], [0], [1], [0, 0, 1, 1], [], []>, transpose_lhs_hint = false} : vector<10048x16xf32>, vector<16x8xf32>, vector<10048x8xf32> -> vector<10048x8xf32>
    %add3A_190 = arith.addf %dot_general3A_184, %dot_general3A_189 : vector<10048x8xf32>
    %get3A_191 = arith.constant 0 : index
    %get3A_192 = arith.constant 0 : index
    %get3A_193 = vector.load %arg17[%get3A_191, %get3A_192] : memref<1x8xf32, #tpu.memory_space<vmem>>, vector<1x8xf32>
    %add3A_194 = vector.broadcast %get3A_193 : vector<1x8xf32> to vector<10048x8xf32>
    %add3A_195 = arith.addf %add3A_190, %add3A_194 : vector<10048x8xf32>
    %slice3A = vector.extract_strided_slice %add3A_195 {offsets = [0, 0], sizes = [10000, 8], strides = [1, 1]} : vector<10048x8xf32> to vector<10000x8xf32>
    %swap3A = arith.constant 0 : index
    %swap3A_196 = arith.constant 0 : index
    %swap3A_197 = vector.load %arg18[%swap3A, %swap3A_196] : memref<10000x8xf32, #tpu.memory_space<vmem>>, vector<10000x8xf32>
    tpu.vector_store %arg18[%swap3A, %swap3A_196], %slice3A {strides = array<i32>} : memref<10000x8xf32, #tpu.memory_space<vmem>>, vector<10000x8xf32>,
    return
  }
}

</mosaic_0001>

<sc_bundles>
// kernel: kernel.6.cloned.1.call-start
scs
__scs_entry_jumppad:
0x0: {  	(pc) =	sbr.rel $0x88, $3  }
0x1: {  	(tag) =	ssettag $0x0;
	lr =	simm.s32 $0x1  }
0x2: {  	[smem:$0x3F94] =	sst lr;
	_ =	strace $0xD0000000  }
0x3: {  	_ = 	snop  }
0x4: {  	_ = 	snop  }
0x5: {  	_ = 	snop  }
0x6: {  	_ = 	snop  }
0x7: {  	_ = 	snop  }
__scs_overlays_trampoline_lowered:
0x8: {  	[smem:$0x3FA3] =	sst s0  }
0x9: {  	[smem:$0x3FA4] =	sst s1  }
0xa: {  	[smem:$0x3FA5] =	sst s2  }
0xb: {  	[smem:$0x3FA6] =	sst s3  }
0xc: {  	[smem:$0x3FA7] =	sst s4  }
0xd: {  	[smem:$0x3FA8] =	sst s5  }
0xe: {  	[smem:$0x3FA9] =	sst s6  }
0xf: {  	[smem:$0x3FAA] =	sst s7  }
0x10: {  	[smem:$0x3FAB] =	sst s8  }
0x11: {  	[smem:$0x3FAC] =	sst s9;
	s0 =	simm.s32 @!p0 $0x0  }
0x12: {  	s1 =	sld [smem:$0x3F92];
	s0 =	simm.s32 @p0 $0x1  }
0x13: {  	[smem:$0x3FAD] =	sst s0;
	s0 =	simm.s32 @!p1 $0x0  }
0x14: {  	s2 =	sld [smem:$0x3F91];
	s0 =	simm.s32 @p1 $0x1  }
0x15: {  	[smem:$0x3FAE] =	sst s0;
	s0 =	simm.s32 @!p2 $0x0  }
0x16: {  	s3 =	sld [smem:$0x3FDB];
	s0 =	simm.s32 @p2 $0x1  }
0x17: {  	s4 =	simm.s32 $0x1BF5;
	[smem:$0x3FB0] =	sst s0  }
0x18: {  	s0 =	sld [smem:$0x3F93];
	_ =	swait.ge [sflag:s4], $0x0  }
0x19: {  	s7 =	sld [smem:$0x3F94]  }
0x1a: {  	s8 =	sadd.s32 $0xFFFFE003, lr  }
0x1b: {  	s9 =	sadd.s32 $0xFFFFFEF7, lr;
	s5 =	simm.s32 $0xFFFFFFFF;
	p2 =	slt.u32 s8, $0xFFFFF086  }
0x1c: {  	p1 =	slt.u32 s9, $0xF7A;
	s5 =	simm.s32 @!p2 $0x0  }
0x1d: {  	s5 =	simm.s32 @p1 $0x1;
	p0 =	seq.s32 s7, s2  }
0x1e: {  	s7 =	smul.u32 @!p0 $0xF7A, s2;
	p2 =	seq.s32 @!p0 s5, $0x0  }
0x1f: {  	s9 =	smul.u32 $0xF7A, s1;
	s8 =	simm.s32 @!p0 $0x1BF5;
	p2 =	por !p2, p0  }
0x20: {  	[sflag:s8] =	ssyncset.s32 @!p0 $0xFFFFF086;
	s6 =	sadd.s32 @!p0 s3, s7;
	s7 =	simm.s32 @!p0 $0x108  }
0x21: {  	s3 =	sadd.s32 s3, s9;
	s6 =	sadd.s32 @!p0 $0x88, s6;
	s7 =	simm.s32 @p2 $0x1082  }
0x22: {  	[simem:s7], [sflag:s8] =	dma.local @!p0 [hbm:s6], $0xF7A  }
0x23: {  	s9 =	sor.u32 $0xD0000000, s2;
	s6 =	simm.s32 $0x108;
	_ =	swait.ge @!p0 [sflag:s8], $0x0  }
0x24: {  	s3 =	sadd.s32 $0x88, s3;
	s6 =	simm.s32 @!p1 $0x1082;
	[sflag:s4] =	ssyncset.s32 $0xFFFFF086  }
0x25: {  	[simem:s6], [sflag:s4] =	dma.local [hbm:s3], $0xF7A  }
0x26: {  	[smem:$0x3F94] =	sst s1;
	(tag) =	ssettag s2;
	_ =	strace s9  }
0x27: {  	s1 =	sld [smem:$0x3FA4]  }
0x28: {  	s2 =	sld [smem:$0x3FA5]  }
0x29: {  	s4 =	sld [smem:$0x3FA7]  }
0x2a: {  	p0 =	seq.s32 s5, $0x0;
	s5 =	sld [smem:$0x3FA8]  }
0x2b: {  	s6 =	sld [smem:$0x3FA9]  }
0x2c: {  	s7 =	sld [smem:$0x3FAA]  }
0x2d: {  	s3 =	simm.s32 $0x108;
	s8 =	sld [smem:$0x3FAB]  }
0x2e: {  	s3 =	simm.s32 @!p0 $0x1082;
	s9 =	sld [smem:$0x3FAC]  }
0x2f: {  	lr =	sadd.s32 s0, s3;
	s0 =	sld [smem:$0x3FA3]  }
0x30: {  	s3 =	sld [smem:$0x3FA6]  }
0x31: {  	[smem:$0x3FAF] =	sst s10  }
0x32: {  	s10 =	sld [smem:$0x3FAD];
	_ =	sdelay $0x3  }
0x33: {  	p0 =	seq.s32 s10, $0x1;
	s10 =	sld [smem:$0x3FAF];
	_ =	sdelay $0x3  }
0x34: {  	[smem:$0x3FAF] =	sst s10  }
0x35: {  	s10 =	sld [smem:$0x3FAE];
	_ =	sdelay $0x3  }
0x36: {  	p1 =	seq.s32 s10, $0x1;
	s10 =	sld [smem:$0x3FAF];
	_ =	sdelay $0x3  }
0x37: {  	[smem:$0x3FAF] =	sst s10  }
0x38: {  	s10 =	sld [smem:$0x3FB0]  }
0x39: {  	_ = 	snop;
	(pc) =	sbr.ind lr, $3  }
0x3a: {  	_ = 	snop  }
0x3b: {  	_ = 	snop  }
0x3c: {  	p2 =	seq.s32 s10, $0x1;
	s10 =	sld [smem:$0x3FAF]  }
0x3d: {  	_ =	shalt  }
0x3e: {  	_ =	shalt  }
0x3f: {  	_ =	shalt  }
0x40: {  	_ =	shalt  }
0x41: {  	_ =	shalt  }
0x42: {  	_ =	shalt  }
0x43: {  	_ =	shalt  }
0x44: {  	_ =	shalt  }
0x45: {  	_ =	shalt  }
0x46: {  	_ =	shalt  }
0x47: {  	_ =	shalt  }
0x48: {  	_ =	shalt  }
0x49: {  	_ =	shalt  }
0x4a: {  	_ =	shalt  }
0x4b: {  	_ =	shalt  }
0x4c: {  	_ =	shalt  }
0x4d: {  	_ =	shalt  }
0x4e: {  	_ =	shalt  }
0x4f: {  	_ =	shalt  }
0x50: {  	_ =	shalt  }
0x51: {  	_ =	shalt  }
0x52: {  	_ =	shalt  }
0x53: {  	_ =	shalt  }
0x54: {  	_ =	shalt  }
0x55: {  	_ =	shalt  }
0x56: {  	_ =	shalt  }
0x57: {  	_ =	shalt  }
0x58: {  	_ =	shalt  }
0x59: {  	_ =	shalt  }
0x5a: {  	_ =	shalt  }
0x5b: {  	_ =	shalt  }
0x5c: {  	_ =	shalt  }
0x5d: {  	_ =	shalt  }
0x5e: {  	_ =	shalt  }
0x5f: {  	_ =	shalt  }
0x60: {  	_ =	shalt  }
0x61: {  	_ =	shalt  }
0x62: {  	_ =	shalt  }
0x63: {  	_ =	shalt  }
0x64: {  	_ =	shalt  }
0x65: {  	_ =	shalt  }
0x66: {  	_ =	shalt  }
0x67: {  	_ =	shalt  }
0x68: {  	_ =	shalt  }
0x69: {  	_ =	shalt  }
0x6a: {  	_ =	shalt  }
0x6b: {  	_ =	shalt  }
0x6c: {  	_ =	shalt  }
0x6d: {  	_ =	shalt  }
0x6e: {  	_ =	shalt  }
0x6f: {  	_ =	shalt  }
0x70: {  	_ =	shalt  }
0x71: {  	_ =	shalt  }
0x72: {  	_ =	shalt  }
0x73: {  	_ =	shalt  }
0x74: {  	_ =	shalt  }
0x75: {  	_ =	shalt  }
0x76: {  	_ =	shalt  }
0x77: {  	_ =	shalt  }
0x78: {  	_ =	shalt  }
0x79: {  	_ =	shalt  }
0x7a: {  	_ =	shalt  }
0x7b: {  	_ =	shalt  }
0x7c: {  	_ =	shalt  }
0x7d: {  	_ =	shalt  }
0x7e: {  	_ =	shalt  }
0x7f: {  	_ =	shalt  }
0x80: {  	_ =	shalt  }
0x81: {  	_ =	shalt  }
0x82: {  	_ =	shalt  }
0x83: {  	_ =	shalt  }
0x84: {  	_ =	shalt  }
0x85: {  	_ =	shalt  }
0x86: {  	_ =	shalt  }
0x87: {  	_ =	shalt  }
.Lfunc_end0:
.L_simem_size_0:
called_computation_lowered:
.L_overlay_start_0:
0x88: {  	s2 =	sld [smem:$0x3FD9]  }
0x89: {  	s3 =	sld [smem:$0x3FFE];
	_ =	sdelay $0x1  }
0x8a: {  	s1 =	srdreg.scid  }
0x8b: {  	s0 =	sand.u32 $0x1, s1  }
0x8c: {  	s17 =	sshll.u32 s0, $0xA;
	s2 =	sadd.s32 s3, s2  }
0x8d: {  	s2 =	sadd.s32 s2, s17  }
0x8e: {  	[smem:$0x3FBB] =	sst s2  }
0x8f: {  	_ = 	snop  }
0x90: {  	s2 =	sld [smem:$0x3FD0];
	(tm) =	ssettm $0x1  }
0x91: {  	s18 =	sld [smem:$0x3FFB];
	_ =	sdelay $0x3  }
0x92: {  	_ =	strace s18  }
0x93: {  	s3 =	sld [smem:$0x3FFC];
	_ =	sdelay $0x3  }
0x94: {  	_ =	strace s3  }
0x95: {  	s3 =	sld [smem:$0x3FFD];
	_ =	sdelay $0x3  }
0x96: {  	_ =	strace s3  }
0x97: {  	_ =	strace $0x8FFFFFFF  }
0x98: {  	s19 =	sld [smem:$0x3FDB];
	_ =	sdelay $0x1  }
0x99: {  	s4 =	simm.s32 $_scs_section_size  }
0x9a: {  	s5 =	simm.s32 $_size__tile_overlayer_lowered;
	s6 =	simm.s32 $_tile_overlayer_lowered  }
0x9b: {  	s22 =	simm.s32 $0x1BFF;
	s21 =	sshll.u32 s6, $0x1;
	s3 =	sadd.s32 s4, s19  }
0x9c: {  	s7 =	simm.s32 $0x0;
	s20 =	sshll.u32 s5, $0x1;
	s5 =	sadd.s32 s21, s3  }
0x9d: {  	[timem:s7], [sflag:s22] =	dma.local [hbm:s5], s20  }
0x9e: {  	_ =	swait.ge [sflag:s22], s20  }
0x9f: {  	s4 =	ssub.s32 $0x0, s20;
	[sflag:s22] =	ssyncset.done $0x0  }
0xa0: {  	[sflag:s22] =	ssyncadd.s32 s4;
	_ =	sdelay $0x1  }
0xa1: {  	s23 =	simm.s32 $0x1B8B  }
0xa2: {  	_ =	swait.ge [sflag:s23], $0x1  }
0xa3: {  	[sflag:s23] =	ssyncset.done $0x0  }
0xa4: {  	s25 =	simm.s32 $0x1B8E;
	s24 =	sld [smem:$0x3FFE];
	[sflag:s23] =	ssyncadd.s32 $0xFFFFFFFF  }
0xa5: {  	s26 =	simm.s32 $execute0_lowered;
	[smem:$0x3FD2] =	sst s25  }
0xa6: {  	s5 =	sshll.u32 s26, $0x1;
	_ =	strace $0x80000046;
	[dreg:$0x1] =	wrdreg $0xFFFFFFFF  }
0xa7: {  	s28 =	simm.s32 $_size_execute0_lowered;
	s3 =	sadd.s32 s3, s5;
	[dreg:$0x0] =	wrdreg $0x0  }
0xa8: {  	s5 =	sshll.u32 s28, $0x1;
	[dreg:$0x2] =	wrdreg s3  }
0xa9: {  	[dreg:$0x3] =	wrdreg s5  }
0xaa: {  	[dreg:$0x4] =	wrdreg $0xC0  }
0xab: {  	_ =	task [dreg:s7], $0x5FFFF  }
0xac: {  	[dreg:$0x1] =	wrdreg $0xFFFFFFFF  }
0xad: {  	[dreg:$0x0] =	wrdreg $0x60  }
0xae: {  	[dreg:$0x2] =	wrdreg s24  }
0xaf: {  	[dreg:$0x3] =	wrdreg s2  }
0xb0: {  	[dreg:$0x4] =	wrdreg $0x2B000  }
0xb1: {  	[dreg:$0x5] =	wrdreg $0x9  }
0xb2: {  	_ =	task.clear_ibuf [dreg:s7], $0x6FFFF;
	_ =	strace $0x90000046  }
0xb3: {  	s29 =	simm.s32 $0x9;
	_ =	strace $0x80000048  }
0xb4: {  	_ =	swait.ge [sflag:s29], $0x1  }
0xb5: {  	[sflag:s29] =	ssyncadd.s32 $0xFFFFFFFF  }
0xb6: {  	_ =	strace $0x90000048  }
0xb7: {  	_ =	sfence  }
0xb8: {  	s30 =	sld [smem:$0x0];
	_ =	sdelay $0x2  }
0xb9: {  	s31 =	sshll.u32 s1, $0xD;
	s1 =	sshrl.u32 s1, $0x2  }
0xba: {  	s3 =	sand.u32 $0x4000, s31;
	s1 =	sadd.s32 s1, s30  }
0xbb: {  	s0 =	sor.u32 s3, s0;
	s1 =	sshll.u32 s1, $0x11  }
0xbc: {  	s0 =	sor.u32 s1, s0  }
0xbd: {  	s0 =	sadd.s32 $0x8F2B, s0  }
0xbe: {  	[sflag:s0] =	ssyncadd.remote.s32 $0x1  }
0xbf: {  	_ =	sfence.sel $0xFFFF  }
0xc0: {  	[dreg:$0x0] =	wrdreg $0xFFFFFFFF;
	(pc) =	sbr.abs _section_cstart, $3  }
0xc1: {  	[dreg:$0x1] =	wrdreg $0xFFFFFFFF  }
0xc2: {  	_ =	task.clear_ibuf [dreg:s7], $0x2FFFF;
	_ =	strace $0x9FFFFFFF  }
0xc3: {  	(tm) =	ssettm $0x7FFFFFFF  }
tec
execute0_lowered:
.L_overlay_start_1:
0x0: {  	(tag) =	ssettag $0x1  }
0x1: {  	s4 =	rddreg [dreg:$0x0]  }
0x2: {  	s0 =	srdreg.scid;
	s7 =	rddreg [dreg:$0x1]  }
0x3: {  	s2 =	rddreg [dreg:$0x2];
	s1 =	stileid.u32  }
0x4: {  	s3 =	simm.s32 $0x0;
	s5 =	sand.u32 $0x1, s0;
	s0 =	rddreg [dreg:$0x3]  }
0x5: {  	s12 =	simm.s32 $0x1;
	s15 =	simm.s32 $0x0;
	[smem:$0x7FF] =	sst s3  }
0x6: {  	s10 =	smul.u32 $0x280, s1;
	s11 =	sadd.s32 $0x17200, s4;
	s13 =	sshll.u32 s1, $0x6  }
0x7: {  	s6 =	sshll.u32 s5, $0x4;
	_ =	strace $0x80000047;
	s8 =	ssub.s32 $0x2, s5  }
0x8: {  	p0 =	seq.s32 s5, $0x1;
	s13 =	sor.u32 $0x1C02, s13;
	s6 =	sor.u32 s1, s6  }
0x9: {  	s9 =	sshrl.u32 s8, $0x1;
	s31 =	sshrl.u32 s10, $0x3;
	s6 =	smul.u32 $0x500, s6  }
0xa: {  	s7 =	smov.u32 @p0 s11;
	s11 =	simm.s32 $0x2800;
	s8 =	ssub.s32 s8, s9  }
0xb: {  	s7 =	sadd.s32 s7, s31;
	s9 =	simm.s32 $0x2;
	s6 =	sadd.s32 s6, s4  }
0xc: {  	s4 =	sadd.s32 s10, s2;
	s10 =	simm.s32 $0x80;
	s5 =	sadd.s32 $0xD200, s6  }
0xd: {  	v0 =	vimm.f32 $1.000000000e+00;
	v1 =	vimm.f32 $0.0e+00;
	s6 =	smax.u32 s8, $0x1;
	s8 =	simm.s32 $0x2880;
	s14 =	sshrl.u32 s4, $0x3  }
.LBB2_1:
0xe: {  	[tilespmem:$0x2800] =	vst v0  }
0xf: {  	[tilespmem:$0x2810] =	vst v0  }
0x10: {  	[tilespmem:$0x2820] =	vst v0  }
0x11: {  	[tilespmem:$0x2830] =	vst v0  }
0x12: {  	[tilespmem:$0x2840] =	vst v0  }
0x13: {  	[tilespmem:$0x2850] =	vst v0  }
0x14: {  	[tilespmem:$0x2860] =	vst v0  }
0x15: {  	[tilespmem:$0x2870] =	vst v0  }
0x16: {  	[tilespmem:$0x2880] =	vst v1  }
0x17: {  	[tilespmem:$0x2890] =	vst v1  }
0x18: {  	[tilespmem:$0x28A0] =	vst v1  }
0x19: {  	[tilespmem:$0x28B0] =	vst v1  }
0x1a: {  	[tilespmem:$0x28C0] =	vst v1  }
0x1b: {  	[tilespmem:$0x28D0] =	vst v1  }
0x1c: {  	[tilespmem:$0x28E0] =	vst v1  }
0x1d: {  	[tilespmem:$0x28F0] =	vst v1  }
0x1e: {  	[tilespmem:$0x2900] =	vst v1  }
0x1f: {  	[tilespmem:$0x2910] =	vst v1  }
0x20: {  	[tilespmem:$0x2920] =	vst v1  }
0x21: {  	[tilespmem:$0x2930] =	vst v1  }
0x22: {  	[tilespmem:$0x2940] =	vst v1  }
0x23: {  	[tilespmem:$0x2950] =	vst v1  }
0x24: {  	[tilespmem:$0x2960] =	vst v1  }
0x25: {  	[tilespmem:$0x2970] =	vst v1  }
0x26: {  	[tilespmem:$0x2980] =	vst v1  }
0x27: {  	[tilespmem:$0x2990] =	vst v1  }
0x28: {  	[tilespmem:$0x29A0] =	vst v1  }
0x29: {  	[tilespmem:$0x29B0] =	vst v1  }
0x2a: {  	[tilespmem:$0x29C0] =	vst v1  }
0x2b: {  	[tilespmem:$0x29D0] =	vst v1  }
0x2c: {  	[tilespmem:$0x29E0] =	vst v1  }
0x2d: {  	[tilespmem:$0x29F0] =	vst v1  }
0x2e: {  	[tilespmem:$0x2A00] =	vst v1  }
0x2f: {  	[tilespmem:$0x2A10] =	vst v1  }
0x30: {  	[tilespmem:$0x2A20] =	vst v1  }
0x31: {  	[tilespmem:$0x2A30] =	vst v1  }
0x32: {  	[tilespmem:$0x2A40] =	vst v1  }
0x33: {  	[tilespmem:$0x2A50] =	vst v1  }
0x34: {  	[tilespmem:$0x2A60] =	vst v1  }
0x35: {  	[tilespmem:$0x2A70] =	vst v1  }
0x36: {  	[tilespmem:$0x2A80] =	vst v1  }
0x37: {  	[tilespmem:$0x2A90] =	vst v1  }
0x38: {  	[tilespmem:$0x2AA0] =	vst v1  }
0x39: {  	[tilespmem:$0x2AB0] =	vst v1  }
0x3a: {  	[tilespmem:$0x2AC0] =	vst v1  }
0x3b: {  	[tilespmem:$0x2AD0] =	vst v1  }
0x3c: {  	[tilespmem:$0x2AE0] =	vst v1  }
0x3d: {  	[tilespmem:$0x2AF0] =	vst v1  }
0x3e: {  	[spmem:s4] =	stream.linear.scatter [tilespmem:s8], [sflag:$0x2], $0x280, $0x38;
	[tilespmem:$0x2D80] =	vst v63  }
0x3f: {  	_ =	swait.ge [sflag:s9], $0x280  }
0x40: {  	[sflag:s9] =	ssyncset.done $0x0  }
0x41: {  	[sflag:s9] =	ssyncadd.s32 $0xFFFFFD80  }
0x42: {  	[tilespmem:s3], [sflag:$0x2] =	stream.linear.gather [hbm4b:s5+s3], $0x2800, $0x38;
	[tilespmem:$0x2D80] =	vst v63  }
0x43: {  	_ =	swait.ge [sflag:s9], $0x2800  }
0x44: {  	[sflag:s9] =	ssyncset.done $0x0  }
0x45: {  	[sflag:s9] =	ssyncadd.s32 $0xFFFFD800  }
0x46: {  	s16 =	simm.s32 $0x0;
	[bflag:$0x0] =	sbarrier.arrive $0xFFFF  }
.LBB2_2:
0x47: {  	p0 =	sne.s32 s16, $0x9E00  }
.Ltmp0:
0x48: {  	_ = 	snop;
	(pc) =	sbr.rel @p0 .LBB2_2-.Ltmp0, $3  }
0x49: {  	_ =	sdelay $0x1  }
0x4a: {  	s17 =	sshra.s32 s16, $0x2;
	s16 =	sadd.s32 $0x200, s16  }
0x4b: {  	[spmem:s2] =	stream.indirect.scatter.add.f32 [tilespmem:s11], [sflag:$0x1], $0x1, s17, s10, $0xb8;
	[tilespmem:$0x2D80] =	vst v63  }
0x4c: {  	_ =	swait.ge [sflag:s12], $0x80  }
0x4d: {  	s16 =	simm.s32 $0x4F;
	[sflag:s12] =	ssyncset.done $0x0  }
.LBB2_4:
0x4e: {  	p0 =	sne.s32 s16, $0x1;
	s16 =	sadd.s32 $0xFFFFFFFF, s16;
	[sflag:s12] =	ssyncadd.s32 $0xFFFFFF80  }
.Ltmp1:
0x4f: {  	(pc) =	sbr.rel @p0 .LBB2_4-.Ltmp1, $3  }
0x50: {  	_ =	sdelay $0x1  }
0x51: {  	_ =	swait.ge [sflag:s12], $0x80  }
0x52: {  	[sflag:s12] =	ssyncset.done $0x0  }
0x53: {  	s15 =	sadd.s32 $0x1, s15  }
0x54: {  	[sflag:s12] =	ssyncadd.s32 $0xFFFFFF80;
	p0 =	sne.s32 s15, s6  }
.Ltmp2:
0x55: {  	[bflag:$0x0] =	sbarrier.arrive $0xFFFF;
	(pc) =	sbr.rel @p0 .LBB2_1-.Ltmp2, $4  }
0x56: {  	[hbm:s7], [sflag:s13] =	dma.local [spmem:s14], $0x50  }
0x57: {  	_ =	swait.ge [sflag:s9], $0x50  }
0x58: {  	[sflag:s9] =	ssyncset.done $0x0  }
0x59: {  	[sflag:s9] =	ssyncadd.s32 $0xFFFFFFB0  }
0x5a: {  	_ =	sfence.sel $0x180000  }
0x5b: {  	[bflag:$0x0] =	sbarrier.arrive $0xFFFF  }
0x5c: {  	p0 =	sne.s32 s1, $0x0;
	_ =	strace $0x90000047  }
0x5d: {  	s0 =	sadd.s32 @!p0 $0x100000, s0;
	[bflag:$0x2] =	sbarrier.arrive $0xFFFF  }
0x5e: {  	[sflag:s0] =	ssyncadd.tile.s32 @!p0 $0x1;
	_ =	shalt  }
.Lfunc_end2:
_tile_overlayer_lowered:
.L_overlay_start_2:
0x5f: {  	(tag) =	ssettag $0x2  }
0x60: {  	s0 =	rddreg [dreg:$0x0];
	s2 =	stileid.u32  }
0x61: {  	s1 =	rddreg [dreg:$0x1];
	p0 =	sne.s32 s2, $0x0  }
0x62: {  	s3 =	rddreg [dreg:$0x2];
	[bflag:$0x3] =	sbarrier.arrive $0xFFFF;
	s2 =	simm.s32 @!p0 $0x1C02  }
0x63: {  	[timem:s3], [sflag:s2] =	dma.local @!p0 [hbm:s0], s1  }
0x64: {  	s0 =	simm.s32 @!p0 $0x2  }
0x65: {  	_ =	swait.ge @!p0 [sflag:s0], s1  }
0x66: {  	s1 =	ssub.s32 @!p0 $0x0, s1;
	[sflag:s0] =	ssyncset.done @!p0 $0x0  }
0x67: {  	[sflag:s0] =	ssyncadd.s32 @!p0 s1  }
0x68: {  	[bflag:$0x3] =	sbarrier.arrive $0xFFFF  }
0x69: {  	_ =	shalt  }

// kernel: kernel.9.cloned.1.call-start
scs
__scs_entry_jumppad:
0x0: {  	(pc) =	sbr.rel $0x88, $3  }
0x1: {  	(tag) =	ssettag $0x0;
	lr =	simm.s32 $0x1  }
0x2: {  	[smem:$0x3F94] =	sst lr;
	_ =	strace $0xD0000000  }
0x3: {  	_ = 	snop  }
0x4: {  	_ = 	snop  }
0x5: {  	_ = 	snop  }
0x6: {  	_ = 	snop  }
0x7: {  	_ = 	snop  }
__scs_overlays_trampoline_lowered:
0x8: {  	[smem:$0x3FA3] =	sst s0  }
0x9: {  	[smem:$0x3FA4] =	sst s1  }
0xa: {  	[smem:$0x3FA5] =	sst s2  }
0xb: {  	[smem:$0x3FA6] =	sst s3  }
0xc: {  	[smem:$0x3FA7] =	sst s4  }
0xd: {  	[smem:$0x3FA8] =	sst s5  }
0xe: {  	[smem:$0x3FA9] =	sst s6  }
0xf: {  	[smem:$0x3FAA] =	sst s7  }
0x10: {  	[smem:$0x3FAB] =	sst s8  }
0x11: {  	[smem:$0x3FAC] =	sst s9;
	s0 =	simm.s32 @!p0 $0x0  }
0x12: {  	s1 =	sld [smem:$0x3F92];
	s0 =	simm.s32 @p0 $0x1  }
0x13: {  	[smem:$0x3FAD] =	sst s0;
	s0 =	simm.s32 @!p1 $0x0  }
0x14: {  	s2 =	sld [smem:$0x3F91];
	s0 =	simm.s32 @p1 $0x1  }
0x15: {  	[smem:$0x3FAE] =	sst s0;
	s0 =	simm.s32 @!p2 $0x0  }
0x16: {  	s3 =	sld [smem:$0x3FDB];
	s0 =	simm.s32 @p2 $0x1  }
0x17: {  	s4 =	simm.s32 $0x1BF5;
	[smem:$0x3FB0] =	sst s0  }
0x18: {  	s0 =	sld [smem:$0x3F93];
	_ =	swait.ge [sflag:s4], $0x0  }
0x19: {  	s7 =	sld [smem:$0x3F94]  }
0x1a: {  	s8 =	sadd.s32 $0xFFFFE003, lr  }
0x1b: {  	s9 =	sadd.s32 $0xFFFFFEF7, lr;
	s5 =	simm.s32 $0xFFFFFFFF;
	p2 =	slt.u32 s8, $0xFFFFF086  }
0x1c: {  	p1 =	slt.u32 s9, $0xF7A;
	s5 =	simm.s32 @!p2 $0x0  }
0x1d: {  	s5 =	simm.s32 @p1 $0x1;
	p0 =	seq.s32 s7, s2  }
0x1e: {  	s7 =	smul.u32 @!p0 $0xF7A, s2;
	p2 =	seq.s32 @!p0 s5, $0x0  }
0x1f: {  	s9 =	smul.u32 $0xF7A, s1;
	s8 =	simm.s32 @!p0 $0x1BF5;
	p2 =	por !p2, p0  }
0x20: {  	[sflag:s8] =	ssyncset.s32 @!p0 $0xFFFFF086;
	s6 =	sadd.s32 @!p0 s3, s7;
	s7 =	simm.s32 @!p0 $0x108  }
0x21: {  	s3 =	sadd.s32 s3, s9;
	s6 =	sadd.s32 @!p0 $0x88, s6;
	s7 =	simm.s32 @p2 $0x1082  }
0x22: {  	[simem:s7], [sflag:s8] =	dma.local @!p0 [hbm:s6], $0xF7A  }
0x23: {  	s9 =	sor.u32 $0xD0000000, s2;
	s6 =	simm.s32 $0x108;
	_ =	swait.ge @!p0 [sflag:s8], $0x0  }
0x24: {  	s3 =	sadd.s32 $0x88, s3;
	s6 =	simm.s32 @!p1 $0x1082;
	[sflag:s4] =	ssyncset.s32 $0xFFFFF086  }
0x25: {  	[simem:s6], [sflag:s4] =	dma.local [hbm:s3], $0xF7A  }
0x26: {  	[smem:$0x3F94] =	sst s1;
	(tag) =	ssettag s2;
	_ =	strace s9  }
0x27: {  	s1 =	sld [smem:$0x3FA4]  }
0x28: {  	s2 =	sld [smem:$0x3FA5]  }
0x29: {  	s4 =	sld [smem:$0x3FA7]  }
0x2a: {  	p0 =	seq.s32 s5, $0x0;
	s5 =	sld [smem:$0x3FA8]  }
0x2b: {  	s6 =	sld [smem:$0x3FA9]  }
0x2c: {  	s7 =	sld [smem:$0x3FAA]  }
0x2d: {  	s3 =	simm.s32 $0x108;
	s8 =	sld [smem:$0x3FAB]  }
0x2e: {  	s3 =	simm.s32 @!p0 $0x1082;
	s9 =	sld [smem:$0x3FAC]  }
0x2f: {  	lr =	sadd.s32 s0, s3;
	s0 =	sld [smem:$0x3FA3]  }
0x30: {  	s3 =	sld [smem:$0x3FA6]  }
0x31: {  	[smem:$0x3FAF] =	sst s10  }
0x32: {  	s10 =	sld [smem:$0x3FAD];
	_ =	sdelay $0x3  }
0x33: {  	p0 =	seq.s32 s10, $0x1;
	s10 =	sld [smem:$0x3FAF];
	_ =	sdelay $0x3  }
0x34: {  	[smem:$0x3FAF] =	sst s10  }
0x35: {  	s10 =	sld [smem:$0x3FAE];
	_ =	sdelay $0x3  }
0x36: {  	p1 =	seq.s32 s10, $0x1;
	s10 =	sld [smem:$0x3FAF];
	_ =	sdelay $0x3  }
0x37: {  	[smem:$0x3FAF] =	sst s10  }
0x38: {  	s10 =	sld [smem:$0x3FB0]  }
0x39: {  	_ = 	snop;
	(pc) =	sbr.ind lr, $3  }
0x3a: {  	_ = 	snop  }
0x3b: {  	_ = 	snop  }
0x3c: {  	p2 =	seq.s32 s10, $0x1;
	s10 =	sld [smem:$0x3FAF]  }
0x3d: {  	_ =	shalt  }
0x3e: {  	_ =	shalt  }
0x3f: {  	_ =	shalt  }
0x40: {  	_ =	shalt  }
0x41: {  	_ =	shalt  }
0x42: {  	_ =	shalt  }
0x43: {  	_ =	shalt  }
0x44: {  	_ =	shalt  }
0x45: {  	_ =	shalt  }
0x46: {  	_ =	shalt  }
0x47: {  	_ =	shalt  }
0x48: {  	_ =	shalt  }
0x49: {  	_ =	shalt  }
0x4a: {  	_ =	shalt  }
0x4b: {  	_ =	shalt  }
0x4c: {  	_ =	shalt  }
0x4d: {  	_ =	shalt  }
0x4e: {  	_ =	shalt  }
0x4f: {  	_ =	shalt  }
0x50: {  	_ =	shalt  }
0x51: {  	_ =	shalt  }
0x52: {  	_ =	shalt  }
0x53: {  	_ =	shalt  }
0x54: {  	_ =	shalt  }
0x55: {  	_ =	shalt  }
0x56: {  	_ =	shalt  }
0x57: {  	_ =	shalt  }
0x58: {  	_ =	shalt  }
0x59: {  	_ =	shalt  }
0x5a: {  	_ =	shalt  }
0x5b: {  	_ =	shalt  }
0x5c: {  	_ =	shalt  }
0x5d: {  	_ =	shalt  }
0x5e: {  	_ =	shalt  }
0x5f: {  	_ =	shalt  }
0x60: {  	_ =	shalt  }
0x61: {  	_ =	shalt  }
0x62: {  	_ =	shalt  }
0x63: {  	_ =	shalt  }
0x64: {  	_ =	shalt  }
0x65: {  	_ =	shalt  }
0x66: {  	_ =	shalt  }
0x67: {  	_ =	shalt  }
0x68: {  	_ =	shalt  }
0x69: {  	_ =	shalt  }
0x6a: {  	_ =	shalt  }
0x6b: {  	_ =	shalt  }
0x6c: {  	_ =	shalt  }
0x6d: {  	_ =	shalt  }
0x6e: {  	_ =	shalt  }
0x6f: {  	_ =	shalt  }
0x70: {  	_ =	shalt  }
0x71: {  	_ =	shalt  }
0x72: {  	_ =	shalt  }
0x73: {  	_ =	shalt  }
0x74: {  	_ =	shalt  }
0x75: {  	_ =	shalt  }
0x76: {  	_ =	shalt  }
0x77: {  	_ =	shalt  }
0x78: {  	_ =	shalt  }
0x79: {  	_ =	shalt  }
0x7a: {  	_ =	shalt  }
0x7b: {  	_ =	shalt  }
0x7c: {  	_ =	shalt  }
0x7d: {  	_ =	shalt  }
0x7e: {  	_ =	shalt  }
0x7f: {  	_ =	shalt  }
0x80: {  	_ =	shalt  }
0x81: {  	_ =	shalt  }
0x82: {  	_ =	shalt  }
0x83: {  	_ =	shalt  }
0x84: {  	_ =	shalt  }
0x85: {  	_ =	shalt  }
0x86: {  	_ =	shalt  }
0x87: {  	_ =	shalt  }
.Lfunc_end0:
.L_simem_size_0:
called_computation.1_lowered:
.L_overlay_start_0:
0x88: {  	s2 =	sld [smem:$0x3FD9]  }
0x89: {  	s3 =	sld [smem:$0x3FFE];
	_ =	sdelay $0x1  }
0x8a: {  	s1 =	srdreg.scid  }
0x8b: {  	s0 =	sand.u32 $0x1, s1  }
0x8c: {  	s16 =	sshll.u32 s0, $0xA;
	s2 =	sadd.s32 s3, s2  }
0x8d: {  	s2 =	sadd.s32 s2, s16  }
0x8e: {  	[smem:$0x3FBB] =	sst s2  }
0x8f: {  	_ = 	snop  }
0x90: {  	(tm) =	ssettm $0x1  }
0x91: {  	s17 =	sld [smem:$0x3FFB];
	_ =	sdelay $0x3  }
0x92: {  	_ =	strace s17  }
0x93: {  	s2 =	sld [smem:$0x3FFC];
	_ =	sdelay $0x3  }
0x94: {  	_ =	strace s2  }
0x95: {  	s2 =	sld [smem:$0x3FFD];
	_ =	sdelay $0x3  }
0x96: {  	_ =	strace s2  }
0x97: {  	_ =	strace $0x8FFFFFFF  }
0x98: {  	s18 =	sld [smem:$0x3FDB];
	_ =	sdelay $0x1  }
0x99: {  	s19 =	simm.s32 $_scs_section_size  }
0x9a: {  	s4 =	simm.s32 $_size__tile_overlayer_lowered;
	s5 =	simm.s32 $_tile_overlayer_lowered  }
0x9b: {  	s22 =	simm.s32 $0x1BFF;
	s21 =	sshll.u32 s5, $0x1;
	s2 =	sadd.s32 s19, s18  }
0x9c: {  	s6 =	simm.s32 $0x0;
	s20 =	sshll.u32 s4, $0x1;
	s4 =	sadd.s32 s21, s2  }
0x9d: {  	[timem:s6], [sflag:s22] =	dma.local [hbm:s4], s20  }
0x9e: {  	_ =	swait.ge [sflag:s22], s20  }
0x9f: {  	s3 =	ssub.s32 $0x0, s20;
	[sflag:s22] =	ssyncset.done $0x0  }
0xa0: {  	[sflag:s22] =	ssyncadd.s32 s3;
	_ =	sdelay $0x1  }
0xa1: {  	s23 =	simm.s32 $0x1B8B  }
0xa2: {  	_ =	swait.ge [sflag:s23], $0x1  }
0xa3: {  	[sflag:s23] =	ssyncset.done $0x0  }
0xa4: {  	s25 =	simm.s32 $0x1B8E;
	s24 =	sld [smem:$0x3FFE];
	[sflag:s23] =	ssyncadd.s32 $0xFFFFFFFF  }
0xa5: {  	s26 =	simm.s32 $execute0_lowered;
	[smem:$0x3FD2] =	sst s25  }
0xa6: {  	s4 =	sshll.u32 s26, $0x1;
	_ =	strace $0x80000049;
	[dreg:$0x1] =	wrdreg $0xFFFFFFFF  }
0xa7: {  	s28 =	simm.s32 $_size_execute0_lowered;
	s2 =	sadd.s32 s2, s4;
	[dreg:$0x0] =	wrdreg $0x0  }
0xa8: {  	s4 =	sshll.u32 s28, $0x1;
	[dreg:$0x2] =	wrdreg s2  }
0xa9: {  	[dreg:$0x3] =	wrdreg s4  }
0xaa: {  	[dreg:$0x4] =	wrdreg $0xC0  }
0xab: {  	_ =	task [dreg:s6], $0x5FFFF  }
0xac: {  	[dreg:$0x1] =	wrdreg $0xFFFFFFFF  }
0xad: {  	[dreg:$0x0] =	wrdreg $0x60  }
0xae: {  	[dreg:$0x2] =	wrdreg s24  }
0xaf: {  	[dreg:$0x3] =	wrdreg $0xC5000  }
0xb0: {  	[dreg:$0x4] =	wrdreg $0x9  }
0xb1: {  	_ =	task.clear_ibuf [dreg:s6], $0x5FFFF;
	_ =	strace $0x90000049  }
0xb2: {  	s29 =	simm.s32 $0x9;
	_ =	strace $0x8000004B  }
0xb3: {  	_ =	swait.ge [sflag:s29], $0x1  }
0xb4: {  	[sflag:s29] =	ssyncadd.s32 $0xFFFFFFFF  }
0xb5: {  	_ =	strace $0x9000004B  }
0xb6: {  	_ =	sfence  }
0xb7: {  	s30 =	sld [smem:$0x0];
	_ =	sdelay $0x2  }
0xb8: {  	s31 =	sshll.u32 s1, $0xD;
	s1 =	sshrl.u32 s1, $0x2  }
0xb9: {  	s3 =	sand.u32 $0x4000, s31;
	s1 =	sadd.s32 s1, s30  }
0xba: {  	s0 =	sor.u32 s3, s0;
	s1 =	sshll.u32 s1, $0x11  }
0xbb: {  	s0 =	sor.u32 s1, s0  }
0xbc: {  	s0 =	sadd.s32 $0x8F2B, s0  }
0xbd: {  	[sflag:s0] =	ssyncadd.remote.s32 $0x1  }
0xbe: {  	_ =	sfence.sel $0xFFFF  }
0xbf: {  	[dreg:$0x0] =	wrdreg $0xFFFFFFFF;
	(pc) =	sbr.abs _section_cstart, $3  }
0xc0: {  	[dreg:$0x1] =	wrdreg $0xFFFFFFFF  }
0xc1: {  	_ =	task.clear_ibuf [dreg:s6], $0x2FFFF;
	_ =	strace $0x9FFFFFFF  }
0xc2: {  	(tm) =	ssettm $0x7FFFFFFF  }
0xc3: {  	_ =	shalt  }
tec
execute0_lowered:
.L_overlay_start_1:
0x0: {  	(tag) =	ssettag $0x1  }
0x1: {  	s0 =	srdreg.scid  }
0x2: {  	s1 =	rddreg [dreg:$0x0];
	s11 =	stileid.u32  }
0x3: {  	s28 =	rddreg [dreg:$0x1];
	s0 =	sand.u32 $0x1, s0;
	s21 =	smul.u32 $0x2800, s11  }
0x4: {  	s3 =	simm.s32 $0x0;
	s6 =	sshrl.u32 s11, $0x1;
	s5 =	smul.u32 $0x13A000, s0  }
0x5: {  	s30 =	simm.s32 $0x4500;
	[smem:$0x7FF] =	sst s3;
	s7 =	smul.u32 $0x27400, s6  }
0x6: {  	s29 =	ssub.s32 $0x2, s0;
	s10 =	sshll.u32 s0, $0x4;
	s0 =	smul.u32 $0x28000, s0  }
0x7: {  	s4 =	sadd.s32 $0x17200, s1;
	s2 =	sand.u32 $0x1, s11;
	s8 =	smul.u32 $0x9D000, s6  }
0x8: {  	_ =	strace $0x8000004A;
	s6 =	sadd.s32 $0xD200, s1;
	s0 =	sadd.s32 s21, s0  }
0x9: {  	p0 =	sne.s32 s2, $0x0;
	s8 =	sshrl.u32 s8, $0x2;
	s0 =	sor.u32 $0x380, s0  }
0xa: {  	s2 =	simm.s32 $0x0;
	s13 =	sadd.s32 s8, s28;
	[dreg:$0x13] =	wrdreg s0  }
0xb: {  	s9 =	sshrl.u32 s29, $0x1;
	s12 =	sadd.s32 $0x4000, s13;
	[dreg:$0x3] =	wrdreg s13  }
0xc: {  	s31 =	sor.u32 s11, s10;
	s14 =	sadd.s32 $0x8000, s13;
	[dreg:$0x4] =	wrdreg s12  }
0xd: {  	s7 =	sadd.s32 s5, s7;
	s15 =	sadd.s32 $0xC000, s13;
	[dreg:$0x5] =	wrdreg s14  }
0xe: {  	s5 =	sadd.s32 $0x3200, s1;
	s16 =	sadd.s32 $0x10000, s13;
	[dreg:$0x6] =	wrdreg s15  }
0xf: {  	s22 =	smul.u32 $0x2800, s31;
	s17 =	sadd.s32 $0x14000, s13;
	[dreg:$0x7] =	wrdreg s16  }
0x10: {  	s21 =	simm.s32 $0xB;
	s18 =	sadd.s32 $0x18000, s13;
	[dreg:$0x8] =	wrdreg s17  }
0x11: {  	s7 =	sshrl.u32 s7, $0x3;
	s19 =	sadd.s32 $0x1C000, s13;
	[dreg:$0x9] =	wrdreg s18  }
0x12: {  	s1 =	sadd.s32 s7, s1;
	s23 =	sadd.s32 $0x20000, s13;
	[dreg:$0xa] =	wrdreg s19  }
0x13: {  	s20 =	sshrl.u32 s22, $0x3;
	s24 =	sadd.s32 $0x24000, s13;
	[dreg:$0xb] =	wrdreg s23  }
0x14: {  	s7 =	ssub.s32 s29, s9;
	[dreg:$0xc] =	wrdreg s24;
	s25 =	sadd.s32 s5, s20  }
0x15: {  	s26 =	sadd.s32 s6, s20;
	s9 =	sor.u32 $0x10, s20;
	s1 =	sadd.s32 $0x3E600, s1  }
0x16: {  	s31 =	smax.u32 s7, $0x1;
	s17 =	simm.s32 $0x200;
	s16 =	simm.s32 $0x500  }
0x17: {  	s15 =	simm.s32 $0x300;
	s19 =	simm.s32 $0x380;
	[dreg:$0xd] =	wrdreg s25  }
.Ltmp0:
0x18: {  	s23 =	simm.s32 $0x8;
	[dreg:$0xe] =	wrdreg s26;
	(pc) =	sbr.rel .LBB2_1-.Ltmp0, $4  }
0x19: {  	s14 =	simm.s32 $0x9;
	s20 =	simm.s32 $0x1;
	[dreg:$0x11] =	wrdreg s1  }
0x1a: {  	s18 =	simm.s32 $0xA;
	s29 =	sadd.s32 s5, s9;
	[dreg:$0x12] =	wrdreg s31  }
0x1b: {  	s12 =	simm.s32 $0x6;
	s9 =	sadd.s32 s6, s9;
	[dreg:$0xf] =	wrdreg s29  }
0x1c: {  	v0 =	vimm.f32 $0.0e+00;
	s25 =	simm.s32 $0x80;
	[dreg:$0x10] =	wrdreg s9;
	s9 =	simm.s32 $0x7  }
.LBB2_6:
0x1d: {  	s0 =	stileid.u32;
	[bflag:$0x0] =	sbarrier.arrive $0xFFFF  }
0x1e: {  	s0 =	sshll.u32 @!p0 s0, $0x6;
	s13 =	rddreg [dreg:$0x3]  }
0x1f: {  	s7 =	rddreg [dreg:$0x11];
	s0 =	sor.u32 @!p0 $0x1C0C, s0;
	s1 =	sshrl.u32 @!p0 s13, $0x3  }
0x20: {  	[hbm:s7], [sflag:s0] =	dma.local @!p0 [spmem:s1], $0x4E80  }
0x21: {  	s0 =	simm.s32 @!p0 $0xC  }
0x22: {  	_ =	swait.ge @!p0 [sflag:s0], $0x4E80  }
0x23: {  	s2 =	rddreg [dreg:$0x14]  }
0x24: {  	s31 =	rddreg [dreg:$0x12];
	s2 =	sadd.s32 $0x1, s2  }
0x25: {  	p1 =	sne.s32 s2, s31  }
.Ltmp1:
0x26: {  	_ = 	snop;
	(pc) =	sbr.rel @!p1 .LBB2_7-.Ltmp1, $4  }
0x27: {  	_ = 	snop  }
0x28: {  	s17 =	simm.s32 $0x200;
	s9 =	simm.s32 $0x7;
	s16 =	simm.s32 $0x500  }
0x29: {  	s15 =	simm.s32 $0x300;
	s19 =	simm.s32 $0x380;
	[sflag:s0] =	ssyncset.done @!p0 $0x0  }
0x2a: {  	s23 =	simm.s32 $0x8;
	s20 =	simm.s32 $0x1;
	[sflag:s0] =	ssyncadd.s32 @!p0 $0xFFFFB180  }
.LBB2_1:
0x2b: {  	[dreg:$0x14] =	wrdreg s2;
	s0 =	simm.s32 $0x0;
	s7 =	simm.s32 $0x200  }
.LBB2_2:
0x2c: {  	p1 =	sne.s32 s7, $0xFE00;
	[tilespmem:s0+$0x570] =	vst v0  }
0x2d: {  	[tilespmem:s0+$0x500] =	vst v0  }
0x2e: {  	[tilespmem:s0+$0x510] =	vst v0  }
.Ltmp2:
0x2f: {  	[tilespmem:s0+$0x520] =	vst v0;
	(pc) =	sbr.rel @p1 .LBB2_2-.Ltmp2, $4  }
0x30: {  	[tilespmem:s0+$0x530] =	vst v0  }
0x31: {  	[tilespmem:s0+$0x540] =	vst v0  }
0x32: {  	[tilespmem:s0+$0x550] =	vst v0  }
0x33: {  	[tilespmem:s0+$0x560] =	vst v0;
	s0 =	sshra.s32 s7, $0x2;
	s7 =	sadd.s32 $0x200, s7  }
0x34: {  	[tilespmem:s0+$0x570] =	vst v0  }
0x35: {  	[tilespmem:s0+$0x500] =	vst v0  }
0x36: {  	[tilespmem:s0+$0x510] =	vst v0  }
0x37: {  	[tilespmem:s0+$0x520] =	vst v0  }
0x38: {  	[tilespmem:s0+$0x530] =	vst v0  }
0x39: {  	[tilespmem:s0+$0x540] =	vst v0  }
0x3a: {  	[tilespmem:s0+$0x550] =	vst v0  }
0x3b: {  	[tilespmem:s0+$0x560] =	vst v0;
	s0 =	simm.s32 @!p0 $0x500;
	s7 =	simm.s32 @!p0 $0xC  }
0x3c: {  	[spmem:s13] =	stream.linear.scatter @!p0 [tilespmem:s0], [sflag:$0xC], $0x4000, $0x38;
	[tilespmem:$0x1FF00] =	vst v63  }
0x3d: {  	_ =	swait.ge @!p0 [sflag:s7], $0x4000  }
0x3e: {  	[sflag:s7] =	ssyncset.done @!p0 $0x0  }
0x3f: {  	s1 =	rddreg [dreg:$0x4];
	[sflag:s7] =	ssyncadd.s32 @!p0 $0xFFFFC000  }
0x40: {  	[spmem:s1] =	stream.linear.scatter @!p0 [tilespmem:s0], [sflag:$0xC], $0x4000, $0x38;
	[tilespmem:$0x1FF00] =	vst v63  }
0x41: {  	_ =	swait.ge @!p0 [sflag:s7], $0x4000  }
0x42: {  	[sflag:s7] =	ssyncset.done @!p0 $0x0  }
0x43: {  	s1 =	rddreg [dreg:$0x5];
	[sflag:s7] =	ssyncadd.s32 @!p0 $0xFFFFC000  }
0x44: {  	[spmem:s1] =	stream.linear.scatter @!p0 [tilespmem:s0], [sflag:$0xC], $0x4000, $0x38;
	[tilespmem:$0x1FF00] =	vst v63  }
0x45: {  	_ =	swait.ge @!p0 [sflag:s7], $0x4000  }
0x46: {  	[sflag:s7] =	ssyncset.done @!p0 $0x0  }
0x47: {  	s1 =	rddreg [dreg:$0x6];
	[sflag:s7] =	ssyncadd.s32 @!p0 $0xFFFFC000  }
0x48: {  	[spmem:s1] =	stream.linear.scatter @!p0 [tilespmem:s0], [sflag:$0xC], $0x4000, $0x38;
	[tilespmem:$0x1FF00] =	vst v63  }
0x49: {  	_ =	swait.ge @!p0 [sflag:s7], $0x4000  }
0x4a: {  	[sflag:s7] =	ssyncset.done @!p0 $0x0  }
0x4b: {  	s1 =	rddreg [dreg:$0x7];
	[sflag:s7] =	ssyncadd.s32 @!p0 $0xFFFFC000  }
0x4c: {  	[spmem:s1] =	stream.linear.scatter @!p0 [tilespmem:s0], [sflag:$0xC], $0x4000, $0x38;
	[tilespmem:$0x1FF00] =	vst v63  }
0x4d: {  	_ =	swait.ge @!p0 [sflag:s7], $0x4000  }
0x4e: {  	[sflag:s7] =	ssyncset.done @!p0 $0x0  }
0x4f: {  	s1 =	rddreg [dreg:$0x8];
	[sflag:s7] =	ssyncadd.s32 @!p0 $0xFFFFC000  }
0x50: {  	[spmem:s1] =	stream.linear.scatter @!p0 [tilespmem:s0], [sflag:$0xC], $0x4000, $0x38;
	[tilespmem:$0x1FF00] =	vst v63  }
0x51: {  	_ =	swait.ge @!p0 [sflag:s7], $0x4000  }
0x52: {  	[sflag:s7] =	ssyncset.done @!p0 $0x0  }
0x53: {  	s1 =	rddreg [dreg:$0x9];
	[sflag:s7] =	ssyncadd.s32 @!p0 $0xFFFFC000  }
0x54: {  	[spmem:s1] =	stream.linear.scatter @!p0 [tilespmem:s0], [sflag:$0xC], $0x4000, $0x38;
	[tilespmem:$0x1FF00] =	vst v63  }
0x55: {  	_ =	swait.ge @!p0 [sflag:s7], $0x4000  }
0x56: {  	[sflag:s7] =	ssyncset.done @!p0 $0x0  }
0x57: {  	s1 =	rddreg [dreg:$0xa];
	[sflag:s7] =	ssyncadd.s32 @!p0 $0xFFFFC000  }
0x58: {  	[spmem:s1] =	stream.linear.scatter @!p0 [tilespmem:s0], [sflag:$0xC], $0x4000, $0x38;
	[tilespmem:$0x1FF00] =	vst v63  }
0x59: {  	_ =	swait.ge @!p0 [sflag:s7], $0x4000  }
0x5a: {  	[sflag:s7] =	ssyncset.done @!p0 $0x0  }
0x5b: {  	s1 =	rddreg [dreg:$0xb];
	[sflag:s7] =	ssyncadd.s32 @!p0 $0xFFFFC000  }
0x5c: {  	[spmem:s1] =	stream.linear.scatter @!p0 [tilespmem:s0], [sflag:$0xC], $0x4000, $0x38;
	[tilespmem:$0x1FF00] =	vst v63  }
0x5d: {  	_ =	swait.ge @!p0 [sflag:s7], $0x4000  }
0x5e: {  	[sflag:s7] =	ssyncset.done @!p0 $0x0  }
0x5f: {  	s1 =	rddreg [dreg:$0xc];
	[sflag:s7] =	ssyncadd.s32 @!p0 $0xFFFFC000  }
0x60: {  	[spmem:s1] =	stream.linear.scatter @!p0 [tilespmem:s0], [sflag:$0xC], $0x3400, $0x38;
	[tilespmem:$0x1FF00] =	vst v63  }
0x61: {  	_ =	swait.ge @!p0 [sflag:s7], $0x3400  }
0x62: {  	[sflag:s7] =	ssyncset.done @!p0 $0x0  }
0x63: {  	[sflag:s7] =	ssyncadd.s32 @!p0 $0xFFFFCC00  }
0x64: {  	[bflag:$0x0] =	sbarrier.arrive $0xFFFF  }
0x65: {  	s10 =	rddreg [dreg:$0xd]  }
0x66: {  	s11 =	rddreg [dreg:$0xe]  }
0x67: {  	s13 =	rddreg [dreg:$0xf]  }
0x68: {  	s8 =	simm.s32 $0x0;
	s2 =	simm.s32 $0x0;
	s26 =	rddreg [dreg:$0x10]  }
0x69: {  	[tilespmem:s8], [sflag:$0x7] =	stream.linear.gather [hbm4b:s10+s8], $0x80, $0x38;
	[tilespmem:$0x1FF00] =	vst v63  }
0x6a: {  	[dreg:$0x15] =	wrdreg s2;
	s10 =	simm.s32 $0x780  }
0x6b: {  	[tilespmem:s25], [sflag:$0x7] =	stream.linear.gather [hbm4b:s11+s8], $0x80, $0x38;
	[tilespmem:$0x1FF00] =	vst v63  }
0x6c: {  	[dreg:$0x17] =	wrdreg s10;
	s11 =	simm.s32 $0x700  }
0x6d: {  	s24 =	simm.s32 $0x100;
	s29 =	simm.s32 $0x180;
	[dreg:$0x18] =	wrdreg s11  }
0x6e: {  	[tilespmem:s24], [sflag:$0x8] =	stream.linear.gather [hbm4b:s13+s8], $0x80, $0x38;
	[tilespmem:$0x1FF00] =	vst v63  }
0x6f: {  	s31 =	smov.u32 s28;
	s11 =	rddreg [dreg:$0x13];
	s13 =	simm.s32 $0x680  }
0x70: {  	s1 =	simm.s32 $0x280;
	s24 =	simm.s32 $0x380;
	[dreg:$0x19] =	wrdreg s13  }
0x71: {  	[tilespmem:s29], [sflag:$0x8] =	stream.linear.gather [hbm4b:s26+s8], $0x80, $0x38;
	[tilespmem:$0x1FF00] =	vst v63  }
0x72: {  	s0 =	simm.s32 $0x8500;
	[dreg:$0x1a] =	wrdreg s24;
	s8 =	simm.s32 $0xFFFFFFFD  }
0x73: {  	s7 =	simm.s32 $0x2;
	s26 =	simm.s32 $0x300;
	[dreg:$0x16] =	wrdreg s8  }
0x74: {  	s13 =	simm.s32 $0x400;
	s29 =	simm.s32 $0x280;
	[dreg:$0x1b] =	wrdreg s26  }
0x75: {  	s24 =	simm.s32 $0x5;
	s8 =	simm.s32 $0x800;
	[dreg:$0x1c] =	wrdreg s29  }
.LBB2_4:
0x76: {  	s26 =	sadd.s32 $0xFFFFF900, s8;
	s10 =	rddreg [dreg:$0x16]  }
0x77: {  	p1 =	sgt.u32 s10, $0x4F;
	s28 =	sand.u32 $0x7C00, s26  }
0x78: {  	s26 =	sand.u32 $0x380, s26;
	s29 =	simm.s32 @!p1 $0x4;
	s28 =	sadd.s32 s22, s28  }
0x79: {  	_ =	swait.ge @!p1 [sflag:s29], $0x4000;
	s26 =	sor.u32 s26, s28  }
0x7a: {  	[sflag:s29] =	ssyncset.done @!p1 $0x0;
	s26 =	sshrl.u32 s26, $0x3  }
0x7b: {  	[sflag:s29] =	ssyncadd.s32 @!p1 $0xFFFFC000;
	s28 =	sadd.s32 s5, s26  }
0x7c: {  	[tilespmem:s17], [sflag:$0x9] =	stream.linear.gather [hbm4b:s28+s3], $0x80, $0x38;
	[tilespmem:$0x1FF00] =	vst v63  }
0x7d: {  	s26 =	sadd.s32 s6, s26  }
0x7e: {  	[tilespmem:s1], [sflag:$0x9] =	stream.linear.gather [hbm4b:s26+s3], $0x80, $0x38;
	[tilespmem:$0x1FF00] =	vst v63  }
0x7f: {  	_ =	swait.ge [sflag:s9], $0x80  }
0x80: {  	[sflag:s9] =	ssyncset.done $0x0  }
0x81: {  	[sflag:s9] =	ssyncadd.s32 $0xFFFFFF80  }
0x82: {  	s2 =	sadd.s32 $0x1, s10;
	_ =	swait.ge [sflag:s9], $0x80  }
0x83: {  	p1 =	sgt.u32 s2, $0x4F;
	[sflag:s9] =	ssyncset.done $0x0  }
0x84: {  	s26 =	simm.s32 @!p1 $0x2;
	[sflag:s9] =	ssyncadd.s32 $0xFFFFFF80  }
0x85: {  	[tilespmem:s16], [sflag:$0x1] =	stream.indirect.gather [hbm4b:s4+s25], $0x80, s3, s25, $0xb8;
	[tilespmem:$0x1FF00] =	vst v63  }
0x86: {  	_ =	swait.ge @!p1 [sflag:s26], $0x4000  }
0x87: {  	s28 =	simm.s32 @!p1 $0x380;
	s29 =	simm.s32 @!p1 $0x4500;
	[sflag:s26] =	ssyncset.done @!p1 $0x0  }
0x88: {  	s9 =	sadd.s32 $0xFFFFF980, s8;
	[sflag:s26] =	ssyncadd.s32 @!p1 $0xFFFFC000;
	s26 =	simm.s32 @!p1 $0x80  }
0x89: {  	[spmem:s31] =	stream.indirect.scatter.add.f32 @!p1 [tilespmem:s29], [sflag:$0x5], $0x80, s28, s26, $0xb8;
	[tilespmem:$0x1FF00] =	vst v63  }
0x8a: {  	s28 =	sand.u32 $0x7C00, s9  }
0x8b: {  	s29 =	simm.s32 @!p1 $0x5;
	s26 =	sand.u32 $0x380, s9;
	s28 =	sadd.s32 s22, s28  }
0x8c: {  	_ =	swait.ge @!p1 [sflag:s29], $0x4000;
	s26 =	sor.u32 s26, s28  }
0x8d: {  	[sflag:s29] =	ssyncset.done @!p1 $0x0;
	s26 =	sshrl.u32 s26, $0x3  }
0x8e: {  	[sflag:s29] =	ssyncadd.s32 @!p1 $0xFFFFC000;
	s28 =	sadd.s32 s5, s26  }
0x8f: {  	[tilespmem:s15], [sflag:$0xA] =	stream.linear.gather [hbm4b:s28+s3], $0x80, $0x38;
	[tilespmem:$0x1FF00] =	vst v63  }
0x90: {  	s26 =	sadd.s32 s6, s26  }
0x91: {  	[tilespmem:s19], [sflag:$0xA] =	stream.linear.gather [hbm4b:s26+s3], $0x80, $0x38;
	[tilespmem:$0x1FF00] =	vst v63  }
0x92: {  	_ =	swait.ge [sflag:s23], $0x80  }
0x93: {  	[sflag:s23] =	ssyncset.done $0x0  }
0x94: {  	[sflag:s23] =	ssyncadd.s32 $0xFFFFFF80  }
0x95: {  	_ =	swait.ge [sflag:s23], $0x80  }
0x96: {  	s29 =	sadd.s32 $0x2, s10;
	[sflag:s23] =	ssyncset.done $0x0  }
0x97: {  	p1 =	sgt.u32 s29, $0x4F;
	s26 =	simm.s32 $0x100;
	[sflag:s23] =	ssyncadd.s32 $0xFFFFFF80  }
0x98: {  	[tilespmem:s30], [sflag:$0x2] =	stream.indirect.gather [hbm4b:s4+s25], $0x80, s26, s25, $0xb8;
	[tilespmem:$0x1FF00] =	vst v63  }
0x99: {  	s26 =	simm.s32 @!p1 $0x3  }
0x9a: {  	_ =	swait.ge @!p1 [sflag:s26], $0x4000  }
0x9b: {  	s2 =	sadd.s32 $0xFFFFFA00, s8;
	s28 =	simm.s32 @!p1 $0x480;
	[sflag:s26] =	ssyncset.done @!p1 $0x0  }
0x9c: {  	s29 =	simm.s32 @!p1 $0x8500;
	[sflag:s26] =	ssyncadd.s32 @!p1 $0xFFFFC000;
	s26 =	simm.s32 @!p1 $0x80  }
0x9d: {  	[spmem:s31] =	stream.indirect.scatter.add.f32 @!p1 [tilespmem:s29], [sflag:$0x6], $0x80, s28, s26, $0xb8;
	[tilespmem:$0x1FF00] =	vst v63  }
0x9e: {  	s28 =	sand.u32 $0x7C00, s2  }
0x9f: {  	s29 =	simm.s32 @!p1 $0x6;
	s26 =	sand.u32 $0x380, s2;
	s28 =	sadd.s32 s22, s28  }
0xa0: {  	_ =	swait.ge @!p1 [sflag:s29], $0x4000;
	s26 =	sor.u32 s26, s28  }
0xa1: {  	[sflag:s29] =	ssyncset.done @!p1 $0x0;
	s26 =	sshrl.u32 s26, $0x3  }
0xa2: {  	[sflag:s29] =	ssyncadd.s32 @!p1 $0xFFFFC000;
	s28 =	sadd.s32 s5, s26  }
0xa3: {  	[tilespmem:s13], [sflag:$0xB] =	stream.linear.gather [hbm4b:s28+s3], $0x80, $0x38;
	[tilespmem:$0x1FF00] =	vst v63  }
0xa4: {  	s2 =	simm.s32 $0x480;
	s26 =	sadd.s32 s6, s26  }
0xa5: {  	[tilespmem:s2], [sflag:$0xB] =	stream.linear.gather [hbm4b:s26+s3], $0x80, $0x38;
	[tilespmem:$0x1FF00] =	vst v63  }
0xa6: {  	_ =	swait.ge [sflag:s14], $0x80  }
0xa7: {  	[sflag:s14] =	ssyncset.done $0x0  }
0xa8: {  	[sflag:s14] =	ssyncadd.s32 $0xFFFFFF80  }
0xa9: {  	_ =	swait.ge [sflag:s14], $0x80  }
0xaa: {  	[sflag:s14] =	ssyncset.done $0x0  }
0xab: {  	[sflag:s14] =	ssyncadd.s32 $0xFFFFFF80  }
0xac: {  	[tilespmem:s0], [sflag:$0x3] =	stream.indirect.gather [hbm4b:s4+s25], $0x80, s17, s25, $0xb8;
	[tilespmem:$0x1FF00] =	vst v63  }
0xad: {  	_ =	swait.ge [sflag:s20], $0x4000  }
0xae: {  	[sflag:s20] =	ssyncset.done $0x0;
	s9 =	rddreg [dreg:$0x1c]  }
0xaf: {  	p1 =	seq.s32 s8, $0x2D80;
	[sflag:s20] =	ssyncadd.s32 $0xFFFFC000;
	s26 =	sand.u32 $0xFFFFFC00, s9  }
0xb0: {  	[spmem:s31] =	stream.indirect.scatter.add.f32 [tilespmem:s16], [sflag:$0x4], $0x80, s25, s25, $0xb8;
	[tilespmem:$0x1FF00] =	vst v63  }
0xb1: {  	s10 =	simm.s32 $0x4;
	s26 =	sadd.s32 @!p1 s26, s11  }
0xb2: {  	_ =	swait.ge [sflag:s10], $0x4000;
	s26 =	sadd.s32 @!p1 $0xFFFFFF00, s26  }
0xb3: {  	[sflag:s10] =	ssyncset.done $0x0;
	s26 =	sshrl.u32 @!p1 s26, $0x3  }
0xb4: {  	s28 =	simm.s32 @!p1 $0x0;
	[sflag:s10] =	ssyncadd.s32 $0xFFFFC000;
	s29 =	sadd.s32 @!p1 s5, s26  }
0xb5: {  	[tilespmem:s28], [sflag:$0x7] =	stream.linear.gather @!p1 [hbm4b:s29+s28], $0x80, $0x38;
	[tilespmem:$0x1FF00] =	vst v63  }
0xb6: {  	s29 =	sadd.s32 @!p1 s6, s26;
	s26 =	simm.s32 @!p1 $0x80  }
0xb7: {  	[tilespmem:s26], [sflag:$0x7] =	stream.linear.gather @!p1 [hbm4b:s29+s28], $0x80, $0x38;
	[tilespmem:$0x1FF00] =	vst v63  }
0xb8: {  	_ =	swait.ge [sflag:s18], $0x80  }
0xb9: {  	[sflag:s18] =	ssyncset.done $0x0  }
0xba: {  	[sflag:s18] =	ssyncadd.s32 $0xFFFFFF80  }
0xbb: {  	_ =	swait.ge [sflag:s18], $0x80  }
0xbc: {  	[sflag:s18] =	ssyncset.done $0x0  }
0xbd: {  	[sflag:s18] =	ssyncadd.s32 $0xFFFFFF80  }
0xbe: {  	[tilespmem:s16], [sflag:$0x1] =	stream.indirect.gather [hbm4b:s4+s25], $0x80, s15, s25, $0xb8;
	[tilespmem:$0x1FF00] =	vst v63  }
0xbf: {  	_ =	swait.ge [sflag:s7], $0x4000  }
0xc0: {  	[sflag:s7] =	ssyncset.done $0x0;
	s15 =	rddreg [dreg:$0x1b]  }
0xc1: {  	s16 =	simm.s32 $0x180;
	s29 =	sand.u32 $0xFFFFFC00, s15;
	[sflag:s7] =	ssyncadd.s32 $0xFFFFC000  }
0xc2: {  	[spmem:s31] =	stream.indirect.scatter.add.f32 [tilespmem:s30], [sflag:$0x5], $0x80, s16, s25, $0xb8;
	[tilespmem:$0x1FF00] =	vst v63  }
0xc3: {  	s29 =	sadd.s32 @!p1 s29, s11  }
0xc4: {  	_ =	swait.ge [sflag:s24], $0x4000;
	s29 =	sadd.s32 @!p1 $0xFFFFFF80, s29  }
0xc5: {  	[sflag:s24] =	ssyncset.done $0x0;
	s30 =	sshrl.u32 @!p1 s29, $0x3  }
0xc6: {  	s29 =	simm.s32 @!p1 $0x100;
	[sflag:s24] =	ssyncadd.s32 $0xFFFFC000;
	s0 =	sadd.s32 @!p1 s5, s30  }
0xc7: {  	[tilespmem:s29], [sflag:$0x8] =	stream.linear.gather @!p1 [hbm4b:s0+s28], $0x80, $0x38;
	[tilespmem:$0x1FF00] =	vst v63  }
0xc8: {  	s0 =	sadd.s32 @!p1 s6, s30;
	s30 =	simm.s32 @!p1 $0x180  }
0xc9: {  	[tilespmem:s30], [sflag:$0x8] =	stream.linear.gather @!p1 [hbm4b:s0+s28], $0x80, $0x38;
	[tilespmem:$0x1FF00] =	vst v63  }
0xca: {  	_ =	swait.ge [sflag:s21], $0x80  }
0xcb: {  	[sflag:s21] =	ssyncset.done $0x0  }
0xcc: {  	[sflag:s21] =	ssyncadd.s32 $0xFFFFFF80  }
0xcd: {  	_ =	swait.ge [sflag:s21], $0x80  }
0xce: {  	[sflag:s21] =	ssyncset.done $0x0  }
0xcf: {  	s17 =	simm.s32 $0x4500;
	[sflag:s21] =	ssyncadd.s32 $0xFFFFFF80  }
0xd0: {  	[tilespmem:s17], [sflag:$0x2] =	stream.indirect.gather [hbm4b:s4+s25], $0x80, s13, s25, $0xb8;
	[tilespmem:$0x1FF00] =	vst v63  }
0xd1: {  	s13 =	simm.s32 $0x3  }
0xd2: {  	_ =	swait.ge [sflag:s13], $0x4000  }
0xd3: {  	[sflag:s13] =	ssyncset.done $0x0  }
0xd4: {  	s20 =	simm.s32 $0x8500;
	s15 =	simm.s32 $0x6;
	[sflag:s13] =	ssyncadd.s32 $0xFFFFC000  }
0xd5: {  	[spmem:s31] =	stream.indirect.scatter.add.f32 [tilespmem:s20], [sflag:$0x6], $0x80, s1, s25, $0xb8;
	[tilespmem:$0x1FF00] =	vst v63  }
0xd6: {  	_ =	swait.ge [sflag:s15], $0x4000  }
0xd7: {  	[sflag:s15] =	ssyncset.done $0x0  }
0xd8: {  	s0 =	simm.s32 @p1 $0x1;
	[sflag:s15] =	ssyncadd.s32 $0xFFFFC000  }
0xd9: {  	_ =	swait.ge @p1 [sflag:s0], $0x4000  }
0xda: {  	s30 =	simm.s32 @p1 $0x380;
	s13 =	simm.s32 @p1 $0x500;
	[sflag:s0] =	ssyncset.done @p1 $0x0  }
0xdb: {  	s17 =	rddreg [dreg:$0x1a];
	[sflag:s0] =	ssyncadd.s32 @p1 $0xFFFFC000;
	s0 =	simm.s32 @p1 $0x80  }
0xdc: {  	[spmem:s31] =	stream.indirect.scatter.add.f32 @p1 [tilespmem:s13], [sflag:$0x4], $0x80, s30, s0, $0xb8;
	[tilespmem:$0x1FF00] =	vst v63  }
0xdd: {  	s0 =	sand.u32 $0xFFFFFC00, s17;
	s13 =	simm.s32 @p1 $0x4  }
0xde: {  	_ =	swait.ge @p1 [sflag:s13], $0x4000;
	s0 =	sadd.s32 @!p1 s0, s11  }
0xdf: {  	[sflag:s13] =	ssyncset.done @p1 $0x0;
	s0 =	sshrl.u32 @!p1 s0, $0x3  }
0xe0: {  	s30 =	simm.s32 @!p1 $0x200;
	[sflag:s13] =	ssyncadd.s32 @p1 $0xFFFFC000;
	s13 =	sadd.s32 @!p1 s5, s0  }
0xe1: {  	[tilespmem:s30], [sflag:$0x9] =	stream.linear.gather @!p1 [hbm4b:s13+s28], $0x80, $0x38;
	[tilespmem:$0x1FF00] =	vst v63  }
0xe2: {  	s0 =	sadd.s32 @!p1 s6, s0;
	s13 =	simm.s32 @!p1 $0x280  }
0xe3: {  	[tilespmem:s13], [sflag:$0x9] =	stream.linear.gather @!p1 [hbm4b:s0+s28], $0x80, $0x38;
	[tilespmem:$0x1FF00] =	vst v63  }
0xe4: {  	s0 =	simm.s32 @!p1 $0x7  }
0xe5: {  	_ =	swait.ge @!p1 [sflag:s0], $0x80  }
0xe6: {  	[sflag:s0] =	ssyncset.done @!p1 $0x0  }
0xe7: {  	[sflag:s0] =	ssyncadd.s32 @!p1 $0xFFFFFF80  }
0xe8: {  	_ =	swait.ge @!p1 [sflag:s0], $0x80  }
0xe9: {  	[sflag:s0] =	ssyncset.done @!p1 $0x0  }
0xea: {  	[sflag:s0] =	ssyncadd.s32 @!p1 $0xFFFFFF80;
	s0 =	simm.s32 @!p1 $0x8500  }
0xeb: {  	[tilespmem:s0], [sflag:$0x3] =	stream.indirect.gather @!p1 [hbm4b:s4+s26], $0x80, s28, s26, $0xb8;
	[tilespmem:$0x1FF00] =	vst v63  }
0xec: {  	s1 =	simm.s32 @!p1 $0x4;
	s30 =	sadd.s32 @!p1 $0xFFFFFC00, s8;
	s0 =	simm.s32 @!p1 $0x1  }
0xed: {  	s30 =	sand.u32 @!p1 $0x7C00, s30;
	s13 =	simm.s32 @!p1 $0x500;
	_ =	swait.ge @!p1 [sflag:s0], $0x4000  }
0xee: {  	s30 =	sadd.s32 @!p1 s22, s30;
	[sflag:s0] =	ssyncset.done @!p1 $0x0;
	s15 =	rddreg [dreg:$0x15]  }
0xef: {  	[sflag:s0] =	ssyncadd.s32 @!p1 $0xFFFFC000;
	s0 =	simm.s32 @!p1 $0x380;
	s15 =	sand.u32 @!p1 $0x380, s15  }
0xf0: {  	[spmem:s31] =	stream.indirect.scatter.add.f32 @!p1 [tilespmem:s13], [sflag:$0x4], $0x80, s0, s26, $0xb8;
	[tilespmem:$0x1FF00] =	vst v63  }
0xf1: {  	s15 =	sor.u32 @!p1 s15, s30;
	_ =	swait.ge @!p1 [sflag:s1], $0x4000  }
0xf2: {  	s15 =	sshrl.u32 @!p1 s15, $0x3;
	[sflag:s1] =	ssyncset.done @!p1 $0x0  }
0xf3: {  	s30 =	simm.s32 @!p1 $0x300;
	[sflag:s1] =	ssyncadd.s32 @!p1 $0xFFFFC000;
	s1 =	sadd.s32 @!p1 s5, s15  }
0xf4: {  	[tilespmem:s30], [sflag:$0xA] =	stream.linear.gather @!p1 [hbm4b:s1+s28], $0x80, $0x38;
	[tilespmem:$0x1FF00] =	vst v63  }
0xf5: {  	s1 =	sadd.s32 @!p1 s6, s15  }
0xf6: {  	[tilespmem:s0], [sflag:$0xA] =	stream.linear.gather @!p1 [hbm4b:s1+s28], $0x80, $0x38;
	[tilespmem:$0x1FF00] =	vst v63  }
0xf7: {  	s0 =	simm.s32 @!p1 $0x8  }
0xf8: {  	_ =	swait.ge @!p1 [sflag:s0], $0x80  }
0xf9: {  	[sflag:s0] =	ssyncset.done @!p1 $0x0  }
0xfa: {  	[sflag:s0] =	ssyncadd.s32 @!p1 $0xFFFFFF80  }
0xfb: {  	_ =	swait.ge @!p1 [sflag:s0], $0x80  }
0xfc: {  	[sflag:s0] =	ssyncset.done @!p1 $0x0  }
0xfd: {  	[sflag:s0] =	ssyncadd.s32 @!p1 $0xFFFFFF80  }
0xfe: {  	[tilespmem:s13], [sflag:$0x1] =	stream.indirect.gather @!p1 [hbm4b:s4+s26], $0x80, s29, s26, $0xb8;
	[tilespmem:$0x1FF00] =	vst v63  }
0xff: {  	s19 =	simm.s32 $0x1;
	s23 =	simm.s32 $0x8;
	_ =	swait.ge [sflag:s7], $0x4000  }
0x100: {  	s9 =	simm.s32 $0x7;
	s10 =	simm.s32 $0x400;
	[sflag:s7] =	ssyncset.done $0x0  }
.Ltmp3:
0x101: {  	s30 =	simm.s32 $0x4500;
	[sflag:s7] =	ssyncadd.s32 $0xFFFFC000;
	(pc) =	sbr.rel @p1 .LBB2_6-.Ltmp3, $4  }
0x102: {  	[spmem:s31] =	stream.indirect.scatter.add.f32 [tilespmem:s30], [sflag:$0x5], $0x80, s2, s25, $0xb8;
	[tilespmem:$0x1FF00] =	vst v63  }
0x103: {  	s16 =	simm.s32 $0x200;
	s17 =	simm.s32 $0x180;
	_ =	swait.ge [sflag:s24], $0x4000  }
0x104: {  	s15 =	simm.s32 $0x5;
	s28 =	smov.u32 s31;
	[sflag:s24] =	ssyncset.done $0x0  }
0x105: {  	s13 =	simm.s32 $0x480;
	s7 =	simm.s32 $0x2;
	[sflag:s24] =	ssyncadd.s32 $0xFFFFC000  }
0x106: {  	s0 =	sadd.s32 $0xFFFFFC80, s8  }
0x107: {  	s1 =	sand.u32 $0x7C00, s0  }
0x108: {  	s0 =	sand.u32 $0x380, s0;
	s1 =	sadd.s32 s22, s1  }
0x109: {  	s0 =	sor.u32 s0, s1  }
0x10a: {  	s0 =	sshrl.u32 s0, $0x3  }
0x10b: {  	s2 =	sadd.s32 s5, s0  }
0x10c: {  	[tilespmem:s10], [sflag:$0xB] =	stream.linear.gather [hbm4b:s2+s3], $0x80, $0x38;
	[tilespmem:$0x1FF00] =	vst v63  }
0x10d: {  	s0 =	sadd.s32 s6, s0  }
0x10e: {  	[tilespmem:s13], [sflag:$0xB] =	stream.linear.gather [hbm4b:s0+s3], $0x80, $0x38;
	[tilespmem:$0x1FF00] =	vst v63  }
0x10f: {  	_ =	swait.ge [sflag:s14], $0x80  }
0x110: {  	[sflag:s14] =	ssyncset.done $0x0  }
0x111: {  	[sflag:s14] =	ssyncadd.s32 $0xFFFFFF80  }
0x112: {  	_ =	swait.ge [sflag:s14], $0x80  }
0x113: {  	[sflag:s14] =	ssyncset.done $0x0  }
0x114: {  	s2 =	simm.s32 $0x3;
	[sflag:s14] =	ssyncadd.s32 $0xFFFFFF80  }
0x115: {  	[tilespmem:s30], [sflag:$0x2] =	stream.indirect.gather [hbm4b:s4+s25], $0x80, s16, s25, $0xb8;
	[tilespmem:$0x1FF00] =	vst v63  }
0x116: {  	s16 =	sadd.s32 $0xFFFFFD00, s8;
	_ =	swait.ge [sflag:s2], $0x4000  }
0x117: {  	s24 =	sand.u32 $0x7C00, s16;
	[sflag:s2] =	ssyncset.done $0x0  }
0x118: {  	s0 =	sand.u32 $0x380, s16;
	s1 =	sadd.s32 s22, s24;
	[sflag:s2] =	ssyncadd.s32 $0xFFFFC000  }
0x119: {  	[spmem:s28] =	stream.indirect.scatter.add.f32 [tilespmem:s20], [sflag:$0x6], $0x80, s25, s25, $0xb8;
	[tilespmem:$0x1FF00] =	vst v63  }
0x11a: {  	s0 =	sor.u32 s0, s1;
	_ =	swait.ge [sflag:s12], $0x4000  }
0x11b: {  	s0 =	sshrl.u32 s0, $0x3;
	[sflag:s12] =	ssyncset.done $0x0  }
0x11c: {  	s29 =	sadd.s32 s5, s0;
	[sflag:s12] =	ssyncadd.s32 $0xFFFFC000  }
0x11d: {  	[tilespmem:s3], [sflag:$0x7] =	stream.linear.gather [hbm4b:s29+s3], $0x80, $0x38;
	[tilespmem:$0x1FF00] =	vst v63  }
0x11e: {  	s0 =	sadd.s32 s6, s0  }
0x11f: {  	[tilespmem:s25], [sflag:$0x7] =	stream.linear.gather [hbm4b:s0+s3], $0x80, $0x38;
	[tilespmem:$0x1FF00] =	vst v63  }
0x120: {  	_ =	swait.ge [sflag:s18], $0x80  }
0x121: {  	[sflag:s18] =	ssyncset.done $0x0  }
0x122: {  	[sflag:s18] =	ssyncadd.s32 $0xFFFFFF80  }
0x123: {  	_ =	swait.ge [sflag:s18], $0x80  }
0x124: {  	[sflag:s18] =	ssyncset.done $0x0  }
0x125: {  	s1 =	simm.s32 $0x300;
	[sflag:s18] =	ssyncadd.s32 $0xFFFFFF80  }
0x126: {  	[tilespmem:s20], [sflag:$0x3] =	stream.indirect.gather [hbm4b:s4+s25], $0x80, s1, s25, $0xb8;
	[tilespmem:$0x1FF00] =	vst v63  }
0x127: {  	s10 =	simm.s32 $0x500;
	s0 =	sadd.s32 $0xFFFFFD80, s8;
	_ =	swait.ge [sflag:s19], $0x4000  }
0x128: {  	s29 =	sand.u32 $0x7C00, s0;
	s0 =	sand.u32 $0x380, s0;
	[sflag:s19] =	ssyncset.done $0x0  }
0x129: {  	s1 =	sadd.s32 s22, s29;
	s29 =	simm.s32 $0x4;
	[sflag:s19] =	ssyncadd.s32 $0xFFFFC000  }
0x12a: {  	[spmem:s28] =	stream.indirect.scatter.add.f32 [tilespmem:s10], [sflag:$0x4], $0x80, s17, s25, $0xb8;
	[tilespmem:$0x1FF00] =	vst v63  }
0x12b: {  	s0 =	sor.u32 s0, s1;
	_ =	swait.ge [sflag:s29], $0x4000  }
0x12c: {  	s0 =	sshrl.u32 s0, $0x3;
	[sflag:s29] =	ssyncset.done $0x0  }
0x12d: {  	s31 =	simm.s32 $0x100;
	s1 =	sadd.s32 s5, s0;
	[sflag:s29] =	ssyncadd.s32 $0xFFFFC000  }
0x12e: {  	[tilespmem:s31], [sflag:$0x8] =	stream.linear.gather [hbm4b:s1+s3], $0x80, $0x38;
	[tilespmem:$0x1FF00] =	vst v63  }
0x12f: {  	s0 =	sadd.s32 s6, s0  }
0x130: {  	[tilespmem:s17], [sflag:$0x8] =	stream.linear.gather [hbm4b:s0+s3], $0x80, $0x38;
	[tilespmem:$0x1FF00] =	vst v63  }
0x131: {  	_ =	swait.ge [sflag:s21], $0x80  }
0x132: {  	[sflag:s21] =	ssyncset.done $0x0  }
0x133: {  	[sflag:s21] =	ssyncadd.s32 $0xFFFFFF80  }
0x134: {  	_ =	swait.ge [sflag:s21], $0x80  }
0x135: {  	[sflag:s21] =	ssyncset.done $0x0  }
0x136: {  	s24 =	simm.s32 $0x400;
	[sflag:s21] =	ssyncadd.s32 $0xFFFFFF80  }
0x137: {  	[tilespmem:s10], [sflag:$0x1] =	stream.indirect.gather [hbm4b:s4+s25], $0x80, s24, s25, $0xb8;
	[tilespmem:$0x1FF00] =	vst v63  }
0x138: {  	s0 =	sadd.s32 $0xFFFFFE00, s8;
	_ =	swait.ge [sflag:s7], $0x4000  }
0x139: {  	s31 =	simm.s32 $0x280;
	s24 =	sand.u32 $0x7C00, s0;
	[sflag:s7] =	ssyncset.done $0x0  }
0x13a: {  	s0 =	sand.u32 $0x380, s0;
	s1 =	sadd.s32 s22, s24;
	[sflag:s7] =	ssyncadd.s32 $0xFFFFC000  }
0x13b: {  	[spmem:s28] =	stream.indirect.scatter.add.f32 [tilespmem:s30], [sflag:$0x5], $0x80, s31, s25, $0xb8;
	[tilespmem:$0x1FF00] =	vst v63  }
0x13c: {  	s0 =	sor.u32 s0, s1;
	_ =	swait.ge [sflag:s15], $0x4000  }
0x13d: {  	s0 =	sshrl.u32 s0, $0x3;
	[sflag:s15] =	ssyncset.done $0x0  }
0x13e: {  	s16 =	simm.s32 $0x200;
	s24 =	sadd.s32 s5, s0;
	[sflag:s15] =	ssyncadd.s32 $0xFFFFC000  }
0x13f: {  	[tilespmem:s16], [sflag:$0x9] =	stream.linear.gather [hbm4b:s24+s3], $0x80, $0x38;
	[tilespmem:$0x1FF00] =	vst v63  }
0x140: {  	s0 =	sadd.s32 s6, s0  }
0x141: {  	[tilespmem:s31], [sflag:$0x9] =	stream.linear.gather [hbm4b:s0+s3], $0x80, $0x38;
	[tilespmem:$0x1FF00] =	vst v63  }
0x142: {  	_ =	swait.ge [sflag:s9], $0x80  }
0x143: {  	[sflag:s9] =	ssyncset.done $0x0  }
0x144: {  	[sflag:s9] =	ssyncadd.s32 $0xFFFFFF80  }
0x145: {  	_ =	swait.ge [sflag:s9], $0x80  }
0x146: {  	[sflag:s9] =	ssyncset.done $0x0  }
0x147: {  	[sflag:s9] =	ssyncadd.s32 $0xFFFFFF80  }
0x148: {  	[tilespmem:s30], [sflag:$0x2] =	stream.indirect.gather [hbm4b:s4+s25], $0x80, s3, s25, $0xb8;
	[tilespmem:$0x1FF00] =	vst v63  }
0x149: {  	_ =	swait.ge [sflag:s2], $0x4000  }
0x14a: {  	[sflag:s2] =	ssyncset.done $0x0;
	s24 =	rddreg [dreg:$0x19]  }
0x14b: {  	s26 =	simm.s32 $0x380;
	s9 =	sand.u32 $0xFFFFFC00, s24;
	[sflag:s2] =	ssyncadd.s32 $0xFFFFC000  }
0x14c: {  	[spmem:s28] =	stream.indirect.scatter.add.f32 [tilespmem:s20], [sflag:$0x6], $0x80, s26, s25, $0xb8;
	[tilespmem:$0x1FF00] =	vst v63  }
0x14d: {  	s0 =	sadd.s32 s9, s11  }
0x14e: {  	_ =	swait.ge [sflag:s12], $0x4000;
	s0 =	sadd.s32 $0xFFFFFF00, s0  }
0x14f: {  	[sflag:s12] =	ssyncset.done $0x0;
	s0 =	sshrl.u32 s0, $0x3  }
0x150: {  	s9 =	simm.s32 $0x300;
	[sflag:s12] =	ssyncadd.s32 $0xFFFFC000;
	s1 =	sadd.s32 s5, s0  }
0x151: {  	[tilespmem:s9], [sflag:$0xA] =	stream.linear.gather [hbm4b:s1+s3], $0x80, $0x38;
	[tilespmem:$0x1FF00] =	vst v63  }
0x152: {  	s0 =	sadd.s32 s6, s0  }
0x153: {  	[tilespmem:s26], [sflag:$0xA] =	stream.linear.gather [hbm4b:s0+s3], $0x80, $0x38;
	[tilespmem:$0x1FF00] =	vst v63  }
0x154: {  	_ =	swait.ge [sflag:s23], $0x80  }
0x155: {  	[sflag:s23] =	ssyncset.done $0x0  }
0x156: {  	[sflag:s23] =	ssyncadd.s32 $0xFFFFFF80  }
0x157: {  	_ =	swait.ge [sflag:s23], $0x80  }
0x158: {  	[sflag:s23] =	ssyncset.done $0x0  }
0x159: {  	s26 =	simm.s32 $0x100;
	[sflag:s23] =	ssyncadd.s32 $0xFFFFFF80  }
0x15a: {  	[tilespmem:s20], [sflag:$0x3] =	stream.indirect.gather [hbm4b:s4+s25], $0x80, s26, s25, $0xb8;
	[tilespmem:$0x1FF00] =	vst v63  }
0x15b: {  	_ =	swait.ge [sflag:s19], $0x4000  }
0x15c: {  	[sflag:s19] =	ssyncset.done $0x0;
	s23 =	rddreg [dreg:$0x18]  }
0x15d: {  	s26 =	sadd.s32 $0xFFFFFF80, s11;
	[sflag:s19] =	ssyncadd.s32 $0xFFFFC000;
	s1 =	sand.u32 $0xFFFFFC00, s23  }
0x15e: {  	[spmem:s28] =	stream.indirect.scatter.add.f32 [tilespmem:s10], [sflag:$0x4], $0x80, s13, s25, $0xb8;
	[tilespmem:$0x1FF00] =	vst v63  }
0x15f: {  	s0 =	sadd.s32 s1, s26;
	_ =	swait.ge [sflag:s29], $0x4000  }
0x160: {  	s0 =	sshrl.u32 s0, $0x3;
	[sflag:s29] =	ssyncset.done $0x0  }
0x161: {  	s9 =	sadd.s32 s5, s0;
	[sflag:s29] =	ssyncadd.s32 $0xFFFFC000;
	s29 =	simm.s32 $0x400  }
0x162: {  	[tilespmem:s29], [sflag:$0xB] =	stream.linear.gather [hbm4b:s9+s3], $0x80, $0x38;
	[tilespmem:$0x1FF00] =	vst v63  }
0x163: {  	s0 =	sadd.s32 s6, s0  }
0x164: {  	[tilespmem:s13], [sflag:$0xB] =	stream.linear.gather [hbm4b:s0+s3], $0x80, $0x38;
	[tilespmem:$0x1FF00] =	vst v63  }
0x165: {  	_ =	swait.ge [sflag:s14], $0x80  }
0x166: {  	[sflag:s14] =	ssyncset.done $0x0  }
0x167: {  	[sflag:s14] =	ssyncadd.s32 $0xFFFFFF80  }
0x168: {  	_ =	swait.ge [sflag:s14], $0x80  }
0x169: {  	[sflag:s14] =	ssyncset.done $0x0  }
0x16a: {  	s16 =	simm.s32 $0x200;
	[sflag:s14] =	ssyncadd.s32 $0xFFFFFF80  }
0x16b: {  	[tilespmem:s10], [sflag:$0x1] =	stream.indirect.gather [hbm4b:s4+s25], $0x80, s16, s25, $0xb8;
	[tilespmem:$0x1FF00] =	vst v63  }
0x16c: {  	_ =	swait.ge [sflag:s7], $0x4000  }
0x16d: {  	[sflag:s7] =	ssyncset.done $0x0;
	s9 =	rddreg [dreg:$0x17]  }
0x16e: {  	s13 =	sand.u32 $0xFFFFFC00, s9;
	[sflag:s7] =	ssyncadd.s32 $0xFFFFC000  }
0x16f: {  	[spmem:s28] =	stream.indirect.scatter.add.f32 [tilespmem:s30], [sflag:$0x5], $0x80, s25, s25, $0xb8;
	[tilespmem:$0x1FF00] =	vst v63  }
0x170: {  	s0 =	sadd.s32 s13, s11;
	_ =	swait.ge [sflag:s15], $0x4000  }
0x171: {  	s0 =	sshrl.u32 s0, $0x3;
	[sflag:s15] =	ssyncset.done $0x0  }
0x172: {  	s16 =	sadd.s32 s5, s0;
	[sflag:s15] =	ssyncadd.s32 $0xFFFFC000  }
0x173: {  	[tilespmem:s3], [sflag:$0x7] =	stream.linear.gather [hbm4b:s16+s3], $0x80, $0x38;
	[tilespmem:$0x1FF00] =	vst v63  }
0x174: {  	s0 =	sadd.s32 s6, s0  }
0x175: {  	[tilespmem:s25], [sflag:$0x7] =	stream.linear.gather [hbm4b:s0+s3], $0x80, $0x38;
	[tilespmem:$0x1FF00] =	vst v63  }
0x176: {  	_ =	swait.ge [sflag:s18], $0x80  }
0x177: {  	[sflag:s18] =	ssyncset.done $0x0  }
0x178: {  	[sflag:s18] =	ssyncadd.s32 $0xFFFFFF80  }
0x179: {  	_ =	swait.ge [sflag:s18], $0x80  }
0x17a: {  	[sflag:s18] =	ssyncset.done $0x0  }
0x17b: {  	s1 =	simm.s32 $0x300;
	[sflag:s18] =	ssyncadd.s32 $0xFFFFFF80  }
0x17c: {  	[tilespmem:s30], [sflag:$0x2] =	stream.indirect.gather [hbm4b:s4+s25], $0x80, s1, s25, $0xb8;
	[tilespmem:$0x1FF00] =	vst v63  }
0x17d: {  	_ =	swait.ge [sflag:s2], $0x4000  }
0x17e: {  	s7 =	sand.u32 $0x7C00, s8;
	[sflag:s2] =	ssyncset.done $0x0;
	s11 =	rddreg [dreg:$0x15]  }
0x17f: {  	s0 =	sadd.s32 s22, s7;
	[sflag:s2] =	ssyncadd.s32 $0xFFFFC000;
	s13 =	sand.u32 $0x380, s11  }
0x180: {  	[spmem:s28] =	stream.indirect.scatter.add.f32 [tilespmem:s20], [sflag:$0x6], $0x80, s17, s25, $0xb8;
	[tilespmem:$0x1FF00] =	vst v63  }
0x181: {  	s0 =	sor.u32 s13, s0;
	_ =	swait.ge [sflag:s12], $0x4000  }
0x182: {  	s0 =	sshrl.u32 s0, $0x3;
	[sflag:s12] =	ssyncset.done $0x0  }
0x183: {  	s16 =	simm.s32 $0x100;
	s15 =	sadd.s32 s5, s0;
	[sflag:s12] =	ssyncadd.s32 $0xFFFFC000  }
0x184: {  	[tilespmem:s16], [sflag:$0x8] =	stream.linear.gather [hbm4b:s15+s3], $0x80, $0x38;
	[tilespmem:$0x1FF00] =	vst v63  }
0x185: {  	s0 =	sadd.s32 s6, s0  }
0x186: {  	[tilespmem:s17], [sflag:$0x8] =	stream.linear.gather [hbm4b:s0+s3], $0x80, $0x38;
	[tilespmem:$0x1FF00] =	vst v63  }
0x187: {  	_ =	swait.ge [sflag:s21], $0x80  }
0x188: {  	[sflag:s21] =	ssyncset.done $0x0  }
0x189: {  	[sflag:s21] =	ssyncadd.s32 $0xFFFFFF80  }
0x18a: {  	_ =	swait.ge [sflag:s21], $0x80  }
0x18b: {  	[sflag:s21] =	ssyncset.done $0x0  }
0x18c: {  	s7 =	sadd.s32 $0x380, s11;
	[sflag:s21] =	ssyncadd.s32 $0xFFFFFF80  }
0x18d: {  	[tilespmem:s20], [sflag:$0x3] =	stream.indirect.gather [hbm4b:s4+s25], $0x80, s29, s25, $0xb8;
	[tilespmem:$0x1FF00] =	vst v63  }
0x18e: {  	s9 =	sadd.s32 $0x780, s9;
	_ =	swait.ge [sflag:s19], $0x4000;
	[dreg:$0x15] =	wrdreg s7  }
0x18f: {  	s23 =	sadd.s32 $0x780, s23;
	[dreg:$0x17] =	wrdreg s9  }
0x190: {  	s24 =	sadd.s32 $0x780, s24;
	s8 =	sadd.s32 $0x780, s8;
	[dreg:$0x18] =	wrdreg s23  }
0x191: {  	s1 =	simm.s32 $0x280;
	s11 =	smov.u32 s26;
	[dreg:$0x19] =	wrdreg s24  }
0x192: {  	s13 =	simm.s32 $0x400;
	s16 =	simm.s32 $0x500;
	s20 =	rddreg [dreg:$0x16]  }
0x193: {  	s15 =	simm.s32 $0x300;
	s17 =	simm.s32 $0x200;
	s23 =	rddreg [dreg:$0x1a]  }
0x194: {  	s9 =	simm.s32 $0x7;
	[sflag:s19] =	ssyncset.done $0x0;
	s24 =	rddreg [dreg:$0x1b]  }
0x195: {  	s7 =	simm.s32 $0x2;
	s29 =	rddreg [dreg:$0x1c];
	[sflag:s19] =	ssyncadd.s32 $0xFFFFC000  }
0x196: {  	[spmem:s28] =	stream.indirect.scatter.add.f32 [tilespmem:s10], [sflag:$0x4], $0x80, s31, s25, $0xb8;
	[tilespmem:$0x1FF00] =	vst v63  }
.Ltmp4:
0x197: {  	s0 =	sadd.s32 $0xF, s20;
	s19 =	simm.s32 $0x380;
	(pc) =	sbr.rel .LBB2_4-.Ltmp4, $4  }
0x198: {  	s20 =	simm.s32 $0x1;
	[dreg:$0x16] =	wrdreg s0;
	s0 =	sadd.s32 $0x780, s23  }
0x199: {  	s23 =	simm.s32 $0x8;
	[dreg:$0x1a] =	wrdreg s0;
	s0 =	sadd.s32 $0x780, s24  }
0x19a: {  	s31 =	smov.u32 s28;
	[dreg:$0x1b] =	wrdreg s0;
	s0 =	sadd.s32 $0x780, s29  }
0x19b: {  	s24 =	simm.s32 $0x5;
	[dreg:$0x1c] =	wrdreg s0;
	s0 =	simm.s32 $0x8500  }
.LBB2_7:
0x19c: {  	_ =	sfence.sel $0x180000  }
0x19d: {  	[bflag:$0x0] =	sbarrier.arrive $0xFFFF  }
0x19e: {  	_ =	strace $0x9000004A  }
0x19f: {  	s0 =	stileid.u32;
	[bflag:$0x2] =	sbarrier.arrive $0xFFFF  }
0x1a0: {  	p0 =	sne.s32 s0, $0x0;
	s0 =	rddreg [dreg:$0x2]  }
0x1a1: {  	s0 =	sadd.s32 @!p0 $0x100000, s0  }
0x1a2: {  	[sflag:s0] =	ssyncadd.tile.s32 @!p0 $0x1;
	_ =	shalt  }
.Lfunc_end2:
_tile_overlayer_lowered:
.L_overlay_start_2:
0x1a3: {  	(tag) =	ssettag $0x2  }
0x1a4: {  	s0 =	rddreg [dreg:$0x0];
	s2 =	stileid.u32  }
0x1a5: {  	s1 =	rddreg [dreg:$0x1];
	p0 =	sne.s32 s2, $0x0  }
0x1a6: {  	s3 =	rddreg [dreg:$0x2];
	[bflag:$0x3] =	sbarrier.arrive $0xFFFF;
	s2 =	simm.s32 @!p0 $0x1C0C  }
0x1a7: {  	[timem:s3], [sflag:s2] =	dma.local @!p0 [hbm:s0], s1  }
0x1a8: {  	s0 =	simm.s32 @!p0 $0xC  }
0x1a9: {  	_ =	swait.ge @!p0 [sflag:s0], s1  }
0x1aa: {  	s1 =	ssub.s32 @!p0 $0x0, s1;
	[sflag:s0] =	ssyncset.done @!p0 $0x0  }
0x1ab: {  	[sflag:s0] =	ssyncadd.s32 @!p0 s1  }
0x1ac: {  	[bflag:$0x3] =	sbarrier.arrive $0xFFFF  }
0x1ad: {  	_ =	shalt  }

</sc_bundles>
